<compile_context>
chip_gen: v7x
topology: tpu7x:2x2x1
jax: 0.10.2.dev20260603
libtpu: 0.0.44.dev20260713+nightly
codegen_flags: <defaults>
</compile_context>

<pallas_src>
import functools

import jax
import jax.numpy as jnp
from jax import lax
from jax.experimental import pallas as pl
from jax.experimental.pallas import tpu as pltpu
from jax.experimental.pallas import tpu_sc as plsc

N = 10000
E = 320000
G = 64
D_IN = 128
DIM = 32

NC = 2
NS = 16
NW = NC * NS
C = 128
J = 80
E_PAD = NW * J * C
NACC = 10112
ZR = NACC // NS
DEGW = 8
NBUF = 4

_mesh = plsc.VectorSubcoreMesh(core_axis_name="c", subcore_axis_name="s")
_sc_params = pltpu.CompilerParams(use_tc_tiling_on_sc=False)



@functools.partial(
    pl.kernel,
    out_type=jax.ShapeDtypeStruct((NC, NACC, DEGW), jnp.float32),
    mesh=_mesh,
    scratch_types=(
        [pltpu.VMEM((J, C), jnp.int32),
         pltpu.VMEM((C, DEGW), jnp.float32),
         pltpu.VMEM_SHARED((NACC, DEGW), jnp.float32)]
        + [pltpu.SemaphoreType.DMA] * 4
    ),
    compiler_params=_sc_params,
)
def _sc_degree(dst_hbm, ones_hbm, zeros_hbm, out_hbm, didx, ones_v, acc, *ssem):
    cid = lax.axis_index("c")
    sid = lax.axis_index("s")
    wid = sid * NC + cid
    pltpu.sync_copy(ones_hbm, ones_v)
    pltpu.sync_copy(dst_hbm.at[wid], didx)
    pltpu.sync_copy(zeros_hbm.at[pl.ds(sid * ZR, ZR)], acc.at[pl.ds(sid * ZR, ZR)])
    plsc.subcore_barrier()

    def S(j, m):
        pltpu.async_copy(ones_v, acc.at[didx.at[j]], ssem[m], add=True)

    def Sw(j, m):
        pltpu.make_async_copy(ones_v, acc.at[didx.at[j]], ssem[m]).wait()

    def body(jj, carry):
        for b in range(4):
            j = jj * 4 + b
            S(j, b)

            @pl.when(j >= 2)
            def _drain():
                Sw(j - 2, (b + 2) % 4)

        return carry

    lax.fori_loop(0, J // 4, body, 0)
    Sw(J - 2, (J - 2) % 4)
    Sw(J - 1, (J - 1) % 4)
    plsc.subcore_barrier()
    pltpu.sync_copy(acc.at[pl.ds(sid * ZR, ZR)], out_hbm.at[cid, pl.ds(sid * ZR, ZR)])


_NR = 8
_GL = 3


@functools.partial(
    pl.kernel,
    out_type=jax.ShapeDtypeStruct((NC, NACC, DIM), jnp.float32),
    mesh=_mesh,
    scratch_types=(
        [pltpu.VMEM((J, C), jnp.int32)] * 2
        + [pltpu.VMEM((C, DIM), jnp.float32)] * _NR
        + [pltpu.VMEM_SHARED((NACC, DIM), jnp.float32)]
        + [pltpu.SemaphoreType.DMA] * (2 * _NR)
    ),
    compiler_params=_sc_params,
)
def _sc_edge_agg(src_hbm, dst_hbm, hp_hbm, zeros_hbm, out_hbm, *scr):
    sidx = scr[0]
    didx = scr[1]
    rows = scr[2:2 + _NR]
    acc = scr[2 + _NR]
    sems = scr[3 + _NR:]
    gsem = sems[:_NR]
    ssem = sems[_NR:]
    cid = lax.axis_index("c")
    sid = lax.axis_index("s")
    wid = sid * NC + cid
    pltpu.sync_copy(src_hbm.at[wid], sidx)
    pltpu.sync_copy(dst_hbm.at[wid], didx)
    pltpu.sync_copy(zeros_hbm.at[pl.ds(sid * ZR, ZR)], acc.at[pl.ds(sid * ZR, ZR)])
    plsc.subcore_barrier()

    def G(j, r):
        pltpu.async_copy(hp_hbm.at[sidx.at[j]], rows[r], gsem[r])

    def Gw(j, r):
        pltpu.make_async_copy(hp_hbm.at[sidx.at[j]], rows[r], gsem[r]).wait()

    def S(j, r):
        pltpu.async_copy(rows[r], acc.at[didx.at[j]], ssem[r], add=True)

    def Sw(j, r):
        pltpu.make_async_copy(rows[r], acc.at[didx.at[j]], ssem[r]).wait()

    for m in range(_GL):
        G(m, m)

    def body(jj, carry):
        for b in range(_NR):
            j = jj * _NR + b
            Gw(j, b)
            S(j, b)

            @pl.when(j >= _GL)
            def _drain():
                Sw(j - _GL, (b + _NR - _GL) % _NR)

            @pl.when(j + _GL < J)
            def _gather_ahead():
                G(j + _GL, (b + _GL) % _NR)

        return carry

    lax.fori_loop(0, J // _NR, body, 0)
    for k in range(J - _GL, J):
        Sw(k, k % _NR)
    plsc.subcore_barrier()
    pltpu.sync_copy(acc.at[pl.ds(sid * ZR, ZR)], out_hbm.at[cid, pl.ds(sid * ZR, ZR)])



_R = 1000
_GRID = N // _R


def _mm1_body(x_ref, w1_ref, h_ref):
    h_ref[...] = jnp.dot(x_ref[...], w1_ref[...], preferred_element_type=jnp.float32)


def _tc_mm1(x, W1):
    return pl.pallas_call(
        _mm1_body,
        grid=(_GRID,),
        in_specs=[
            pl.BlockSpec((_R, D_IN), lambda i: (i, 0)),
            pl.BlockSpec((D_IN, DIM), lambda i: (0, 0)),
        ],
        out_specs=pl.BlockSpec((_R, DIM), lambda i: (i, 0)),
        out_shape=jax.ShapeDtypeStruct((N, DIM), jnp.float32),
    )(x, W1)


def _scale_body(deg_ref, h_ref, hp_ref, dinv_ref):
    deg = deg_ref[0, :, 0:1] + deg_ref[1, :, 0:1] + 1.0
    dinv = lax.rsqrt(deg)
    hp_ref[...] = h_ref[...] * dinv
    dinv_ref[...] = dinv


def _tc_scale(deg_parts, h1):
    return pl.pallas_call(
        _scale_body,
        grid=(_GRID,),
        in_specs=[
            pl.BlockSpec((NC, _R, DEGW), lambda i: (0, i, 0)),
            pl.BlockSpec((_R, DIM), lambda i: (i, 0)),
        ],
        out_specs=[
            pl.BlockSpec((_R, DIM), lambda i: (i, 0)),
            pl.BlockSpec((_R, 1), lambda i: (i, 0)),
        ],
        out_shape=[
            jax.ShapeDtypeStruct((N, DIM), jnp.float32),
            jax.ShapeDtypeStruct((N, 1), jnp.float32),
        ],
    )(deg_parts, h1)


def _mid_body(agg_ref, hp_ref, dinv_ref, b_ref, w_ref, x_ref, hpn_ref):
    dinv = dinv_ref[...]
    t = (agg_ref[0] + agg_ref[1] + hp_ref[...]) * dinv + b_ref[...]
    xi = jnp.maximum(t, 0.0)
    x_ref[...] = xi
    hpn_ref[...] = jnp.dot(xi, w_ref[...], preferred_element_type=jnp.float32) * dinv


def _tc_mid(agg_parts, hp, dinv, b, Wn):
    return pl.pallas_call(
        _mid_body,
        grid=(_GRID,),
        in_specs=[
            pl.BlockSpec((NC, _R, DIM), lambda i: (0, i, 0)),
            pl.BlockSpec((_R, DIM), lambda i: (i, 0)),
            pl.BlockSpec((_R, 1), lambda i: (i, 0)),
            pl.BlockSpec((1, DIM), lambda i: (0, 0)),
            pl.BlockSpec((DIM, DIM), lambda i: (0, 0)),
        ],
        out_specs=[
            pl.BlockSpec((_R, DIM), lambda i: (i, 0)),
            pl.BlockSpec((_R, DIM), lambda i: (i, 0)),
        ],
        out_shape=[
            jax.ShapeDtypeStruct((N, DIM), jnp.float32),
            jax.ShapeDtypeStruct((N, DIM), jnp.float32),
        ],
    )(agg_parts, hp, dinv, b.reshape(1, DIM), Wn)


def _head_body(agg_ref, hp3_ref, dinv_ref, b3_ref, x1_ref, x2_ref, batch_ref,
               fc1w_ref, fc1b_ref, fc2aw_ref, fc2ab_ref,
               fc2bw_ref, fc2bb_ref, fc3w_ref, fc3b_ref,
               out_ref, pooled_scr):
    i = pl.program_id(0)

    @pl.when(i == 0)
    def _zero():
        pooled_scr[...] = jnp.zeros_like(pooled_scr)

    dinv = dinv_ref[...]
    t = (agg_ref[0] + agg_ref[1] + hp3_ref[...]) * dinv + b3_ref[...]
    x3 = jnp.maximum(t, 0.0)
    h = (jnp.dot(x1_ref[...], fc1w_ref[0:DIM], preferred_element_type=jnp.float32)
         + jnp.dot(x2_ref[...], fc1w_ref[DIM:2 * DIM], preferred_element_type=jnp.float32)
         + jnp.dot(x3, fc1w_ref[2 * DIM:3 * DIM], preferred_element_type=jnp.float32)
         + fc1b_ref[...])
    h = jnp.maximum(h, 0.0)
    h2 = jnp.dot(h, fc2aw_ref[...], preferred_element_type=jnp.float32) + fc2ab_ref[...]
    h2 = jnp.maximum(h2, 0.0)
    gids = lax.broadcasted_iota(jnp.int32, (G, _R), 0)
    onehot = (gids == batch_ref[0]).astype(jnp.float32)
    pooled_scr[...] += jnp.dot(onehot, h2, preferred_element_type=jnp.float32)

    @pl.when(i == pl.num_programs(0) - 1)
    def _head():
        ph = pooled_scr[...]
        hb = jnp.dot(ph, fc2bw_ref[...], preferred_element_type=jnp.float32) + fc2bb_ref[...]
        hb = jnp.maximum(hb, 0.0)
        lg = jnp.dot(hb, fc3w_ref[...], preferred_element_type=jnp.float32) + fc3b_ref[...]
        m = jnp.max(lg, axis=-1, keepdims=True)
        s = jnp.sum(jnp.exp(lg - m), axis=-1, keepdims=True)
        out_ref[...] = (lg - m) - jnp.log(s)


def _tc_head(agg_parts, hp3, dinv, b3, x1, x2, batch3d,
             fc1_W, fc1_b, fc2a_W, fc2a_b, fc2b_W, fc2b_b, fc3_W, fc3_b):
    OUT = fc3_W.shape[1]
    GD2 = fc2b_W.shape[1]
    GD = fc2a_W.shape[1]
    FD = fc1_W.shape[1]
    return pl.pallas_call(
        _head_body,
        grid=(_GRID,),
        in_specs=[
            pl.BlockSpec((NC, _R, DIM), lambda i: (0, i, 0)),
            pl.BlockSpec((_R, DIM), lambda i: (i, 0)),
            pl.BlockSpec((_R, 1), lambda i: (i, 0)),
            pl.BlockSpec((1, DIM), lambda i: (0, 0)),
            pl.BlockSpec((_R, DIM), lambda i: (i, 0)),
            pl.BlockSpec((_R, DIM), lambda i: (i, 0)),
            pl.BlockSpec((1, 1, _R), lambda i: (i, 0, 0)),
            pl.BlockSpec((3 * DIM, FD), lambda i: (0, 0)),
            pl.BlockSpec((1, FD), lambda i: (0, 0)),
            pl.BlockSpec((FD, GD), lambda i: (0, 0)),
            pl.BlockSpec((1, GD), lambda i: (0, 0)),
            pl.BlockSpec((GD, GD2), lambda i: (0, 0)),
            pl.BlockSpec((1, GD2), lambda i: (0, 0)),
            pl.BlockSpec((GD2, OUT), lambda i: (0, 0)),
            pl.BlockSpec((1, OUT), lambda i: (0, 0)),
        ],
        out_specs=pl.BlockSpec((G, OUT), lambda i: (0, 0)),
        out_shape=jax.ShapeDtypeStruct((G, OUT), jnp.float32),
        scratch_shapes=[pltpu.VMEM((G, GD), jnp.float32)],
    )(agg_parts, hp3, dinv, b3.reshape(1, DIM), x1, x2, batch3d,
      fc1_W, fc1_b.reshape(1, FD), fc2a_W, fc2a_b.reshape(1, GD),
      fc2b_W, fc2b_b.reshape(1, GD2), fc3_W, fc3_b.reshape(1, OUT))



def kernel(x, edge_index, batch, W1, b1, W2, b2, W3, b3,
           fc1_W, fc1_b, fc2a_W, fc2a_b, fc2_W, fc2_b,
           fc2b_W, fc2b_b, fc3_W, fc3_b):
    del fc2_W, fc2_b

    pad = E_PAD - E
    src = jnp.concatenate([edge_index[0], jnp.zeros((pad,), jnp.int32)]).reshape(NW, J, C)
    dst = jnp.concatenate([edge_index[1], jnp.full((pad,), N, jnp.int32)]).reshape(NW, J, C)

    ones_deg = jnp.ones((C, DEGW), jnp.float32)
    zeros_deg = jnp.zeros((NACC, DEGW), jnp.float32)
    zeros_acc = jnp.zeros((NACC, DIM), jnp.float32)

    h1 = _tc_mm1(x, W1)
    deg_parts = _sc_degree(dst, ones_deg, zeros_deg)
    hp1, dinv = _tc_scale(deg_parts, h1)

    agg1 = _sc_edge_agg(src, dst, hp1, zeros_acc)
    x1, hp2 = _tc_mid(agg1, hp1, dinv, b1, W2)

    agg2 = _sc_edge_agg(src, dst, hp2, zeros_acc)
    x2, hp3 = _tc_mid(agg2, hp2, dinv, b2, W3)

    agg3 = _sc_edge_agg(src, dst, hp3, zeros_acc)

    batch3d = batch.reshape(_GRID, 1, _R)
    return _tc_head(agg3, hp3, dinv, b3, x1, x2, batch3d,
                    fc1_W, fc1_b, fc2a_W, fc2a_b, fc2b_W, fc2b_b, fc3_W, fc3_b)

# --- scband reference (transcript-rebuilt; emitter-appended) ---
"""Pipeline reference for scband-gcnnet-41120016892600 (READ-ONLY COPY).

The authoritative reference and input builder live on the scoring server;
editing this copy changes nothing except your own understanding.
"""

import jax, jax.numpy as jnp
import numpy as np

N = 10000
E = 320000
G = 64
D_IN = 128
DIM = 32
GDIM = 128
PRETR = 100
OUT = 2


def _lin(k, fin, fout):
    w = jax.random.normal(k, (fin, fout), dtype=jnp.float32) * (1.0 / np.sqrt(fin))
    b = jnp.zeros((fout,), dtype=jnp.float32)
    return w, b


def setup_inputs(seed: int = 0):
    key = jax.random.key(seed)
    ks = jax.random.split(key, 12)
    x = jax.random.normal(ks[0], (N, D_IN), dtype=jnp.float32)
    edge_index = jax.random.randint(ks[1], (2, E), 0, N, dtype=jnp.int32)
    batch = jnp.sort(jax.random.randint(ks[2], (N,), 0, G, dtype=jnp.int32))
    W1, b1 = _lin(ks[3], D_IN, DIM)
    W2, b2 = _lin(ks[4], DIM, DIM)
    W3, b3 = _lin(ks[5], DIM, DIM)
    fc1_W, fc1_b = _lin(ks[6], 3 * DIM, GDIM // 2)
    fc2a_W, fc2a_b = _lin(ks[7], GDIM // 2, GDIM)
    fc2_W, fc2_b = _lin(ks[8], GDIM, PRETR)
    fc2b_W, fc2b_b = _lin(ks[9], GDIM, GDIM // 2)
    fc3_W, fc3_b = _lin(ks[10], GDIM // 2, OUT)
    return {"x": x, "edge_index": edge_index, "batch": batch,
            "W1": W1, "b1": b1, "W2": W2, "b2": b2, "W3": W3, "b3": b3,
            "fc1_W": fc1_W, "fc1_b": fc1_b, "fc2a_W": fc2a_W, "fc2a_b": fc2a_b,
            "fc2_W": fc2_W, "fc2_b": fc2_b, "fc2b_W": fc2b_W, "fc2b_b": fc2b_b,
            "fc3_W": fc3_W, "fc3_b": fc3_b}


def _gcn(x, src, dst, W, b, n):
    # GCNConv (improved=False): linear transform, symmetric normalization with self-loops,
    # scatter-add aggregation at dst.
    h = x @ W
    ones = jnp.ones((src.shape[0],), dtype=x.dtype)
    deg = jax.ops.segment_sum(ones, dst, num_segments=n)
    dinv = jnp.where(deg > 0, jax.lax.rsqrt(jnp.maximum(deg, 1e-12)), 0.0)
    norm = dinv[src] * dinv[dst]
    out = jax.ops.segment_sum(h[src] * norm[:, None], dst, num_segments=n)
    return out + b


def reference(x, edge_index, batch, W1, b1, W2, b2, W3, b3,
              fc1_W, fc1_b, fc2a_W, fc2a_b, fc2_W, fc2_b,
              fc2b_W, fc2b_b, fc3_W, fc3_b):
    loop = jnp.arange(N, dtype=edge_index.dtype)
    src = jnp.concatenate([edge_index[0], loop])
    dst = jnp.concatenate([edge_index[1], loop])
    x1 = jax.nn.relu(_gcn(x, src, dst, W1, b1, N))
    x2 = jax.nn.relu(_gcn(x1, src, dst, W2, b2, N))
    x3 = jax.nn.relu(_gcn(x2, src, dst, W3, b3, N))
    xc = jnp.concatenate([x1, x2, x3], axis=1)
    h = jax.nn.relu(xc @ fc1_W + fc1_b)
    h = jax.nn.relu(h @ fc2a_W + fc2a_b)
    pooled = jax.ops.segment_sum(h, batch, num_segments=G)
    out1 = pooled @ fc2_W + fc2_b  # computed in torch forward, unused when pretr=False
    h2 = jax.nn.relu(pooled @ fc2b_W + fc2b_b)
    logits = h2 @ fc3_W + fc3_b
    return jax.nn.log_softmax(logits, axis=-1)

if __name__ == "__main__":
    import jax
    _d = setup_inputs()
    print(jax.jit(kernel)(*tuple(_d.values())))

</pallas_src>

<mosaic_0001>
#map = affine_map<(d0, d1) -> (0, 0, 0)>
#map1 = affine_map<(d0, d1) -> (0, 0)>
module attributes {stable_mosaic.version = 14 : i64} {
  func.func @_sc_edge_agg(%arg0: i32, %arg1: i32, %arg2: memref<32x80x128xi32, #tpu.memory_space<hbm>>, %arg3: memref<32x80x128xi32, #tpu.memory_space<hbm>>, %arg4: memref<10000x32xf32, #tpu.memory_space<hbm>>, %arg5: memref<10112x32xf32, #tpu.memory_space<hbm>>, %arg6: memref<2x10112x32xf32, #tpu.memory_space<hbm>>, %arg7: memref<80x128xi32, #tpu.memory_space<vmem>>, %arg8: memref<80x128xi32, #tpu.memory_space<vmem>>, %arg9: memref<128x32xf32, #tpu.memory_space<vmem>>, %arg10: memref<128x32xf32, #tpu.memory_space<vmem>>, %arg11: memref<128x32xf32, #tpu.memory_space<vmem>>, %arg12: memref<128x32xf32, #tpu.memory_space<vmem>>, %arg13: memref<128x32xf32, #tpu.memory_space<vmem>>, %arg14: memref<128x32xf32, #tpu.memory_space<vmem>>, %arg15: memref<128x32xf32, #tpu.memory_space<vmem>>, %arg16: memref<128x32xf32, #tpu.memory_space<vmem>>, %arg17: memref<10112x32xf32, #tpu.memory_space<vmem_shared>>, %arg18: memref<!tpu.dma_semaphore, #tpu.memory_space<semaphore_mem>>, %arg19: memref<!tpu.dma_semaphore, #tpu.memory_space<semaphore_mem>>, %arg20: memref<!tpu.dma_semaphore, #tpu.memory_space<semaphore_mem>>, %arg21: memref<!tpu.dma_semaphore, #tpu.memory_space<semaphore_mem>>, %arg22: memref<!tpu.dma_semaphore, #tpu.memory_space<semaphore_mem>>, %arg23: memref<!tpu.dma_semaphore, #tpu.memory_space<semaphore_mem>>, %arg24: memref<!tpu.dma_semaphore, #tpu.memory_space<semaphore_mem>>, %arg25: memref<!tpu.dma_semaphore, #tpu.memory_space<semaphore_mem>>, %arg26: memref<!tpu.dma_semaphore, #tpu.memory_space<semaphore_mem>>, %arg27: memref<!tpu.dma_semaphore, #tpu.memory_space<semaphore_mem>>, %arg28: memref<!tpu.dma_semaphore, #tpu.memory_space<semaphore_mem>>, %arg29: memref<!tpu.dma_semaphore, #tpu.memory_space<semaphore_mem>>, %arg30: memref<!tpu.dma_semaphore, #tpu.memory_space<semaphore_mem>>, %arg31: memref<!tpu.dma_semaphore, #tpu.memory_space<semaphore_mem>>, %arg32: memref<!tpu.dma_semaphore, #tpu.memory_space<semaphore_mem>>, %arg33: memref<!tpu.dma_semaphore, #tpu.memory_space<semaphore_mem>>) attributes {dimension_semantics = [#tpu.dimension_semantics<core_parallel>, #tpu.dimension_semantics<subcore_parallel>], iteration_bounds = array<i64: 2, 16>, scalar_prefetch = 0 : i64, scratch_operands = 27 : i64, tpu.core_type = #tpu.core_type<sc_vector_subcore>, window_params = [{transform_indices = #map}, {transform_indices = #map}, {transform_indices = #map1}, {transform_indices = #map1}, {transform_indices = #map}]} {
    %mul3A = arith.constant 2 : i32
    %mul3A_0 = arith.muli %arg1, %mul3A : i32
    %add3A = arith.addi %mul3A_0, %arg0 : i32
    "tpu.region"() ({
      %run_scoped3A = tpu.sem_alloc : memref<!tpu.dma_semaphore, #tpu.memory_space<semaphore_mem>>
      %dma_start3A_55 = arith.constant 0 : i32
      %dma_start3A_56 = arith.constant 0 : i32
      %dma_start3A_57 = tpu.memref_slice %arg2[%add3A, %dma_start3A_55, %dma_start3A_56] : memref<32x80x128xi32, #tpu.memory_space<hbm>> -> memref<1x80x128xi32, #tpu.memory_space<hbm>>
      %dma_start3A_58 = tpu.memref_squeeze %dma_start3A_57 : memref<1x80x128xi32, #tpu.memory_space<hbm>> -> memref<80x128xi32, #tpu.memory_space<hbm>>
      %dma_start3A_59 = arith.constant 0 : i32
      %dma_start3A_60 = arith.constant 0 : i32
      %dma_start3A_61 = tpu.memref_slice %arg2[%add3A, %dma_start3A_59, %dma_start3A_60] : memref<32x80x128xi32, #tpu.memory_space<hbm>> -> memref<1x80x128xi32, #tpu.memory_space<hbm>>
      %dma_start3A_62 = tpu.memref_squeeze %dma_start3A_61 : memref<1x80x128xi32, #tpu.memory_space<hbm>> -> memref<80x128xi32, #tpu.memory_space<hbm>>
      tpu.enqueue_dma source(%dma_start3A_62 : memref<80x128xi32, #tpu.memory_space<hbm>>) target(%arg7 : memref<80x128xi32, #tpu.memory_space<vmem>>) target_semaphore(%run_scoped3A : memref<!tpu.dma_semaphore, #tpu.memory_space<semaphore_mem>>)
      %dma_wait3A_63 = arith.constant 0 : i32
      %dma_wait3A_64 = arith.constant 0 : i32
      %dma_wait3A_65 = tpu.memref_slice %arg2[%add3A, %dma_wait3A_63, %dma_wait3A_64] : memref<32x80x128xi32, #tpu.memory_space<hbm>> -> memref<1x80x128xi32, #tpu.memory_space<hbm>>
      %dma_wait3A_66 = tpu.memref_squeeze %dma_wait3A_65 : memref<1x80x128xi32, #tpu.memory_space<hbm>> -> memref<80x128xi32, #tpu.memory_space<hbm>>
      %dma_wait3A_67 = arith.constant 0 : i32
      %dma_wait3A_68 = arith.constant 0 : i32
      %dma_wait3A_69 = tpu.memref_slice %arg2[%add3A, %dma_wait3A_67, %dma_wait3A_68] : memref<32x80x128xi32, #tpu.memory_space<hbm>> -> memref<1x80x128xi32, #tpu.memory_space<hbm>>
      %dma_wait3A_70 = tpu.memref_squeeze %dma_wait3A_69 : memref<1x80x128xi32, #tpu.memory_space<hbm>> -> memref<80x128xi32, #tpu.memory_space<hbm>>
      tpu.wait_dma2 semaphore(%run_scoped3A : memref<!tpu.dma_semaphore, #tpu.memory_space<semaphore_mem>>) src(%dma_wait3A_70 : memref<80x128xi32, #tpu.memory_space<hbm>>) dst(%arg7 : memref<80x128xi32, #tpu.memory_space<vmem>>)
      tpu.yield
    }) : () -> ()
    "tpu.region"() ({
      %run_scoped3A = tpu.sem_alloc : memref<!tpu.dma_semaphore, #tpu.memory_space<semaphore_mem>>
      %dma_start3A_55 = arith.constant 0 : i32
      %dma_start3A_56 = arith.constant 0 : i32
      %dma_start3A_57 = tpu.memref_slice %arg3[%add3A, %dma_start3A_55, %dma_start3A_56] : memref<32x80x128xi32, #tpu.memory_space<hbm>> -> memref<1x80x128xi32, #tpu.memory_space<hbm>>
      %dma_start3A_58 = tpu.memref_squeeze %dma_start3A_57 : memref<1x80x128xi32, #tpu.memory_space<hbm>> -> memref<80x128xi32, #tpu.memory_space<hbm>>
      %dma_start3A_59 = arith.constant 0 : i32
      %dma_start3A_60 = arith.constant 0 : i32
      %dma_start3A_61 = tpu.memref_slice %arg3[%add3A, %dma_start3A_59, %dma_start3A_60] : memref<32x80x128xi32, #tpu.memory_space<hbm>> -> memref<1x80x128xi32, #tpu.memory_space<hbm>>
      %dma_start3A_62 = tpu.memref_squeeze %dma_start3A_61 : memref<1x80x128xi32, #tpu.memory_space<hbm>> -> memref<80x128xi32, #tpu.memory_space<hbm>>
      tpu.enqueue_dma source(%dma_start3A_62 : memref<80x128xi32, #tpu.memory_space<hbm>>) target(%arg8 : memref<80x128xi32, #tpu.memory_space<vmem>>) target_semaphore(%run_scoped3A : memref<!tpu.dma_semaphore, #tpu.memory_space<semaphore_mem>>)
      %dma_wait3A_63 = arith.constant 0 : i32
      %dma_wait3A_64 = arith.constant 0 : i32
      %dma_wait3A_65 = tpu.memref_slice %arg3[%add3A, %dma_wait3A_63, %dma_wait3A_64] : memref<32x80x128xi32, #tpu.memory_space<hbm>> -> memref<1x80x128xi32, #tpu.memory_space<hbm>>
      %dma_wait3A_66 = tpu.memref_squeeze %dma_wait3A_65 : memref<1x80x128xi32, #tpu.memory_space<hbm>> -> memref<80x128xi32, #tpu.memory_space<hbm>>
      %dma_wait3A_67 = arith.constant 0 : i32
      %dma_wait3A_68 = arith.constant 0 : i32
      %dma_wait3A_69 = tpu.memref_slice %arg3[%add3A, %dma_wait3A_67, %dma_wait3A_68] : memref<32x80x128xi32, #tpu.memory_space<hbm>> -> memref<1x80x128xi32, #tpu.memory_space<hbm>>
      %dma_wait3A_70 = tpu.memref_squeeze %dma_wait3A_69 : memref<1x80x128xi32, #tpu.memory_space<hbm>> -> memref<80x128xi32, #tpu.memory_space<hbm>>
      tpu.wait_dma2 semaphore(%run_scoped3A : memref<!tpu.dma_semaphore, #tpu.memory_space<semaphore_mem>>) src(%dma_wait3A_70 : memref<80x128xi32, #tpu.memory_space<hbm>>) dst(%arg8 : memref<80x128xi32, #tpu.memory_space<vmem>>)
      tpu.yield
    }) : () -> ()
    %mul3A_1 = arith.constant 632 : i32
    %mul3A_2 = arith.muli %arg1, %mul3A_1 : i32
    %mul3A_3 = arith.constant 632 : i32
    %mul3A_4 = arith.muli %arg1, %mul3A_3 : i32
    "tpu.region"() ({
      %run_scoped3A = tpu.sem_alloc : memref<!tpu.dma_semaphore, #tpu.memory_space<semaphore_mem>>
      %dma_start3A_55 = arith.constant 0 : i32
      %dma_start3A_56 = tpu.memref_slice %arg17[%mul3A_4, %dma_start3A_55] : memref<10112x32xf32, #tpu.memory_space<vmem_shared>> -> memref<632x32xf32, #tpu.memory_space<vmem_shared>>
      %dma_start3A_57 = arith.constant 0 : i32
      %dma_start3A_58 = tpu.memref_slice %arg5[%mul3A_2, %dma_start3A_57] : memref<10112x32xf32, #tpu.memory_space<hbm>> -> memref<632x32xf32, #tpu.memory_space<hbm>>
      tpu.enqueue_dma source(%dma_start3A_58 : memref<632x32xf32, #tpu.memory_space<hbm>>) target(%dma_start3A_56 : memref<632x32xf32, #tpu.memory_space<vmem_shared>>) target_semaphore(%run_scoped3A : memref<!tpu.dma_semaphore, #tpu.memory_space<semaphore_mem>>)
      %dma_wait3A_59 = arith.constant 0 : i32
      %dma_wait3A_60 = tpu.memref_slice %arg17[%mul3A_4, %dma_wait3A_59] : memref<10112x32xf32, #tpu.memory_space<vmem_shared>> -> memref<632x32xf32, #tpu.memory_space<vmem_shared>>
      %dma_wait3A_61 = arith.constant 0 : i32
      %dma_wait3A_62 = tpu.memref_slice %arg5[%mul3A_2, %dma_wait3A_61] : memref<10112x32xf32, #tpu.memory_space<hbm>> -> memref<632x32xf32, #tpu.memory_space<hbm>>
      tpu.wait_dma2 semaphore(%run_scoped3A : memref<!tpu.dma_semaphore, #tpu.memory_space<semaphore_mem>>) src(%dma_wait3A_62 : memref<632x32xf32, #tpu.memory_space<hbm>>) dst(%dma_wait3A_60 : memref<632x32xf32, #tpu.memory_space<vmem_shared>>)
      tpu.yield
    }) : () -> ()
    %barrier3A = arith.constant 0 : index
    tpu.barrier barrier_id(%barrier3A)
    %dma_start3A = arith.constant 0 : i32
    %dma_start3A_5 = arith.constant 0 : i32
    %dma_start3A_6 = tpu.memref_slice %arg7[%dma_start3A, %dma_start3A_5] : memref<80x128xi32, #tpu.memory_space<vmem>> -> memref<1x128xi32, #tpu.memory_space<vmem>>
    %dma_start3A_7 = tpu.memref_squeeze %dma_start3A_6 : memref<1x128xi32, #tpu.memory_space<vmem>> -> memref<128xi32, #tpu.memory_space<vmem>>
    %dma_start3A_8 = arith.constant 0 : i32
    %dma_start3A_9 = arith.constant 0 : i32
    %dma_start3A_10 = tpu.memref_slice %arg4[%dma_start3A_8, %dma_start3A_9] : memref<10000x32xf32, #tpu.memory_space<hbm>> -> memref<10000x32xf32, #tpu.memory_space<hbm>>
    tpu.enqueue_indirect_dma source(%dma_start3A_10 : memref<10000x32xf32, #tpu.memory_space<hbm>>) target(%arg9 : memref<128x32xf32, #tpu.memory_space<vmem>>) offsets(%dma_start3A_7 : memref<128xi32, #tpu.memory_space<vmem>>) semaphore(%arg18 : memref<!tpu.dma_semaphore, #tpu.memory_space<semaphore_mem>>)
    %dma_start3A_11 = arith.constant 1 : i32
    %dma_start3A_12 = arith.constant 0 : i32
    %dma_start3A_13 = tpu.memref_slice %arg7[%dma_start3A_11, %dma_start3A_12] : memref<80x128xi32, #tpu.memory_space<vmem>> -> memref<1x128xi32, #tpu.memory_space<vmem>>
    %dma_start3A_14 = tpu.memref_squeeze %dma_start3A_13 : memref<1x128xi32, #tpu.memory_space<vmem>> -> memref<128xi32, #tpu.memory_space<vmem>>
    %dma_start3A_15 = arith.constant 0 : i32
    %dma_start3A_16 = arith.constant 0 : i32
    %dma_start3A_17 = tpu.memref_slice %arg4[%dma_start3A_15, %dma_start3A_16] : memref<10000x32xf32, #tpu.memory_space<hbm>> -> memref<10000x32xf32, #tpu.memory_space<hbm>>
    tpu.enqueue_indirect_dma source(%dma_start3A_17 : memref<10000x32xf32, #tpu.memory_space<hbm>>) target(%arg10 : memref<128x32xf32, #tpu.memory_space<vmem>>) offsets(%dma_start3A_14 : memref<128xi32, #tpu.memory_space<vmem>>) semaphore(%arg19 : memref<!tpu.dma_semaphore, #tpu.memory_space<semaphore_mem>>)
    %dma_start3A_18 = arith.constant 2 : i32
    %dma_start3A_19 = arith.constant 0 : i32
    %dma_start3A_20 = tpu.memref_slice %arg7[%dma_start3A_18, %dma_start3A_19] : memref<80x128xi32, #tpu.memory_space<vmem>> -> memref<1x128xi32, #tpu.memory_space<vmem>>
    %dma_start3A_21 = tpu.memref_squeeze %dma_start3A_20 : memref<1x128xi32, #tpu.memory_space<vmem>> -> memref<128xi32, #tpu.memory_space<vmem>>
    %dma_start3A_22 = arith.constant 0 : i32
    %dma_start3A_23 = arith.constant 0 : i32
    %dma_start3A_24 = tpu.memref_slice %arg4[%dma_start3A_22, %dma_start3A_23] : memref<10000x32xf32, #tpu.memory_space<hbm>> -> memref<10000x32xf32, #tpu.memory_space<hbm>>
    tpu.enqueue_indirect_dma source(%dma_start3A_24 : memref<10000x32xf32, #tpu.memory_space<hbm>>) target(%arg11 : memref<128x32xf32, #tpu.memory_space<vmem>>) offsets(%dma_start3A_21 : memref<128xi32, #tpu.memory_space<vmem>>) semaphore(%arg20 : memref<!tpu.dma_semaphore, #tpu.memory_space<semaphore_mem>>)
    %scan3A = arith.constant 0 : i32
    %scan3A_25 = arith.constant 0 : i32
    %scan3A_26 = arith.constant 10 : i32
    %scan3A_27 = arith.addi %scan3A_25, %scan3A_26 : i32
    %scan3A_28 = arith.constant 1 : i32
    scf.for %scan3A_55 = %scan3A_25 to %scan3A_27 step %scan3A_28  : i32 {
      %mul3A_56 = arith.constant 8 : i32
      %mul3A_57 = arith.muli %scan3A_55, %mul3A_56 : i32
      %add3A_58 = arith.constant 0 : i32
      %add3A_59 = arith.addi %mul3A_57, %add3A_58 : i32
      %dma_wait3A_60 = arith.constant 0 : i32
      %dma_wait3A_61 = tpu.memref_slice %arg7[%add3A_59, %dma_wait3A_60] : memref<80x128xi32, #tpu.memory_space<vmem>> -> memref<1x128xi32, #tpu.memory_space<vmem>>
      %dma_wait3A_62 = tpu.memref_squeeze %dma_wait3A_61 : memref<1x128xi32, #tpu.memory_space<vmem>> -> memref<128xi32, #tpu.memory_space<vmem>>
      %dma_wait3A_63 = arith.constant 0 : i32
      %dma_wait3A_64 = arith.constant 0 : i32
      %dma_wait3A_65 = tpu.memref_slice %arg4[%dma_wait3A_63, %dma_wait3A_64] : memref<10000x32xf32, #tpu.memory_space<hbm>> -> memref<10000x32xf32, #tpu.memory_space<hbm>>
      tpu.wait_indirect_dma semaphore(%arg18 : memref<!tpu.dma_semaphore, #tpu.memory_space<semaphore_mem>>) src(%dma_wait3A_65 : memref<10000x32xf32, #tpu.memory_space<hbm>>) dst(%arg9 : memref<128x32xf32, #tpu.memory_space<vmem>>)
      %dma_start3A_66 = arith.constant 0 : i32
      %dma_start3A_67 = tpu.memref_slice %arg8[%add3A_59, %dma_start3A_66] : memref<80x128xi32, #tpu.memory_space<vmem>> -> memref<1x128xi32, #tpu.memory_space<vmem>>
      %dma_start3A_68 = tpu.memref_squeeze %dma_start3A_67 : memref<1x128xi32, #tpu.memory_space<vmem>> -> memref<128xi32, #tpu.memory_space<vmem>>
      %dma_start3A_69 = arith.constant 0 : i32
      %dma_start3A_70 = arith.constant 0 : i32
      %dma_start3A_71 = tpu.memref_slice %arg17[%dma_start3A_69, %dma_start3A_70] : memref<10112x32xf32, #tpu.memory_space<vmem_shared>> -> memref<10112x32xf32, #tpu.memory_space<vmem_shared>>
      tpu.enqueue_indirect_dma source(%arg9 : memref<128x32xf32, #tpu.memory_space<vmem>>) target(%dma_start3A_71 : memref<10112x32xf32, #tpu.memory_space<vmem_shared>>) offsets(%dma_start3A_68 : memref<128xi32, #tpu.memory_space<vmem>>) semaphore(%arg26 : memref<!tpu.dma_semaphore, #tpu.memory_space<semaphore_mem>>) {add = true}
      %ge3A = arith.constant 3 : i32
      %ge3A_72 = arith.cmpi sge, %add3A_59, %ge3A : i32
      %convert_element_type3A = arith.extui %ge3A_72 : i1 to i32
      %cond3A = arith.constant 0 : i32
      %cond3A_73 = arith.cmpi ne, %convert_element_type3A, %cond3A : i32
      scf.if %cond3A_73 {
        %sub3A = arith.constant 3 : i32
        %sub3A_276 = arith.subi %add3A_59, %sub3A : i32
        %dma_wait3A_277 = arith.constant 0 : i32
        %dma_wait3A_278 = tpu.memref_slice %arg8[%sub3A_276, %dma_wait3A_277] : memref<80x128xi32, #tpu.memory_space<vmem>> -> memref<1x128xi32, #tpu.memory_space<vmem>>
        %dma_wait3A_279 = tpu.memref_squeeze %dma_wait3A_278 : memref<1x128xi32, #tpu.memory_space<vmem>> -> memref<128xi32, #tpu.memory_space<vmem>>
        %dma_wait3A_280 = arith.constant 0 : i32
        %dma_wait3A_281 = arith.constant 0 : i32
        %dma_wait3A_282 = tpu.memref_slice %arg17[%dma_wait3A_280, %dma_wait3A_281] : memref<10112x32xf32, #tpu.memory_space<vmem_shared>> -> memref<10112x32xf32, #tpu.memory_space<vmem_shared>>
        tpu.wait_indirect_dma semaphore(%arg31 : memref<!tpu.dma_semaphore, #tpu.memory_space<semaphore_mem>>) src(%arg14 : memref<128x32xf32, #tpu.memory_space<vmem>>) dst(%dma_wait3A_282 : memref<10112x32xf32, #tpu.memory_space<vmem_shared>>)
      } else {
      }
      %add3A_74 = arith.constant 3 : i32
      %add3A_75 = arith.addi %add3A_59, %add3A_74 : i32
      %lt3A = arith.constant 80 : i32
      %lt3A_76 = arith.cmpi slt, %add3A_75, %lt3A : i32
      %convert_element_type3A_77 = arith.extui %lt3A_76 : i1 to i32
      %cond3A_78 = arith.constant 0 : i32
      %cond3A_79 = arith.cmpi ne, %convert_element_type3A_77, %cond3A_78 : i32
      scf.if %cond3A_79 {
        %add3A_276 = arith.constant 3 : i32
        %add3A_277 = arith.addi %add3A_59, %add3A_276 : i32
        %dma_start3A_278 = arith.constant 0 : i32
        %dma_start3A_279 = tpu.memref_slice %arg7[%add3A_277, %dma_start3A_278] : memref<80x128xi32, #tpu.memory_space<vmem>> -> memref<1x128xi32, #tpu.memory_space<vmem>>
        %dma_start3A_280 = tpu.memref_squeeze %dma_start3A_279 : memref<1x128xi32, #tpu.memory_space<vmem>> -> memref<128xi32, #tpu.memory_space<vmem>>
        %dma_start3A_281 = arith.constant 0 : i32
        %dma_start3A_282 = arith.constant 0 : i32
        %dma_start3A_283 = tpu.memref_slice %arg4[%dma_start3A_281, %dma_start3A_282] : memref<10000x32xf32, #tpu.memory_space<hbm>> -> memref<10000x32xf32, #tpu.memory_space<hbm>>
        tpu.enqueue_indirect_dma source(%dma_start3A_283 : memref<10000x32xf32, #tpu.memory_space<hbm>>) target(%arg12 : memref<128x32xf32, #tpu.memory_space<vmem>>) offsets(%dma_start3A_280 : memref<128xi32, #tpu.memory_space<vmem>>) semaphore(%arg21 : memref<!tpu.dma_semaphore, #tpu.memory_space<semaphore_mem>>)
      } else {
      }
      %mul3A_80 = arith.constant 8 : i32
      %mul3A_81 = arith.muli %scan3A_55, %mul3A_80 : i32
      %add3A_82 = arith.constant 1 : i32
      %add3A_83 = arith.addi %mul3A_81, %add3A_82 : i32
      %dma_wait3A_84 = arith.constant 0 : i32
      %dma_wait3A_85 = tpu.memref_slice %arg7[%add3A_83, %dma_wait3A_84] : memref<80x128xi32, #tpu.memory_space<vmem>> -> memref<1x128xi32, #tpu.memory_space<vmem>>
      %dma_wait3A_86 = tpu.memref_squeeze %dma_wait3A_85 : memref<1x128xi32, #tpu.memory_space<vmem>> -> memref<128xi32, #tpu.memory_space<vmem>>
      %dma_wait3A_87 = arith.constant 0 : i32
      %dma_wait3A_88 = arith.constant 0 : i32
      %dma_wait3A_89 = tpu.memref_slice %arg4[%dma_wait3A_87, %dma_wait3A_88] : memref<10000x32xf32, #tpu.memory_space<hbm>> -> memref<10000x32xf32, #tpu.memory_space<hbm>>
      tpu.wait_indirect_dma semaphore(%arg19 : memref<!tpu.dma_semaphore, #tpu.memory_space<semaphore_mem>>) src(%dma_wait3A_89 : memref<10000x32xf32, #tpu.memory_space<hbm>>) dst(%arg10 : memref<128x32xf32, #tpu.memory_space<vmem>>)
      %dma_start3A_90 = arith.constant 0 : i32
      %dma_start3A_91 = tpu.memref_slice %arg8[%add3A_83, %dma_start3A_90] : memref<80x128xi32, #tpu.memory_space<vmem>> -> memref<1x128xi32, #tpu.memory_space<vmem>>
      %dma_start3A_92 = tpu.memref_squeeze %dma_start3A_91 : memref<1x128xi32, #tpu.memory_space<vmem>> -> memref<128xi32, #tpu.memory_space<vmem>>
      %dma_start3A_93 = arith.constant 0 : i32
      %dma_start3A_94 = arith.constant 0 : i32
      %dma_start3A_95 = tpu.memref_slice %arg17[%dma_start3A_93, %dma_start3A_94] : memref<10112x32xf32, #tpu.memory_space<vmem_shared>> -> memref<10112x32xf32, #tpu.memory_space<vmem_shared>>
      tpu.enqueue_indirect_dma source(%arg10 : memref<128x32xf32, #tpu.memory_space<vmem>>) target(%dma_start3A_95 : memref<10112x32xf32, #tpu.memory_space<vmem_shared>>) offsets(%dma_start3A_92 : memref<128xi32, #tpu.memory_space<vmem>>) semaphore(%arg27 : memref<!tpu.dma_semaphore, #tpu.memory_space<semaphore_mem>>) {add = true}
      %ge3A_96 = arith.constant 3 : i32
      %ge3A_97 = arith.cmpi sge, %add3A_83, %ge3A_96 : i32
      %convert_element_type3A_98 = arith.extui %ge3A_97 : i1 to i32
      %cond3A_99 = arith.constant 0 : i32
      %cond3A_100 = arith.cmpi ne, %convert_element_type3A_98, %cond3A_99 : i32
      scf.if %cond3A_100 {
        %sub3A = arith.constant 3 : i32
        %sub3A_276 = arith.subi %add3A_83, %sub3A : i32
        %dma_wait3A_277 = arith.constant 0 : i32
        %dma_wait3A_278 = tpu.memref_slice %arg8[%sub3A_276, %dma_wait3A_277] : memref<80x128xi32, #tpu.memory_space<vmem>> -> memref<1x128xi32, #tpu.memory_space<vmem>>
        %dma_wait3A_279 = tpu.memref_squeeze %dma_wait3A_278 : memref<1x128xi32, #tpu.memory_space<vmem>> -> memref<128xi32, #tpu.memory_space<vmem>>
        %dma_wait3A_280 = arith.constant 0 : i32
        %dma_wait3A_281 = arith.constant 0 : i32
        %dma_wait3A_282 = tpu.memref_slice %arg17[%dma_wait3A_280, %dma_wait3A_281] : memref<10112x32xf32, #tpu.memory_space<vmem_shared>> -> memref<10112x32xf32, #tpu.memory_space<vmem_shared>>
        tpu.wait_indirect_dma semaphore(%arg32 : memref<!tpu.dma_semaphore, #tpu.memory_space<semaphore_mem>>) src(%arg15 : memref<128x32xf32, #tpu.memory_space<vmem>>) dst(%dma_wait3A_282 : memref<10112x32xf32, #tpu.memory_space<vmem_shared>>)
      } else {
      }
      %add3A_101 = arith.constant 3 : i32
      %add3A_102 = arith.addi %add3A_83, %add3A_101 : i32
      %lt3A_103 = arith.constant 80 : i32
      %lt3A_104 = arith.cmpi slt, %add3A_102, %lt3A_103 : i32
      %convert_element_type3A_105 = arith.extui %lt3A_104 : i1 to i32
      %cond3A_106 = arith.constant 0 : i32
      %cond3A_107 = arith.cmpi ne, %convert_element_type3A_105, %cond3A_106 : i32
      scf.if %cond3A_107 {
        %add3A_276 = arith.constant 3 : i32
        %add3A_277 = arith.addi %add3A_83, %add3A_276 : i32
        %dma_start3A_278 = arith.constant 0 : i32
        %dma_start3A_279 = tpu.memref_slice %arg7[%add3A_277, %dma_start3A_278] : memref<80x128xi32, #tpu.memory_space<vmem>> -> memref<1x128xi32, #tpu.memory_space<vmem>>
        %dma_start3A_280 = tpu.memref_squeeze %dma_start3A_279 : memref<1x128xi32, #tpu.memory_space<vmem>> -> memref<128xi32, #tpu.memory_space<vmem>>
        %dma_start3A_281 = arith.constant 0 : i32
        %dma_start3A_282 = arith.constant 0 : i32
        %dma_start3A_283 = tpu.memref_slice %arg4[%dma_start3A_281, %dma_start3A_282] : memref<10000x32xf32, #tpu.memory_space<hbm>> -> memref<10000x32xf32, #tpu.memory_space<hbm>>
        tpu.enqueue_indirect_dma source(%dma_start3A_283 : memref<10000x32xf32, #tpu.memory_space<hbm>>) target(%arg13 : memref<128x32xf32, #tpu.memory_space<vmem>>) offsets(%dma_start3A_280 : memref<128xi32, #tpu.memory_space<vmem>>) semaphore(%arg22 : memref<!tpu.dma_semaphore, #tpu.memory_space<semaphore_mem>>)
      } else {
      }
      %mul3A_108 = arith.constant 8 : i32
      %mul3A_109 = arith.muli %scan3A_55, %mul3A_108 : i32
      %add3A_110 = arith.constant 2 : i32
      %add3A_111 = arith.addi %mul3A_109, %add3A_110 : i32
      %dma_wait3A_112 = arith.constant 0 : i32
      %dma_wait3A_113 = tpu.memref_slice %arg7[%add3A_111, %dma_wait3A_112] : memref<80x128xi32, #tpu.memory_space<vmem>> -> memref<1x128xi32, #tpu.memory_space<vmem>>
      %dma_wait3A_114 = tpu.memref_squeeze %dma_wait3A_113 : memref<1x128xi32, #tpu.memory_space<vmem>> -> memref<128xi32, #tpu.memory_space<vmem>>
      %dma_wait3A_115 = arith.constant 0 : i32
      %dma_wait3A_116 = arith.constant 0 : i32
      %dma_wait3A_117 = tpu.memref_slice %arg4[%dma_wait3A_115, %dma_wait3A_116] : memref<10000x32xf32, #tpu.memory_space<hbm>> -> memref<10000x32xf32, #tpu.memory_space<hbm>>
      tpu.wait_indirect_dma semaphore(%arg20 : memref<!tpu.dma_semaphore, #tpu.memory_space<semaphore_mem>>) src(%dma_wait3A_117 : memref<10000x32xf32, #tpu.memory_space<hbm>>) dst(%arg11 : memref<128x32xf32, #tpu.memory_space<vmem>>)
      %dma_start3A_118 = arith.constant 0 : i32
      %dma_start3A_119 = tpu.memref_slice %arg8[%add3A_111, %dma_start3A_118] : memref<80x128xi32, #tpu.memory_space<vmem>> -> memref<1x128xi32, #tpu.memory_space<vmem>>
      %dma_start3A_120 = tpu.memref_squeeze %dma_start3A_119 : memref<1x128xi32, #tpu.memory_space<vmem>> -> memref<128xi32, #tpu.memory_space<vmem>>
      %dma_start3A_121 = arith.constant 0 : i32
      %dma_start3A_122 = arith.constant 0 : i32
      %dma_start3A_123 = tpu.memref_slice %arg17[%dma_start3A_121, %dma_start3A_122] : memref<10112x32xf32, #tpu.memory_space<vmem_shared>> -> memref<10112x32xf32, #tpu.memory_space<vmem_shared>>
      tpu.enqueue_indirect_dma source(%arg11 : memref<128x32xf32, #tpu.memory_space<vmem>>) target(%dma_start3A_123 : memref<10112x32xf32, #tpu.memory_space<vmem_shared>>) offsets(%dma_start3A_120 : memref<128xi32, #tpu.memory_space<vmem>>) semaphore(%arg28 : memref<!tpu.dma_semaphore, #tpu.memory_space<semaphore_mem>>) {add = true}
      %ge3A_124 = arith.constant 3 : i32
      %ge3A_125 = arith.cmpi sge, %add3A_111, %ge3A_124 : i32
      %convert_element_type3A_126 = arith.extui %ge3A_125 : i1 to i32
      %cond3A_127 = arith.constant 0 : i32
      %cond3A_128 = arith.cmpi ne, %convert_element_type3A_126, %cond3A_127 : i32
      scf.if %cond3A_128 {
        %sub3A = arith.constant 3 : i32
        %sub3A_276 = arith.subi %add3A_111, %sub3A : i32
        %dma_wait3A_277 = arith.constant 0 : i32
        %dma_wait3A_278 = tpu.memref_slice %arg8[%sub3A_276, %dma_wait3A_277] : memref<80x128xi32, #tpu.memory_space<vmem>> -> memref<1x128xi32, #tpu.memory_space<vmem>>
        %dma_wait3A_279 = tpu.memref_squeeze %dma_wait3A_278 : memref<1x128xi32, #tpu.memory_space<vmem>> -> memref<128xi32, #tpu.memory_space<vmem>>
        %dma_wait3A_280 = arith.constant 0 : i32
        %dma_wait3A_281 = arith.constant 0 : i32
        %dma_wait3A_282 = tpu.memref_slice %arg17[%dma_wait3A_280, %dma_wait3A_281] : memref<10112x32xf32, #tpu.memory_space<vmem_shared>> -> memref<10112x32xf32, #tpu.memory_space<vmem_shared>>
        tpu.wait_indirect_dma semaphore(%arg33 : memref<!tpu.dma_semaphore, #tpu.memory_space<semaphore_mem>>) src(%arg16 : memref<128x32xf32, #tpu.memory_space<vmem>>) dst(%dma_wait3A_282 : memref<10112x32xf32, #tpu.memory_space<vmem_shared>>)
      } else {
      }
      %add3A_129 = arith.constant 3 : i32
      %add3A_130 = arith.addi %add3A_111, %add3A_129 : i32
      %lt3A_131 = arith.constant 80 : i32
      %lt3A_132 = arith.cmpi slt, %add3A_130, %lt3A_131 : i32
      %convert_element_type3A_133 = arith.extui %lt3A_132 : i1 to i32
      %cond3A_134 = arith.constant 0 : i32
      %cond3A_135 = arith.cmpi ne, %convert_element_type3A_133, %cond3A_134 : i32
      scf.if %cond3A_135 {
        %add3A_276 = arith.constant 3 : i32
        %add3A_277 = arith.addi %add3A_111, %add3A_276 : i32
        %dma_start3A_278 = arith.constant 0 : i32
        %dma_start3A_279 = tpu.memref_slice %arg7[%add3A_277, %dma_start3A_278] : memref<80x128xi32, #tpu.memory_space<vmem>> -> memref<1x128xi32, #tpu.memory_space<vmem>>
        %dma_start3A_280 = tpu.memref_squeeze %dma_start3A_279 : memref<1x128xi32, #tpu.memory_space<vmem>> -> memref<128xi32, #tpu.memory_space<vmem>>
        %dma_start3A_281 = arith.constant 0 : i32
        %dma_start3A_282 = arith.constant 0 : i32
        %dma_start3A_283 = tpu.memref_slice %arg4[%dma_start3A_281, %dma_start3A_282] : memref<10000x32xf32, #tpu.memory_space<hbm>> -> memref<10000x32xf32, #tpu.memory_space<hbm>>
        tpu.enqueue_indirect_dma source(%dma_start3A_283 : memref<10000x32xf32, #tpu.memory_space<hbm>>) target(%arg14 : memref<128x32xf32, #tpu.memory_space<vmem>>) offsets(%dma_start3A_280 : memref<128xi32, #tpu.memory_space<vmem>>) semaphore(%arg23 : memref<!tpu.dma_semaphore, #tpu.memory_space<semaphore_mem>>)
      } else {
      }
      %mul3A_136 = arith.constant 8 : i32
      %mul3A_137 = arith.muli %scan3A_55, %mul3A_136 : i32
      %add3A_138 = arith.constant 3 : i32
      %add3A_139 = arith.addi %mul3A_137, %add3A_138 : i32
      %dma_wait3A_140 = arith.constant 0 : i32
      %dma_wait3A_141 = tpu.memref_slice %arg7[%add3A_139, %dma_wait3A_140] : memref<80x128xi32, #tpu.memory_space<vmem>> -> memref<1x128xi32, #tpu.memory_space<vmem>>
      %dma_wait3A_142 = tpu.memref_squeeze %dma_wait3A_141 : memref<1x128xi32, #tpu.memory_space<vmem>> -> memref<128xi32, #tpu.memory_space<vmem>>
      %dma_wait3A_143 = arith.constant 0 : i32
      %dma_wait3A_144 = arith.constant 0 : i32
      %dma_wait3A_145 = tpu.memref_slice %arg4[%dma_wait3A_143, %dma_wait3A_144] : memref<10000x32xf32, #tpu.memory_space<hbm>> -> memref<10000x32xf32, #tpu.memory_space<hbm>>
      tpu.wait_indirect_dma semaphore(%arg21 : memref<!tpu.dma_semaphore, #tpu.memory_space<semaphore_mem>>) src(%dma_wait3A_145 : memref<10000x32xf32, #tpu.memory_space<hbm>>) dst(%arg12 : memref<128x32xf32, #tpu.memory_space<vmem>>)
      %dma_start3A_146 = arith.constant 0 : i32
      %dma_start3A_147 = tpu.memref_slice %arg8[%add3A_139, %dma_start3A_146] : memref<80x128xi32, #tpu.memory_space<vmem>> -> memref<1x128xi32, #tpu.memory_space<vmem>>
      %dma_start3A_148 = tpu.memref_squeeze %dma_start3A_147 : memref<1x128xi32, #tpu.memory_space<vmem>> -> memref<128xi32, #tpu.memory_space<vmem>>
      %dma_start3A_149 = arith.constant 0 : i32
      %dma_start3A_150 = arith.constant 0 : i32
      %dma_start3A_151 = tpu.memref_slice %arg17[%dma_start3A_149, %dma_start3A_150] : memref<10112x32xf32, #tpu.memory_space<vmem_shared>> -> memref<10112x32xf32, #tpu.memory_space<vmem_shared>>
      tpu.enqueue_indirect_dma source(%arg12 : memref<128x32xf32, #tpu.memory_space<vmem>>) target(%dma_start3A_151 : memref<10112x32xf32, #tpu.memory_space<vmem_shared>>) offsets(%dma_start3A_148 : memref<128xi32, #tpu.memory_space<vmem>>) semaphore(%arg29 : memref<!tpu.dma_semaphore, #tpu.memory_space<semaphore_mem>>) {add = true}
      %ge3A_152 = arith.constant 3 : i32
      %ge3A_153 = arith.cmpi sge, %add3A_139, %ge3A_152 : i32
      %convert_element_type3A_154 = arith.extui %ge3A_153 : i1 to i32
      %cond3A_155 = arith.constant 0 : i32
      %cond3A_156 = arith.cmpi ne, %convert_element_type3A_154, %cond3A_155 : i32
      scf.if %cond3A_156 {
        %sub3A = arith.constant 3 : i32
        %sub3A_276 = arith.subi %add3A_139, %sub3A : i32
        %dma_wait3A_277 = arith.constant 0 : i32
        %dma_wait3A_278 = tpu.memref_slice %arg8[%sub3A_276, %dma_wait3A_277] : memref<80x128xi32, #tpu.memory_space<vmem>> -> memref<1x128xi32, #tpu.memory_space<vmem>>
        %dma_wait3A_279 = tpu.memref_squeeze %dma_wait3A_278 : memref<1x128xi32, #tpu.memory_space<vmem>> -> memref<128xi32, #tpu.memory_space<vmem>>
        %dma_wait3A_280 = arith.constant 0 : i32
        %dma_wait3A_281 = arith.constant 0 : i32
        %dma_wait3A_282 = tpu.memref_slice %arg17[%dma_wait3A_280, %dma_wait3A_281] : memref<10112x32xf32, #tpu.memory_space<vmem_shared>> -> memref<10112x32xf32, #tpu.memory_space<vmem_shared>>
        tpu.wait_indirect_dma semaphore(%arg26 : memref<!tpu.dma_semaphore, #tpu.memory_space<semaphore_mem>>) src(%arg9 : memref<128x32xf32, #tpu.memory_space<vmem>>) dst(%dma_wait3A_282 : memref<10112x32xf32, #tpu.memory_space<vmem_shared>>)
      } else {
      }
      %add3A_157 = arith.constant 3 : i32
      %add3A_158 = arith.addi %add3A_139, %add3A_157 : i32
      %lt3A_159 = arith.constant 80 : i32
      %lt3A_160 = arith.cmpi slt, %add3A_158, %lt3A_159 : i32
      %convert_element_type3A_161 = arith.extui %lt3A_160 : i1 to i32
      %cond3A_162 = arith.constant 0 : i32
      %cond3A_163 = arith.cmpi ne, %convert_element_type3A_161, %cond3A_162 : i32
      scf.if %cond3A_163 {
        %add3A_276 = arith.constant 3 : i32
        %add3A_277 = arith.addi %add3A_139, %add3A_276 : i32
        %dma_start3A_278 = arith.constant 0 : i32
        %dma_start3A_279 = tpu.memref_slice %arg7[%add3A_277, %dma_start3A_278] : memref<80x128xi32, #tpu.memory_space<vmem>> -> memref<1x128xi32, #tpu.memory_space<vmem>>
        %dma_start3A_280 = tpu.memref_squeeze %dma_start3A_279 : memref<1x128xi32, #tpu.memory_space<vmem>> -> memref<128xi32, #tpu.memory_space<vmem>>
        %dma_start3A_281 = arith.constant 0 : i32
        %dma_start3A_282 = arith.constant 0 : i32
        %dma_start3A_283 = tpu.memref_slice %arg4[%dma_start3A_281, %dma_start3A_282] : memref<10000x32xf32, #tpu.memory_space<hbm>> -> memref<10000x32xf32, #tpu.memory_space<hbm>>
        tpu.enqueue_indirect_dma source(%dma_start3A_283 : memref<10000x32xf32, #tpu.memory_space<hbm>>) target(%arg15 : memref<128x32xf32, #tpu.memory_space<vmem>>) offsets(%dma_start3A_280 : memref<128xi32, #tpu.memory_space<vmem>>) semaphore(%arg24 : memref<!tpu.dma_semaphore, #tpu.memory_space<semaphore_mem>>)
      } else {
      }
      %mul3A_164 = arith.constant 8 : i32
      %mul3A_165 = arith.muli %scan3A_55, %mul3A_164 : i32
      %add3A_166 = arith.constant 4 : i32
      %add3A_167 = arith.addi %mul3A_165, %add3A_166 : i32
      %dma_wait3A_168 = arith.constant 0 : i32
      %dma_wait3A_169 = tpu.memref_slice %arg7[%add3A_167, %dma_wait3A_168] : memref<80x128xi32, #tpu.memory_space<vmem>> -> memref<1x128xi32, #tpu.memory_space<vmem>>
      %dma_wait3A_170 = tpu.memref_squeeze %dma_wait3A_169 : memref<1x128xi32, #tpu.memory_space<vmem>> -> memref<128xi32, #tpu.memory_space<vmem>>
      %dma_wait3A_171 = arith.constant 0 : i32
      %dma_wait3A_172 = arith.constant 0 : i32
      %dma_wait3A_173 = tpu.memref_slice %arg4[%dma_wait3A_171, %dma_wait3A_172] : memref<10000x32xf32, #tpu.memory_space<hbm>> -> memref<10000x32xf32, #tpu.memory_space<hbm>>
      tpu.wait_indirect_dma semaphore(%arg22 : memref<!tpu.dma_semaphore, #tpu.memory_space<semaphore_mem>>) src(%dma_wait3A_173 : memref<10000x32xf32, #tpu.memory_space<hbm>>) dst(%arg13 : memref<128x32xf32, #tpu.memory_space<vmem>>)
      %dma_start3A_174 = arith.constant 0 : i32
      %dma_start3A_175 = tpu.memref_slice %arg8[%add3A_167, %dma_start3A_174] : memref<80x128xi32, #tpu.memory_space<vmem>> -> memref<1x128xi32, #tpu.memory_space<vmem>>
      %dma_start3A_176 = tpu.memref_squeeze %dma_start3A_175 : memref<1x128xi32, #tpu.memory_space<vmem>> -> memref<128xi32, #tpu.memory_space<vmem>>
      %dma_start3A_177 = arith.constant 0 : i32
      %dma_start3A_178 = arith.constant 0 : i32
      %dma_start3A_179 = tpu.memref_slice %arg17[%dma_start3A_177, %dma_start3A_178] : memref<10112x32xf32, #tpu.memory_space<vmem_shared>> -> memref<10112x32xf32, #tpu.memory_space<vmem_shared>>
      tpu.enqueue_indirect_dma source(%arg13 : memref<128x32xf32, #tpu.memory_space<vmem>>) target(%dma_start3A_179 : memref<10112x32xf32, #tpu.memory_space<vmem_shared>>) offsets(%dma_start3A_176 : memref<128xi32, #tpu.memory_space<vmem>>) semaphore(%arg30 : memref<!tpu.dma_semaphore, #tpu.memory_space<semaphore_mem>>) {add = true}
      %ge3A_180 = arith.constant 3 : i32
      %ge3A_181 = arith.cmpi sge, %add3A_167, %ge3A_180 : i32
      %convert_element_type3A_182 = arith.extui %ge3A_181 : i1 to i32
      %cond3A_183 = arith.constant 0 : i32
      %cond3A_184 = arith.cmpi ne, %convert_element_type3A_182, %cond3A_183 : i32
      scf.if %cond3A_184 {
        %sub3A = arith.constant 3 : i32
        %sub3A_276 = arith.subi %add3A_167, %sub3A : i32
        %dma_wait3A_277 = arith.constant 0 : i32
        %dma_wait3A_278 = tpu.memref_slice %arg8[%sub3A_276, %dma_wait3A_277] : memref<80x128xi32, #tpu.memory_space<vmem>> -> memref<1x128xi32, #tpu.memory_space<vmem>>
        %dma_wait3A_279 = tpu.memref_squeeze %dma_wait3A_278 : memref<1x128xi32, #tpu.memory_space<vmem>> -> memref<128xi32, #tpu.memory_space<vmem>>
        %dma_wait3A_280 = arith.constant 0 : i32
        %dma_wait3A_281 = arith.constant 0 : i32
        %dma_wait3A_282 = tpu.memref_slice %arg17[%dma_wait3A_280, %dma_wait3A_281] : memref<10112x32xf32, #tpu.memory_space<vmem_shared>> -> memref<10112x32xf32, #tpu.memory_space<vmem_shared>>
        tpu.wait_indirect_dma semaphore(%arg27 : memref<!tpu.dma_semaphore, #tpu.memory_space<semaphore_mem>>) src(%arg10 : memref<128x32xf32, #tpu.memory_space<vmem>>) dst(%dma_wait3A_282 : memref<10112x32xf32, #tpu.memory_space<vmem_shared>>)
      } else {
      }
      %add3A_185 = arith.constant 3 : i32
      %add3A_186 = arith.addi %add3A_167, %add3A_185 : i32
      %lt3A_187 = arith.constant 80 : i32
      %lt3A_188 = arith.cmpi slt, %add3A_186, %lt3A_187 : i32
      %convert_element_type3A_189 = arith.extui %lt3A_188 : i1 to i32
      %cond3A_190 = arith.constant 0 : i32
      %cond3A_191 = arith.cmpi ne, %convert_element_type3A_189, %cond3A_190 : i32
      scf.if %cond3A_191 {
        %add3A_276 = arith.constant 3 : i32
        %add3A_277 = arith.addi %add3A_167, %add3A_276 : i32
        %dma_start3A_278 = arith.constant 0 : i32
        %dma_start3A_279 = tpu.memref_slice %arg7[%add3A_277, %dma_start3A_278] : memref<80x128xi32, #tpu.memory_space<vmem>> -> memref<1x128xi32, #tpu.memory_space<vmem>>
        %dma_start3A_280 = tpu.memref_squeeze %dma_start3A_279 : memref<1x128xi32, #tpu.memory_space<vmem>> -> memref<128xi32, #tpu.memory_space<vmem>>
        %dma_start3A_281 = arith.constant 0 : i32
        %dma_start3A_282 = arith.constant 0 : i32
        %dma_start3A_283 = tpu.memref_slice %arg4[%dma_start3A_281, %dma_start3A_282] : memref<10000x32xf32, #tpu.memory_space<hbm>> -> memref<10000x32xf32, #tpu.memory_space<hbm>>
        tpu.enqueue_indirect_dma source(%dma_start3A_283 : memref<10000x32xf32, #tpu.memory_space<hbm>>) target(%arg16 : memref<128x32xf32, #tpu.memory_space<vmem>>) offsets(%dma_start3A_280 : memref<128xi32, #tpu.memory_space<vmem>>) semaphore(%arg25 : memref<!tpu.dma_semaphore, #tpu.memory_space<semaphore_mem>>)
      } else {
      }
      %mul3A_192 = arith.constant 8 : i32
      %mul3A_193 = arith.muli %scan3A_55, %mul3A_192 : i32
      %add3A_194 = arith.constant 5 : i32
      %add3A_195 = arith.addi %mul3A_193, %add3A_194 : i32
      %dma_wait3A_196 = arith.constant 0 : i32
      %dma_wait3A_197 = tpu.memref_slice %arg7[%add3A_195, %dma_wait3A_196] : memref<80x128xi32, #tpu.memory_space<vmem>> -> memref<1x128xi32, #tpu.memory_space<vmem>>
      %dma_wait3A_198 = tpu.memref_squeeze %dma_wait3A_197 : memref<1x128xi32, #tpu.memory_space<vmem>> -> memref<128xi32, #tpu.memory_space<vmem>>
      %dma_wait3A_199 = arith.constant 0 : i32
      %dma_wait3A_200 = arith.constant 0 : i32
      %dma_wait3A_201 = tpu.memref_slice %arg4[%dma_wait3A_199, %dma_wait3A_200] : memref<10000x32xf32, #tpu.memory_space<hbm>> -> memref<10000x32xf32, #tpu.memory_space<hbm>>
      tpu.wait_indirect_dma semaphore(%arg23 : memref<!tpu.dma_semaphore, #tpu.memory_space<semaphore_mem>>) src(%dma_wait3A_201 : memref<10000x32xf32, #tpu.memory_space<hbm>>) dst(%arg14 : memref<128x32xf32, #tpu.memory_space<vmem>>)
      %dma_start3A_202 = arith.constant 0 : i32
      %dma_start3A_203 = tpu.memref_slice %arg8[%add3A_195, %dma_start3A_202] : memref<80x128xi32, #tpu.memory_space<vmem>> -> memref<1x128xi32, #tpu.memory_space<vmem>>
      %dma_start3A_204 = tpu.memref_squeeze %dma_start3A_203 : memref<1x128xi32, #tpu.memory_space<vmem>> -> memref<128xi32, #tpu.memory_space<vmem>>
      %dma_start3A_205 = arith.constant 0 : i32
      %dma_start3A_206 = arith.constant 0 : i32
      %dma_start3A_207 = tpu.memref_slice %arg17[%dma_start3A_205, %dma_start3A_206] : memref<10112x32xf32, #tpu.memory_space<vmem_shared>> -> memref<10112x32xf32, #tpu.memory_space<vmem_shared>>
      tpu.enqueue_indirect_dma source(%arg14 : memref<128x32xf32, #tpu.memory_space<vmem>>) target(%dma_start3A_207 : memref<10112x32xf32, #tpu.memory_space<vmem_shared>>) offsets(%dma_start3A_204 : memref<128xi32, #tpu.memory_space<vmem>>) semaphore(%arg31 : memref<!tpu.dma_semaphore, #tpu.memory_space<semaphore_mem>>) {add = true}
      %ge3A_208 = arith.constant 3 : i32
      %ge3A_209 = arith.cmpi sge, %add3A_195, %ge3A_208 : i32
      %convert_element_type3A_210 = arith.extui %ge3A_209 : i1 to i32
      %cond3A_211 = arith.constant 0 : i32
      %cond3A_212 = arith.cmpi ne, %convert_element_type3A_210, %cond3A_211 : i32
      scf.if %cond3A_212 {
        %sub3A = arith.constant 3 : i32
        %sub3A_276 = arith.subi %add3A_195, %sub3A : i32
        %dma_wait3A_277 = arith.constant 0 : i32
        %dma_wait3A_278 = tpu.memref_slice %arg8[%sub3A_276, %dma_wait3A_277] : memref<80x128xi32, #tpu.memory_space<vmem>> -> memref<1x128xi32, #tpu.memory_space<vmem>>
        %dma_wait3A_279 = tpu.memref_squeeze %dma_wait3A_278 : memref<1x128xi32, #tpu.memory_space<vmem>> -> memref<128xi32, #tpu.memory_space<vmem>>
        %dma_wait3A_280 = arith.constant 0 : i32
        %dma_wait3A_281 = arith.constant 0 : i32
        %dma_wait3A_282 = tpu.memref_slice %arg17[%dma_wait3A_280, %dma_wait3A_281] : memref<10112x32xf32, #tpu.memory_space<vmem_shared>> -> memref<10112x32xf32, #tpu.memory_space<vmem_shared>>
        tpu.wait_indirect_dma semaphore(%arg28 : memref<!tpu.dma_semaphore, #tpu.memory_space<semaphore_mem>>) src(%arg11 : memref<128x32xf32, #tpu.memory_space<vmem>>) dst(%dma_wait3A_282 : memref<10112x32xf32, #tpu.memory_space<vmem_shared>>)
      } else {
      }
      %add3A_213 = arith.constant 3 : i32
      %add3A_214 = arith.addi %add3A_195, %add3A_213 : i32
      %lt3A_215 = arith.constant 80 : i32
      %lt3A_216 = arith.cmpi slt, %add3A_214, %lt3A_215 : i32
      %convert_element_type3A_217 = arith.extui %lt3A_216 : i1 to i32
      %cond3A_218 = arith.constant 0 : i32
      %cond3A_219 = arith.cmpi ne, %convert_element_type3A_217, %cond3A_218 : i32
      scf.if %cond3A_219 {
        %add3A_276 = arith.constant 3 : i32
        %add3A_277 = arith.addi %add3A_195, %add3A_276 : i32
        %dma_start3A_278 = arith.constant 0 : i32
        %dma_start3A_279 = tpu.memref_slice %arg7[%add3A_277, %dma_start3A_278] : memref<80x128xi32, #tpu.memory_space<vmem>> -> memref<1x128xi32, #tpu.memory_space<vmem>>
        %dma_start3A_280 = tpu.memref_squeeze %dma_start3A_279 : memref<1x128xi32, #tpu.memory_space<vmem>> -> memref<128xi32, #tpu.memory_space<vmem>>
        %dma_start3A_281 = arith.constant 0 : i32
        %dma_start3A_282 = arith.constant 0 : i32
        %dma_start3A_283 = tpu.memref_slice %arg4[%dma_start3A_281, %dma_start3A_282] : memref<10000x32xf32, #tpu.memory_space<hbm>> -> memref<10000x32xf32, #tpu.memory_space<hbm>>
        tpu.enqueue_indirect_dma source(%dma_start3A_283 : memref<10000x32xf32, #tpu.memory_space<hbm>>) target(%arg9 : memref<128x32xf32, #tpu.memory_space<vmem>>) offsets(%dma_start3A_280 : memref<128xi32, #tpu.memory_space<vmem>>) semaphore(%arg18 : memref<!tpu.dma_semaphore, #tpu.memory_space<semaphore_mem>>)
      } else {
      }
      %mul3A_220 = arith.constant 8 : i32
      %mul3A_221 = arith.muli %scan3A_55, %mul3A_220 : i32
      %add3A_222 = arith.constant 6 : i32
      %add3A_223 = arith.addi %mul3A_221, %add3A_222 : i32
      %dma_wait3A_224 = arith.constant 0 : i32
      %dma_wait3A_225 = tpu.memref_slice %arg7[%add3A_223, %dma_wait3A_224] : memref<80x128xi32, #tpu.memory_space<vmem>> -> memref<1x128xi32, #tpu.memory_space<vmem>>
      %dma_wait3A_226 = tpu.memref_squeeze %dma_wait3A_225 : memref<1x128xi32, #tpu.memory_space<vmem>> -> memref<128xi32, #tpu.memory_space<vmem>>
      %dma_wait3A_227 = arith.constant 0 : i32
      %dma_wait3A_228 = arith.constant 0 : i32
      %dma_wait3A_229 = tpu.memref_slice %arg4[%dma_wait3A_227, %dma_wait3A_228] : memref<10000x32xf32, #tpu.memory_space<hbm>> -> memref<10000x32xf32, #tpu.memory_space<hbm>>
      tpu.wait_indirect_dma semaphore(%arg24 : memref<!tpu.dma_semaphore, #tpu.memory_space<semaphore_mem>>) src(%dma_wait3A_229 : memref<10000x32xf32, #tpu.memory_space<hbm>>) dst(%arg15 : memref<128x32xf32, #tpu.memory_space<vmem>>)
      %dma_start3A_230 = arith.constant 0 : i32
      %dma_start3A_231 = tpu.memref_slice %arg8[%add3A_223, %dma_start3A_230] : memref<80x128xi32, #tpu.memory_space<vmem>> -> memref<1x128xi32, #tpu.memory_space<vmem>>
      %dma_start3A_232 = tpu.memref_squeeze %dma_start3A_231 : memref<1x128xi32, #tpu.memory_space<vmem>> -> memref<128xi32, #tpu.memory_space<vmem>>
      %dma_start3A_233 = arith.constant 0 : i32
      %dma_start3A_234 = arith.constant 0 : i32
      %dma_start3A_235 = tpu.memref_slice %arg17[%dma_start3A_233, %dma_start3A_234] : memref<10112x32xf32, #tpu.memory_space<vmem_shared>> -> memref<10112x32xf32, #tpu.memory_space<vmem_shared>>
      tpu.enqueue_indirect_dma source(%arg15 : memref<128x32xf32, #tpu.memory_space<vmem>>) target(%dma_start3A_235 : memref<10112x32xf32, #tpu.memory_space<vmem_shared>>) offsets(%dma_start3A_232 : memref<128xi32, #tpu.memory_space<vmem>>) semaphore(%arg32 : memref<!tpu.dma_semaphore, #tpu.memory_space<semaphore_mem>>) {add = true}
      %ge3A_236 = arith.constant 3 : i32
      %ge3A_237 = arith.cmpi sge, %add3A_223, %ge3A_236 : i32
      %convert_element_type3A_238 = arith.extui %ge3A_237 : i1 to i32
      %cond3A_239 = arith.constant 0 : i32
      %cond3A_240 = arith.cmpi ne, %convert_element_type3A_238, %cond3A_239 : i32
      scf.if %cond3A_240 {
        %sub3A = arith.constant 3 : i32
        %sub3A_276 = arith.subi %add3A_223, %sub3A : i32
        %dma_wait3A_277 = arith.constant 0 : i32
        %dma_wait3A_278 = tpu.memref_slice %arg8[%sub3A_276, %dma_wait3A_277] : memref<80x128xi32, #tpu.memory_space<vmem>> -> memref<1x128xi32, #tpu.memory_space<vmem>>
        %dma_wait3A_279 = tpu.memref_squeeze %dma_wait3A_278 : memref<1x128xi32, #tpu.memory_space<vmem>> -> memref<128xi32, #tpu.memory_space<vmem>>
        %dma_wait3A_280 = arith.constant 0 : i32
        %dma_wait3A_281 = arith.constant 0 : i32
        %dma_wait3A_282 = tpu.memref_slice %arg17[%dma_wait3A_280, %dma_wait3A_281] : memref<10112x32xf32, #tpu.memory_space<vmem_shared>> -> memref<10112x32xf32, #tpu.memory_space<vmem_shared>>
        tpu.wait_indirect_dma semaphore(%arg29 : memref<!tpu.dma_semaphore, #tpu.memory_space<semaphore_mem>>) src(%arg12 : memref<128x32xf32, #tpu.memory_space<vmem>>) dst(%dma_wait3A_282 : memref<10112x32xf32, #tpu.memory_space<vmem_shared>>)
      } else {
      }
      %add3A_241 = arith.constant 3 : i32
      %add3A_242 = arith.addi %add3A_223, %add3A_241 : i32
      %lt3A_243 = arith.constant 80 : i32
      %lt3A_244 = arith.cmpi slt, %add3A_242, %lt3A_243 : i32
      %convert_element_type3A_245 = arith.extui %lt3A_244 : i1 to i32
      %cond3A_246 = arith.constant 0 : i32
      %cond3A_247 = arith.cmpi ne, %convert_element_type3A_245, %cond3A_246 : i32
      scf.if %cond3A_247 {
        %add3A_276 = arith.constant 3 : i32
        %add3A_277 = arith.addi %add3A_223, %add3A_276 : i32
        %dma_start3A_278 = arith.constant 0 : i32
        %dma_start3A_279 = tpu.memref_slice %arg7[%add3A_277, %dma_start3A_278] : memref<80x128xi32, #tpu.memory_space<vmem>> -> memref<1x128xi32, #tpu.memory_space<vmem>>
        %dma_start3A_280 = tpu.memref_squeeze %dma_start3A_279 : memref<1x128xi32, #tpu.memory_space<vmem>> -> memref<128xi32, #tpu.memory_space<vmem>>
        %dma_start3A_281 = arith.constant 0 : i32
        %dma_start3A_282 = arith.constant 0 : i32
        %dma_start3A_283 = tpu.memref_slice %arg4[%dma_start3A_281, %dma_start3A_282] : memref<10000x32xf32, #tpu.memory_space<hbm>> -> memref<10000x32xf32, #tpu.memory_space<hbm>>
        tpu.enqueue_indirect_dma source(%dma_start3A_283 : memref<10000x32xf32, #tpu.memory_space<hbm>>) target(%arg10 : memref<128x32xf32, #tpu.memory_space<vmem>>) offsets(%dma_start3A_280 : memref<128xi32, #tpu.memory_space<vmem>>) semaphore(%arg19 : memref<!tpu.dma_semaphore, #tpu.memory_space<semaphore_mem>>)
      } else {
      }
      %mul3A_248 = arith.constant 8 : i32
      %mul3A_249 = arith.muli %scan3A_55, %mul3A_248 : i32
      %add3A_250 = arith.constant 7 : i32
      %add3A_251 = arith.addi %mul3A_249, %add3A_250 : i32
      %dma_wait3A_252 = arith.constant 0 : i32
      %dma_wait3A_253 = tpu.memref_slice %arg7[%add3A_251, %dma_wait3A_252] : memref<80x128xi32, #tpu.memory_space<vmem>> -> memref<1x128xi32, #tpu.memory_space<vmem>>
      %dma_wait3A_254 = tpu.memref_squeeze %dma_wait3A_253 : memref<1x128xi32, #tpu.memory_space<vmem>> -> memref<128xi32, #tpu.memory_space<vmem>>
      %dma_wait3A_255 = arith.constant 0 : i32
      %dma_wait3A_256 = arith.constant 0 : i32
      %dma_wait3A_257 = tpu.memref_slice %arg4[%dma_wait3A_255, %dma_wait3A_256] : memref<10000x32xf32, #tpu.memory_space<hbm>> -> memref<10000x32xf32, #tpu.memory_space<hbm>>
      tpu.wait_indirect_dma semaphore(%arg25 : memref<!tpu.dma_semaphore, #tpu.memory_space<semaphore_mem>>) src(%dma_wait3A_257 : memref<10000x32xf32, #tpu.memory_space<hbm>>) dst(%arg16 : memref<128x32xf32, #tpu.memory_space<vmem>>)
      %dma_start3A_258 = arith.constant 0 : i32
      %dma_start3A_259 = tpu.memref_slice %arg8[%add3A_251, %dma_start3A_258] : memref<80x128xi32, #tpu.memory_space<vmem>> -> memref<1x128xi32, #tpu.memory_space<vmem>>
      %dma_start3A_260 = tpu.memref_squeeze %dma_start3A_259 : memref<1x128xi32, #tpu.memory_space<vmem>> -> memref<128xi32, #tpu.memory_space<vmem>>
      %dma_start3A_261 = arith.constant 0 : i32
      %dma_start3A_262 = arith.constant 0 : i32
      %dma_start3A_263 = tpu.memref_slice %arg17[%dma_start3A_261, %dma_start3A_262] : memref<10112x32xf32, #tpu.memory_space<vmem_shared>> -> memref<10112x32xf32, #tpu.memory_space<vmem_shared>>
      tpu.enqueue_indirect_dma source(%arg16 : memref<128x32xf32, #tpu.memory_space<vmem>>) target(%dma_start3A_263 : memref<10112x32xf32, #tpu.memory_space<vmem_shared>>) offsets(%dma_start3A_260 : memref<128xi32, #tpu.memory_space<vmem>>) semaphore(%arg33 : memref<!tpu.dma_semaphore, #tpu.memory_space<semaphore_mem>>) {add = true}
      %ge3A_264 = arith.constant 3 : i32
      %ge3A_265 = arith.cmpi sge, %add3A_251, %ge3A_264 : i32
      %convert_element_type3A_266 = arith.extui %ge3A_265 : i1 to i32
      %cond3A_267 = arith.constant 0 : i32
      %cond3A_268 = arith.cmpi ne, %convert_element_type3A_266, %cond3A_267 : i32
      scf.if %cond3A_268 {
        %sub3A = arith.constant 3 : i32
        %sub3A_276 = arith.subi %add3A_251, %sub3A : i32
        %dma_wait3A_277 = arith.constant 0 : i32
        %dma_wait3A_278 = tpu.memref_slice %arg8[%sub3A_276, %dma_wait3A_277] : memref<80x128xi32, #tpu.memory_space<vmem>> -> memref<1x128xi32, #tpu.memory_space<vmem>>
        %dma_wait3A_279 = tpu.memref_squeeze %dma_wait3A_278 : memref<1x128xi32, #tpu.memory_space<vmem>> -> memref<128xi32, #tpu.memory_space<vmem>>
        %dma_wait3A_280 = arith.constant 0 : i32
        %dma_wait3A_281 = arith.constant 0 : i32
        %dma_wait3A_282 = tpu.memref_slice %arg17[%dma_wait3A_280, %dma_wait3A_281] : memref<10112x32xf32, #tpu.memory_space<vmem_shared>> -> memref<10112x32xf32, #tpu.memory_space<vmem_shared>>
        tpu.wait_indirect_dma semaphore(%arg30 : memref<!tpu.dma_semaphore, #tpu.memory_space<semaphore_mem>>) src(%arg13 : memref<128x32xf32, #tpu.memory_space<vmem>>) dst(%dma_wait3A_282 : memref<10112x32xf32, #tpu.memory_space<vmem_shared>>)
      } else {
      }
      %add3A_269 = arith.constant 3 : i32
      %add3A_270 = arith.addi %add3A_251, %add3A_269 : i32
      %lt3A_271 = arith.constant 80 : i32
      %lt3A_272 = arith.cmpi slt, %add3A_270, %lt3A_271 : i32
      %convert_element_type3A_273 = arith.extui %lt3A_272 : i1 to i32
      %cond3A_274 = arith.constant 0 : i32
      %cond3A_275 = arith.cmpi ne, %convert_element_type3A_273, %cond3A_274 : i32
      scf.if %cond3A_275 {
        %add3A_276 = arith.constant 3 : i32
        %add3A_277 = arith.addi %add3A_251, %add3A_276 : i32
        %dma_start3A_278 = arith.constant 0 : i32
        %dma_start3A_279 = tpu.memref_slice %arg7[%add3A_277, %dma_start3A_278] : memref<80x128xi32, #tpu.memory_space<vmem>> -> memref<1x128xi32, #tpu.memory_space<vmem>>
        %dma_start3A_280 = tpu.memref_squeeze %dma_start3A_279 : memref<1x128xi32, #tpu.memory_space<vmem>> -> memref<128xi32, #tpu.memory_space<vmem>>
        %dma_start3A_281 = arith.constant 0 : i32
        %dma_start3A_282 = arith.constant 0 : i32
        %dma_start3A_283 = tpu.memref_slice %arg4[%dma_start3A_281, %dma_start3A_282] : memref<10000x32xf32, #tpu.memory_space<hbm>> -> memref<10000x32xf32, #tpu.memory_space<hbm>>
        tpu.enqueue_indirect_dma source(%dma_start3A_283 : memref<10000x32xf32, #tpu.memory_space<hbm>>) target(%arg11 : memref<128x32xf32, #tpu.memory_space<vmem>>) offsets(%dma_start3A_280 : memref<128xi32, #tpu.memory_space<vmem>>) semaphore(%arg20 : memref<!tpu.dma_semaphore, #tpu.memory_space<semaphore_mem>>)
      } else {
      }
    }
    %scan3A_29 = arith.constant 10 : i32
    %dma_wait3A = arith.constant 77 : i32
    %dma_wait3A_30 = arith.constant 0 : i32
    %dma_wait3A_31 = tpu.memref_slice %arg8[%dma_wait3A, %dma_wait3A_30] : memref<80x128xi32, #tpu.memory_space<vmem>> -> memref<1x128xi32, #tpu.memory_space<vmem>>
    %dma_wait3A_32 = tpu.memref_squeeze %dma_wait3A_31 : memref<1x128xi32, #tpu.memory_space<vmem>> -> memref<128xi32, #tpu.memory_space<vmem>>
    %dma_wait3A_33 = arith.constant 0 : i32
    %dma_wait3A_34 = arith.constant 0 : i32
    %dma_wait3A_35 = tpu.memref_slice %arg17[%dma_wait3A_33, %dma_wait3A_34] : memref<10112x32xf32, #tpu.memory_space<vmem_shared>> -> memref<10112x32xf32, #tpu.memory_space<vmem_shared>>
    tpu.wait_indirect_dma semaphore(%arg31 : memref<!tpu.dma_semaphore, #tpu.memory_space<semaphore_mem>>) src(%arg14 : memref<128x32xf32, #tpu.memory_space<vmem>>) dst(%dma_wait3A_35 : memref<10112x32xf32, #tpu.memory_space<vmem_shared>>)
    %dma_wait3A_36 = arith.constant 78 : i32
    %dma_wait3A_37 = arith.constant 0 : i32
    %dma_wait3A_38 = tpu.memref_slice %arg8[%dma_wait3A_36, %dma_wait3A_37] : memref<80x128xi32, #tpu.memory_space<vmem>> -> memref<1x128xi32, #tpu.memory_space<vmem>>
    %dma_wait3A_39 = tpu.memref_squeeze %dma_wait3A_38 : memref<1x128xi32, #tpu.memory_space<vmem>> -> memref<128xi32, #tpu.memory_space<vmem>>
    %dma_wait3A_40 = arith.constant 0 : i32
    %dma_wait3A_41 = arith.constant 0 : i32
    %dma_wait3A_42 = tpu.memref_slice %arg17[%dma_wait3A_40, %dma_wait3A_41] : memref<10112x32xf32, #tpu.memory_space<vmem_shared>> -> memref<10112x32xf32, #tpu.memory_space<vmem_shared>>
    tpu.wait_indirect_dma semaphore(%arg32 : memref<!tpu.dma_semaphore, #tpu.memory_space<semaphore_mem>>) src(%arg15 : memref<128x32xf32, #tpu.memory_space<vmem>>) dst(%dma_wait3A_42 : memref<10112x32xf32, #tpu.memory_space<vmem_shared>>)
    %dma_wait3A_43 = arith.constant 79 : i32
    %dma_wait3A_44 = arith.constant 0 : i32
    %dma_wait3A_45 = tpu.memref_slice %arg8[%dma_wait3A_43, %dma_wait3A_44] : memref<80x128xi32, #tpu.memory_space<vmem>> -> memref<1x128xi32, #tpu.memory_space<vmem>>
    %dma_wait3A_46 = tpu.memref_squeeze %dma_wait3A_45 : memref<1x128xi32, #tpu.memory_space<vmem>> -> memref<128xi32, #tpu.memory_space<vmem>>
    %dma_wait3A_47 = arith.constant 0 : i32
    %dma_wait3A_48 = arith.constant 0 : i32
    %dma_wait3A_49 = tpu.memref_slice %arg17[%dma_wait3A_47, %dma_wait3A_48] : memref<10112x32xf32, #tpu.memory_space<vmem_shared>> -> memref<10112x32xf32, #tpu.memory_space<vmem_shared>>
    tpu.wait_indirect_dma semaphore(%arg33 : memref<!tpu.dma_semaphore, #tpu.memory_space<semaphore_mem>>) src(%arg16 : memref<128x32xf32, #tpu.memory_space<vmem>>) dst(%dma_wait3A_49 : memref<10112x32xf32, #tpu.memory_space<vmem_shared>>)
    %barrier3A_50 = arith.constant 0 : index
    tpu.barrier barrier_id(%barrier3A_50)
    %mul3A_51 = arith.constant 632 : i32
    %mul3A_52 = arith.muli %arg1, %mul3A_51 : i32
    %mul3A_53 = arith.constant 632 : i32
    %mul3A_54 = arith.muli %arg1, %mul3A_53 : i32
    "tpu.region"() ({
      %run_scoped3A = tpu.sem_alloc : memref<!tpu.dma_semaphore, #tpu.memory_space<semaphore_mem>>
      %dma_start3A_55 = arith.constant 0 : i32
      %dma_start3A_56 = tpu.memref_slice %arg6[%arg0, %mul3A_54, %dma_start3A_55] : memref<2x10112x32xf32, #tpu.memory_space<hbm>> -> memref<1x632x32xf32, #tpu.memory_space<hbm>>
      %dma_start3A_57 = tpu.memref_squeeze %dma_start3A_56 : memref<1x632x32xf32, #tpu.memory_space<hbm>> -> memref<632x32xf32, #tpu.memory_space<hbm>>
      %dma_start3A_58 = arith.constant 0 : i32
      %dma_start3A_59 = tpu.memref_slice %arg17[%mul3A_52, %dma_start3A_58] : memref<10112x32xf32, #tpu.memory_space<vmem_shared>> -> memref<632x32xf32, #tpu.memory_space<vmem_shared>>
      tpu.enqueue_dma source(%dma_start3A_59 : memref<632x32xf32, #tpu.memory_space<vmem_shared>>) target(%dma_start3A_57 : memref<632x32xf32, #tpu.memory_space<hbm>>) target_semaphore(%run_scoped3A : memref<!tpu.dma_semaphore, #tpu.memory_space<semaphore_mem>>)
      %dma_wait3A_60 = arith.constant 0 : i32
      %dma_wait3A_61 = tpu.memref_slice %arg6[%arg0, %mul3A_54, %dma_wait3A_60] : memref<2x10112x32xf32, #tpu.memory_space<hbm>> -> memref<1x632x32xf32, #tpu.memory_space<hbm>>
      %dma_wait3A_62 = tpu.memref_squeeze %dma_wait3A_61 : memref<1x632x32xf32, #tpu.memory_space<hbm>> -> memref<632x32xf32, #tpu.memory_space<hbm>>
      %dma_wait3A_63 = arith.constant 0 : i32
      %dma_wait3A_64 = tpu.memref_slice %arg17[%mul3A_52, %dma_wait3A_63] : memref<10112x32xf32, #tpu.memory_space<vmem_shared>> -> memref<632x32xf32, #tpu.memory_space<vmem_shared>>
      tpu.wait_dma2 semaphore(%run_scoped3A : memref<!tpu.dma_semaphore, #tpu.memory_space<semaphore_mem>>) src(%dma_wait3A_64 : memref<632x32xf32, #tpu.memory_space<vmem_shared>>) dst(%dma_wait3A_62 : memref<632x32xf32, #tpu.memory_space<hbm>>)
      tpu.yield
    }) : () -> ()
    return
  }
}

#map = affine_map<(d0, d1) -> (0, 0, 0)>
#map1 = affine_map<(d0, d1) -> (0, 0)>
module attributes {stable_mosaic.version = 14 : i64} {
  func.func @_sc_edge_agg(%arg0: i32, %arg1: i32, %arg2: memref<32x80x128xi32, #tpu.memory_space<hbm>>, %arg3: memref<32x80x128xi32, #tpu.memory_space<hbm>>, %arg4: memref<10000x32xf32, #tpu.memory_space<hbm>>, %arg5: memref<10112x32xf32, #tpu.memory_space<hbm>>, %arg6: memref<2x10112x32xf32, #tpu.memory_space<hbm>>, %arg7: memref<80x128xi32, #tpu.memory_space<vmem>>, %arg8: memref<80x128xi32, #tpu.memory_space<vmem>>, %arg9: memref<128x32xf32, #tpu.memory_space<vmem>>, %arg10: memref<128x32xf32, #tpu.memory_space<vmem>>, %arg11: memref<128x32xf32, #tpu.memory_space<vmem>>, %arg12: memref<128x32xf32, #tpu.memory_space<vmem>>, %arg13: memref<128x32xf32, #tpu.memory_space<vmem>>, %arg14: memref<128x32xf32, #tpu.memory_space<vmem>>, %arg15: memref<128x32xf32, #tpu.memory_space<vmem>>, %arg16: memref<128x32xf32, #tpu.memory_space<vmem>>, %arg17: memref<10112x32xf32, #tpu.memory_space<vmem_shared>>, %arg18: memref<!tpu.dma_semaphore, #tpu.memory_space<semaphore_mem>>, %arg19: memref<!tpu.dma_semaphore, #tpu.memory_space<semaphore_mem>>, %arg20: memref<!tpu.dma_semaphore, #tpu.memory_space<semaphore_mem>>, %arg21: memref<!tpu.dma_semaphore, #tpu.memory_space<semaphore_mem>>, %arg22: memref<!tpu.dma_semaphore, #tpu.memory_space<semaphore_mem>>, %arg23: memref<!tpu.dma_semaphore, #tpu.memory_space<semaphore_mem>>, %arg24: memref<!tpu.dma_semaphore, #tpu.memory_space<semaphore_mem>>, %arg25: memref<!tpu.dma_semaphore, #tpu.memory_space<semaphore_mem>>, %arg26: memref<!tpu.dma_semaphore, #tpu.memory_space<semaphore_mem>>, %arg27: memref<!tpu.dma_semaphore, #tpu.memory_space<semaphore_mem>>, %arg28: memref<!tpu.dma_semaphore, #tpu.memory_space<semaphore_mem>>, %arg29: memref<!tpu.dma_semaphore, #tpu.memory_space<semaphore_mem>>, %arg30: memref<!tpu.dma_semaphore, #tpu.memory_space<semaphore_mem>>, %arg31: memref<!tpu.dma_semaphore, #tpu.memory_space<semaphore_mem>>, %arg32: memref<!tpu.dma_semaphore, #tpu.memory_space<semaphore_mem>>, %arg33: memref<!tpu.dma_semaphore, #tpu.memory_space<semaphore_mem>>) attributes {dimension_semantics = [#tpu.dimension_semantics<core_parallel>, #tpu.dimension_semantics<subcore_parallel>], iteration_bounds = array<i64: 2, 16>, scalar_prefetch = 0 : i64, scratch_operands = 27 : i64, tpu.core_type = #tpu.core_type<sc_vector_subcore>, window_params = [{transform_indices = #map}, {transform_indices = #map}, {transform_indices = #map1}, {transform_indices = #map1}, {transform_indices = #map}]} {
    %mul3A = arith.constant 2 : i32
    %mul3A_0 = arith.muli %arg1, %mul3A : i32
    %add3A = arith.addi %mul3A_0, %arg0 : i32
    "tpu.region"() ({
      %run_scoped3A = tpu.sem_alloc : memref<!tpu.dma_semaphore, #tpu.memory_space<semaphore_mem>>
      %dma_start3A_55 = arith.constant 0 : i32
      %dma_start3A_56 = arith.constant 0 : i32
      %dma_start3A_57 = tpu.memref_slice %arg2[%add3A, %dma_start3A_55, %dma_start3A_56] : memref<32x80x128xi32, #tpu.memory_space<hbm>> -> memref<1x80x128xi32, #tpu.memory_space<hbm>>
      %dma_start3A_58 = tpu.memref_squeeze %dma_start3A_57 : memref<1x80x128xi32, #tpu.memory_space<hbm>> -> memref<80x128xi32, #tpu.memory_space<hbm>>
      %dma_start3A_59 = arith.constant 0 : i32
      %dma_start3A_60 = arith.constant 0 : i32
      %dma_start3A_61 = tpu.memref_slice %arg2[%add3A, %dma_start3A_59, %dma_start3A_60] : memref<32x80x128xi32, #tpu.memory_space<hbm>> -> memref<1x80x128xi32, #tpu.memory_space<hbm>>
      %dma_start3A_62 = tpu.memref_squeeze %dma_start3A_61 : memref<1x80x128xi32, #tpu.memory_space<hbm>> -> memref<80x128xi32, #tpu.memory_space<hbm>>
      tpu.enqueue_dma source(%dma_start3A_62 : memref<80x128xi32, #tpu.memory_space<hbm>>) target(%arg7 : memref<80x128xi32, #tpu.memory_space<vmem>>) target_semaphore(%run_scoped3A : memref<!tpu.dma_semaphore, #tpu.memory_space<semaphore_mem>>)
      %dma_wait3A_63 = arith.constant 0 : i32
      %dma_wait3A_64 = arith.constant 0 : i32
      %dma_wait3A_65 = tpu.memref_slice %arg2[%add3A, %dma_wait3A_63, %dma_wait3A_64] : memref<32x80x128xi32, #tpu.memory_space<hbm>> -> memref<1x80x128xi32, #tpu.memory_space<hbm>>
      %dma_wait3A_66 = tpu.memref_squeeze %dma_wait3A_65 : memref<1x80x128xi32, #tpu.memory_space<hbm>> -> memref<80x128xi32, #tpu.memory_space<hbm>>
      %dma_wait3A_67 = arith.constant 0 : i32
      %dma_wait3A_68 = arith.constant 0 : i32
      %dma_wait3A_69 = tpu.memref_slice %arg2[%add3A, %dma_wait3A_67, %dma_wait3A_68] : memref<32x80x128xi32, #tpu.memory_space<hbm>> -> memref<1x80x128xi32, #tpu.memory_space<hbm>>
      %dma_wait3A_70 = tpu.memref_squeeze %dma_wait3A_69 : memref<1x80x128xi32, #tpu.memory_space<hbm>> -> memref<80x128xi32, #tpu.memory_space<hbm>>
      tpu.wait_dma2 semaphore(%run_scoped3A : memref<!tpu.dma_semaphore, #tpu.memory_space<semaphore_mem>>) src(%dma_wait3A_70 : memref<80x128xi32, #tpu.memory_space<hbm>>) dst(%arg7 : memref<80x128xi32, #tpu.memory_space<vmem>>)
      tpu.yield
    }) : () -> ()
    "tpu.region"() ({
      %run_scoped3A = tpu.sem_alloc : memref<!tpu.dma_semaphore, #tpu.memory_space<semaphore_mem>>
      %dma_start3A_55 = arith.constant 0 : i32
      %dma_start3A_56 = arith.constant 0 : i32
      %dma_start3A_57 = tpu.memref_slice %arg3[%add3A, %dma_start3A_55, %dma_start3A_56] : memref<32x80x128xi32, #tpu.memory_space<hbm>> -> memref<1x80x128xi32, #tpu.memory_space<hbm>>
      %dma_start3A_58 = tpu.memref_squeeze %dma_start3A_57 : memref<1x80x128xi32, #tpu.memory_space<hbm>> -> memref<80x128xi32, #tpu.memory_space<hbm>>
      %dma_start3A_59 = arith.constant 0 : i32
      %dma_start3A_60 = arith.constant 0 : i32
      %dma_start3A_61 = tpu.memref_slice %arg3[%add3A, %dma_start3A_59, %dma_start3A_60] : memref<32x80x128xi32, #tpu.memory_space<hbm>> -> memref<1x80x128xi32, #tpu.memory_space<hbm>>
      %dma_start3A_62 = tpu.memref_squeeze %dma_start3A_61 : memref<1x80x128xi32, #tpu.memory_space<hbm>> -> memref<80x128xi32, #tpu.memory_space<hbm>>
      tpu.enqueue_dma source(%dma_start3A_62 : memref<80x128xi32, #tpu.memory_space<hbm>>) target(%arg8 : memref<80x128xi32, #tpu.memory_space<vmem>>) target_semaphore(%run_scoped3A : memref<!tpu.dma_semaphore, #tpu.memory_space<semaphore_mem>>)
      %dma_wait3A_63 = arith.constant 0 : i32
      %dma_wait3A_64 = arith.constant 0 : i32
      %dma_wait3A_65 = tpu.memref_slice %arg3[%add3A, %dma_wait3A_63, %dma_wait3A_64] : memref<32x80x128xi32, #tpu.memory_space<hbm>> -> memref<1x80x128xi32, #tpu.memory_space<hbm>>
      %dma_wait3A_66 = tpu.memref_squeeze %dma_wait3A_65 : memref<1x80x128xi32, #tpu.memory_space<hbm>> -> memref<80x128xi32, #tpu.memory_space<hbm>>
      %dma_wait3A_67 = arith.constant 0 : i32
      %dma_wait3A_68 = arith.constant 0 : i32
      %dma_wait3A_69 = tpu.memref_slice %arg3[%add3A, %dma_wait3A_67, %dma_wait3A_68] : memref<32x80x128xi32, #tpu.memory_space<hbm>> -> memref<1x80x128xi32, #tpu.memory_space<hbm>>
      %dma_wait3A_70 = tpu.memref_squeeze %dma_wait3A_69 : memref<1x80x128xi32, #tpu.memory_space<hbm>> -> memref<80x128xi32, #tpu.memory_space<hbm>>
      tpu.wait_dma2 semaphore(%run_scoped3A : memref<!tpu.dma_semaphore, #tpu.memory_space<semaphore_mem>>) src(%dma_wait3A_70 : memref<80x128xi32, #tpu.memory_space<hbm>>) dst(%arg8 : memref<80x128xi32, #tpu.memory_space<vmem>>)
      tpu.yield
    }) : () -> ()
    %mul3A_1 = arith.constant 632 : i32
    %mul3A_2 = arith.muli %arg1, %mul3A_1 : i32
    %mul3A_3 = arith.constant 632 : i32
    %mul3A_4 = arith.muli %arg1, %mul3A_3 : i32
    "tpu.region"() ({
      %run_scoped3A = tpu.sem_alloc : memref<!tpu.dma_semaphore, #tpu.memory_space<semaphore_mem>>
      %dma_start3A_55 = arith.constant 0 : i32
      %dma_start3A_56 = tpu.memref_slice %arg17[%mul3A_4, %dma_start3A_55] : memref<10112x32xf32, #tpu.memory_space<vmem_shared>> -> memref<632x32xf32, #tpu.memory_space<vmem_shared>>
      %dma_start3A_57 = arith.constant 0 : i32
      %dma_start3A_58 = tpu.memref_slice %arg5[%mul3A_2, %dma_start3A_57] : memref<10112x32xf32, #tpu.memory_space<hbm>> -> memref<632x32xf32, #tpu.memory_space<hbm>>
      tpu.enqueue_dma source(%dma_start3A_58 : memref<632x32xf32, #tpu.memory_space<hbm>>) target(%dma_start3A_56 : memref<632x32xf32, #tpu.memory_space<vmem_shared>>) target_semaphore(%run_scoped3A : memref<!tpu.dma_semaphore, #tpu.memory_space<semaphore_mem>>)
      %dma_wait3A_59 = arith.constant 0 : i32
      %dma_wait3A_60 = tpu.memref_slice %arg17[%mul3A_4, %dma_wait3A_59] : memref<10112x32xf32, #tpu.memory_space<vmem_shared>> -> memref<632x32xf32, #tpu.memory_space<vmem_shared>>
      %dma_wait3A_61 = arith.constant 0 : i32
      %dma_wait3A_62 = tpu.memref_slice %arg5[%mul3A_2, %dma_wait3A_61] : memref<10112x32xf32, #tpu.memory_space<hbm>> -> memref<632x32xf32, #tpu.memory_space<hbm>>
      tpu.wait_dma2 semaphore(%run_scoped3A : memref<!tpu.dma_semaphore, #tpu.memory_space<semaphore_mem>>) src(%dma_wait3A_62 : memref<632x32xf32, #tpu.memory_space<hbm>>) dst(%dma_wait3A_60 : memref<632x32xf32, #tpu.memory_space<vmem_shared>>)
      tpu.yield
    }) : () -> ()
    %barrier3A = arith.constant 0 : index
    tpu.barrier barrier_id(%barrier3A)
    %dma_start3A = arith.constant 0 : i32
    %dma_start3A_5 = arith.constant 0 : i32
    %dma_start3A_6 = tpu.memref_slice %arg7[%dma_start3A, %dma_start3A_5] : memref<80x128xi32, #tpu.memory_space<vmem>> -> memref<1x128xi32, #tpu.memory_space<vmem>>
    %dma_start3A_7 = tpu.memref_squeeze %dma_start3A_6 : memref<1x128xi32, #tpu.memory_space<vmem>> -> memref<128xi32, #tpu.memory_space<vmem>>
    %dma_start3A_8 = arith.constant 0 : i32
    %dma_start3A_9 = arith.constant 0 : i32
    %dma_start3A_10 = tpu.memref_slice %arg4[%dma_start3A_8, %dma_start3A_9] : memref<10000x32xf32, #tpu.memory_space<hbm>> -> memref<10000x32xf32, #tpu.memory_space<hbm>>
    tpu.enqueue_indirect_dma source(%dma_start3A_10 : memref<10000x32xf32, #tpu.memory_space<hbm>>) target(%arg9 : memref<128x32xf32, #tpu.memory_space<vmem>>) offsets(%dma_start3A_7 : memref<128xi32, #tpu.memory_space<vmem>>) semaphore(%arg18 : memref<!tpu.dma_semaphore, #tpu.memory_space<semaphore_mem>>)
    %dma_start3A_11 = arith.constant 1 : i32
    %dma_start3A_12 = arith.constant 0 : i32
    %dma_start3A_13 = tpu.memref_slice %arg7[%dma_start3A_11, %dma_start3A_12] : memref<80x128xi32, #tpu.memory_space<vmem>> -> memref<1x128xi32, #tpu.memory_space<vmem>>
    %dma_start3A_14 = tpu.memref_squeeze %dma_start3A_13 : memref<1x128xi32, #tpu.memory_space<vmem>> -> memref<128xi32, #tpu.memory_space<vmem>>
    %dma_start3A_15 = arith.constant 0 : i32
    %dma_start3A_16 = arith.constant 0 : i32
    %dma_start3A_17 = tpu.memref_slice %arg4[%dma_start3A_15, %dma_start3A_16] : memref<10000x32xf32, #tpu.memory_space<hbm>> -> memref<10000x32xf32, #tpu.memory_space<hbm>>
    tpu.enqueue_indirect_dma source(%dma_start3A_17 : memref<10000x32xf32, #tpu.memory_space<hbm>>) target(%arg10 : memref<128x32xf32, #tpu.memory_space<vmem>>) offsets(%dma_start3A_14 : memref<128xi32, #tpu.memory_space<vmem>>) semaphore(%arg19 : memref<!tpu.dma_semaphore, #tpu.memory_space<semaphore_mem>>)
    %dma_start3A_18 = arith.constant 2 : i32
    %dma_start3A_19 = arith.constant 0 : i32
    %dma_start3A_20 = tpu.memref_slice %arg7[%dma_start3A_18, %dma_start3A_19] : memref<80x128xi32, #tpu.memory_space<vmem>> -> memref<1x128xi32, #tpu.memory_space<vmem>>
    %dma_start3A_21 = tpu.memref_squeeze %dma_start3A_20 : memref<1x128xi32, #tpu.memory_space<vmem>> -> memref<128xi32, #tpu.memory_space<vmem>>
    %dma_start3A_22 = arith.constant 0 : i32
    %dma_start3A_23 = arith.constant 0 : i32
    %dma_start3A_24 = tpu.memref_slice %arg4[%dma_start3A_22, %dma_start3A_23] : memref<10000x32xf32, #tpu.memory_space<hbm>> -> memref<10000x32xf32, #tpu.memory_space<hbm>>
    tpu.enqueue_indirect_dma source(%dma_start3A_24 : memref<10000x32xf32, #tpu.memory_space<hbm>>) target(%arg11 : memref<128x32xf32, #tpu.memory_space<vmem>>) offsets(%dma_start3A_21 : memref<128xi32, #tpu.memory_space<vmem>>) semaphore(%arg20 : memref<!tpu.dma_semaphore, #tpu.memory_space<semaphore_mem>>)
    %scan3A = arith.constant 0 : i32
    %scan3A_25 = arith.constant 0 : i32
    %scan3A_26 = arith.constant 10 : i32
    %scan3A_27 = arith.addi %scan3A_25, %scan3A_26 : i32
    %scan3A_28 = arith.constant 1 : i32
    scf.for %scan3A_55 = %scan3A_25 to %scan3A_27 step %scan3A_28  : i32 {
      %mul3A_56 = arith.constant 8 : i32
      %mul3A_57 = arith.muli %scan3A_55, %mul3A_56 : i32
      %add3A_58 = arith.constant 0 : i32
      %add3A_59 = arith.addi %mul3A_57, %add3A_58 : i32
      %dma_wait3A_60 = arith.constant 0 : i32
      %dma_wait3A_61 = tpu.memref_slice %arg7[%add3A_59, %dma_wait3A_60] : memref<80x128xi32, #tpu.memory_space<vmem>> -> memref<1x128xi32, #tpu.memory_space<vmem>>
      %dma_wait3A_62 = tpu.memref_squeeze %dma_wait3A_61 : memref<1x128xi32, #tpu.memory_space<vmem>> -> memref<128xi32, #tpu.memory_space<vmem>>
      %dma_wait3A_63 = arith.constant 0 : i32
      %dma_wait3A_64 = arith.constant 0 : i32
      %dma_wait3A_65 = tpu.memref_slice %arg4[%dma_wait3A_63, %dma_wait3A_64] : memref<10000x32xf32, #tpu.memory_space<hbm>> -> memref<10000x32xf32, #tpu.memory_space<hbm>>
      tpu.wait_indirect_dma semaphore(%arg18 : memref<!tpu.dma_semaphore, #tpu.memory_space<semaphore_mem>>) src(%dma_wait3A_65 : memref<10000x32xf32, #tpu.memory_space<hbm>>) dst(%arg9 : memref<128x32xf32, #tpu.memory_space<vmem>>)
      %dma_start3A_66 = arith.constant 0 : i32
      %dma_start3A_67 = tpu.memref_slice %arg8[%add3A_59, %dma_start3A_66] : memref<80x128xi32, #tpu.memory_space<vmem>> -> memref<1x128xi32, #tpu.memory_space<vmem>>
      %dma_start3A_68 = tpu.memref_squeeze %dma_start3A_67 : memref<1x128xi32, #tpu.memory_space<vmem>> -> memref<128xi32, #tpu.memory_space<vmem>>
      %dma_start3A_69 = arith.constant 0 : i32
      %dma_start3A_70 = arith.constant 0 : i32
      %dma_start3A_71 = tpu.memref_slice %arg17[%dma_start3A_69, %dma_start3A_70] : memref<10112x32xf32, #tpu.memory_space<vmem_shared>> -> memref<10112x32xf32, #tpu.memory_space<vmem_shared>>
      tpu.enqueue_indirect_dma source(%arg9 : memref<128x32xf32, #tpu.memory_space<vmem>>) target(%dma_start3A_71 : memref<10112x32xf32, #tpu.memory_space<vmem_shared>>) offsets(%dma_start3A_68 : memref<128xi32, #tpu.memory_space<vmem>>) semaphore(%arg26 : memref<!tpu.dma_semaphore, #tpu.memory_space<semaphore_mem>>) {add = true}
      %ge3A = arith.constant 3 : i32
      %ge3A_72 = arith.cmpi sge, %add3A_59, %ge3A : i32
      %convert_element_type3A = arith.extui %ge3A_72 : i1 to i32
      %cond3A = arith.constant 0 : i32
      %cond3A_73 = arith.cmpi ne, %convert_element_type3A, %cond3A : i32
      scf.if %cond3A_73 {
        %sub3A = arith.constant 3 : i32
        %sub3A_276 = arith.subi %add3A_59, %sub3A : i32
        %dma_wait3A_277 = arith.constant 0 : i32
        %dma_wait3A_278 = tpu.memref_slice %arg8[%sub3A_276, %dma_wait3A_277] : memref<80x128xi32, #tpu.memory_space<vmem>> -> memref<1x128xi32, #tpu.memory_space<vmem>>
        %dma_wait3A_279 = tpu.memref_squeeze %dma_wait3A_278 : memref<1x128xi32, #tpu.memory_space<vmem>> -> memref<128xi32, #tpu.memory_space<vmem>>
        %dma_wait3A_280 = arith.constant 0 : i32
        %dma_wait3A_281 = arith.constant 0 : i32
        %dma_wait3A_282 = tpu.memref_slice %arg17[%dma_wait3A_280, %dma_wait3A_281] : memref<10112x32xf32, #tpu.memory_space<vmem_shared>> -> memref<10112x32xf32, #tpu.memory_space<vmem_shared>>
        tpu.wait_indirect_dma semaphore(%arg31 : memref<!tpu.dma_semaphore, #tpu.memory_space<semaphore_mem>>) src(%arg14 : memref<128x32xf32, #tpu.memory_space<vmem>>) dst(%dma_wait3A_282 : memref<10112x32xf32, #tpu.memory_space<vmem_shared>>)
      } else {
      }
      %add3A_74 = arith.constant 3 : i32
      %add3A_75 = arith.addi %add3A_59, %add3A_74 : i32
      %lt3A = arith.constant 80 : i32
      %lt3A_76 = arith.cmpi slt, %add3A_75, %lt3A : i32
      %convert_element_type3A_77 = arith.extui %lt3A_76 : i1 to i32
      %cond3A_78 = arith.constant 0 : i32
      %cond3A_79 = arith.cmpi ne, %convert_element_type3A_77, %cond3A_78 : i32
      scf.if %cond3A_79 {
        %add3A_276 = arith.constant 3 : i32
        %add3A_277 = arith.addi %add3A_59, %add3A_276 : i32
        %dma_start3A_278 = arith.constant 0 : i32
        %dma_start3A_279 = tpu.memref_slice %arg7[%add3A_277, %dma_start3A_278] : memref<80x128xi32, #tpu.memory_space<vmem>> -> memref<1x128xi32, #tpu.memory_space<vmem>>
        %dma_start3A_280 = tpu.memref_squeeze %dma_start3A_279 : memref<1x128xi32, #tpu.memory_space<vmem>> -> memref<128xi32, #tpu.memory_space<vmem>>
        %dma_start3A_281 = arith.constant 0 : i32
        %dma_start3A_282 = arith.constant 0 : i32
        %dma_start3A_283 = tpu.memref_slice %arg4[%dma_start3A_281, %dma_start3A_282] : memref<10000x32xf32, #tpu.memory_space<hbm>> -> memref<10000x32xf32, #tpu.memory_space<hbm>>
        tpu.enqueue_indirect_dma source(%dma_start3A_283 : memref<10000x32xf32, #tpu.memory_space<hbm>>) target(%arg12 : memref<128x32xf32, #tpu.memory_space<vmem>>) offsets(%dma_start3A_280 : memref<128xi32, #tpu.memory_space<vmem>>) semaphore(%arg21 : memref<!tpu.dma_semaphore, #tpu.memory_space<semaphore_mem>>)
      } else {
      }
      %mul3A_80 = arith.constant 8 : i32
      %mul3A_81 = arith.muli %scan3A_55, %mul3A_80 : i32
      %add3A_82 = arith.constant 1 : i32
      %add3A_83 = arith.addi %mul3A_81, %add3A_82 : i32
      %dma_wait3A_84 = arith.constant 0 : i32
      %dma_wait3A_85 = tpu.memref_slice %arg7[%add3A_83, %dma_wait3A_84] : memref<80x128xi32, #tpu.memory_space<vmem>> -> memref<1x128xi32, #tpu.memory_space<vmem>>
      %dma_wait3A_86 = tpu.memref_squeeze %dma_wait3A_85 : memref<1x128xi32, #tpu.memory_space<vmem>> -> memref<128xi32, #tpu.memory_space<vmem>>
      %dma_wait3A_87 = arith.constant 0 : i32
      %dma_wait3A_88 = arith.constant 0 : i32
      %dma_wait3A_89 = tpu.memref_slice %arg4[%dma_wait3A_87, %dma_wait3A_88] : memref<10000x32xf32, #tpu.memory_space<hbm>> -> memref<10000x32xf32, #tpu.memory_space<hbm>>
      tpu.wait_indirect_dma semaphore(%arg19 : memref<!tpu.dma_semaphore, #tpu.memory_space<semaphore_mem>>) src(%dma_wait3A_89 : memref<10000x32xf32, #tpu.memory_space<hbm>>) dst(%arg10 : memref<128x32xf32, #tpu.memory_space<vmem>>)
      %dma_start3A_90 = arith.constant 0 : i32
      %dma_start3A_91 = tpu.memref_slice %arg8[%add3A_83, %dma_start3A_90] : memref<80x128xi32, #tpu.memory_space<vmem>> -> memref<1x128xi32, #tpu.memory_space<vmem>>
      %dma_start3A_92 = tpu.memref_squeeze %dma_start3A_91 : memref<1x128xi32, #tpu.memory_space<vmem>> -> memref<128xi32, #tpu.memory_space<vmem>>
      %dma_start3A_93 = arith.constant 0 : i32
      %dma_start3A_94 = arith.constant 0 : i32
      %dma_start3A_95 = tpu.memref_slice %arg17[%dma_start3A_93, %dma_start3A_94] : memref<10112x32xf32, #tpu.memory_space<vmem_shared>> -> memref<10112x32xf32, #tpu.memory_space<vmem_shared>>
      tpu.enqueue_indirect_dma source(%arg10 : memref<128x32xf32, #tpu.memory_space<vmem>>) target(%dma_start3A_95 : memref<10112x32xf32, #tpu.memory_space<vmem_shared>>) offsets(%dma_start3A_92 : memref<128xi32, #tpu.memory_space<vmem>>) semaphore(%arg27 : memref<!tpu.dma_semaphore, #tpu.memory_space<semaphore_mem>>) {add = true}
      %ge3A_96 = arith.constant 3 : i32
      %ge3A_97 = arith.cmpi sge, %add3A_83, %ge3A_96 : i32
      %convert_element_type3A_98 = arith.extui %ge3A_97 : i1 to i32
      %cond3A_99 = arith.constant 0 : i32
      %cond3A_100 = arith.cmpi ne, %convert_element_type3A_98, %cond3A_99 : i32
      scf.if %cond3A_100 {
        %sub3A = arith.constant 3 : i32
        %sub3A_276 = arith.subi %add3A_83, %sub3A : i32
        %dma_wait3A_277 = arith.constant 0 : i32
        %dma_wait3A_278 = tpu.memref_slice %arg8[%sub3A_276, %dma_wait3A_277] : memref<80x128xi32, #tpu.memory_space<vmem>> -> memref<1x128xi32, #tpu.memory_space<vmem>>
        %dma_wait3A_279 = tpu.memref_squeeze %dma_wait3A_278 : memref<1x128xi32, #tpu.memory_space<vmem>> -> memref<128xi32, #tpu.memory_space<vmem>>
        %dma_wait3A_280 = arith.constant 0 : i32
        %dma_wait3A_281 = arith.constant 0 : i32
        %dma_wait3A_282 = tpu.memref_slice %arg17[%dma_wait3A_280, %dma_wait3A_281] : memref<10112x32xf32, #tpu.memory_space<vmem_shared>> -> memref<10112x32xf32, #tpu.memory_space<vmem_shared>>
        tpu.wait_indirect_dma semaphore(%arg32 : memref<!tpu.dma_semaphore, #tpu.memory_space<semaphore_mem>>) src(%arg15 : memref<128x32xf32, #tpu.memory_space<vmem>>) dst(%dma_wait3A_282 : memref<10112x32xf32, #tpu.memory_space<vmem_shared>>)
      } else {
      }
      %add3A_101 = arith.constant 3 : i32
      %add3A_102 = arith.addi %add3A_83, %add3A_101 : i32
      %lt3A_103 = arith.constant 80 : i32
      %lt3A_104 = arith.cmpi slt, %add3A_102, %lt3A_103 : i32
      %convert_element_type3A_105 = arith.extui %lt3A_104 : i1 to i32
      %cond3A_106 = arith.constant 0 : i32
      %cond3A_107 = arith.cmpi ne, %convert_element_type3A_105, %cond3A_106 : i32
      scf.if %cond3A_107 {
        %add3A_276 = arith.constant 3 : i32
        %add3A_277 = arith.addi %add3A_83, %add3A_276 : i32
        %dma_start3A_278 = arith.constant 0 : i32
        %dma_start3A_279 = tpu.memref_slice %arg7[%add3A_277, %dma_start3A_278] : memref<80x128xi32, #tpu.memory_space<vmem>> -> memref<1x128xi32, #tpu.memory_space<vmem>>
        %dma_start3A_280 = tpu.memref_squeeze %dma_start3A_279 : memref<1x128xi32, #tpu.memory_space<vmem>> -> memref<128xi32, #tpu.memory_space<vmem>>
        %dma_start3A_281 = arith.constant 0 : i32
        %dma_start3A_282 = arith.constant 0 : i32
        %dma_start3A_283 = tpu.memref_slice %arg4[%dma_start3A_281, %dma_start3A_282] : memref<10000x32xf32, #tpu.memory_space<hbm>> -> memref<10000x32xf32, #tpu.memory_space<hbm>>
        tpu.enqueue_indirect_dma source(%dma_start3A_283 : memref<10000x32xf32, #tpu.memory_space<hbm>>) target(%arg13 : memref<128x32xf32, #tpu.memory_space<vmem>>) offsets(%dma_start3A_280 : memref<128xi32, #tpu.memory_space<vmem>>) semaphore(%arg22 : memref<!tpu.dma_semaphore, #tpu.memory_space<semaphore_mem>>)
      } else {
      }
      %mul3A_108 = arith.constant 8 : i32
      %mul3A_109 = arith.muli %scan3A_55, %mul3A_108 : i32
      %add3A_110 = arith.constant 2 : i32
      %add3A_111 = arith.addi %mul3A_109, %add3A_110 : i32
      %dma_wait3A_112 = arith.constant 0 : i32
      %dma_wait3A_113 = tpu.memref_slice %arg7[%add3A_111, %dma_wait3A_112] : memref<80x128xi32, #tpu.memory_space<vmem>> -> memref<1x128xi32, #tpu.memory_space<vmem>>
      %dma_wait3A_114 = tpu.memref_squeeze %dma_wait3A_113 : memref<1x128xi32, #tpu.memory_space<vmem>> -> memref<128xi32, #tpu.memory_space<vmem>>
      %dma_wait3A_115 = arith.constant 0 : i32
      %dma_wait3A_116 = arith.constant 0 : i32
      %dma_wait3A_117 = tpu.memref_slice %arg4[%dma_wait3A_115, %dma_wait3A_116] : memref<10000x32xf32, #tpu.memory_space<hbm>> -> memref<10000x32xf32, #tpu.memory_space<hbm>>
      tpu.wait_indirect_dma semaphore(%arg20 : memref<!tpu.dma_semaphore, #tpu.memory_space<semaphore_mem>>) src(%dma_wait3A_117 : memref<10000x32xf32, #tpu.memory_space<hbm>>) dst(%arg11 : memref<128x32xf32, #tpu.memory_space<vmem>>)
      %dma_start3A_118 = arith.constant 0 : i32
      %dma_start3A_119 = tpu.memref_slice %arg8[%add3A_111, %dma_start3A_118] : memref<80x128xi32, #tpu.memory_space<vmem>> -> memref<1x128xi32, #tpu.memory_space<vmem>>
      %dma_start3A_120 = tpu.memref_squeeze %dma_start3A_119 : memref<1x128xi32, #tpu.memory_space<vmem>> -> memref<128xi32, #tpu.memory_space<vmem>>
      %dma_start3A_121 = arith.constant 0 : i32
      %dma_start3A_122 = arith.constant 0 : i32
      %dma_start3A_123 = tpu.memref_slice %arg17[%dma_start3A_121, %dma_start3A_122] : memref<10112x32xf32, #tpu.memory_space<vmem_shared>> -> memref<10112x32xf32, #tpu.memory_space<vmem_shared>>
      tpu.enqueue_indirect_dma source(%arg11 : memref<128x32xf32, #tpu.memory_space<vmem>>) target(%dma_start3A_123 : memref<10112x32xf32, #tpu.memory_space<vmem_shared>>) offsets(%dma_start3A_120 : memref<128xi32, #tpu.memory_space<vmem>>) semaphore(%arg28 : memref<!tpu.dma_semaphore, #tpu.memory_space<semaphore_mem>>) {add = true}
      %ge3A_124 = arith.constant 3 : i32
      %ge3A_125 = arith.cmpi sge, %add3A_111, %ge3A_124 : i32
      %convert_element_type3A_126 = arith.extui %ge3A_125 : i1 to i32
      %cond3A_127 = arith.constant 0 : i32
      %cond3A_128 = arith.cmpi ne, %convert_element_type3A_126, %cond3A_127 : i32
      scf.if %cond3A_128 {
        %sub3A = arith.constant 3 : i32
        %sub3A_276 = arith.subi %add3A_111, %sub3A : i32
        %dma_wait3A_277 = arith.constant 0 : i32
        %dma_wait3A_278 = tpu.memref_slice %arg8[%sub3A_276, %dma_wait3A_277] : memref<80x128xi32, #tpu.memory_space<vmem>> -> memref<1x128xi32, #tpu.memory_space<vmem>>
        %dma_wait3A_279 = tpu.memref_squeeze %dma_wait3A_278 : memref<1x128xi32, #tpu.memory_space<vmem>> -> memref<128xi32, #tpu.memory_space<vmem>>
        %dma_wait3A_280 = arith.constant 0 : i32
        %dma_wait3A_281 = arith.constant 0 : i32
        %dma_wait3A_282 = tpu.memref_slice %arg17[%dma_wait3A_280, %dma_wait3A_281] : memref<10112x32xf32, #tpu.memory_space<vmem_shared>> -> memref<10112x32xf32, #tpu.memory_space<vmem_shared>>
        tpu.wait_indirect_dma semaphore(%arg33 : memref<!tpu.dma_semaphore, #tpu.memory_space<semaphore_mem>>) src(%arg16 : memref<128x32xf32, #tpu.memory_space<vmem>>) dst(%dma_wait3A_282 : memref<10112x32xf32, #tpu.memory_space<vmem_shared>>)
      } else {
      }
      %add3A_129 = arith.constant 3 : i32
      %add3A_130 = arith.addi %add3A_111, %add3A_129 : i32
      %lt3A_131 = arith.constant 80 : i32
      %lt3A_132 = arith.cmpi slt, %add3A_130, %lt3A_131 : i32
      %convert_element_type3A_133 = arith.extui %lt3A_132 : i1 to i32
      %cond3A_134 = arith.constant 0 : i32
      %cond3A_135 = arith.cmpi ne, %convert_element_type3A_133, %cond3A_134 : i32
      scf.if %cond3A_135 {
        %add3A_276 = arith.constant 3 : i32
        %add3A_277 = arith.addi %add3A_111, %add3A_276 : i32
        %dma_start3A_278 = arith.constant 0 : i32
        %dma_start3A_279 = tpu.memref_slice %arg7[%add3A_277, %dma_start3A_278] : memref<80x128xi32, #tpu.memory_space<vmem>> -> memref<1x128xi32, #tpu.memory_space<vmem>>
        %dma_start3A_280 = tpu.memref_squeeze %dma_start3A_279 : memref<1x128xi32, #tpu.memory_space<vmem>> -> memref<128xi32, #tpu.memory_space<vmem>>
        %dma_start3A_281 = arith.constant 0 : i32
        %dma_start3A_282 = arith.constant 0 : i32
        %dma_start3A_283 = tpu.memref_slice %arg4[%dma_start3A_281, %dma_start3A_282] : memref<10000x32xf32, #tpu.memory_space<hbm>> -> memref<10000x32xf32, #tpu.memory_space<hbm>>
        tpu.enqueue_indirect_dma source(%dma_start3A_283 : memref<10000x32xf32, #tpu.memory_space<hbm>>) target(%arg14 : memref<128x32xf32, #tpu.memory_space<vmem>>) offsets(%dma_start3A_280 : memref<128xi32, #tpu.memory_space<vmem>>) semaphore(%arg23 : memref<!tpu.dma_semaphore, #tpu.memory_space<semaphore_mem>>)
      } else {
      }
      %mul3A_136 = arith.constant 8 : i32
      %mul3A_137 = arith.muli %scan3A_55, %mul3A_136 : i32
      %add3A_138 = arith.constant 3 : i32
      %add3A_139 = arith.addi %mul3A_137, %add3A_138 : i32
      %dma_wait3A_140 = arith.constant 0 : i32
      %dma_wait3A_141 = tpu.memref_slice %arg7[%add3A_139, %dma_wait3A_140] : memref<80x128xi32, #tpu.memory_space<vmem>> -> memref<1x128xi32, #tpu.memory_space<vmem>>
      %dma_wait3A_142 = tpu.memref_squeeze %dma_wait3A_141 : memref<1x128xi32, #tpu.memory_space<vmem>> -> memref<128xi32, #tpu.memory_space<vmem>>
      %dma_wait3A_143 = arith.constant 0 : i32
      %dma_wait3A_144 = arith.constant 0 : i32
      %dma_wait3A_145 = tpu.memref_slice %arg4[%dma_wait3A_143, %dma_wait3A_144] : memref<10000x32xf32, #tpu.memory_space<hbm>> -> memref<10000x32xf32, #tpu.memory_space<hbm>>
      tpu.wait_indirect_dma semaphore(%arg21 : memref<!tpu.dma_semaphore, #tpu.memory_space<semaphore_mem>>) src(%dma_wait3A_145 : memref<10000x32xf32, #tpu.memory_space<hbm>>) dst(%arg12 : memref<128x32xf32, #tpu.memory_space<vmem>>)
      %dma_start3A_146 = arith.constant 0 : i32
      %dma_start3A_147 = tpu.memref_slice %arg8[%add3A_139, %dma_start3A_146] : memref<80x128xi32, #tpu.memory_space<vmem>> -> memref<1x128xi32, #tpu.memory_space<vmem>>
      %dma_start3A_148 = tpu.memref_squeeze %dma_start3A_147 : memref<1x128xi32, #tpu.memory_space<vmem>> -> memref<128xi32, #tpu.memory_space<vmem>>
      %dma_start3A_149 = arith.constant 0 : i32
      %dma_start3A_150 = arith.constant 0 : i32
      %dma_start3A_151 = tpu.memref_slice %arg17[%dma_start3A_149, %dma_start3A_150] : memref<10112x32xf32, #tpu.memory_space<vmem_shared>> -> memref<10112x32xf32, #tpu.memory_space<vmem_shared>>
      tpu.enqueue_indirect_dma source(%arg12 : memref<128x32xf32, #tpu.memory_space<vmem>>) target(%dma_start3A_151 : memref<10112x32xf32, #tpu.memory_space<vmem_shared>>) offsets(%dma_start3A_148 : memref<128xi32, #tpu.memory_space<vmem>>) semaphore(%arg29 : memref<!tpu.dma_semaphore, #tpu.memory_space<semaphore_mem>>) {add = true}
      %ge3A_152 = arith.constant 3 : i32
      %ge3A_153 = arith.cmpi sge, %add3A_139, %ge3A_152 : i32
      %convert_element_type3A_154 = arith.extui %ge3A_153 : i1 to i32
      %cond3A_155 = arith.constant 0 : i32
      %cond3A_156 = arith.cmpi ne, %convert_element_type3A_154, %cond3A_155 : i32
      scf.if %cond3A_156 {
        %sub3A = arith.constant 3 : i32
        %sub3A_276 = arith.subi %add3A_139, %sub3A : i32
        %dma_wait3A_277 = arith.constant 0 : i32
        %dma_wait3A_278 = tpu.memref_slice %arg8[%sub3A_276, %dma_wait3A_277] : memref<80x128xi32, #tpu.memory_space<vmem>> -> memref<1x128xi32, #tpu.memory_space<vmem>>
        %dma_wait3A_279 = tpu.memref_squeeze %dma_wait3A_278 : memref<1x128xi32, #tpu.memory_space<vmem>> -> memref<128xi32, #tpu.memory_space<vmem>>
        %dma_wait3A_280 = arith.constant 0 : i32
        %dma_wait3A_281 = arith.constant 0 : i32
        %dma_wait3A_282 = tpu.memref_slice %arg17[%dma_wait3A_280, %dma_wait3A_281] : memref<10112x32xf32, #tpu.memory_space<vmem_shared>> -> memref<10112x32xf32, #tpu.memory_space<vmem_shared>>
        tpu.wait_indirect_dma semaphore(%arg26 : memref<!tpu.dma_semaphore, #tpu.memory_space<semaphore_mem>>) src(%arg9 : memref<128x32xf32, #tpu.memory_space<vmem>>) dst(%dma_wait3A_282 : memref<10112x32xf32, #tpu.memory_space<vmem_shared>>)
      } else {
      }
      %add3A_157 = arith.constant 3 : i32
      %add3A_158 = arith.addi %add3A_139, %add3A_157 : i32
      %lt3A_159 = arith.constant 80 : i32
      %lt3A_160 = arith.cmpi slt, %add3A_158, %lt3A_159 : i32
      %convert_element_type3A_161 = arith.extui %lt3A_160 : i1 to i32
      %cond3A_162 = arith.constant 0 : i32
      %cond3A_163 = arith.cmpi ne, %convert_element_type3A_161, %cond3A_162 : i32
      scf.if %cond3A_163 {
        %add3A_276 = arith.constant 3 : i32
        %add3A_277 = arith.addi %add3A_139, %add3A_276 : i32
        %dma_start3A_278 = arith.constant 0 : i32
        %dma_start3A_279 = tpu.memref_slice %arg7[%add3A_277, %dma_start3A_278] : memref<80x128xi32, #tpu.memory_space<vmem>> -> memref<1x128xi32, #tpu.memory_space<vmem>>
        %dma_start3A_280 = tpu.memref_squeeze %dma_start3A_279 : memref<1x128xi32, #tpu.memory_space<vmem>> -> memref<128xi32, #tpu.memory_space<vmem>>
        %dma_start3A_281 = arith.constant 0 : i32
        %dma_start3A_282 = arith.constant 0 : i32
        %dma_start3A_283 = tpu.memref_slice %arg4[%dma_start3A_281, %dma_start3A_282] : memref<10000x32xf32, #tpu.memory_space<hbm>> -> memref<10000x32xf32, #tpu.memory_space<hbm>>
        tpu.enqueue_indirect_dma source(%dma_start3A_283 : memref<10000x32xf32, #tpu.memory_space<hbm>>) target(%arg15 : memref<128x32xf32, #tpu.memory_space<vmem>>) offsets(%dma_start3A_280 : memref<128xi32, #tpu.memory_space<vmem>>) semaphore(%arg24 : memref<!tpu.dma_semaphore, #tpu.memory_space<semaphore_mem>>)
      } else {
      }
      %mul3A_164 = arith.constant 8 : i32
      %mul3A_165 = arith.muli %scan3A_55, %mul3A_164 : i32
      %add3A_166 = arith.constant 4 : i32
      %add3A_167 = arith.addi %mul3A_165, %add3A_166 : i32
      %dma_wait3A_168 = arith.constant 0 : i32
      %dma_wait3A_169 = tpu.memref_slice %arg7[%add3A_167, %dma_wait3A_168] : memref<80x128xi32, #tpu.memory_space<vmem>> -> memref<1x128xi32, #tpu.memory_space<vmem>>
      %dma_wait3A_170 = tpu.memref_squeeze %dma_wait3A_169 : memref<1x128xi32, #tpu.memory_space<vmem>> -> memref<128xi32, #tpu.memory_space<vmem>>
      %dma_wait3A_171 = arith.constant 0 : i32
      %dma_wait3A_172 = arith.constant 0 : i32
      %dma_wait3A_173 = tpu.memref_slice %arg4[%dma_wait3A_171, %dma_wait3A_172] : memref<10000x32xf32, #tpu.memory_space<hbm>> -> memref<10000x32xf32, #tpu.memory_space<hbm>>
      tpu.wait_indirect_dma semaphore(%arg22 : memref<!tpu.dma_semaphore, #tpu.memory_space<semaphore_mem>>) src(%dma_wait3A_173 : memref<10000x32xf32, #tpu.memory_space<hbm>>) dst(%arg13 : memref<128x32xf32, #tpu.memory_space<vmem>>)
      %dma_start3A_174 = arith.constant 0 : i32
      %dma_start3A_175 = tpu.memref_slice %arg8[%add3A_167, %dma_start3A_174] : memref<80x128xi32, #tpu.memory_space<vmem>> -> memref<1x128xi32, #tpu.memory_space<vmem>>
      %dma_start3A_176 = tpu.memref_squeeze %dma_start3A_175 : memref<1x128xi32, #tpu.memory_space<vmem>> -> memref<128xi32, #tpu.memory_space<vmem>>
      %dma_start3A_177 = arith.constant 0 : i32
      %dma_start3A_178 = arith.constant 0 : i32
      %dma_start3A_179 = tpu.memref_slice %arg17[%dma_start3A_177, %dma_start3A_178] : memref<10112x32xf32, #tpu.memory_space<vmem_shared>> -> memref<10112x32xf32, #tpu.memory_space<vmem_shared>>
      tpu.enqueue_indirect_dma source(%arg13 : memref<128x32xf32, #tpu.memory_space<vmem>>) target(%dma_start3A_179 : memref<10112x32xf32, #tpu.memory_space<vmem_shared>>) offsets(%dma_start3A_176 : memref<128xi32, #tpu.memory_space<vmem>>) semaphore(%arg30 : memref<!tpu.dma_semaphore, #tpu.memory_space<semaphore_mem>>) {add = true}
      %ge3A_180 = arith.constant 3 : i32
      %ge3A_181 = arith.cmpi sge, %add3A_167, %ge3A_180 : i32
      %convert_element_type3A_182 = arith.extui %ge3A_181 : i1 to i32
      %cond3A_183 = arith.constant 0 : i32
      %cond3A_184 = arith.cmpi ne, %convert_element_type3A_182, %cond3A_183 : i32
      scf.if %cond3A_184 {
        %sub3A = arith.constant 3 : i32
        %sub3A_276 = arith.subi %add3A_167, %sub3A : i32
        %dma_wait3A_277 = arith.constant 0 : i32
        %dma_wait3A_278 = tpu.memref_slice %arg8[%sub3A_276, %dma_wait3A_277] : memref<80x128xi32, #tpu.memory_space<vmem>> -> memref<1x128xi32, #tpu.memory_space<vmem>>
        %dma_wait3A_279 = tpu.memref_squeeze %dma_wait3A_278 : memref<1x128xi32, #tpu.memory_space<vmem>> -> memref<128xi32, #tpu.memory_space<vmem>>
        %dma_wait3A_280 = arith.constant 0 : i32
        %dma_wait3A_281 = arith.constant 0 : i32
        %dma_wait3A_282 = tpu.memref_slice %arg17[%dma_wait3A_280, %dma_wait3A_281] : memref<10112x32xf32, #tpu.memory_space<vmem_shared>> -> memref<10112x32xf32, #tpu.memory_space<vmem_shared>>
        tpu.wait_indirect_dma semaphore(%arg27 : memref<!tpu.dma_semaphore, #tpu.memory_space<semaphore_mem>>) src(%arg10 : memref<128x32xf32, #tpu.memory_space<vmem>>) dst(%dma_wait3A_282 : memref<10112x32xf32, #tpu.memory_space<vmem_shared>>)
      } else {
      }
      %add3A_185 = arith.constant 3 : i32
      %add3A_186 = arith.addi %add3A_167, %add3A_185 : i32
      %lt3A_187 = arith.constant 80 : i32
      %lt3A_188 = arith.cmpi slt, %add3A_186, %lt3A_187 : i32
      %convert_element_type3A_189 = arith.extui %lt3A_188 : i1 to i32
      %cond3A_190 = arith.constant 0 : i32
      %cond3A_191 = arith.cmpi ne, %convert_element_type3A_189, %cond3A_190 : i32
      scf.if %cond3A_191 {
        %add3A_276 = arith.constant 3 : i32
        %add3A_277 = arith.addi %add3A_167, %add3A_276 : i32
        %dma_start3A_278 = arith.constant 0 : i32
        %dma_start3A_279 = tpu.memref_slice %arg7[%add3A_277, %dma_start3A_278] : memref<80x128xi32, #tpu.memory_space<vmem>> -> memref<1x128xi32, #tpu.memory_space<vmem>>
        %dma_start3A_280 = tpu.memref_squeeze %dma_start3A_279 : memref<1x128xi32, #tpu.memory_space<vmem>> -> memref<128xi32, #tpu.memory_space<vmem>>
        %dma_start3A_281 = arith.constant 0 : i32
        %dma_start3A_282 = arith.constant 0 : i32
        %dma_start3A_283 = tpu.memref_slice %arg4[%dma_start3A_281, %dma_start3A_282] : memref<10000x32xf32, #tpu.memory_space<hbm>> -> memref<10000x32xf32, #tpu.memory_space<hbm>>
        tpu.enqueue_indirect_dma source(%dma_start3A_283 : memref<10000x32xf32, #tpu.memory_space<hbm>>) target(%arg16 : memref<128x32xf32, #tpu.memory_space<vmem>>) offsets(%dma_start3A_280 : memref<128xi32, #tpu.memory_space<vmem>>) semaphore(%arg25 : memref<!tpu.dma_semaphore, #tpu.memory_space<semaphore_mem>>)
      } else {
      }
      %mul3A_192 = arith.constant 8 : i32
      %mul3A_193 = arith.muli %scan3A_55, %mul3A_192 : i32
      %add3A_194 = arith.constant 5 : i32
      %add3A_195 = arith.addi %mul3A_193, %add3A_194 : i32
      %dma_wait3A_196 = arith.constant 0 : i32
      %dma_wait3A_197 = tpu.memref_slice %arg7[%add3A_195, %dma_wait3A_196] : memref<80x128xi32, #tpu.memory_space<vmem>> -> memref<1x128xi32, #tpu.memory_space<vmem>>
      %dma_wait3A_198 = tpu.memref_squeeze %dma_wait3A_197 : memref<1x128xi32, #tpu.memory_space<vmem>> -> memref<128xi32, #tpu.memory_space<vmem>>
      %dma_wait3A_199 = arith.constant 0 : i32
      %dma_wait3A_200 = arith.constant 0 : i32
      %dma_wait3A_201 = tpu.memref_slice %arg4[%dma_wait3A_199, %dma_wait3A_200] : memref<10000x32xf32, #tpu.memory_space<hbm>> -> memref<10000x32xf32, #tpu.memory_space<hbm>>
      tpu.wait_indirect_dma semaphore(%arg23 : memref<!tpu.dma_semaphore, #tpu.memory_space<semaphore_mem>>) src(%dma_wait3A_201 : memref<10000x32xf32, #tpu.memory_space<hbm>>) dst(%arg14 : memref<128x32xf32, #tpu.memory_space<vmem>>)
      %dma_start3A_202 = arith.constant 0 : i32
      %dma_start3A_203 = tpu.memref_slice %arg8[%add3A_195, %dma_start3A_202] : memref<80x128xi32, #tpu.memory_space<vmem>> -> memref<1x128xi32, #tpu.memory_space<vmem>>
      %dma_start3A_204 = tpu.memref_squeeze %dma_start3A_203 : memref<1x128xi32, #tpu.memory_space<vmem>> -> memref<128xi32, #tpu.memory_space<vmem>>
      %dma_start3A_205 = arith.constant 0 : i32
      %dma_start3A_206 = arith.constant 0 : i32
      %dma_start3A_207 = tpu.memref_slice %arg17[%dma_start3A_205, %dma_start3A_206] : memref<10112x32xf32, #tpu.memory_space<vmem_shared>> -> memref<10112x32xf32, #tpu.memory_space<vmem_shared>>
      tpu.enqueue_indirect_dma source(%arg14 : memref<128x32xf32, #tpu.memory_space<vmem>>) target(%dma_start3A_207 : memref<10112x32xf32, #tpu.memory_space<vmem_shared>>) offsets(%dma_start3A_204 : memref<128xi32, #tpu.memory_space<vmem>>) semaphore(%arg31 : memref<!tpu.dma_semaphore, #tpu.memory_space<semaphore_mem>>) {add = true}
      %ge3A_208 = arith.constant 3 : i32
      %ge3A_209 = arith.cmpi sge, %add3A_195, %ge3A_208 : i32
      %convert_element_type3A_210 = arith.extui %ge3A_209 : i1 to i32
      %cond3A_211 = arith.constant 0 : i32
      %cond3A_212 = arith.cmpi ne, %convert_element_type3A_210, %cond3A_211 : i32
      scf.if %cond3A_212 {
        %sub3A = arith.constant 3 : i32
        %sub3A_276 = arith.subi %add3A_195, %sub3A : i32
        %dma_wait3A_277 = arith.constant 0 : i32
        %dma_wait3A_278 = tpu.memref_slice %arg8[%sub3A_276, %dma_wait3A_277] : memref<80x128xi32, #tpu.memory_space<vmem>> -> memref<1x128xi32, #tpu.memory_space<vmem>>
        %dma_wait3A_279 = tpu.memref_squeeze %dma_wait3A_278 : memref<1x128xi32, #tpu.memory_space<vmem>> -> memref<128xi32, #tpu.memory_space<vmem>>
        %dma_wait3A_280 = arith.constant 0 : i32
        %dma_wait3A_281 = arith.constant 0 : i32
        %dma_wait3A_282 = tpu.memref_slice %arg17[%dma_wait3A_280, %dma_wait3A_281] : memref<10112x32xf32, #tpu.memory_space<vmem_shared>> -> memref<10112x32xf32, #tpu.memory_space<vmem_shared>>
        tpu.wait_indirect_dma semaphore(%arg28 : memref<!tpu.dma_semaphore, #tpu.memory_space<semaphore_mem>>) src(%arg11 : memref<128x32xf32, #tpu.memory_space<vmem>>) dst(%dma_wait3A_282 : memref<10112x32xf32, #tpu.memory_space<vmem_shared>>)
      } else {
      }
      %add3A_213 = arith.constant 3 : i32
      %add3A_214 = arith.addi %add3A_195, %add3A_213 : i32
      %lt3A_215 = arith.constant 80 : i32
      %lt3A_216 = arith.cmpi slt, %add3A_214, %lt3A_215 : i32
      %convert_element_type3A_217 = arith.extui %lt3A_216 : i1 to i32
      %cond3A_218 = arith.constant 0 : i32
      %cond3A_219 = arith.cmpi ne, %convert_element_type3A_217, %cond3A_218 : i32
      scf.if %cond3A_219 {
        %add3A_276 = arith.constant 3 : i32
        %add3A_277 = arith.addi %add3A_195, %add3A_276 : i32
        %dma_start3A_278 = arith.constant 0 : i32
        %dma_start3A_279 = tpu.memref_slice %arg7[%add3A_277, %dma_start3A_278] : memref<80x128xi32, #tpu.memory_space<vmem>> -> memref<1x128xi32, #tpu.memory_space<vmem>>
        %dma_start3A_280 = tpu.memref_squeeze %dma_start3A_279 : memref<1x128xi32, #tpu.memory_space<vmem>> -> memref<128xi32, #tpu.memory_space<vmem>>
        %dma_start3A_281 = arith.constant 0 : i32
        %dma_start3A_282 = arith.constant 0 : i32
        %dma_start3A_283 = tpu.memref_slice %arg4[%dma_start3A_281, %dma_start3A_282] : memref<10000x32xf32, #tpu.memory_space<hbm>> -> memref<10000x32xf32, #tpu.memory_space<hbm>>
        tpu.enqueue_indirect_dma source(%dma_start3A_283 : memref<10000x32xf32, #tpu.memory_space<hbm>>) target(%arg9 : memref<128x32xf32, #tpu.memory_space<vmem>>) offsets(%dma_start3A_280 : memref<128xi32, #tpu.memory_space<vmem>>) semaphore(%arg18 : memref<!tpu.dma_semaphore, #tpu.memory_space<semaphore_mem>>)
      } else {
      }
      %mul3A_220 = arith.constant 8 : i32
      %mul3A_221 = arith.muli %scan3A_55, %mul3A_220 : i32
      %add3A_222 = arith.constant 6 : i32
      %add3A_223 = arith.addi %mul3A_221, %add3A_222 : i32
      %dma_wait3A_224 = arith.constant 0 : i32
      %dma_wait3A_225 = tpu.memref_slice %arg7[%add3A_223, %dma_wait3A_224] : memref<80x128xi32, #tpu.memory_space<vmem>> -> memref<1x128xi32, #tpu.memory_space<vmem>>
      %dma_wait3A_226 = tpu.memref_squeeze %dma_wait3A_225 : memref<1x128xi32, #tpu.memory_space<vmem>> -> memref<128xi32, #tpu.memory_space<vmem>>
      %dma_wait3A_227 = arith.constant 0 : i32
      %dma_wait3A_228 = arith.constant 0 : i32
      %dma_wait3A_229 = tpu.memref_slice %arg4[%dma_wait3A_227, %dma_wait3A_228] : memref<10000x32xf32, #tpu.memory_space<hbm>> -> memref<10000x32xf32, #tpu.memory_space<hbm>>
      tpu.wait_indirect_dma semaphore(%arg24 : memref<!tpu.dma_semaphore, #tpu.memory_space<semaphore_mem>>) src(%dma_wait3A_229 : memref<10000x32xf32, #tpu.memory_space<hbm>>) dst(%arg15 : memref<128x32xf32, #tpu.memory_space<vmem>>)
      %dma_start3A_230 = arith.constant 0 : i32
      %dma_start3A_231 = tpu.memref_slice %arg8[%add3A_223, %dma_start3A_230] : memref<80x128xi32, #tpu.memory_space<vmem>> -> memref<1x128xi32, #tpu.memory_space<vmem>>
      %dma_start3A_232 = tpu.memref_squeeze %dma_start3A_231 : memref<1x128xi32, #tpu.memory_space<vmem>> -> memref<128xi32, #tpu.memory_space<vmem>>
      %dma_start3A_233 = arith.constant 0 : i32
      %dma_start3A_234 = arith.constant 0 : i32
      %dma_start3A_235 = tpu.memref_slice %arg17[%dma_start3A_233, %dma_start3A_234] : memref<10112x32xf32, #tpu.memory_space<vmem_shared>> -> memref<10112x32xf32, #tpu.memory_space<vmem_shared>>
      tpu.enqueue_indirect_dma source(%arg15 : memref<128x32xf32, #tpu.memory_space<vmem>>) target(%dma_start3A_235 : memref<10112x32xf32, #tpu.memory_space<vmem_shared>>) offsets(%dma_start3A_232 : memref<128xi32, #tpu.memory_space<vmem>>) semaphore(%arg32 : memref<!tpu.dma_semaphore, #tpu.memory_space<semaphore_mem>>) {add = true}
      %ge3A_236 = arith.constant 3 : i32
      %ge3A_237 = arith.cmpi sge, %add3A_223, %ge3A_236 : i32
      %convert_element_type3A_238 = arith.extui %ge3A_237 : i1 to i32
      %cond3A_239 = arith.constant 0 : i32
      %cond3A_240 = arith.cmpi ne, %convert_element_type3A_238, %cond3A_239 : i32
      scf.if %cond3A_240 {
        %sub3A = arith.constant 3 : i32
        %sub3A_276 = arith.subi %add3A_223, %sub3A : i32
        %dma_wait3A_277 = arith.constant 0 : i32
        %dma_wait3A_278 = tpu.memref_slice %arg8[%sub3A_276, %dma_wait3A_277] : memref<80x128xi32, #tpu.memory_space<vmem>> -> memref<1x128xi32, #tpu.memory_space<vmem>>
        %dma_wait3A_279 = tpu.memref_squeeze %dma_wait3A_278 : memref<1x128xi32, #tpu.memory_space<vmem>> -> memref<128xi32, #tpu.memory_space<vmem>>
        %dma_wait3A_280 = arith.constant 0 : i32
        %dma_wait3A_281 = arith.constant 0 : i32
        %dma_wait3A_282 = tpu.memref_slice %arg17[%dma_wait3A_280, %dma_wait3A_281] : memref<10112x32xf32, #tpu.memory_space<vmem_shared>> -> memref<10112x32xf32, #tpu.memory_space<vmem_shared>>
        tpu.wait_indirect_dma semaphore(%arg29 : memref<!tpu.dma_semaphore, #tpu.memory_space<semaphore_mem>>) src(%arg12 : memref<128x32xf32, #tpu.memory_space<vmem>>) dst(%dma_wait3A_282 : memref<10112x32xf32, #tpu.memory_space<vmem_shared>>)
      } else {
      }
      %add3A_241 = arith.constant 3 : i32
      %add3A_242 = arith.addi %add3A_223, %add3A_241 : i32
      %lt3A_243 = arith.constant 80 : i32
      %lt3A_244 = arith.cmpi slt, %add3A_242, %lt3A_243 : i32
      %convert_element_type3A_245 = arith.extui %lt3A_244 : i1 to i32
      %cond3A_246 = arith.constant 0 : i32
      %cond3A_247 = arith.cmpi ne, %convert_element_type3A_245, %cond3A_246 : i32
      scf.if %cond3A_247 {
        %add3A_276 = arith.constant 3 : i32
        %add3A_277 = arith.addi %add3A_223, %add3A_276 : i32
        %dma_start3A_278 = arith.constant 0 : i32
        %dma_start3A_279 = tpu.memref_slice %arg7[%add3A_277, %dma_start3A_278] : memref<80x128xi32, #tpu.memory_space<vmem>> -> memref<1x128xi32, #tpu.memory_space<vmem>>
        %dma_start3A_280 = tpu.memref_squeeze %dma_start3A_279 : memref<1x128xi32, #tpu.memory_space<vmem>> -> memref<128xi32, #tpu.memory_space<vmem>>
        %dma_start3A_281 = arith.constant 0 : i32
        %dma_start3A_282 = arith.constant 0 : i32
        %dma_start3A_283 = tpu.memref_slice %arg4[%dma_start3A_281, %dma_start3A_282] : memref<10000x32xf32, #tpu.memory_space<hbm>> -> memref<10000x32xf32, #tpu.memory_space<hbm>>
        tpu.enqueue_indirect_dma source(%dma_start3A_283 : memref<10000x32xf32, #tpu.memory_space<hbm>>) target(%arg10 : memref<128x32xf32, #tpu.memory_space<vmem>>) offsets(%dma_start3A_280 : memref<128xi32, #tpu.memory_space<vmem>>) semaphore(%arg19 : memref<!tpu.dma_semaphore, #tpu.memory_space<semaphore_mem>>)
      } else {
      }
      %mul3A_248 = arith.constant 8 : i32
      %mul3A_249 = arith.muli %scan3A_55, %mul3A_248 : i32
      %add3A_250 = arith.constant 7 : i32
      %add3A_251 = arith.addi %mul3A_249, %add3A_250 : i32
      %dma_wait3A_252 = arith.constant 0 : i32
      %dma_wait3A_253 = tpu.memref_slice %arg7[%add3A_251, %dma_wait3A_252] : memref<80x128xi32, #tpu.memory_space<vmem>> -> memref<1x128xi32, #tpu.memory_space<vmem>>
      %dma_wait3A_254 = tpu.memref_squeeze %dma_wait3A_253 : memref<1x128xi32, #tpu.memory_space<vmem>> -> memref<128xi32, #tpu.memory_space<vmem>>
      %dma_wait3A_255 = arith.constant 0 : i32
      %dma_wait3A_256 = arith.constant 0 : i32
      %dma_wait3A_257 = tpu.memref_slice %arg4[%dma_wait3A_255, %dma_wait3A_256] : memref<10000x32xf32, #tpu.memory_space<hbm>> -> memref<10000x32xf32, #tpu.memory_space<hbm>>
      tpu.wait_indirect_dma semaphore(%arg25 : memref<!tpu.dma_semaphore, #tpu.memory_space<semaphore_mem>>) src(%dma_wait3A_257 : memref<10000x32xf32, #tpu.memory_space<hbm>>) dst(%arg16 : memref<128x32xf32, #tpu.memory_space<vmem>>)
      %dma_start3A_258 = arith.constant 0 : i32
      %dma_start3A_259 = tpu.memref_slice %arg8[%add3A_251, %dma_start3A_258] : memref<80x128xi32, #tpu.memory_space<vmem>> -> memref<1x128xi32, #tpu.memory_space<vmem>>
      %dma_start3A_260 = tpu.memref_squeeze %dma_start3A_259 : memref<1x128xi32, #tpu.memory_space<vmem>> -> memref<128xi32, #tpu.memory_space<vmem>>
      %dma_start3A_261 = arith.constant 0 : i32
      %dma_start3A_262 = arith.constant 0 : i32
      %dma_start3A_263 = tpu.memref_slice %arg17[%dma_start3A_261, %dma_start3A_262] : memref<10112x32xf32, #tpu.memory_space<vmem_shared>> -> memref<10112x32xf32, #tpu.memory_space<vmem_shared>>
      tpu.enqueue_indirect_dma source(%arg16 : memref<128x32xf32, #tpu.memory_space<vmem>>) target(%dma_start3A_263 : memref<10112x32xf32, #tpu.memory_space<vmem_shared>>) offsets(%dma_start3A_260 : memref<128xi32, #tpu.memory_space<vmem>>) semaphore(%arg33 : memref<!tpu.dma_semaphore, #tpu.memory_space<semaphore_mem>>) {add = true}
      %ge3A_264 = arith.constant 3 : i32
      %ge3A_265 = arith.cmpi sge, %add3A_251, %ge3A_264 : i32
      %convert_element_type3A_266 = arith.extui %ge3A_265 : i1 to i32
      %cond3A_267 = arith.constant 0 : i32
      %cond3A_268 = arith.cmpi ne, %convert_element_type3A_266, %cond3A_267 : i32
      scf.if %cond3A_268 {
        %sub3A = arith.constant 3 : i32
        %sub3A_276 = arith.subi %add3A_251, %sub3A : i32
        %dma_wait3A_277 = arith.constant 0 : i32
        %dma_wait3A_278 = tpu.memref_slice %arg8[%sub3A_276, %dma_wait3A_277] : memref<80x128xi32, #tpu.memory_space<vmem>> -> memref<1x128xi32, #tpu.memory_space<vmem>>
        %dma_wait3A_279 = tpu.memref_squeeze %dma_wait3A_278 : memref<1x128xi32, #tpu.memory_space<vmem>> -> memref<128xi32, #tpu.memory_space<vmem>>
        %dma_wait3A_280 = arith.constant 0 : i32
        %dma_wait3A_281 = arith.constant 0 : i32
        %dma_wait3A_282 = tpu.memref_slice %arg17[%dma_wait3A_280, %dma_wait3A_281] : memref<10112x32xf32, #tpu.memory_space<vmem_shared>> -> memref<10112x32xf32, #tpu.memory_space<vmem_shared>>
        tpu.wait_indirect_dma semaphore(%arg30 : memref<!tpu.dma_semaphore, #tpu.memory_space<semaphore_mem>>) src(%arg13 : memref<128x32xf32, #tpu.memory_space<vmem>>) dst(%dma_wait3A_282 : memref<10112x32xf32, #tpu.memory_space<vmem_shared>>)
      } else {
      }
      %add3A_269 = arith.constant 3 : i32
      %add3A_270 = arith.addi %add3A_251, %add3A_269 : i32
      %lt3A_271 = arith.constant 80 : i32
      %lt3A_272 = arith.cmpi slt, %add3A_270, %lt3A_271 : i32
      %convert_element_type3A_273 = arith.extui %lt3A_272 : i1 to i32
      %cond3A_274 = arith.constant 0 : i32
      %cond3A_275 = arith.cmpi ne, %convert_element_type3A_273, %cond3A_274 : i32
      scf.if %cond3A_275 {
        %add3A_276 = arith.constant 3 : i32
        %add3A_277 = arith.addi %add3A_251, %add3A_276 : i32
        %dma_start3A_278 = arith.constant 0 : i32
        %dma_start3A_279 = tpu.memref_slice %arg7[%add3A_277, %dma_start3A_278] : memref<80x128xi32, #tpu.memory_space<vmem>> -> memref<1x128xi32, #tpu.memory_space<vmem>>
        %dma_start3A_280 = tpu.memref_squeeze %dma_start3A_279 : memref<1x128xi32, #tpu.memory_space<vmem>> -> memref<128xi32, #tpu.memory_space<vmem>>
        %dma_start3A_281 = arith.constant 0 : i32
        %dma_start3A_282 = arith.constant 0 : i32
        %dma_start3A_283 = tpu.memref_slice %arg4[%dma_start3A_281, %dma_start3A_282] : memref<10000x32xf32, #tpu.memory_space<hbm>> -> memref<10000x32xf32, #tpu.memory_space<hbm>>
        tpu.enqueue_indirect_dma source(%dma_start3A_283 : memref<10000x32xf32, #tpu.memory_space<hbm>>) target(%arg11 : memref<128x32xf32, #tpu.memory_space<vmem>>) offsets(%dma_start3A_280 : memref<128xi32, #tpu.memory_space<vmem>>) semaphore(%arg20 : memref<!tpu.dma_semaphore, #tpu.memory_space<semaphore_mem>>)
      } else {
      }
    }
    %scan3A_29 = arith.constant 10 : i32
    %dma_wait3A = arith.constant 77 : i32
    %dma_wait3A_30 = arith.constant 0 : i32
    %dma_wait3A_31 = tpu.memref_slice %arg8[%dma_wait3A, %dma_wait3A_30] : memref<80x128xi32, #tpu.memory_space<vmem>> -> memref<1x128xi32, #tpu.memory_space<vmem>>
    %dma_wait3A_32 = tpu.memref_squeeze %dma_wait3A_31 : memref<1x128xi32, #tpu.memory_space<vmem>> -> memref<128xi32, #tpu.memory_space<vmem>>
    %dma_wait3A_33 = arith.constant 0 : i32
    %dma_wait3A_34 = arith.constant 0 : i32
    %dma_wait3A_35 = tpu.memref_slice %arg17[%dma_wait3A_33, %dma_wait3A_34] : memref<10112x32xf32, #tpu.memory_space<vmem_shared>> -> memref<10112x32xf32, #tpu.memory_space<vmem_shared>>
    tpu.wait_indirect_dma semaphore(%arg31 : memref<!tpu.dma_semaphore, #tpu.memory_space<semaphore_mem>>) src(%arg14 : memref<128x32xf32, #tpu.memory_space<vmem>>) dst(%dma_wait3A_35 : memref<10112x32xf32, #tpu.memory_space<vmem_shared>>)
    %dma_wait3A_36 = arith.constant 78 : i32
    %dma_wait3A_37 = arith.constant 0 : i32
    %dma_wait3A_38 = tpu.memref_slice %arg8[%dma_wait3A_36, %dma_wait3A_37] : memref<80x128xi32, #tpu.memory_space<vmem>> -> memref<1x128xi32, #tpu.memory_space<vmem>>
    %dma_wait3A_39 = tpu.memref_squeeze %dma_wait3A_38 : memref<1x128xi32, #tpu.memory_space<vmem>> -> memref<128xi32, #tpu.memory_space<vmem>>
    %dma_wait3A_40 = arith.constant 0 : i32
    %dma_wait3A_41 = arith.constant 0 : i32
    %dma_wait3A_42 = tpu.memref_slice %arg17[%dma_wait3A_40, %dma_wait3A_41] : memref<10112x32xf32, #tpu.memory_space<vmem_shared>> -> memref<10112x32xf32, #tpu.memory_space<vmem_shared>>
    tpu.wait_indirect_dma semaphore(%arg32 : memref<!tpu.dma_semaphore, #tpu.memory_space<semaphore_mem>>) src(%arg15 : memref<128x32xf32, #tpu.memory_space<vmem>>) dst(%dma_wait3A_42 : memref<10112x32xf32, #tpu.memory_space<vmem_shared>>)
    %dma_wait3A_43 = arith.constant 79 : i32
    %dma_wait3A_44 = arith.constant 0 : i32
    %dma_wait3A_45 = tpu.memref_slice %arg8[%dma_wait3A_43, %dma_wait3A_44] : memref<80x128xi32, #tpu.memory_space<vmem>> -> memref<1x128xi32, #tpu.memory_space<vmem>>
    %dma_wait3A_46 = tpu.memref_squeeze %dma_wait3A_45 : memref<1x128xi32, #tpu.memory_space<vmem>> -> memref<128xi32, #tpu.memory_space<vmem>>
    %dma_wait3A_47 = arith.constant 0 : i32
    %dma_wait3A_48 = arith.constant 0 : i32
    %dma_wait3A_49 = tpu.memref_slice %arg17[%dma_wait3A_47, %dma_wait3A_48] : memref<10112x32xf32, #tpu.memory_space<vmem_shared>> -> memref<10112x32xf32, #tpu.memory_space<vmem_shared>>
    tpu.wait_indirect_dma semaphore(%arg33 : memref<!tpu.dma_semaphore, #tpu.memory_space<semaphore_mem>>) src(%arg16 : memref<128x32xf32, #tpu.memory_space<vmem>>) dst(%dma_wait3A_49 : memref<10112x32xf32, #tpu.memory_space<vmem_shared>>)
    %barrier3A_50 = arith.constant 0 : index
    tpu.barrier barrier_id(%barrier3A_50)
    %mul3A_51 = arith.constant 632 : i32
    %mul3A_52 = arith.muli %arg1, %mul3A_51 : i32
    %mul3A_53 = arith.constant 632 : i32
    %mul3A_54 = arith.muli %arg1, %mul3A_53 : i32
    "tpu.region"() ({
      %run_scoped3A = tpu.sem_alloc : memref<!tpu.dma_semaphore, #tpu.memory_space<semaphore_mem>>
      %dma_start3A_55 = arith.constant 0 : i32
      %dma_start3A_56 = tpu.memref_slice %arg6[%arg0, %mul3A_54, %dma_start3A_55] : memref<2x10112x32xf32, #tpu.memory_space<hbm>> -> memref<1x632x32xf32, #tpu.memory_space<hbm>>
      %dma_start3A_57 = tpu.memref_squeeze %dma_start3A_56 : memref<1x632x32xf32, #tpu.memory_space<hbm>> -> memref<632x32xf32, #tpu.memory_space<hbm>>
      %dma_start3A_58 = arith.constant 0 : i32
      %dma_start3A_59 = tpu.memref_slice %arg17[%mul3A_52, %dma_start3A_58] : memref<10112x32xf32, #tpu.memory_space<vmem_shared>> -> memref<632x32xf32, #tpu.memory_space<vmem_shared>>
      tpu.enqueue_dma source(%dma_start3A_59 : memref<632x32xf32, #tpu.memory_space<vmem_shared>>) target(%dma_start3A_57 : memref<632x32xf32, #tpu.memory_space<hbm>>) target_semaphore(%run_scoped3A : memref<!tpu.dma_semaphore, #tpu.memory_space<semaphore_mem>>)
      %dma_wait3A_60 = arith.constant 0 : i32
      %dma_wait3A_61 = tpu.memref_slice %arg6[%arg0, %mul3A_54, %dma_wait3A_60] : memref<2x10112x32xf32, #tpu.memory_space<hbm>> -> memref<1x632x32xf32, #tpu.memory_space<hbm>>
      %dma_wait3A_62 = tpu.memref_squeeze %dma_wait3A_61 : memref<1x632x32xf32, #tpu.memory_space<hbm>> -> memref<632x32xf32, #tpu.memory_space<hbm>>
      %dma_wait3A_63 = arith.constant 0 : i32
      %dma_wait3A_64 = tpu.memref_slice %arg17[%mul3A_52, %dma_wait3A_63] : memref<10112x32xf32, #tpu.memory_space<vmem_shared>> -> memref<632x32xf32, #tpu.memory_space<vmem_shared>>
      tpu.wait_dma2 semaphore(%run_scoped3A : memref<!tpu.dma_semaphore, #tpu.memory_space<semaphore_mem>>) src(%dma_wait3A_64 : memref<632x32xf32, #tpu.memory_space<vmem_shared>>) dst(%dma_wait3A_62 : memref<632x32xf32, #tpu.memory_space<hbm>>)
      tpu.yield
    }) : () -> ()
    return
  }
}

#map = affine_map<(d0, d1) -> (0, 0, 0)>
#map1 = affine_map<(d0, d1) -> (0, 0)>
module attributes {stable_mosaic.version = 14 : i64} {
  func.func @_sc_degree(%arg0: i32, %arg1: i32, %arg2: memref<32x80x128xi32, #tpu.memory_space<hbm>>, %arg3: memref<128x8xf32, #tpu.memory_space<hbm>>, %arg4: memref<10112x8xf32, #tpu.memory_space<hbm>>, %arg5: memref<2x10112x8xf32, #tpu.memory_space<hbm>>, %arg6: memref<80x128xi32, #tpu.memory_space<vmem>>, %arg7: memref<128x8xf32, #tpu.memory_space<vmem>>, %arg8: memref<10112x8xf32, #tpu.memory_space<vmem_shared>>, %arg9: memref<!tpu.dma_semaphore, #tpu.memory_space<semaphore_mem>>, %arg10: memref<!tpu.dma_semaphore, #tpu.memory_space<semaphore_mem>>, %arg11: memref<!tpu.dma_semaphore, #tpu.memory_space<semaphore_mem>>, %arg12: memref<!tpu.dma_semaphore, #tpu.memory_space<semaphore_mem>>) attributes {dimension_semantics = [#tpu.dimension_semantics<core_parallel>, #tpu.dimension_semantics<subcore_parallel>], iteration_bounds = array<i64: 2, 16>, scalar_prefetch = 0 : i64, scratch_operands = 7 : i64, tpu.core_type = #tpu.core_type<sc_vector_subcore>, window_params = [{transform_indices = #map}, {transform_indices = #map1}, {transform_indices = #map1}, {transform_indices = #map}]} {
    %mul3A = arith.constant 2 : i32
    %mul3A_0 = arith.muli %arg1, %mul3A : i32
    %add3A = arith.addi %mul3A_0, %arg0 : i32
    "tpu.region"() ({
      %run_scoped3A = tpu.sem_alloc : memref<!tpu.dma_semaphore, #tpu.memory_space<semaphore_mem>>
      tpu.enqueue_dma source(%arg3 : memref<128x8xf32, #tpu.memory_space<hbm>>) target(%arg7 : memref<128x8xf32, #tpu.memory_space<vmem>>) target_semaphore(%run_scoped3A : memref<!tpu.dma_semaphore, #tpu.memory_space<semaphore_mem>>)
      tpu.wait_dma2 semaphore(%run_scoped3A : memref<!tpu.dma_semaphore, #tpu.memory_space<semaphore_mem>>) src(%arg3 : memref<128x8xf32, #tpu.memory_space<hbm>>) dst(%arg7 : memref<128x8xf32, #tpu.memory_space<vmem>>)
      tpu.yield
    }) : () -> ()
    "tpu.region"() ({
      %run_scoped3A = tpu.sem_alloc : memref<!tpu.dma_semaphore, #tpu.memory_space<semaphore_mem>>
      %dma_start3A = arith.constant 0 : i32
      %dma_start3A_28 = arith.constant 0 : i32
      %dma_start3A_29 = tpu.memref_slice %arg2[%add3A, %dma_start3A, %dma_start3A_28] : memref<32x80x128xi32, #tpu.memory_space<hbm>> -> memref<1x80x128xi32, #tpu.memory_space<hbm>>
      %dma_start3A_30 = tpu.memref_squeeze %dma_start3A_29 : memref<1x80x128xi32, #tpu.memory_space<hbm>> -> memref<80x128xi32, #tpu.memory_space<hbm>>
      %dma_start3A_31 = arith.constant 0 : i32
      %dma_start3A_32 = arith.constant 0 : i32
      %dma_start3A_33 = tpu.memref_slice %arg2[%add3A, %dma_start3A_31, %dma_start3A_32] : memref<32x80x128xi32, #tpu.memory_space<hbm>> -> memref<1x80x128xi32, #tpu.memory_space<hbm>>
      %dma_start3A_34 = tpu.memref_squeeze %dma_start3A_33 : memref<1x80x128xi32, #tpu.memory_space<hbm>> -> memref<80x128xi32, #tpu.memory_space<hbm>>
      tpu.enqueue_dma source(%dma_start3A_34 : memref<80x128xi32, #tpu.memory_space<hbm>>) target(%arg6 : memref<80x128xi32, #tpu.memory_space<vmem>>) target_semaphore(%run_scoped3A : memref<!tpu.dma_semaphore, #tpu.memory_space<semaphore_mem>>)
      %dma_wait3A_35 = arith.constant 0 : i32
      %dma_wait3A_36 = arith.constant 0 : i32
      %dma_wait3A_37 = tpu.memref_slice %arg2[%add3A, %dma_wait3A_35, %dma_wait3A_36] : memref<32x80x128xi32, #tpu.memory_space<hbm>> -> memref<1x80x128xi32, #tpu.memory_space<hbm>>
      %dma_wait3A_38 = tpu.memref_squeeze %dma_wait3A_37 : memref<1x80x128xi32, #tpu.memory_space<hbm>> -> memref<80x128xi32, #tpu.memory_space<hbm>>
      %dma_wait3A_39 = arith.constant 0 : i32
      %dma_wait3A_40 = arith.constant 0 : i32
      %dma_wait3A_41 = tpu.memref_slice %arg2[%add3A, %dma_wait3A_39, %dma_wait3A_40] : memref<32x80x128xi32, #tpu.memory_space<hbm>> -> memref<1x80x128xi32, #tpu.memory_space<hbm>>
      %dma_wait3A_42 = tpu.memref_squeeze %dma_wait3A_41 : memref<1x80x128xi32, #tpu.memory_space<hbm>> -> memref<80x128xi32, #tpu.memory_space<hbm>>
      tpu.wait_dma2 semaphore(%run_scoped3A : memref<!tpu.dma_semaphore, #tpu.memory_space<semaphore_mem>>) src(%dma_wait3A_42 : memref<80x128xi32, #tpu.memory_space<hbm>>) dst(%arg6 : memref<80x128xi32, #tpu.memory_space<vmem>>)
      tpu.yield
    }) : () -> ()
    %mul3A_1 = arith.constant 632 : i32
    %mul3A_2 = arith.muli %arg1, %mul3A_1 : i32
    %mul3A_3 = arith.constant 632 : i32
    %mul3A_4 = arith.muli %arg1, %mul3A_3 : i32
    "tpu.region"() ({
      %run_scoped3A = tpu.sem_alloc : memref<!tpu.dma_semaphore, #tpu.memory_space<semaphore_mem>>
      %dma_start3A = arith.constant 0 : i32
      %dma_start3A_28 = tpu.memref_slice %arg8[%mul3A_4, %dma_start3A] : memref<10112x8xf32, #tpu.memory_space<vmem_shared>> -> memref<632x8xf32, #tpu.memory_space<vmem_shared>>
      %dma_start3A_29 = arith.constant 0 : i32
      %dma_start3A_30 = tpu.memref_slice %arg4[%mul3A_2, %dma_start3A_29] : memref<10112x8xf32, #tpu.memory_space<hbm>> -> memref<632x8xf32, #tpu.memory_space<hbm>>
      tpu.enqueue_dma source(%dma_start3A_30 : memref<632x8xf32, #tpu.memory_space<hbm>>) target(%dma_start3A_28 : memref<632x8xf32, #tpu.memory_space<vmem_shared>>) target_semaphore(%run_scoped3A : memref<!tpu.dma_semaphore, #tpu.memory_space<semaphore_mem>>)
      %dma_wait3A_31 = arith.constant 0 : i32
      %dma_wait3A_32 = tpu.memref_slice %arg8[%mul3A_4, %dma_wait3A_31] : memref<10112x8xf32, #tpu.memory_space<vmem_shared>> -> memref<632x8xf32, #tpu.memory_space<vmem_shared>>
      %dma_wait3A_33 = arith.constant 0 : i32
      %dma_wait3A_34 = tpu.memref_slice %arg4[%mul3A_2, %dma_wait3A_33] : memref<10112x8xf32, #tpu.memory_space<hbm>> -> memref<632x8xf32, #tpu.memory_space<hbm>>
      tpu.wait_dma2 semaphore(%run_scoped3A : memref<!tpu.dma_semaphore, #tpu.memory_space<semaphore_mem>>) src(%dma_wait3A_34 : memref<632x8xf32, #tpu.memory_space<hbm>>) dst(%dma_wait3A_32 : memref<632x8xf32, #tpu.memory_space<vmem_shared>>)
      tpu.yield
    }) : () -> ()
    %barrier3A = arith.constant 0 : index
    tpu.barrier barrier_id(%barrier3A)
    %scan3A = arith.constant 0 : i32
    %scan3A_5 = arith.constant 0 : i32
    %scan3A_6 = arith.constant 20 : i32
    %scan3A_7 = arith.addi %scan3A_5, %scan3A_6 : i32
    %scan3A_8 = arith.constant 1 : i32
    scf.for %scan3A_28 = %scan3A_5 to %scan3A_7 step %scan3A_8  : i32 {
      %mul3A_29 = arith.constant 4 : i32
      %mul3A_30 = arith.muli %scan3A_28, %mul3A_29 : i32
      %add3A_31 = arith.constant 0 : i32
      %add3A_32 = arith.addi %mul3A_30, %add3A_31 : i32
      %dma_start3A = arith.constant 0 : i32
      %dma_start3A_33 = tpu.memref_slice %arg6[%add3A_32, %dma_start3A] : memref<80x128xi32, #tpu.memory_space<vmem>> -> memref<1x128xi32, #tpu.memory_space<vmem>>
      %dma_start3A_34 = tpu.memref_squeeze %dma_start3A_33 : memref<1x128xi32, #tpu.memory_space<vmem>> -> memref<128xi32, #tpu.memory_space<vmem>>
      %dma_start3A_35 = arith.constant 0 : i32
      %dma_start3A_36 = arith.constant 0 : i32
      %dma_start3A_37 = tpu.memref_slice %arg8[%dma_start3A_35, %dma_start3A_36] : memref<10112x8xf32, #tpu.memory_space<vmem_shared>> -> memref<10112x8xf32, #tpu.memory_space<vmem_shared>>
      tpu.enqueue_indirect_dma source(%arg7 : memref<128x8xf32, #tpu.memory_space<vmem>>) target(%dma_start3A_37 : memref<10112x8xf32, #tpu.memory_space<vmem_shared>>) offsets(%dma_start3A_34 : memref<128xi32, #tpu.memory_space<vmem>>) semaphore(%arg9 : memref<!tpu.dma_semaphore, #tpu.memory_space<semaphore_mem>>) {add = true}
      %ge3A = arith.constant 2 : i32
      %ge3A_38 = arith.cmpi sge, %add3A_32, %ge3A : i32
      %convert_element_type3A = arith.extui %ge3A_38 : i1 to i32
      %cond3A = arith.constant 0 : i32
      %cond3A_39 = arith.cmpi ne, %convert_element_type3A, %cond3A : i32
      scf.if %cond3A_39 {
        %sub3A = arith.constant 2 : i32
        %sub3A_85 = arith.subi %add3A_32, %sub3A : i32
        %dma_wait3A_86 = arith.constant 0 : i32
        %dma_wait3A_87 = tpu.memref_slice %arg6[%sub3A_85, %dma_wait3A_86] : memref<80x128xi32, #tpu.memory_space<vmem>> -> memref<1x128xi32, #tpu.memory_space<vmem>>
        %dma_wait3A_88 = tpu.memref_squeeze %dma_wait3A_87 : memref<1x128xi32, #tpu.memory_space<vmem>> -> memref<128xi32, #tpu.memory_space<vmem>>
        %dma_wait3A_89 = arith.constant 0 : i32
        %dma_wait3A_90 = arith.constant 0 : i32
        %dma_wait3A_91 = tpu.memref_slice %arg8[%dma_wait3A_89, %dma_wait3A_90] : memref<10112x8xf32, #tpu.memory_space<vmem_shared>> -> memref<10112x8xf32, #tpu.memory_space<vmem_shared>>
        tpu.wait_indirect_dma semaphore(%arg11 : memref<!tpu.dma_semaphore, #tpu.memory_space<semaphore_mem>>) src(%arg7 : memref<128x8xf32, #tpu.memory_space<vmem>>) dst(%dma_wait3A_91 : memref<10112x8xf32, #tpu.memory_space<vmem_shared>>)
      } else {
      }
      %mul3A_40 = arith.constant 4 : i32
      %mul3A_41 = arith.muli %scan3A_28, %mul3A_40 : i32
      %add3A_42 = arith.constant 1 : i32
      %add3A_43 = arith.addi %mul3A_41, %add3A_42 : i32
      %dma_start3A_44 = arith.constant 0 : i32
      %dma_start3A_45 = tpu.memref_slice %arg6[%add3A_43, %dma_start3A_44] : memref<80x128xi32, #tpu.memory_space<vmem>> -> memref<1x128xi32, #tpu.memory_space<vmem>>
      %dma_start3A_46 = tpu.memref_squeeze %dma_start3A_45 : memref<1x128xi32, #tpu.memory_space<vmem>> -> memref<128xi32, #tpu.memory_space<vmem>>
      %dma_start3A_47 = arith.constant 0 : i32
      %dma_start3A_48 = arith.constant 0 : i32
      %dma_start3A_49 = tpu.memref_slice %arg8[%dma_start3A_47, %dma_start3A_48] : memref<10112x8xf32, #tpu.memory_space<vmem_shared>> -> memref<10112x8xf32, #tpu.memory_space<vmem_shared>>
      tpu.enqueue_indirect_dma source(%arg7 : memref<128x8xf32, #tpu.memory_space<vmem>>) target(%dma_start3A_49 : memref<10112x8xf32, #tpu.memory_space<vmem_shared>>) offsets(%dma_start3A_46 : memref<128xi32, #tpu.memory_space<vmem>>) semaphore(%arg10 : memref<!tpu.dma_semaphore, #tpu.memory_space<semaphore_mem>>) {add = true}
      %ge3A_50 = arith.constant 2 : i32
      %ge3A_51 = arith.cmpi sge, %add3A_43, %ge3A_50 : i32
      %convert_element_type3A_52 = arith.extui %ge3A_51 : i1 to i32
      %cond3A_53 = arith.constant 0 : i32
      %cond3A_54 = arith.cmpi ne, %convert_element_type3A_52, %cond3A_53 : i32
      scf.if %cond3A_54 {
        %sub3A = arith.constant 2 : i32
        %sub3A_85 = arith.subi %add3A_43, %sub3A : i32
        %dma_wait3A_86 = arith.constant 0 : i32
        %dma_wait3A_87 = tpu.memref_slice %arg6[%sub3A_85, %dma_wait3A_86] : memref<80x128xi32, #tpu.memory_space<vmem>> -> memref<1x128xi32, #tpu.memory_space<vmem>>
        %dma_wait3A_88 = tpu.memref_squeeze %dma_wait3A_87 : memref<1x128xi32, #tpu.memory_space<vmem>> -> memref<128xi32, #tpu.memory_space<vmem>>
        %dma_wait3A_89 = arith.constant 0 : i32
        %dma_wait3A_90 = arith.constant 0 : i32
        %dma_wait3A_91 = tpu.memref_slice %arg8[%dma_wait3A_89, %dma_wait3A_90] : memref<10112x8xf32, #tpu.memory_space<vmem_shared>> -> memref<10112x8xf32, #tpu.memory_space<vmem_shared>>
        tpu.wait_indirect_dma semaphore(%arg12 : memref<!tpu.dma_semaphore, #tpu.memory_space<semaphore_mem>>) src(%arg7 : memref<128x8xf32, #tpu.memory_space<vmem>>) dst(%dma_wait3A_91 : memref<10112x8xf32, #tpu.memory_space<vmem_shared>>)
      } else {
      }
      %mul3A_55 = arith.constant 4 : i32
      %mul3A_56 = arith.muli %scan3A_28, %mul3A_55 : i32
      %add3A_57 = arith.constant 2 : i32
      %add3A_58 = arith.addi %mul3A_56, %add3A_57 : i32
      %dma_start3A_59 = arith.constant 0 : i32
      %dma_start3A_60 = tpu.memref_slice %arg6[%add3A_58, %dma_start3A_59] : memref<80x128xi32, #tpu.memory_space<vmem>> -> memref<1x128xi32, #tpu.memory_space<vmem>>
      %dma_start3A_61 = tpu.memref_squeeze %dma_start3A_60 : memref<1x128xi32, #tpu.memory_space<vmem>> -> memref<128xi32, #tpu.memory_space<vmem>>
      %dma_start3A_62 = arith.constant 0 : i32
      %dma_start3A_63 = arith.constant 0 : i32
      %dma_start3A_64 = tpu.memref_slice %arg8[%dma_start3A_62, %dma_start3A_63] : memref<10112x8xf32, #tpu.memory_space<vmem_shared>> -> memref<10112x8xf32, #tpu.memory_space<vmem_shared>>
      tpu.enqueue_indirect_dma source(%arg7 : memref<128x8xf32, #tpu.memory_space<vmem>>) target(%dma_start3A_64 : memref<10112x8xf32, #tpu.memory_space<vmem_shared>>) offsets(%dma_start3A_61 : memref<128xi32, #tpu.memory_space<vmem>>) semaphore(%arg11 : memref<!tpu.dma_semaphore, #tpu.memory_space<semaphore_mem>>) {add = true}
      %ge3A_65 = arith.constant 2 : i32
      %ge3A_66 = arith.cmpi sge, %add3A_58, %ge3A_65 : i32
      %convert_element_type3A_67 = arith.extui %ge3A_66 : i1 to i32
      %cond3A_68 = arith.constant 0 : i32
      %cond3A_69 = arith.cmpi ne, %convert_element_type3A_67, %cond3A_68 : i32
      scf.if %cond3A_69 {
        %sub3A = arith.constant 2 : i32
        %sub3A_85 = arith.subi %add3A_58, %sub3A : i32
        %dma_wait3A_86 = arith.constant 0 : i32
        %dma_wait3A_87 = tpu.memref_slice %arg6[%sub3A_85, %dma_wait3A_86] : memref<80x128xi32, #tpu.memory_space<vmem>> -> memref<1x128xi32, #tpu.memory_space<vmem>>
        %dma_wait3A_88 = tpu.memref_squeeze %dma_wait3A_87 : memref<1x128xi32, #tpu.memory_space<vmem>> -> memref<128xi32, #tpu.memory_space<vmem>>
        %dma_wait3A_89 = arith.constant 0 : i32
        %dma_wait3A_90 = arith.constant 0 : i32
        %dma_wait3A_91 = tpu.memref_slice %arg8[%dma_wait3A_89, %dma_wait3A_90] : memref<10112x8xf32, #tpu.memory_space<vmem_shared>> -> memref<10112x8xf32, #tpu.memory_space<vmem_shared>>
        tpu.wait_indirect_dma semaphore(%arg9 : memref<!tpu.dma_semaphore, #tpu.memory_space<semaphore_mem>>) src(%arg7 : memref<128x8xf32, #tpu.memory_space<vmem>>) dst(%dma_wait3A_91 : memref<10112x8xf32, #tpu.memory_space<vmem_shared>>)
      } else {
      }
      %mul3A_70 = arith.constant 4 : i32
      %mul3A_71 = arith.muli %scan3A_28, %mul3A_70 : i32
      %add3A_72 = arith.constant 3 : i32
      %add3A_73 = arith.addi %mul3A_71, %add3A_72 : i32
      %dma_start3A_74 = arith.constant 0 : i32
      %dma_start3A_75 = tpu.memref_slice %arg6[%add3A_73, %dma_start3A_74] : memref<80x128xi32, #tpu.memory_space<vmem>> -> memref<1x128xi32, #tpu.memory_space<vmem>>
      %dma_start3A_76 = tpu.memref_squeeze %dma_start3A_75 : memref<1x128xi32, #tpu.memory_space<vmem>> -> memref<128xi32, #tpu.memory_space<vmem>>
      %dma_start3A_77 = arith.constant 0 : i32
      %dma_start3A_78 = arith.constant 0 : i32
      %dma_start3A_79 = tpu.memref_slice %arg8[%dma_start3A_77, %dma_start3A_78] : memref<10112x8xf32, #tpu.memory_space<vmem_shared>> -> memref<10112x8xf32, #tpu.memory_space<vmem_shared>>
      tpu.enqueue_indirect_dma source(%arg7 : memref<128x8xf32, #tpu.memory_space<vmem>>) target(%dma_start3A_79 : memref<10112x8xf32, #tpu.memory_space<vmem_shared>>) offsets(%dma_start3A_76 : memref<128xi32, #tpu.memory_space<vmem>>) semaphore(%arg12 : memref<!tpu.dma_semaphore, #tpu.memory_space<semaphore_mem>>) {add = true}
      %ge3A_80 = arith.constant 2 : i32
      %ge3A_81 = arith.cmpi sge, %add3A_73, %ge3A_80 : i32
      %convert_element_type3A_82 = arith.extui %ge3A_81 : i1 to i32
      %cond3A_83 = arith.constant 0 : i32
      %cond3A_84 = arith.cmpi ne, %convert_element_type3A_82, %cond3A_83 : i32
      scf.if %cond3A_84 {
        %sub3A = arith.constant 2 : i32
        %sub3A_85 = arith.subi %add3A_73, %sub3A : i32
        %dma_wait3A_86 = arith.constant 0 : i32
        %dma_wait3A_87 = tpu.memref_slice %arg6[%sub3A_85, %dma_wait3A_86] : memref<80x128xi32, #tpu.memory_space<vmem>> -> memref<1x128xi32, #tpu.memory_space<vmem>>
        %dma_wait3A_88 = tpu.memref_squeeze %dma_wait3A_87 : memref<1x128xi32, #tpu.memory_space<vmem>> -> memref<128xi32, #tpu.memory_space<vmem>>
        %dma_wait3A_89 = arith.constant 0 : i32
        %dma_wait3A_90 = arith.constant 0 : i32
        %dma_wait3A_91 = tpu.memref_slice %arg8[%dma_wait3A_89, %dma_wait3A_90] : memref<10112x8xf32, #tpu.memory_space<vmem_shared>> -> memref<10112x8xf32, #tpu.memory_space<vmem_shared>>
        tpu.wait_indirect_dma semaphore(%arg10 : memref<!tpu.dma_semaphore, #tpu.memory_space<semaphore_mem>>) src(%arg7 : memref<128x8xf32, #tpu.memory_space<vmem>>) dst(%dma_wait3A_91 : memref<10112x8xf32, #tpu.memory_space<vmem_shared>>)
      } else {
      }
    }
    %scan3A_9 = arith.constant 20 : i32
    %dma_wait3A = arith.constant 78 : i32
    %dma_wait3A_10 = arith.constant 0 : i32
    %dma_wait3A_11 = tpu.memref_slice %arg6[%dma_wait3A, %dma_wait3A_10] : memref<80x128xi32, #tpu.memory_space<vmem>> -> memref<1x128xi32, #tpu.memory_space<vmem>>
    %dma_wait3A_12 = tpu.memref_squeeze %dma_wait3A_11 : memref<1x128xi32, #tpu.memory_space<vmem>> -> memref<128xi32, #tpu.memory_space<vmem>>
    %dma_wait3A_13 = arith.constant 0 : i32
    %dma_wait3A_14 = arith.constant 0 : i32
    %dma_wait3A_15 = tpu.memref_slice %arg8[%dma_wait3A_13, %dma_wait3A_14] : memref<10112x8xf32, #tpu.memory_space<vmem_shared>> -> memref<10112x8xf32, #tpu.memory_space<vmem_shared>>
    tpu.wait_indirect_dma semaphore(%arg11 : memref<!tpu.dma_semaphore, #tpu.memory_space<semaphore_mem>>) src(%arg7 : memref<128x8xf32, #tpu.memory_space<vmem>>) dst(%dma_wait3A_15 : memref<10112x8xf32, #tpu.memory_space<vmem_shared>>)
    %dma_wait3A_16 = arith.constant 79 : i32
    %dma_wait3A_17 = arith.constant 0 : i32
    %dma_wait3A_18 = tpu.memref_slice %arg6[%dma_wait3A_16, %dma_wait3A_17] : memref<80x128xi32, #tpu.memory_space<vmem>> -> memref<1x128xi32, #tpu.memory_space<vmem>>
    %dma_wait3A_19 = tpu.memref_squeeze %dma_wait3A_18 : memref<1x128xi32, #tpu.memory_space<vmem>> -> memref<128xi32, #tpu.memory_space<vmem>>
    %dma_wait3A_20 = arith.constant 0 : i32
    %dma_wait3A_21 = arith.constant 0 : i32
    %dma_wait3A_22 = tpu.memref_slice %arg8[%dma_wait3A_20, %dma_wait3A_21] : memref<10112x8xf32, #tpu.memory_space<vmem_shared>> -> memref<10112x8xf32, #tpu.memory_space<vmem_shared>>
    tpu.wait_indirect_dma semaphore(%arg12 : memref<!tpu.dma_semaphore, #tpu.memory_space<semaphore_mem>>) src(%arg7 : memref<128x8xf32, #tpu.memory_space<vmem>>) dst(%dma_wait3A_22 : memref<10112x8xf32, #tpu.memory_space<vmem_shared>>)
    %barrier3A_23 = arith.constant 0 : index
    tpu.barrier barrier_id(%barrier3A_23)
    %mul3A_24 = arith.constant 632 : i32
    %mul3A_25 = arith.muli %arg1, %mul3A_24 : i32
    %mul3A_26 = arith.constant 632 : i32
    %mul3A_27 = arith.muli %arg1, %mul3A_26 : i32
    "tpu.region"() ({
      %run_scoped3A = tpu.sem_alloc : memref<!tpu.dma_semaphore, #tpu.memory_space<semaphore_mem>>
      %dma_start3A = arith.constant 0 : i32
      %dma_start3A_28 = tpu.memref_slice %arg5[%arg0, %mul3A_27, %dma_start3A] : memref<2x10112x8xf32, #tpu.memory_space<hbm>> -> memref<1x632x8xf32, #tpu.memory_space<hbm>>
      %dma_start3A_29 = tpu.memref_squeeze %dma_start3A_28 : memref<1x632x8xf32, #tpu.memory_space<hbm>> -> memref<632x8xf32, #tpu.memory_space<hbm>>
      %dma_start3A_30 = arith.constant 0 : i32
      %dma_start3A_31 = tpu.memref_slice %arg8[%mul3A_25, %dma_start3A_30] : memref<10112x8xf32, #tpu.memory_space<vmem_shared>> -> memref<632x8xf32, #tpu.memory_space<vmem_shared>>
      tpu.enqueue_dma source(%dma_start3A_31 : memref<632x8xf32, #tpu.memory_space<vmem_shared>>) target(%dma_start3A_29 : memref<632x8xf32, #tpu.memory_space<hbm>>) target_semaphore(%run_scoped3A : memref<!tpu.dma_semaphore, #tpu.memory_space<semaphore_mem>>)
      %dma_wait3A_32 = arith.constant 0 : i32
      %dma_wait3A_33 = tpu.memref_slice %arg5[%arg0, %mul3A_27, %dma_wait3A_32] : memref<2x10112x8xf32, #tpu.memory_space<hbm>> -> memref<1x632x8xf32, #tpu.memory_space<hbm>>
      %dma_wait3A_34 = tpu.memref_squeeze %dma_wait3A_33 : memref<1x632x8xf32, #tpu.memory_space<hbm>> -> memref<632x8xf32, #tpu.memory_space<hbm>>
      %dma_wait3A_35 = arith.constant 0 : i32
      %dma_wait3A_36 = tpu.memref_slice %arg8[%mul3A_25, %dma_wait3A_35] : memref<10112x8xf32, #tpu.memory_space<vmem_shared>> -> memref<632x8xf32, #tpu.memory_space<vmem_shared>>
      tpu.wait_dma2 semaphore(%run_scoped3A : memref<!tpu.dma_semaphore, #tpu.memory_space<semaphore_mem>>) src(%dma_wait3A_36 : memref<632x8xf32, #tpu.memory_space<vmem_shared>>) dst(%dma_wait3A_34 : memref<632x8xf32, #tpu.memory_space<hbm>>)
      tpu.yield
    }) : () -> ()
    return
  }
}

#map = affine_map<(d0, d1) -> (0, 0, 0)>
#map1 = affine_map<(d0, d1) -> (0, 0)>
module attributes {stable_mosaic.version = 14 : i64} {
  func.func @_sc_edge_agg(%arg0: i32, %arg1: i32, %arg2: memref<32x80x128xi32, #tpu.memory_space<hbm>>, %arg3: memref<32x80x128xi32, #tpu.memory_space<hbm>>, %arg4: memref<10000x32xf32, #tpu.memory_space<hbm>>, %arg5: memref<10112x32xf32, #tpu.memory_space<hbm>>, %arg6: memref<2x10112x32xf32, #tpu.memory_space<hbm>>, %arg7: memref<80x128xi32, #tpu.memory_space<vmem>>, %arg8: memref<80x128xi32, #tpu.memory_space<vmem>>, %arg9: memref<128x32xf32, #tpu.memory_space<vmem>>, %arg10: memref<128x32xf32, #tpu.memory_space<vmem>>, %arg11: memref<128x32xf32, #tpu.memory_space<vmem>>, %arg12: memref<128x32xf32, #tpu.memory_space<vmem>>, %arg13: memref<128x32xf32, #tpu.memory_space<vmem>>, %arg14: memref<128x32xf32, #tpu.memory_space<vmem>>, %arg15: memref<128x32xf32, #tpu.memory_space<vmem>>, %arg16: memref<128x32xf32, #tpu.memory_space<vmem>>, %arg17: memref<10112x32xf32, #tpu.memory_space<vmem_shared>>, %arg18: memref<!tpu.dma_semaphore, #tpu.memory_space<semaphore_mem>>, %arg19: memref<!tpu.dma_semaphore, #tpu.memory_space<semaphore_mem>>, %arg20: memref<!tpu.dma_semaphore, #tpu.memory_space<semaphore_mem>>, %arg21: memref<!tpu.dma_semaphore, #tpu.memory_space<semaphore_mem>>, %arg22: memref<!tpu.dma_semaphore, #tpu.memory_space<semaphore_mem>>, %arg23: memref<!tpu.dma_semaphore, #tpu.memory_space<semaphore_mem>>, %arg24: memref<!tpu.dma_semaphore, #tpu.memory_space<semaphore_mem>>, %arg25: memref<!tpu.dma_semaphore, #tpu.memory_space<semaphore_mem>>, %arg26: memref<!tpu.dma_semaphore, #tpu.memory_space<semaphore_mem>>, %arg27: memref<!tpu.dma_semaphore, #tpu.memory_space<semaphore_mem>>, %arg28: memref<!tpu.dma_semaphore, #tpu.memory_space<semaphore_mem>>, %arg29: memref<!tpu.dma_semaphore, #tpu.memory_space<semaphore_mem>>, %arg30: memref<!tpu.dma_semaphore, #tpu.memory_space<semaphore_mem>>, %arg31: memref<!tpu.dma_semaphore, #tpu.memory_space<semaphore_mem>>, %arg32: memref<!tpu.dma_semaphore, #tpu.memory_space<semaphore_mem>>, %arg33: memref<!tpu.dma_semaphore, #tpu.memory_space<semaphore_mem>>) attributes {dimension_semantics = [#tpu.dimension_semantics<core_parallel>, #tpu.dimension_semantics<subcore_parallel>], iteration_bounds = array<i64: 2, 16>, scalar_prefetch = 0 : i64, scratch_operands = 27 : i64, tpu.core_type = #tpu.core_type<sc_vector_subcore>, window_params = [{transform_indices = #map}, {transform_indices = #map}, {transform_indices = #map1}, {transform_indices = #map1}, {transform_indices = #map}]} {
    %mul3A = arith.constant 2 : i32
    %mul3A_0 = arith.muli %arg1, %mul3A : i32
    %add3A = arith.addi %mul3A_0, %arg0 : i32
    "tpu.region"() ({
      %run_scoped3A = tpu.sem_alloc : memref<!tpu.dma_semaphore, #tpu.memory_space<semaphore_mem>>
      %dma_start3A_55 = arith.constant 0 : i32
      %dma_start3A_56 = arith.constant 0 : i32
      %dma_start3A_57 = tpu.memref_slice %arg2[%add3A, %dma_start3A_55, %dma_start3A_56] : memref<32x80x128xi32, #tpu.memory_space<hbm>> -> memref<1x80x128xi32, #tpu.memory_space<hbm>>
      %dma_start3A_58 = tpu.memref_squeeze %dma_start3A_57 : memref<1x80x128xi32, #tpu.memory_space<hbm>> -> memref<80x128xi32, #tpu.memory_space<hbm>>
      %dma_start3A_59 = arith.constant 0 : i32
      %dma_start3A_60 = arith.constant 0 : i32
      %dma_start3A_61 = tpu.memref_slice %arg2[%add3A, %dma_start3A_59, %dma_start3A_60] : memref<32x80x128xi32, #tpu.memory_space<hbm>> -> memref<1x80x128xi32, #tpu.memory_space<hbm>>
      %dma_start3A_62 = tpu.memref_squeeze %dma_start3A_61 : memref<1x80x128xi32, #tpu.memory_space<hbm>> -> memref<80x128xi32, #tpu.memory_space<hbm>>
      tpu.enqueue_dma source(%dma_start3A_62 : memref<80x128xi32, #tpu.memory_space<hbm>>) target(%arg7 : memref<80x128xi32, #tpu.memory_space<vmem>>) target_semaphore(%run_scoped3A : memref<!tpu.dma_semaphore, #tpu.memory_space<semaphore_mem>>)
      %dma_wait3A_63 = arith.constant 0 : i32
      %dma_wait3A_64 = arith.constant 0 : i32
      %dma_wait3A_65 = tpu.memref_slice %arg2[%add3A, %dma_wait3A_63, %dma_wait3A_64] : memref<32x80x128xi32, #tpu.memory_space<hbm>> -> memref<1x80x128xi32, #tpu.memory_space<hbm>>
      %dma_wait3A_66 = tpu.memref_squeeze %dma_wait3A_65 : memref<1x80x128xi32, #tpu.memory_space<hbm>> -> memref<80x128xi32, #tpu.memory_space<hbm>>
      %dma_wait3A_67 = arith.constant 0 : i32
      %dma_wait3A_68 = arith.constant 0 : i32
      %dma_wait3A_69 = tpu.memref_slice %arg2[%add3A, %dma_wait3A_67, %dma_wait3A_68] : memref<32x80x128xi32, #tpu.memory_space<hbm>> -> memref<1x80x128xi32, #tpu.memory_space<hbm>>
      %dma_wait3A_70 = tpu.memref_squeeze %dma_wait3A_69 : memref<1x80x128xi32, #tpu.memory_space<hbm>> -> memref<80x128xi32, #tpu.memory_space<hbm>>
      tpu.wait_dma2 semaphore(%run_scoped3A : memref<!tpu.dma_semaphore, #tpu.memory_space<semaphore_mem>>) src(%dma_wait3A_70 : memref<80x128xi32, #tpu.memory_space<hbm>>) dst(%arg7 : memref<80x128xi32, #tpu.memory_space<vmem>>)
      tpu.yield
    }) : () -> ()
    "tpu.region"() ({
      %run_scoped3A = tpu.sem_alloc : memref<!tpu.dma_semaphore, #tpu.memory_space<semaphore_mem>>
      %dma_start3A_55 = arith.constant 0 : i32
      %dma_start3A_56 = arith.constant 0 : i32
      %dma_start3A_57 = tpu.memref_slice %arg3[%add3A, %dma_start3A_55, %dma_start3A_56] : memref<32x80x128xi32, #tpu.memory_space<hbm>> -> memref<1x80x128xi32, #tpu.memory_space<hbm>>
      %dma_start3A_58 = tpu.memref_squeeze %dma_start3A_57 : memref<1x80x128xi32, #tpu.memory_space<hbm>> -> memref<80x128xi32, #tpu.memory_space<hbm>>
      %dma_start3A_59 = arith.constant 0 : i32
      %dma_start3A_60 = arith.constant 0 : i32
      %dma_start3A_61 = tpu.memref_slice %arg3[%add3A, %dma_start3A_59, %dma_start3A_60] : memref<32x80x128xi32, #tpu.memory_space<hbm>> -> memref<1x80x128xi32, #tpu.memory_space<hbm>>
      %dma_start3A_62 = tpu.memref_squeeze %dma_start3A_61 : memref<1x80x128xi32, #tpu.memory_space<hbm>> -> memref<80x128xi32, #tpu.memory_space<hbm>>
      tpu.enqueue_dma source(%dma_start3A_62 : memref<80x128xi32, #tpu.memory_space<hbm>>) target(%arg8 : memref<80x128xi32, #tpu.memory_space<vmem>>) target_semaphore(%run_scoped3A : memref<!tpu.dma_semaphore, #tpu.memory_space<semaphore_mem>>)
      %dma_wait3A_63 = arith.constant 0 : i32
      %dma_wait3A_64 = arith.constant 0 : i32
      %dma_wait3A_65 = tpu.memref_slice %arg3[%add3A, %dma_wait3A_63, %dma_wait3A_64] : memref<32x80x128xi32, #tpu.memory_space<hbm>> -> memref<1x80x128xi32, #tpu.memory_space<hbm>>
      %dma_wait3A_66 = tpu.memref_squeeze %dma_wait3A_65 : memref<1x80x128xi32, #tpu.memory_space<hbm>> -> memref<80x128xi32, #tpu.memory_space<hbm>>
      %dma_wait3A_67 = arith.constant 0 : i32
      %dma_wait3A_68 = arith.constant 0 : i32
      %dma_wait3A_69 = tpu.memref_slice %arg3[%add3A, %dma_wait3A_67, %dma_wait3A_68] : memref<32x80x128xi32, #tpu.memory_space<hbm>> -> memref<1x80x128xi32, #tpu.memory_space<hbm>>
      %dma_wait3A_70 = tpu.memref_squeeze %dma_wait3A_69 : memref<1x80x128xi32, #tpu.memory_space<hbm>> -> memref<80x128xi32, #tpu.memory_space<hbm>>
      tpu.wait_dma2 semaphore(%run_scoped3A : memref<!tpu.dma_semaphore, #tpu.memory_space<semaphore_mem>>) src(%dma_wait3A_70 : memref<80x128xi32, #tpu.memory_space<hbm>>) dst(%arg8 : memref<80x128xi32, #tpu.memory_space<vmem>>)
      tpu.yield
    }) : () -> ()
    %mul3A_1 = arith.constant 632 : i32
    %mul3A_2 = arith.muli %arg1, %mul3A_1 : i32
    %mul3A_3 = arith.constant 632 : i32
    %mul3A_4 = arith.muli %arg1, %mul3A_3 : i32
    "tpu.region"() ({
      %run_scoped3A = tpu.sem_alloc : memref<!tpu.dma_semaphore, #tpu.memory_space<semaphore_mem>>
      %dma_start3A_55 = arith.constant 0 : i32
      %dma_start3A_56 = tpu.memref_slice %arg17[%mul3A_4, %dma_start3A_55] : memref<10112x32xf32, #tpu.memory_space<vmem_shared>> -> memref<632x32xf32, #tpu.memory_space<vmem_shared>>
      %dma_start3A_57 = arith.constant 0 : i32
      %dma_start3A_58 = tpu.memref_slice %arg5[%mul3A_2, %dma_start3A_57] : memref<10112x32xf32, #tpu.memory_space<hbm>> -> memref<632x32xf32, #tpu.memory_space<hbm>>
      tpu.enqueue_dma source(%dma_start3A_58 : memref<632x32xf32, #tpu.memory_space<hbm>>) target(%dma_start3A_56 : memref<632x32xf32, #tpu.memory_space<vmem_shared>>) target_semaphore(%run_scoped3A : memref<!tpu.dma_semaphore, #tpu.memory_space<semaphore_mem>>)
      %dma_wait3A_59 = arith.constant 0 : i32
      %dma_wait3A_60 = tpu.memref_slice %arg17[%mul3A_4, %dma_wait3A_59] : memref<10112x32xf32, #tpu.memory_space<vmem_shared>> -> memref<632x32xf32, #tpu.memory_space<vmem_shared>>
      %dma_wait3A_61 = arith.constant 0 : i32
      %dma_wait3A_62 = tpu.memref_slice %arg5[%mul3A_2, %dma_wait3A_61] : memref<10112x32xf32, #tpu.memory_space<hbm>> -> memref<632x32xf32, #tpu.memory_space<hbm>>
      tpu.wait_dma2 semaphore(%run_scoped3A : memref<!tpu.dma_semaphore, #tpu.memory_space<semaphore_mem>>) src(%dma_wait3A_62 : memref<632x32xf32, #tpu.memory_space<hbm>>) dst(%dma_wait3A_60 : memref<632x32xf32, #tpu.memory_space<vmem_shared>>)
      tpu.yield
    }) : () -> ()
    %barrier3A = arith.constant 0 : index
    tpu.barrier barrier_id(%barrier3A)
    %dma_start3A = arith.constant 0 : i32
    %dma_start3A_5 = arith.constant 0 : i32
    %dma_start3A_6 = tpu.memref_slice %arg7[%dma_start3A, %dma_start3A_5] : memref<80x128xi32, #tpu.memory_space<vmem>> -> memref<1x128xi32, #tpu.memory_space<vmem>>
    %dma_start3A_7 = tpu.memref_squeeze %dma_start3A_6 : memref<1x128xi32, #tpu.memory_space<vmem>> -> memref<128xi32, #tpu.memory_space<vmem>>
    %dma_start3A_8 = arith.constant 0 : i32
    %dma_start3A_9 = arith.constant 0 : i32
    %dma_start3A_10 = tpu.memref_slice %arg4[%dma_start3A_8, %dma_start3A_9] : memref<10000x32xf32, #tpu.memory_space<hbm>> -> memref<10000x32xf32, #tpu.memory_space<hbm>>
    tpu.enqueue_indirect_dma source(%dma_start3A_10 : memref<10000x32xf32, #tpu.memory_space<hbm>>) target(%arg9 : memref<128x32xf32, #tpu.memory_space<vmem>>) offsets(%dma_start3A_7 : memref<128xi32, #tpu.memory_space<vmem>>) semaphore(%arg18 : memref<!tpu.dma_semaphore, #tpu.memory_space<semaphore_mem>>)
    %dma_start3A_11 = arith.constant 1 : i32
    %dma_start3A_12 = arith.constant 0 : i32
    %dma_start3A_13 = tpu.memref_slice %arg7[%dma_start3A_11, %dma_start3A_12] : memref<80x128xi32, #tpu.memory_space<vmem>> -> memref<1x128xi32, #tpu.memory_space<vmem>>
    %dma_start3A_14 = tpu.memref_squeeze %dma_start3A_13 : memref<1x128xi32, #tpu.memory_space<vmem>> -> memref<128xi32, #tpu.memory_space<vmem>>
    %dma_start3A_15 = arith.constant 0 : i32
    %dma_start3A_16 = arith.constant 0 : i32
    %dma_start3A_17 = tpu.memref_slice %arg4[%dma_start3A_15, %dma_start3A_16] : memref<10000x32xf32, #tpu.memory_space<hbm>> -> memref<10000x32xf32, #tpu.memory_space<hbm>>
    tpu.enqueue_indirect_dma source(%dma_start3A_17 : memref<10000x32xf32, #tpu.memory_space<hbm>>) target(%arg10 : memref<128x32xf32, #tpu.memory_space<vmem>>) offsets(%dma_start3A_14 : memref<128xi32, #tpu.memory_space<vmem>>) semaphore(%arg19 : memref<!tpu.dma_semaphore, #tpu.memory_space<semaphore_mem>>)
    %dma_start3A_18 = arith.constant 2 : i32
    %dma_start3A_19 = arith.constant 0 : i32
    %dma_start3A_20 = tpu.memref_slice %arg7[%dma_start3A_18, %dma_start3A_19] : memref<80x128xi32, #tpu.memory_space<vmem>> -> memref<1x128xi32, #tpu.memory_space<vmem>>
    %dma_start3A_21 = tpu.memref_squeeze %dma_start3A_20 : memref<1x128xi32, #tpu.memory_space<vmem>> -> memref<128xi32, #tpu.memory_space<vmem>>
    %dma_start3A_22 = arith.constant 0 : i32
    %dma_start3A_23 = arith.constant 0 : i32
    %dma_start3A_24 = tpu.memref_slice %arg4[%dma_start3A_22, %dma_start3A_23] : memref<10000x32xf32, #tpu.memory_space<hbm>> -> memref<10000x32xf32, #tpu.memory_space<hbm>>
    tpu.enqueue_indirect_dma source(%dma_start3A_24 : memref<10000x32xf32, #tpu.memory_space<hbm>>) target(%arg11 : memref<128x32xf32, #tpu.memory_space<vmem>>) offsets(%dma_start3A_21 : memref<128xi32, #tpu.memory_space<vmem>>) semaphore(%arg20 : memref<!tpu.dma_semaphore, #tpu.memory_space<semaphore_mem>>)
    %scan3A = arith.constant 0 : i32
    %scan3A_25 = arith.constant 0 : i32
    %scan3A_26 = arith.constant 10 : i32
    %scan3A_27 = arith.addi %scan3A_25, %scan3A_26 : i32
    %scan3A_28 = arith.constant 1 : i32
    scf.for %scan3A_55 = %scan3A_25 to %scan3A_27 step %scan3A_28  : i32 {
      %mul3A_56 = arith.constant 8 : i32
      %mul3A_57 = arith.muli %scan3A_55, %mul3A_56 : i32
      %add3A_58 = arith.constant 0 : i32
      %add3A_59 = arith.addi %mul3A_57, %add3A_58 : i32
      %dma_wait3A_60 = arith.constant 0 : i32
      %dma_wait3A_61 = tpu.memref_slice %arg7[%add3A_59, %dma_wait3A_60] : memref<80x128xi32, #tpu.memory_space<vmem>> -> memref<1x128xi32, #tpu.memory_space<vmem>>
      %dma_wait3A_62 = tpu.memref_squeeze %dma_wait3A_61 : memref<1x128xi32, #tpu.memory_space<vmem>> -> memref<128xi32, #tpu.memory_space<vmem>>
      %dma_wait3A_63 = arith.constant 0 : i32
      %dma_wait3A_64 = arith.constant 0 : i32
      %dma_wait3A_65 = tpu.memref_slice %arg4[%dma_wait3A_63, %dma_wait3A_64] : memref<10000x32xf32, #tpu.memory_space<hbm>> -> memref<10000x32xf32, #tpu.memory_space<hbm>>
      tpu.wait_indirect_dma semaphore(%arg18 : memref<!tpu.dma_semaphore, #tpu.memory_space<semaphore_mem>>) src(%dma_wait3A_65 : memref<10000x32xf32, #tpu.memory_space<hbm>>) dst(%arg9 : memref<128x32xf32, #tpu.memory_space<vmem>>)
      %dma_start3A_66 = arith.constant 0 : i32
      %dma_start3A_67 = tpu.memref_slice %arg8[%add3A_59, %dma_start3A_66] : memref<80x128xi32, #tpu.memory_space<vmem>> -> memref<1x128xi32, #tpu.memory_space<vmem>>
      %dma_start3A_68 = tpu.memref_squeeze %dma_start3A_67 : memref<1x128xi32, #tpu.memory_space<vmem>> -> memref<128xi32, #tpu.memory_space<vmem>>
      %dma_start3A_69 = arith.constant 0 : i32
      %dma_start3A_70 = arith.constant 0 : i32
      %dma_start3A_71 = tpu.memref_slice %arg17[%dma_start3A_69, %dma_start3A_70] : memref<10112x32xf32, #tpu.memory_space<vmem_shared>> -> memref<10112x32xf32, #tpu.memory_space<vmem_shared>>
      tpu.enqueue_indirect_dma source(%arg9 : memref<128x32xf32, #tpu.memory_space<vmem>>) target(%dma_start3A_71 : memref<10112x32xf32, #tpu.memory_space<vmem_shared>>) offsets(%dma_start3A_68 : memref<128xi32, #tpu.memory_space<vmem>>) semaphore(%arg26 : memref<!tpu.dma_semaphore, #tpu.memory_space<semaphore_mem>>) {add = true}
      %ge3A = arith.constant 3 : i32
      %ge3A_72 = arith.cmpi sge, %add3A_59, %ge3A : i32
      %convert_element_type3A = arith.extui %ge3A_72 : i1 to i32
      %cond3A = arith.constant 0 : i32
      %cond3A_73 = arith.cmpi ne, %convert_element_type3A, %cond3A : i32
      scf.if %cond3A_73 {
        %sub3A = arith.constant 3 : i32
        %sub3A_276 = arith.subi %add3A_59, %sub3A : i32
        %dma_wait3A_277 = arith.constant 0 : i32
        %dma_wait3A_278 = tpu.memref_slice %arg8[%sub3A_276, %dma_wait3A_277] : memref<80x128xi32, #tpu.memory_space<vmem>> -> memref<1x128xi32, #tpu.memory_space<vmem>>
        %dma_wait3A_279 = tpu.memref_squeeze %dma_wait3A_278 : memref<1x128xi32, #tpu.memory_space<vmem>> -> memref<128xi32, #tpu.memory_space<vmem>>
        %dma_wait3A_280 = arith.constant 0 : i32
        %dma_wait3A_281 = arith.constant 0 : i32
        %dma_wait3A_282 = tpu.memref_slice %arg17[%dma_wait3A_280, %dma_wait3A_281] : memref<10112x32xf32, #tpu.memory_space<vmem_shared>> -> memref<10112x32xf32, #tpu.memory_space<vmem_shared>>
        tpu.wait_indirect_dma semaphore(%arg31 : memref<!tpu.dma_semaphore, #tpu.memory_space<semaphore_mem>>) src(%arg14 : memref<128x32xf32, #tpu.memory_space<vmem>>) dst(%dma_wait3A_282 : memref<10112x32xf32, #tpu.memory_space<vmem_shared>>)
      } else {
      }
      %add3A_74 = arith.constant 3 : i32
      %add3A_75 = arith.addi %add3A_59, %add3A_74 : i32
      %lt3A = arith.constant 80 : i32
      %lt3A_76 = arith.cmpi slt, %add3A_75, %lt3A : i32
      %convert_element_type3A_77 = arith.extui %lt3A_76 : i1 to i32
      %cond3A_78 = arith.constant 0 : i32
      %cond3A_79 = arith.cmpi ne, %convert_element_type3A_77, %cond3A_78 : i32
      scf.if %cond3A_79 {
        %add3A_276 = arith.constant 3 : i32
        %add3A_277 = arith.addi %add3A_59, %add3A_276 : i32
        %dma_start3A_278 = arith.constant 0 : i32
        %dma_start3A_279 = tpu.memref_slice %arg7[%add3A_277, %dma_start3A_278] : memref<80x128xi32, #tpu.memory_space<vmem>> -> memref<1x128xi32, #tpu.memory_space<vmem>>
        %dma_start3A_280 = tpu.memref_squeeze %dma_start3A_279 : memref<1x128xi32, #tpu.memory_space<vmem>> -> memref<128xi32, #tpu.memory_space<vmem>>
        %dma_start3A_281 = arith.constant 0 : i32
        %dma_start3A_282 = arith.constant 0 : i32
        %dma_start3A_283 = tpu.memref_slice %arg4[%dma_start3A_281, %dma_start3A_282] : memref<10000x32xf32, #tpu.memory_space<hbm>> -> memref<10000x32xf32, #tpu.memory_space<hbm>>
        tpu.enqueue_indirect_dma source(%dma_start3A_283 : memref<10000x32xf32, #tpu.memory_space<hbm>>) target(%arg12 : memref<128x32xf32, #tpu.memory_space<vmem>>) offsets(%dma_start3A_280 : memref<128xi32, #tpu.memory_space<vmem>>) semaphore(%arg21 : memref<!tpu.dma_semaphore, #tpu.memory_space<semaphore_mem>>)
      } else {
      }
      %mul3A_80 = arith.constant 8 : i32
      %mul3A_81 = arith.muli %scan3A_55, %mul3A_80 : i32
      %add3A_82 = arith.constant 1 : i32
      %add3A_83 = arith.addi %mul3A_81, %add3A_82 : i32
      %dma_wait3A_84 = arith.constant 0 : i32
      %dma_wait3A_85 = tpu.memref_slice %arg7[%add3A_83, %dma_wait3A_84] : memref<80x128xi32, #tpu.memory_space<vmem>> -> memref<1x128xi32, #tpu.memory_space<vmem>>
      %dma_wait3A_86 = tpu.memref_squeeze %dma_wait3A_85 : memref<1x128xi32, #tpu.memory_space<vmem>> -> memref<128xi32, #tpu.memory_space<vmem>>
      %dma_wait3A_87 = arith.constant 0 : i32
      %dma_wait3A_88 = arith.constant 0 : i32
      %dma_wait3A_89 = tpu.memref_slice %arg4[%dma_wait3A_87, %dma_wait3A_88] : memref<10000x32xf32, #tpu.memory_space<hbm>> -> memref<10000x32xf32, #tpu.memory_space<hbm>>
      tpu.wait_indirect_dma semaphore(%arg19 : memref<!tpu.dma_semaphore, #tpu.memory_space<semaphore_mem>>) src(%dma_wait3A_89 : memref<10000x32xf32, #tpu.memory_space<hbm>>) dst(%arg10 : memref<128x32xf32, #tpu.memory_space<vmem>>)
      %dma_start3A_90 = arith.constant 0 : i32
      %dma_start3A_91 = tpu.memref_slice %arg8[%add3A_83, %dma_start3A_90] : memref<80x128xi32, #tpu.memory_space<vmem>> -> memref<1x128xi32, #tpu.memory_space<vmem>>
      %dma_start3A_92 = tpu.memref_squeeze %dma_start3A_91 : memref<1x128xi32, #tpu.memory_space<vmem>> -> memref<128xi32, #tpu.memory_space<vmem>>
      %dma_start3A_93 = arith.constant 0 : i32
      %dma_start3A_94 = arith.constant 0 : i32
      %dma_start3A_95 = tpu.memref_slice %arg17[%dma_start3A_93, %dma_start3A_94] : memref<10112x32xf32, #tpu.memory_space<vmem_shared>> -> memref<10112x32xf32, #tpu.memory_space<vmem_shared>>
      tpu.enqueue_indirect_dma source(%arg10 : memref<128x32xf32, #tpu.memory_space<vmem>>) target(%dma_start3A_95 : memref<10112x32xf32, #tpu.memory_space<vmem_shared>>) offsets(%dma_start3A_92 : memref<128xi32, #tpu.memory_space<vmem>>) semaphore(%arg27 : memref<!tpu.dma_semaphore, #tpu.memory_space<semaphore_mem>>) {add = true}
      %ge3A_96 = arith.constant 3 : i32
      %ge3A_97 = arith.cmpi sge, %add3A_83, %ge3A_96 : i32
      %convert_element_type3A_98 = arith.extui %ge3A_97 : i1 to i32
      %cond3A_99 = arith.constant 0 : i32
      %cond3A_100 = arith.cmpi ne, %convert_element_type3A_98, %cond3A_99 : i32
      scf.if %cond3A_100 {
        %sub3A = arith.constant 3 : i32
        %sub3A_276 = arith.subi %add3A_83, %sub3A : i32
        %dma_wait3A_277 = arith.constant 0 : i32
        %dma_wait3A_278 = tpu.memref_slice %arg8[%sub3A_276, %dma_wait3A_277] : memref<80x128xi32, #tpu.memory_space<vmem>> -> memref<1x128xi32, #tpu.memory_space<vmem>>
        %dma_wait3A_279 = tpu.memref_squeeze %dma_wait3A_278 : memref<1x128xi32, #tpu.memory_space<vmem>> -> memref<128xi32, #tpu.memory_space<vmem>>
        %dma_wait3A_280 = arith.constant 0 : i32
        %dma_wait3A_281 = arith.constant 0 : i32
        %dma_wait3A_282 = tpu.memref_slice %arg17[%dma_wait3A_280, %dma_wait3A_281] : memref<10112x32xf32, #tpu.memory_space<vmem_shared>> -> memref<10112x32xf32, #tpu.memory_space<vmem_shared>>
        tpu.wait_indirect_dma semaphore(%arg32 : memref<!tpu.dma_semaphore, #tpu.memory_space<semaphore_mem>>) src(%arg15 : memref<128x32xf32, #tpu.memory_space<vmem>>) dst(%dma_wait3A_282 : memref<10112x32xf32, #tpu.memory_space<vmem_shared>>)
      } else {
      }
      %add3A_101 = arith.constant 3 : i32
      %add3A_102 = arith.addi %add3A_83, %add3A_101 : i32
      %lt3A_103 = arith.constant 80 : i32
      %lt3A_104 = arith.cmpi slt, %add3A_102, %lt3A_103 : i32
      %convert_element_type3A_105 = arith.extui %lt3A_104 : i1 to i32
      %cond3A_106 = arith.constant 0 : i32
      %cond3A_107 = arith.cmpi ne, %convert_element_type3A_105, %cond3A_106 : i32
      scf.if %cond3A_107 {
        %add3A_276 = arith.constant 3 : i32
        %add3A_277 = arith.addi %add3A_83, %add3A_276 : i32
        %dma_start3A_278 = arith.constant 0 : i32
        %dma_start3A_279 = tpu.memref_slice %arg7[%add3A_277, %dma_start3A_278] : memref<80x128xi32, #tpu.memory_space<vmem>> -> memref<1x128xi32, #tpu.memory_space<vmem>>
        %dma_start3A_280 = tpu.memref_squeeze %dma_start3A_279 : memref<1x128xi32, #tpu.memory_space<vmem>> -> memref<128xi32, #tpu.memory_space<vmem>>
        %dma_start3A_281 = arith.constant 0 : i32
        %dma_start3A_282 = arith.constant 0 : i32
        %dma_start3A_283 = tpu.memref_slice %arg4[%dma_start3A_281, %dma_start3A_282] : memref<10000x32xf32, #tpu.memory_space<hbm>> -> memref<10000x32xf32, #tpu.memory_space<hbm>>
        tpu.enqueue_indirect_dma source(%dma_start3A_283 : memref<10000x32xf32, #tpu.memory_space<hbm>>) target(%arg13 : memref<128x32xf32, #tpu.memory_space<vmem>>) offsets(%dma_start3A_280 : memref<128xi32, #tpu.memory_space<vmem>>) semaphore(%arg22 : memref<!tpu.dma_semaphore, #tpu.memory_space<semaphore_mem>>)
      } else {
      }
      %mul3A_108 = arith.constant 8 : i32
      %mul3A_109 = arith.muli %scan3A_55, %mul3A_108 : i32
      %add3A_110 = arith.constant 2 : i32
      %add3A_111 = arith.addi %mul3A_109, %add3A_110 : i32
      %dma_wait3A_112 = arith.constant 0 : i32
      %dma_wait3A_113 = tpu.memref_slice %arg7[%add3A_111, %dma_wait3A_112] : memref<80x128xi32, #tpu.memory_space<vmem>> -> memref<1x128xi32, #tpu.memory_space<vmem>>
      %dma_wait3A_114 = tpu.memref_squeeze %dma_wait3A_113 : memref<1x128xi32, #tpu.memory_space<vmem>> -> memref<128xi32, #tpu.memory_space<vmem>>
      %dma_wait3A_115 = arith.constant 0 : i32
      %dma_wait3A_116 = arith.constant 0 : i32
      %dma_wait3A_117 = tpu.memref_slice %arg4[%dma_wait3A_115, %dma_wait3A_116] : memref<10000x32xf32, #tpu.memory_space<hbm>> -> memref<10000x32xf32, #tpu.memory_space<hbm>>
      tpu.wait_indirect_dma semaphore(%arg20 : memref<!tpu.dma_semaphore, #tpu.memory_space<semaphore_mem>>) src(%dma_wait3A_117 : memref<10000x32xf32, #tpu.memory_space<hbm>>) dst(%arg11 : memref<128x32xf32, #tpu.memory_space<vmem>>)
      %dma_start3A_118 = arith.constant 0 : i32
      %dma_start3A_119 = tpu.memref_slice %arg8[%add3A_111, %dma_start3A_118] : memref<80x128xi32, #tpu.memory_space<vmem>> -> memref<1x128xi32, #tpu.memory_space<vmem>>
      %dma_start3A_120 = tpu.memref_squeeze %dma_start3A_119 : memref<1x128xi32, #tpu.memory_space<vmem>> -> memref<128xi32, #tpu.memory_space<vmem>>
      %dma_start3A_121 = arith.constant 0 : i32
      %dma_start3A_122 = arith.constant 0 : i32
      %dma_start3A_123 = tpu.memref_slice %arg17[%dma_start3A_121, %dma_start3A_122] : memref<10112x32xf32, #tpu.memory_space<vmem_shared>> -> memref<10112x32xf32, #tpu.memory_space<vmem_shared>>
      tpu.enqueue_indirect_dma source(%arg11 : memref<128x32xf32, #tpu.memory_space<vmem>>) target(%dma_start3A_123 : memref<10112x32xf32, #tpu.memory_space<vmem_shared>>) offsets(%dma_start3A_120 : memref<128xi32, #tpu.memory_space<vmem>>) semaphore(%arg28 : memref<!tpu.dma_semaphore, #tpu.memory_space<semaphore_mem>>) {add = true}
      %ge3A_124 = arith.constant 3 : i32
      %ge3A_125 = arith.cmpi sge, %add3A_111, %ge3A_124 : i32
      %convert_element_type3A_126 = arith.extui %ge3A_125 : i1 to i32
      %cond3A_127 = arith.constant 0 : i32
      %cond3A_128 = arith.cmpi ne, %convert_element_type3A_126, %cond3A_127 : i32
      scf.if %cond3A_128 {
        %sub3A = arith.constant 3 : i32
        %sub3A_276 = arith.subi %add3A_111, %sub3A : i32
        %dma_wait3A_277 = arith.constant 0 : i32
        %dma_wait3A_278 = tpu.memref_slice %arg8[%sub3A_276, %dma_wait3A_277] : memref<80x128xi32, #tpu.memory_space<vmem>> -> memref<1x128xi32, #tpu.memory_space<vmem>>
        %dma_wait3A_279 = tpu.memref_squeeze %dma_wait3A_278 : memref<1x128xi32, #tpu.memory_space<vmem>> -> memref<128xi32, #tpu.memory_space<vmem>>
        %dma_wait3A_280 = arith.constant 0 : i32
        %dma_wait3A_281 = arith.constant 0 : i32
        %dma_wait3A_282 = tpu.memref_slice %arg17[%dma_wait3A_280, %dma_wait3A_281] : memref<10112x32xf32, #tpu.memory_space<vmem_shared>> -> memref<10112x32xf32, #tpu.memory_space<vmem_shared>>
        tpu.wait_indirect_dma semaphore(%arg33 : memref<!tpu.dma_semaphore, #tpu.memory_space<semaphore_mem>>) src(%arg16 : memref<128x32xf32, #tpu.memory_space<vmem>>) dst(%dma_wait3A_282 : memref<10112x32xf32, #tpu.memory_space<vmem_shared>>)
      } else {
      }
      %add3A_129 = arith.constant 3 : i32
      %add3A_130 = arith.addi %add3A_111, %add3A_129 : i32
      %lt3A_131 = arith.constant 80 : i32
      %lt3A_132 = arith.cmpi slt, %add3A_130, %lt3A_131 : i32
      %convert_element_type3A_133 = arith.extui %lt3A_132 : i1 to i32
      %cond3A_134 = arith.constant 0 : i32
      %cond3A_135 = arith.cmpi ne, %convert_element_type3A_133, %cond3A_134 : i32
      scf.if %cond3A_135 {
        %add3A_276 = arith.constant 3 : i32
        %add3A_277 = arith.addi %add3A_111, %add3A_276 : i32
        %dma_start3A_278 = arith.constant 0 : i32
        %dma_start3A_279 = tpu.memref_slice %arg7[%add3A_277, %dma_start3A_278] : memref<80x128xi32, #tpu.memory_space<vmem>> -> memref<1x128xi32, #tpu.memory_space<vmem>>
        %dma_start3A_280 = tpu.memref_squeeze %dma_start3A_279 : memref<1x128xi32, #tpu.memory_space<vmem>> -> memref<128xi32, #tpu.memory_space<vmem>>
        %dma_start3A_281 = arith.constant 0 : i32
        %dma_start3A_282 = arith.constant 0 : i32
        %dma_start3A_283 = tpu.memref_slice %arg4[%dma_start3A_281, %dma_start3A_282] : memref<10000x32xf32, #tpu.memory_space<hbm>> -> memref<10000x32xf32, #tpu.memory_space<hbm>>
        tpu.enqueue_indirect_dma source(%dma_start3A_283 : memref<10000x32xf32, #tpu.memory_space<hbm>>) target(%arg14 : memref<128x32xf32, #tpu.memory_space<vmem>>) offsets(%dma_start3A_280 : memref<128xi32, #tpu.memory_space<vmem>>) semaphore(%arg23 : memref<!tpu.dma_semaphore, #tpu.memory_space<semaphore_mem>>)
      } else {
      }
      %mul3A_136 = arith.constant 8 : i32
      %mul3A_137 = arith.muli %scan3A_55, %mul3A_136 : i32
      %add3A_138 = arith.constant 3 : i32
      %add3A_139 = arith.addi %mul3A_137, %add3A_138 : i32
      %dma_wait3A_140 = arith.constant 0 : i32
      %dma_wait3A_141 = tpu.memref_slice %arg7[%add3A_139, %dma_wait3A_140] : memref<80x128xi32, #tpu.memory_space<vmem>> -> memref<1x128xi32, #tpu.memory_space<vmem>>
      %dma_wait3A_142 = tpu.memref_squeeze %dma_wait3A_141 : memref<1x128xi32, #tpu.memory_space<vmem>> -> memref<128xi32, #tpu.memory_space<vmem>>
      %dma_wait3A_143 = arith.constant 0 : i32
      %dma_wait3A_144 = arith.constant 0 : i32
      %dma_wait3A_145 = tpu.memref_slice %arg4[%dma_wait3A_143, %dma_wait3A_144] : memref<10000x32xf32, #tpu.memory_space<hbm>> -> memref<10000x32xf32, #tpu.memory_space<hbm>>
      tpu.wait_indirect_dma semaphore(%arg21 : memref<!tpu.dma_semaphore, #tpu.memory_space<semaphore_mem>>) src(%dma_wait3A_145 : memref<10000x32xf32, #tpu.memory_space<hbm>>) dst(%arg12 : memref<128x32xf32, #tpu.memory_space<vmem>>)
      %dma_start3A_146 = arith.constant 0 : i32
      %dma_start3A_147 = tpu.memref_slice %arg8[%add3A_139, %dma_start3A_146] : memref<80x128xi32, #tpu.memory_space<vmem>> -> memref<1x128xi32, #tpu.memory_space<vmem>>
      %dma_start3A_148 = tpu.memref_squeeze %dma_start3A_147 : memref<1x128xi32, #tpu.memory_space<vmem>> -> memref<128xi32, #tpu.memory_space<vmem>>
      %dma_start3A_149 = arith.constant 0 : i32
      %dma_start3A_150 = arith.constant 0 : i32
      %dma_start3A_151 = tpu.memref_slice %arg17[%dma_start3A_149, %dma_start3A_150] : memref<10112x32xf32, #tpu.memory_space<vmem_shared>> -> memref<10112x32xf32, #tpu.memory_space<vmem_shared>>
      tpu.enqueue_indirect_dma source(%arg12 : memref<128x32xf32, #tpu.memory_space<vmem>>) target(%dma_start3A_151 : memref<10112x32xf32, #tpu.memory_space<vmem_shared>>) offsets(%dma_start3A_148 : memref<128xi32, #tpu.memory_space<vmem>>) semaphore(%arg29 : memref<!tpu.dma_semaphore, #tpu.memory_space<semaphore_mem>>) {add = true}
      %ge3A_152 = arith.constant 3 : i32
      %ge3A_153 = arith.cmpi sge, %add3A_139, %ge3A_152 : i32
      %convert_element_type3A_154 = arith.extui %ge3A_153 : i1 to i32
      %cond3A_155 = arith.constant 0 : i32
      %cond3A_156 = arith.cmpi ne, %convert_element_type3A_154, %cond3A_155 : i32
      scf.if %cond3A_156 {
        %sub3A = arith.constant 3 : i32
        %sub3A_276 = arith.subi %add3A_139, %sub3A : i32
        %dma_wait3A_277 = arith.constant 0 : i32
        %dma_wait3A_278 = tpu.memref_slice %arg8[%sub3A_276, %dma_wait3A_277] : memref<80x128xi32, #tpu.memory_space<vmem>> -> memref<1x128xi32, #tpu.memory_space<vmem>>
        %dma_wait3A_279 = tpu.memref_squeeze %dma_wait3A_278 : memref<1x128xi32, #tpu.memory_space<vmem>> -> memref<128xi32, #tpu.memory_space<vmem>>
        %dma_wait3A_280 = arith.constant 0 : i32
        %dma_wait3A_281 = arith.constant 0 : i32
        %dma_wait3A_282 = tpu.memref_slice %arg17[%dma_wait3A_280, %dma_wait3A_281] : memref<10112x32xf32, #tpu.memory_space<vmem_shared>> -> memref<10112x32xf32, #tpu.memory_space<vmem_shared>>
        tpu.wait_indirect_dma semaphore(%arg26 : memref<!tpu.dma_semaphore, #tpu.memory_space<semaphore_mem>>) src(%arg9 : memref<128x32xf32, #tpu.memory_space<vmem>>) dst(%dma_wait3A_282 : memref<10112x32xf32, #tpu.memory_space<vmem_shared>>)
      } else {
      }
      %add3A_157 = arith.constant 3 : i32
      %add3A_158 = arith.addi %add3A_139, %add3A_157 : i32
      %lt3A_159 = arith.constant 80 : i32
      %lt3A_160 = arith.cmpi slt, %add3A_158, %lt3A_159 : i32
      %convert_element_type3A_161 = arith.extui %lt3A_160 : i1 to i32
      %cond3A_162 = arith.constant 0 : i32
      %cond3A_163 = arith.cmpi ne, %convert_element_type3A_161, %cond3A_162 : i32
      scf.if %cond3A_163 {
        %add3A_276 = arith.constant 3 : i32
        %add3A_277 = arith.addi %add3A_139, %add3A_276 : i32
        %dma_start3A_278 = arith.constant 0 : i32
        %dma_start3A_279 = tpu.memref_slice %arg7[%add3A_277, %dma_start3A_278] : memref<80x128xi32, #tpu.memory_space<vmem>> -> memref<1x128xi32, #tpu.memory_space<vmem>>
        %dma_start3A_280 = tpu.memref_squeeze %dma_start3A_279 : memref<1x128xi32, #tpu.memory_space<vmem>> -> memref<128xi32, #tpu.memory_space<vmem>>
        %dma_start3A_281 = arith.constant 0 : i32
        %dma_start3A_282 = arith.constant 0 : i32
        %dma_start3A_283 = tpu.memref_slice %arg4[%dma_start3A_281, %dma_start3A_282] : memref<10000x32xf32, #tpu.memory_space<hbm>> -> memref<10000x32xf32, #tpu.memory_space<hbm>>
        tpu.enqueue_indirect_dma source(%dma_start3A_283 : memref<10000x32xf32, #tpu.memory_space<hbm>>) target(%arg15 : memref<128x32xf32, #tpu.memory_space<vmem>>) offsets(%dma_start3A_280 : memref<128xi32, #tpu.memory_space<vmem>>) semaphore(%arg24 : memref<!tpu.dma_semaphore, #tpu.memory_space<semaphore_mem>>)
      } else {
      }
      %mul3A_164 = arith.constant 8 : i32
      %mul3A_165 = arith.muli %scan3A_55, %mul3A_164 : i32
      %add3A_166 = arith.constant 4 : i32
      %add3A_167 = arith.addi %mul3A_165, %add3A_166 : i32
      %dma_wait3A_168 = arith.constant 0 : i32
      %dma_wait3A_169 = tpu.memref_slice %arg7[%add3A_167, %dma_wait3A_168] : memref<80x128xi32, #tpu.memory_space<vmem>> -> memref<1x128xi32, #tpu.memory_space<vmem>>
      %dma_wait3A_170 = tpu.memref_squeeze %dma_wait3A_169 : memref<1x128xi32, #tpu.memory_space<vmem>> -> memref<128xi32, #tpu.memory_space<vmem>>
      %dma_wait3A_171 = arith.constant 0 : i32
      %dma_wait3A_172 = arith.constant 0 : i32
      %dma_wait3A_173 = tpu.memref_slice %arg4[%dma_wait3A_171, %dma_wait3A_172] : memref<10000x32xf32, #tpu.memory_space<hbm>> -> memref<10000x32xf32, #tpu.memory_space<hbm>>
      tpu.wait_indirect_dma semaphore(%arg22 : memref<!tpu.dma_semaphore, #tpu.memory_space<semaphore_mem>>) src(%dma_wait3A_173 : memref<10000x32xf32, #tpu.memory_space<hbm>>) dst(%arg13 : memref<128x32xf32, #tpu.memory_space<vmem>>)
      %dma_start3A_174 = arith.constant 0 : i32
      %dma_start3A_175 = tpu.memref_slice %arg8[%add3A_167, %dma_start3A_174] : memref<80x128xi32, #tpu.memory_space<vmem>> -> memref<1x128xi32, #tpu.memory_space<vmem>>
      %dma_start3A_176 = tpu.memref_squeeze %dma_start3A_175 : memref<1x128xi32, #tpu.memory_space<vmem>> -> memref<128xi32, #tpu.memory_space<vmem>>
      %dma_start3A_177 = arith.constant 0 : i32
      %dma_start3A_178 = arith.constant 0 : i32
      %dma_start3A_179 = tpu.memref_slice %arg17[%dma_start3A_177, %dma_start3A_178] : memref<10112x32xf32, #tpu.memory_space<vmem_shared>> -> memref<10112x32xf32, #tpu.memory_space<vmem_shared>>
      tpu.enqueue_indirect_dma source(%arg13 : memref<128x32xf32, #tpu.memory_space<vmem>>) target(%dma_start3A_179 : memref<10112x32xf32, #tpu.memory_space<vmem_shared>>) offsets(%dma_start3A_176 : memref<128xi32, #tpu.memory_space<vmem>>) semaphore(%arg30 : memref<!tpu.dma_semaphore, #tpu.memory_space<semaphore_mem>>) {add = true}
      %ge3A_180 = arith.constant 3 : i32
      %ge3A_181 = arith.cmpi sge, %add3A_167, %ge3A_180 : i32
      %convert_element_type3A_182 = arith.extui %ge3A_181 : i1 to i32
      %cond3A_183 = arith.constant 0 : i32
      %cond3A_184 = arith.cmpi ne, %convert_element_type3A_182, %cond3A_183 : i32
      scf.if %cond3A_184 {
        %sub3A = arith.constant 3 : i32
        %sub3A_276 = arith.subi %add3A_167, %sub3A : i32
        %dma_wait3A_277 = arith.constant 0 : i32
        %dma_wait3A_278 = tpu.memref_slice %arg8[%sub3A_276, %dma_wait3A_277] : memref<80x128xi32, #tpu.memory_space<vmem>> -> memref<1x128xi32, #tpu.memory_space<vmem>>
        %dma_wait3A_279 = tpu.memref_squeeze %dma_wait3A_278 : memref<1x128xi32, #tpu.memory_space<vmem>> -> memref<128xi32, #tpu.memory_space<vmem>>
        %dma_wait3A_280 = arith.constant 0 : i32
        %dma_wait3A_281 = arith.constant 0 : i32
        %dma_wait3A_282 = tpu.memref_slice %arg17[%dma_wait3A_280, %dma_wait3A_281] : memref<10112x32xf32, #tpu.memory_space<vmem_shared>> -> memref<10112x32xf32, #tpu.memory_space<vmem_shared>>
        tpu.wait_indirect_dma semaphore(%arg27 : memref<!tpu.dma_semaphore, #tpu.memory_space<semaphore_mem>>) src(%arg10 : memref<128x32xf32, #tpu.memory_space<vmem>>) dst(%dma_wait3A_282 : memref<10112x32xf32, #tpu.memory_space<vmem_shared>>)
      } else {
      }
      %add3A_185 = arith.constant 3 : i32
      %add3A_186 = arith.addi %add3A_167, %add3A_185 : i32
      %lt3A_187 = arith.constant 80 : i32
      %lt3A_188 = arith.cmpi slt, %add3A_186, %lt3A_187 : i32
      %convert_element_type3A_189 = arith.extui %lt3A_188 : i1 to i32
      %cond3A_190 = arith.constant 0 : i32
      %cond3A_191 = arith.cmpi ne, %convert_element_type3A_189, %cond3A_190 : i32
      scf.if %cond3A_191 {
        %add3A_276 = arith.constant 3 : i32
        %add3A_277 = arith.addi %add3A_167, %add3A_276 : i32
        %dma_start3A_278 = arith.constant 0 : i32
        %dma_start3A_279 = tpu.memref_slice %arg7[%add3A_277, %dma_start3A_278] : memref<80x128xi32, #tpu.memory_space<vmem>> -> memref<1x128xi32, #tpu.memory_space<vmem>>
        %dma_start3A_280 = tpu.memref_squeeze %dma_start3A_279 : memref<1x128xi32, #tpu.memory_space<vmem>> -> memref<128xi32, #tpu.memory_space<vmem>>
        %dma_start3A_281 = arith.constant 0 : i32
        %dma_start3A_282 = arith.constant 0 : i32
        %dma_start3A_283 = tpu.memref_slice %arg4[%dma_start3A_281, %dma_start3A_282] : memref<10000x32xf32, #tpu.memory_space<hbm>> -> memref<10000x32xf32, #tpu.memory_space<hbm>>
        tpu.enqueue_indirect_dma source(%dma_start3A_283 : memref<10000x32xf32, #tpu.memory_space<hbm>>) target(%arg16 : memref<128x32xf32, #tpu.memory_space<vmem>>) offsets(%dma_start3A_280 : memref<128xi32, #tpu.memory_space<vmem>>) semaphore(%arg25 : memref<!tpu.dma_semaphore, #tpu.memory_space<semaphore_mem>>)
      } else {
      }
      %mul3A_192 = arith.constant 8 : i32
      %mul3A_193 = arith.muli %scan3A_55, %mul3A_192 : i32
      %add3A_194 = arith.constant 5 : i32
      %add3A_195 = arith.addi %mul3A_193, %add3A_194 : i32
      %dma_wait3A_196 = arith.constant 0 : i32
      %dma_wait3A_197 = tpu.memref_slice %arg7[%add3A_195, %dma_wait3A_196] : memref<80x128xi32, #tpu.memory_space<vmem>> -> memref<1x128xi32, #tpu.memory_space<vmem>>
      %dma_wait3A_198 = tpu.memref_squeeze %dma_wait3A_197 : memref<1x128xi32, #tpu.memory_space<vmem>> -> memref<128xi32, #tpu.memory_space<vmem>>
      %dma_wait3A_199 = arith.constant 0 : i32
      %dma_wait3A_200 = arith.constant 0 : i32
      %dma_wait3A_201 = tpu.memref_slice %arg4[%dma_wait3A_199, %dma_wait3A_200] : memref<10000x32xf32, #tpu.memory_space<hbm>> -> memref<10000x32xf32, #tpu.memory_space<hbm>>
      tpu.wait_indirect_dma semaphore(%arg23 : memref<!tpu.dma_semaphore, #tpu.memory_space<semaphore_mem>>) src(%dma_wait3A_201 : memref<10000x32xf32, #tpu.memory_space<hbm>>) dst(%arg14 : memref<128x32xf32, #tpu.memory_space<vmem>>)
      %dma_start3A_202 = arith.constant 0 : i32
      %dma_start3A_203 = tpu.memref_slice %arg8[%add3A_195, %dma_start3A_202] : memref<80x128xi32, #tpu.memory_space<vmem>> -> memref<1x128xi32, #tpu.memory_space<vmem>>
      %dma_start3A_204 = tpu.memref_squeeze %dma_start3A_203 : memref<1x128xi32, #tpu.memory_space<vmem>> -> memref<128xi32, #tpu.memory_space<vmem>>
      %dma_start3A_205 = arith.constant 0 : i32
      %dma_start3A_206 = arith.constant 0 : i32
      %dma_start3A_207 = tpu.memref_slice %arg17[%dma_start3A_205, %dma_start3A_206] : memref<10112x32xf32, #tpu.memory_space<vmem_shared>> -> memref<10112x32xf32, #tpu.memory_space<vmem_shared>>
      tpu.enqueue_indirect_dma source(%arg14 : memref<128x32xf32, #tpu.memory_space<vmem>>) target(%dma_start3A_207 : memref<10112x32xf32, #tpu.memory_space<vmem_shared>>) offsets(%dma_start3A_204 : memref<128xi32, #tpu.memory_space<vmem>>) semaphore(%arg31 : memref<!tpu.dma_semaphore, #tpu.memory_space<semaphore_mem>>) {add = true}
      %ge3A_208 = arith.constant 3 : i32
      %ge3A_209 = arith.cmpi sge, %add3A_195, %ge3A_208 : i32
      %convert_element_type3A_210 = arith.extui %ge3A_209 : i1 to i32
      %cond3A_211 = arith.constant 0 : i32
      %cond3A_212 = arith.cmpi ne, %convert_element_type3A_210, %cond3A_211 : i32
      scf.if %cond3A_212 {
        %sub3A = arith.constant 3 : i32
        %sub3A_276 = arith.subi %add3A_195, %sub3A : i32
        %dma_wait3A_277 = arith.constant 0 : i32
        %dma_wait3A_278 = tpu.memref_slice %arg8[%sub3A_276, %dma_wait3A_277] : memref<80x128xi32, #tpu.memory_space<vmem>> -> memref<1x128xi32, #tpu.memory_space<vmem>>
        %dma_wait3A_279 = tpu.memref_squeeze %dma_wait3A_278 : memref<1x128xi32, #tpu.memory_space<vmem>> -> memref<128xi32, #tpu.memory_space<vmem>>
        %dma_wait3A_280 = arith.constant 0 : i32
        %dma_wait3A_281 = arith.constant 0 : i32
        %dma_wait3A_282 = tpu.memref_slice %arg17[%dma_wait3A_280, %dma_wait3A_281] : memref<10112x32xf32, #tpu.memory_space<vmem_shared>> -> memref<10112x32xf32, #tpu.memory_space<vmem_shared>>
        tpu.wait_indirect_dma semaphore(%arg28 : memref<!tpu.dma_semaphore, #tpu.memory_space<semaphore_mem>>) src(%arg11 : memref<128x32xf32, #tpu.memory_space<vmem>>) dst(%dma_wait3A_282 : memref<10112x32xf32, #tpu.memory_space<vmem_shared>>)
      } else {
      }
      %add3A_213 = arith.constant 3 : i32
      %add3A_214 = arith.addi %add3A_195, %add3A_213 : i32
      %lt3A_215 = arith.constant 80 : i32
      %lt3A_216 = arith.cmpi slt, %add3A_214, %lt3A_215 : i32
      %convert_element_type3A_217 = arith.extui %lt3A_216 : i1 to i32
      %cond3A_218 = arith.constant 0 : i32
      %cond3A_219 = arith.cmpi ne, %convert_element_type3A_217, %cond3A_218 : i32
      scf.if %cond3A_219 {
        %add3A_276 = arith.constant 3 : i32
        %add3A_277 = arith.addi %add3A_195, %add3A_276 : i32
        %dma_start3A_278 = arith.constant 0 : i32
        %dma_start3A_279 = tpu.memref_slice %arg7[%add3A_277, %dma_start3A_278] : memref<80x128xi32, #tpu.memory_space<vmem>> -> memref<1x128xi32, #tpu.memory_space<vmem>>
        %dma_start3A_280 = tpu.memref_squeeze %dma_start3A_279 : memref<1x128xi32, #tpu.memory_space<vmem>> -> memref<128xi32, #tpu.memory_space<vmem>>
        %dma_start3A_281 = arith.constant 0 : i32
        %dma_start3A_282 = arith.constant 0 : i32
        %dma_start3A_283 = tpu.memref_slice %arg4[%dma_start3A_281, %dma_start3A_282] : memref<10000x32xf32, #tpu.memory_space<hbm>> -> memref<10000x32xf32, #tpu.memory_space<hbm>>
        tpu.enqueue_indirect_dma source(%dma_start3A_283 : memref<10000x32xf32, #tpu.memory_space<hbm>>) target(%arg9 : memref<128x32xf32, #tpu.memory_space<vmem>>) offsets(%dma_start3A_280 : memref<128xi32, #tpu.memory_space<vmem>>) semaphore(%arg18 : memref<!tpu.dma_semaphore, #tpu.memory_space<semaphore_mem>>)
      } else {
      }
      %mul3A_220 = arith.constant 8 : i32
      %mul3A_221 = arith.muli %scan3A_55, %mul3A_220 : i32
      %add3A_222 = arith.constant 6 : i32
      %add3A_223 = arith.addi %mul3A_221, %add3A_222 : i32
      %dma_wait3A_224 = arith.constant 0 : i32
      %dma_wait3A_225 = tpu.memref_slice %arg7[%add3A_223, %dma_wait3A_224] : memref<80x128xi32, #tpu.memory_space<vmem>> -> memref<1x128xi32, #tpu.memory_space<vmem>>
      %dma_wait3A_226 = tpu.memref_squeeze %dma_wait3A_225 : memref<1x128xi32, #tpu.memory_space<vmem>> -> memref<128xi32, #tpu.memory_space<vmem>>
      %dma_wait3A_227 = arith.constant 0 : i32
      %dma_wait3A_228 = arith.constant 0 : i32
      %dma_wait3A_229 = tpu.memref_slice %arg4[%dma_wait3A_227, %dma_wait3A_228] : memref<10000x32xf32, #tpu.memory_space<hbm>> -> memref<10000x32xf32, #tpu.memory_space<hbm>>
      tpu.wait_indirect_dma semaphore(%arg24 : memref<!tpu.dma_semaphore, #tpu.memory_space<semaphore_mem>>) src(%dma_wait3A_229 : memref<10000x32xf32, #tpu.memory_space<hbm>>) dst(%arg15 : memref<128x32xf32, #tpu.memory_space<vmem>>)
      %dma_start3A_230 = arith.constant 0 : i32
      %dma_start3A_231 = tpu.memref_slice %arg8[%add3A_223, %dma_start3A_230] : memref<80x128xi32, #tpu.memory_space<vmem>> -> memref<1x128xi32, #tpu.memory_space<vmem>>
      %dma_start3A_232 = tpu.memref_squeeze %dma_start3A_231 : memref<1x128xi32, #tpu.memory_space<vmem>> -> memref<128xi32, #tpu.memory_space<vmem>>
      %dma_start3A_233 = arith.constant 0 : i32
      %dma_start3A_234 = arith.constant 0 : i32
      %dma_start3A_235 = tpu.memref_slice %arg17[%dma_start3A_233, %dma_start3A_234] : memref<10112x32xf32, #tpu.memory_space<vmem_shared>> -> memref<10112x32xf32, #tpu.memory_space<vmem_shared>>
      tpu.enqueue_indirect_dma source(%arg15 : memref<128x32xf32, #tpu.memory_space<vmem>>) target(%dma_start3A_235 : memref<10112x32xf32, #tpu.memory_space<vmem_shared>>) offsets(%dma_start3A_232 : memref<128xi32, #tpu.memory_space<vmem>>) semaphore(%arg32 : memref<!tpu.dma_semaphore, #tpu.memory_space<semaphore_mem>>) {add = true}
      %ge3A_236 = arith.constant 3 : i32
      %ge3A_237 = arith.cmpi sge, %add3A_223, %ge3A_236 : i32
      %convert_element_type3A_238 = arith.extui %ge3A_237 : i1 to i32
      %cond3A_239 = arith.constant 0 : i32
      %cond3A_240 = arith.cmpi ne, %convert_element_type3A_238, %cond3A_239 : i32
      scf.if %cond3A_240 {
        %sub3A = arith.constant 3 : i32
        %sub3A_276 = arith.subi %add3A_223, %sub3A : i32
        %dma_wait3A_277 = arith.constant 0 : i32
        %dma_wait3A_278 = tpu.memref_slice %arg8[%sub3A_276, %dma_wait3A_277] : memref<80x128xi32, #tpu.memory_space<vmem>> -> memref<1x128xi32, #tpu.memory_space<vmem>>
        %dma_wait3A_279 = tpu.memref_squeeze %dma_wait3A_278 : memref<1x128xi32, #tpu.memory_space<vmem>> -> memref<128xi32, #tpu.memory_space<vmem>>
        %dma_wait3A_280 = arith.constant 0 : i32
        %dma_wait3A_281 = arith.constant 0 : i32
        %dma_wait3A_282 = tpu.memref_slice %arg17[%dma_wait3A_280, %dma_wait3A_281] : memref<10112x32xf32, #tpu.memory_space<vmem_shared>> -> memref<10112x32xf32, #tpu.memory_space<vmem_shared>>
        tpu.wait_indirect_dma semaphore(%arg29 : memref<!tpu.dma_semaphore, #tpu.memory_space<semaphore_mem>>) src(%arg12 : memref<128x32xf32, #tpu.memory_space<vmem>>) dst(%dma_wait3A_282 : memref<10112x32xf32, #tpu.memory_space<vmem_shared>>)
      } else {
      }
      %add3A_241 = arith.constant 3 : i32
      %add3A_242 = arith.addi %add3A_223, %add3A_241 : i32
      %lt3A_243 = arith.constant 80 : i32
      %lt3A_244 = arith.cmpi slt, %add3A_242, %lt3A_243 : i32
      %convert_element_type3A_245 = arith.extui %lt3A_244 : i1 to i32
      %cond3A_246 = arith.constant 0 : i32
      %cond3A_247 = arith.cmpi ne, %convert_element_type3A_245, %cond3A_246 : i32
      scf.if %cond3A_247 {
        %add3A_276 = arith.constant 3 : i32
        %add3A_277 = arith.addi %add3A_223, %add3A_276 : i32
        %dma_start3A_278 = arith.constant 0 : i32
        %dma_start3A_279 = tpu.memref_slice %arg7[%add3A_277, %dma_start3A_278] : memref<80x128xi32, #tpu.memory_space<vmem>> -> memref<1x128xi32, #tpu.memory_space<vmem>>
        %dma_start3A_280 = tpu.memref_squeeze %dma_start3A_279 : memref<1x128xi32, #tpu.memory_space<vmem>> -> memref<128xi32, #tpu.memory_space<vmem>>
        %dma_start3A_281 = arith.constant 0 : i32
        %dma_start3A_282 = arith.constant 0 : i32
        %dma_start3A_283 = tpu.memref_slice %arg4[%dma_start3A_281, %dma_start3A_282] : memref<10000x32xf32, #tpu.memory_space<hbm>> -> memref<10000x32xf32, #tpu.memory_space<hbm>>
        tpu.enqueue_indirect_dma source(%dma_start3A_283 : memref<10000x32xf32, #tpu.memory_space<hbm>>) target(%arg10 : memref<128x32xf32, #tpu.memory_space<vmem>>) offsets(%dma_start3A_280 : memref<128xi32, #tpu.memory_space<vmem>>) semaphore(%arg19 : memref<!tpu.dma_semaphore, #tpu.memory_space<semaphore_mem>>)
      } else {
      }
      %mul3A_248 = arith.constant 8 : i32
      %mul3A_249 = arith.muli %scan3A_55, %mul3A_248 : i32
      %add3A_250 = arith.constant 7 : i32
      %add3A_251 = arith.addi %mul3A_249, %add3A_250 : i32
      %dma_wait3A_252 = arith.constant 0 : i32
      %dma_wait3A_253 = tpu.memref_slice %arg7[%add3A_251, %dma_wait3A_252] : memref<80x128xi32, #tpu.memory_space<vmem>> -> memref<1x128xi32, #tpu.memory_space<vmem>>
      %dma_wait3A_254 = tpu.memref_squeeze %dma_wait3A_253 : memref<1x128xi32, #tpu.memory_space<vmem>> -> memref<128xi32, #tpu.memory_space<vmem>>
      %dma_wait3A_255 = arith.constant 0 : i32
      %dma_wait3A_256 = arith.constant 0 : i32
      %dma_wait3A_257 = tpu.memref_slice %arg4[%dma_wait3A_255, %dma_wait3A_256] : memref<10000x32xf32, #tpu.memory_space<hbm>> -> memref<10000x32xf32, #tpu.memory_space<hbm>>
      tpu.wait_indirect_dma semaphore(%arg25 : memref<!tpu.dma_semaphore, #tpu.memory_space<semaphore_mem>>) src(%dma_wait3A_257 : memref<10000x32xf32, #tpu.memory_space<hbm>>) dst(%arg16 : memref<128x32xf32, #tpu.memory_space<vmem>>)
      %dma_start3A_258 = arith.constant 0 : i32
      %dma_start3A_259 = tpu.memref_slice %arg8[%add3A_251, %dma_start3A_258] : memref<80x128xi32, #tpu.memory_space<vmem>> -> memref<1x128xi32, #tpu.memory_space<vmem>>
      %dma_start3A_260 = tpu.memref_squeeze %dma_start3A_259 : memref<1x128xi32, #tpu.memory_space<vmem>> -> memref<128xi32, #tpu.memory_space<vmem>>
      %dma_start3A_261 = arith.constant 0 : i32
      %dma_start3A_262 = arith.constant 0 : i32
      %dma_start3A_263 = tpu.memref_slice %arg17[%dma_start3A_261, %dma_start3A_262] : memref<10112x32xf32, #tpu.memory_space<vmem_shared>> -> memref<10112x32xf32, #tpu.memory_space<vmem_shared>>
      tpu.enqueue_indirect_dma source(%arg16 : memref<128x32xf32, #tpu.memory_space<vmem>>) target(%dma_start3A_263 : memref<10112x32xf32, #tpu.memory_space<vmem_shared>>) offsets(%dma_start3A_260 : memref<128xi32, #tpu.memory_space<vmem>>) semaphore(%arg33 : memref<!tpu.dma_semaphore, #tpu.memory_space<semaphore_mem>>) {add = true}
      %ge3A_264 = arith.constant 3 : i32
      %ge3A_265 = arith.cmpi sge, %add3A_251, %ge3A_264 : i32
      %convert_element_type3A_266 = arith.extui %ge3A_265 : i1 to i32
      %cond3A_267 = arith.constant 0 : i32
      %cond3A_268 = arith.cmpi ne, %convert_element_type3A_266, %cond3A_267 : i32
      scf.if %cond3A_268 {
        %sub3A = arith.constant 3 : i32
        %sub3A_276 = arith.subi %add3A_251, %sub3A : i32
        %dma_wait3A_277 = arith.constant 0 : i32
        %dma_wait3A_278 = tpu.memref_slice %arg8[%sub3A_276, %dma_wait3A_277] : memref<80x128xi32, #tpu.memory_space<vmem>> -> memref<1x128xi32, #tpu.memory_space<vmem>>
        %dma_wait3A_279 = tpu.memref_squeeze %dma_wait3A_278 : memref<1x128xi32, #tpu.memory_space<vmem>> -> memref<128xi32, #tpu.memory_space<vmem>>
        %dma_wait3A_280 = arith.constant 0 : i32
        %dma_wait3A_281 = arith.constant 0 : i32
        %dma_wait3A_282 = tpu.memref_slice %arg17[%dma_wait3A_280, %dma_wait3A_281] : memref<10112x32xf32, #tpu.memory_space<vmem_shared>> -> memref<10112x32xf32, #tpu.memory_space<vmem_shared>>
        tpu.wait_indirect_dma semaphore(%arg30 : memref<!tpu.dma_semaphore, #tpu.memory_space<semaphore_mem>>) src(%arg13 : memref<128x32xf32, #tpu.memory_space<vmem>>) dst(%dma_wait3A_282 : memref<10112x32xf32, #tpu.memory_space<vmem_shared>>)
      } else {
      }
      %add3A_269 = arith.constant 3 : i32
      %add3A_270 = arith.addi %add3A_251, %add3A_269 : i32
      %lt3A_271 = arith.constant 80 : i32
      %lt3A_272 = arith.cmpi slt, %add3A_270, %lt3A_271 : i32
      %convert_element_type3A_273 = arith.extui %lt3A_272 : i1 to i32
      %cond3A_274 = arith.constant 0 : i32
      %cond3A_275 = arith.cmpi ne, %convert_element_type3A_273, %cond3A_274 : i32
      scf.if %cond3A_275 {
        %add3A_276 = arith.constant 3 : i32
        %add3A_277 = arith.addi %add3A_251, %add3A_276 : i32
        %dma_start3A_278 = arith.constant 0 : i32
        %dma_start3A_279 = tpu.memref_slice %arg7[%add3A_277, %dma_start3A_278] : memref<80x128xi32, #tpu.memory_space<vmem>> -> memref<1x128xi32, #tpu.memory_space<vmem>>
        %dma_start3A_280 = tpu.memref_squeeze %dma_start3A_279 : memref<1x128xi32, #tpu.memory_space<vmem>> -> memref<128xi32, #tpu.memory_space<vmem>>
        %dma_start3A_281 = arith.constant 0 : i32
        %dma_start3A_282 = arith.constant 0 : i32
        %dma_start3A_283 = tpu.memref_slice %arg4[%dma_start3A_281, %dma_start3A_282] : memref<10000x32xf32, #tpu.memory_space<hbm>> -> memref<10000x32xf32, #tpu.memory_space<hbm>>
        tpu.enqueue_indirect_dma source(%dma_start3A_283 : memref<10000x32xf32, #tpu.memory_space<hbm>>) target(%arg11 : memref<128x32xf32, #tpu.memory_space<vmem>>) offsets(%dma_start3A_280 : memref<128xi32, #tpu.memory_space<vmem>>) semaphore(%arg20 : memref<!tpu.dma_semaphore, #tpu.memory_space<semaphore_mem>>)
      } else {
      }
    }
    %scan3A_29 = arith.constant 10 : i32
    %dma_wait3A = arith.constant 77 : i32
    %dma_wait3A_30 = arith.constant 0 : i32
    %dma_wait3A_31 = tpu.memref_slice %arg8[%dma_wait3A, %dma_wait3A_30] : memref<80x128xi32, #tpu.memory_space<vmem>> -> memref<1x128xi32, #tpu.memory_space<vmem>>
    %dma_wait3A_32 = tpu.memref_squeeze %dma_wait3A_31 : memref<1x128xi32, #tpu.memory_space<vmem>> -> memref<128xi32, #tpu.memory_space<vmem>>
    %dma_wait3A_33 = arith.constant 0 : i32
    %dma_wait3A_34 = arith.constant 0 : i32
    %dma_wait3A_35 = tpu.memref_slice %arg17[%dma_wait3A_33, %dma_wait3A_34] : memref<10112x32xf32, #tpu.memory_space<vmem_shared>> -> memref<10112x32xf32, #tpu.memory_space<vmem_shared>>
    tpu.wait_indirect_dma semaphore(%arg31 : memref<!tpu.dma_semaphore, #tpu.memory_space<semaphore_mem>>) src(%arg14 : memref<128x32xf32, #tpu.memory_space<vmem>>) dst(%dma_wait3A_35 : memref<10112x32xf32, #tpu.memory_space<vmem_shared>>)
    %dma_wait3A_36 = arith.constant 78 : i32
    %dma_wait3A_37 = arith.constant 0 : i32
    %dma_wait3A_38 = tpu.memref_slice %arg8[%dma_wait3A_36, %dma_wait3A_37] : memref<80x128xi32, #tpu.memory_space<vmem>> -> memref<1x128xi32, #tpu.memory_space<vmem>>
    %dma_wait3A_39 = tpu.memref_squeeze %dma_wait3A_38 : memref<1x128xi32, #tpu.memory_space<vmem>> -> memref<128xi32, #tpu.memory_space<vmem>>
    %dma_wait3A_40 = arith.constant 0 : i32
    %dma_wait3A_41 = arith.constant 0 : i32
    %dma_wait3A_42 = tpu.memref_slice %arg17[%dma_wait3A_40, %dma_wait3A_41] : memref<10112x32xf32, #tpu.memory_space<vmem_shared>> -> memref<10112x32xf32, #tpu.memory_space<vmem_shared>>
    tpu.wait_indirect_dma semaphore(%arg32 : memref<!tpu.dma_semaphore, #tpu.memory_space<semaphore_mem>>) src(%arg15 : memref<128x32xf32, #tpu.memory_space<vmem>>) dst(%dma_wait3A_42 : memref<10112x32xf32, #tpu.memory_space<vmem_shared>>)
    %dma_wait3A_43 = arith.constant 79 : i32
    %dma_wait3A_44 = arith.constant 0 : i32
    %dma_wait3A_45 = tpu.memref_slice %arg8[%dma_wait3A_43, %dma_wait3A_44] : memref<80x128xi32, #tpu.memory_space<vmem>> -> memref<1x128xi32, #tpu.memory_space<vmem>>
    %dma_wait3A_46 = tpu.memref_squeeze %dma_wait3A_45 : memref<1x128xi32, #tpu.memory_space<vmem>> -> memref<128xi32, #tpu.memory_space<vmem>>
    %dma_wait3A_47 = arith.constant 0 : i32
    %dma_wait3A_48 = arith.constant 0 : i32
    %dma_wait3A_49 = tpu.memref_slice %arg17[%dma_wait3A_47, %dma_wait3A_48] : memref<10112x32xf32, #tpu.memory_space<vmem_shared>> -> memref<10112x32xf32, #tpu.memory_space<vmem_shared>>
    tpu.wait_indirect_dma semaphore(%arg33 : memref<!tpu.dma_semaphore, #tpu.memory_space<semaphore_mem>>) src(%arg16 : memref<128x32xf32, #tpu.memory_space<vmem>>) dst(%dma_wait3A_49 : memref<10112x32xf32, #tpu.memory_space<vmem_shared>>)
    %barrier3A_50 = arith.constant 0 : index
    tpu.barrier barrier_id(%barrier3A_50)
    %mul3A_51 = arith.constant 632 : i32
    %mul3A_52 = arith.muli %arg1, %mul3A_51 : i32
    %mul3A_53 = arith.constant 632 : i32
    %mul3A_54 = arith.muli %arg1, %mul3A_53 : i32
    "tpu.region"() ({
      %run_scoped3A = tpu.sem_alloc : memref<!tpu.dma_semaphore, #tpu.memory_space<semaphore_mem>>
      %dma_start3A_55 = arith.constant 0 : i32
      %dma_start3A_56 = tpu.memref_slice %arg6[%arg0, %mul3A_54, %dma_start3A_55] : memref<2x10112x32xf32, #tpu.memory_space<hbm>> -> memref<1x632x32xf32, #tpu.memory_space<hbm>>
      %dma_start3A_57 = tpu.memref_squeeze %dma_start3A_56 : memref<1x632x32xf32, #tpu.memory_space<hbm>> -> memref<632x32xf32, #tpu.memory_space<hbm>>
      %dma_start3A_58 = arith.constant 0 : i32
      %dma_start3A_59 = tpu.memref_slice %arg17[%mul3A_52, %dma_start3A_58] : memref<10112x32xf32, #tpu.memory_space<vmem_shared>> -> memref<632x32xf32, #tpu.memory_space<vmem_shared>>
      tpu.enqueue_dma source(%dma_start3A_59 : memref<632x32xf32, #tpu.memory_space<vmem_shared>>) target(%dma_start3A_57 : memref<632x32xf32, #tpu.memory_space<hbm>>) target_semaphore(%run_scoped3A : memref<!tpu.dma_semaphore, #tpu.memory_space<semaphore_mem>>)
      %dma_wait3A_60 = arith.constant 0 : i32
      %dma_wait3A_61 = tpu.memref_slice %arg6[%arg0, %mul3A_54, %dma_wait3A_60] : memref<2x10112x32xf32, #tpu.memory_space<hbm>> -> memref<1x632x32xf32, #tpu.memory_space<hbm>>
      %dma_wait3A_62 = tpu.memref_squeeze %dma_wait3A_61 : memref<1x632x32xf32, #tpu.memory_space<hbm>> -> memref<632x32xf32, #tpu.memory_space<hbm>>
      %dma_wait3A_63 = arith.constant 0 : i32
      %dma_wait3A_64 = tpu.memref_slice %arg17[%mul3A_52, %dma_wait3A_63] : memref<10112x32xf32, #tpu.memory_space<vmem_shared>> -> memref<632x32xf32, #tpu.memory_space<vmem_shared>>
      tpu.wait_dma2 semaphore(%run_scoped3A : memref<!tpu.dma_semaphore, #tpu.memory_space<semaphore_mem>>) src(%dma_wait3A_64 : memref<632x32xf32, #tpu.memory_space<vmem_shared>>) dst(%dma_wait3A_62 : memref<632x32xf32, #tpu.memory_space<hbm>>)
      tpu.yield
    }) : () -> ()
    return
  }
}

module attributes {stable_mosaic.version = 14 : i64} {
  func.func @_mm1_body(%arg0: i32, %arg1: memref<1000x128xf32, #tpu.memory_space<vmem>>, %arg2: memref<128x32xf32, #tpu.memory_space<vmem>>, %arg3: memref<1000x32xf32, #tpu.memory_space<vmem>>) attributes {dimension_semantics = [#tpu.dimension_semantics<arbitrary>], iteration_bounds = array<i64: 10>, scalar_prefetch = 0 : i64, scratch_operands = 0 : i64, tpu.core_type = #tpu.core_type<tc>, window_params = [{transform_indices = @transform_0, window_bounds = array<i64: 1000, 128>}, {pipeline_mode = #tpu.pipeline_mode<synchronous>, transform_indices = @transform_1, window_bounds = array<i64: 128, 32>}, {transform_indices = @transform_2, window_bounds = array<i64: 1000, 32>}]} {
    %get3A = arith.constant 0 : index
    %get3A_0 = arith.constant 0 : index
    %get3A_1 = vector.load %arg1[%get3A, %get3A_0] : memref<1000x128xf32, #tpu.memory_space<vmem>>, vector<1000x128xf32>
    %get3A_2 = arith.constant 0 : index
    %get3A_3 = arith.constant 0 : index
    %get3A_4 = vector.load %arg2[%get3A_2, %get3A_3] : memref<128x32xf32, #tpu.memory_space<vmem>>, vector<128x32xf32>
    %dot_general3A = arith.constant dense<0.000000e+00> : vector<1000x32xf32>
    %dot_general3A_5 = tpu.matmul %get3A_1, %get3A_4, %dot_general3A {dimension_numbers = #tpu.dot_dimension_numbers<[1], [0], [0], [1], [0, 0, 1, 1], [], []>, transpose_lhs_hint = false} : vector<1000x128xf32>, vector<128x32xf32>, vector<1000x32xf32> -> vector<1000x32xf32>
    %swap3A = arith.constant 0 : index
    %swap3A_6 = arith.constant 0 : index
    %swap3A_7 = vector.load %arg3[%swap3A, %swap3A_6] : memref<1000x32xf32, #tpu.memory_space<vmem>>, vector<1000x32xf32>
    tpu.vector_store %arg3[%swap3A, %swap3A_6], %dot_general3A_5 {strides = array<i32>} : memref<1000x32xf32, #tpu.memory_space<vmem>>, vector<1000x32xf32>,
    return
  }
  func.func @transform_0(%arg0: i32) -> (i32, i32) {
    %c0_i32 = arith.constant 0 : i32
    %c0_i32_0 = arith.constant 0 : i32
    return %arg0, %c0_i32 : i32, i32
  }
  func.func @transform_1(%arg0: i32) -> (i32, i32) {
    %c0_i32 = arith.constant 0 : i32
    %c0_i32_0 = arith.constant 0 : i32
    %c0_i32_1 = arith.constant 0 : i32
    return %c0_i32, %c0_i32_0 : i32, i32
  }
  func.func @transform_2(%arg0: i32) -> (i32, i32) {
    %c0_i32 = arith.constant 0 : i32
    %c0_i32_0 = arith.constant 0 : i32
    return %arg0, %c0_i32 : i32, i32
  }
}

module attributes {stable_mosaic.version = 14 : i64} {
  func.func @_scale_body(%arg0: i32, %arg1: memref<2x1000x8xf32, #tpu.memory_space<vmem>>, %arg2: memref<1000x32xf32, #tpu.memory_space<vmem>>, %arg3: memref<1000x32xf32, #tpu.memory_space<vmem>>, %arg4: memref<1000x1xf32, #tpu.memory_space<vmem>>) attributes {dimension_semantics = [#tpu.dimension_semantics<arbitrary>], iteration_bounds = array<i64: 10>, scalar_prefetch = 0 : i64, scratch_operands = 0 : i64, tpu.core_type = #tpu.core_type<tc>, window_params = [{transform_indices = @transform_0, window_bounds = array<i64: 2, 1000, 8>}, {transform_indices = @transform_1, window_bounds = array<i64: 1000, 32>}, {transform_indices = @transform_2, window_bounds = array<i64: 1000, 32>}, {transform_indices = @transform_3, window_bounds = array<i64: 1000, 1>}]} {
    %get3A = arith.constant 0 : index
    %get3A_0 = arith.constant 0 : index
    %get3A_1 = arith.constant 0 : index
    %get3A_2 = vector.load %arg1[%get3A, %get3A_0, %get3A_1] : memref<2x1000x8xf32, #tpu.memory_space<vmem>>, vector<1x1000x1xf32>
    %get3A_3 = vector.shape_cast %get3A_2 : vector<1x1000x1xf32> to vector<1000x1xf32>
    %get3A_4 = arith.constant 1 : index
    %get3A_5 = arith.constant 0 : index
    %get3A_6 = arith.constant 0 : index
    %get3A_7 = vector.load %arg1[%get3A_4, %get3A_5, %get3A_6] : memref<2x1000x8xf32, #tpu.memory_space<vmem>>, vector<1x1000x1xf32>
    %get3A_8 = vector.shape_cast %get3A_7 : vector<1x1000x1xf32> to vector<1000x1xf32>
    %add3A = arith.addf %get3A_3, %get3A_8 : vector<1000x1xf32>
    %add3A_9 = arith.constant 1.000000e+00 : f32
    %add3A_10 = vector.broadcast %add3A_9 : f32 to vector<1000x1xf32>
    %add3A_11 = arith.addf %add3A, %add3A_10 : vector<1000x1xf32>
    %rsqrt3A = math.rsqrt %add3A_11 : vector<1000x1xf32>
    %get3A_12 = arith.constant 0 : index
    %get3A_13 = arith.constant 0 : index
    %get3A_14 = vector.load %arg2[%get3A_12, %get3A_13] : memref<1000x32xf32, #tpu.memory_space<vmem>>, vector<1000x32xf32>
    %mul3A = vector.broadcast %rsqrt3A : vector<1000x1xf32> to vector<1000x32xf32>
    %mul3A_15 = arith.mulf %get3A_14, %mul3A : vector<1000x32xf32>
    %swap3A = arith.constant 0 : index
    %swap3A_16 = arith.constant 0 : index
    %swap3A_17 = vector.load %arg3[%swap3A, %swap3A_16] : memref<1000x32xf32, #tpu.memory_space<vmem>>, vector<1000x32xf32>
    tpu.vector_store %arg3[%swap3A, %swap3A_16], %mul3A_15 {strides = array<i32>} : memref<1000x32xf32, #tpu.memory_space<vmem>>, vector<1000x32xf32>,
    %swap3A_18 = arith.constant 0 : index
    %swap3A_19 = arith.constant 0 : index
    %swap3A_20 = vector.load %arg4[%swap3A_18, %swap3A_19] : memref<1000x1xf32, #tpu.memory_space<vmem>>, vector<1000x1xf32>
    tpu.vector_store %arg4[%swap3A_18, %swap3A_19], %rsqrt3A {strides = array<i32>} : memref<1000x1xf32, #tpu.memory_space<vmem>>, vector<1000x1xf32>,
    return
  }
  func.func @transform_0(%arg0: i32) -> (i32, i32, i32) {
    %c0_i32 = arith.constant 0 : i32
    %c0_i32_0 = arith.constant 0 : i32
    %c0_i32_1 = arith.constant 0 : i32
    return %c0_i32, %arg0, %c0_i32_0 : i32, i32, i32
  }
  func.func @transform_1(%arg0: i32) -> (i32, i32) {
    %c0_i32 = arith.constant 0 : i32
    %c0_i32_0 = arith.constant 0 : i32
    return %arg0, %c0_i32 : i32, i32
  }
  func.func @transform_2(%arg0: i32) -> (i32, i32) {
    %c0_i32 = arith.constant 0 : i32
    %c0_i32_0 = arith.constant 0 : i32
    return %arg0, %c0_i32 : i32, i32
  }
  func.func @transform_3(%arg0: i32) -> (i32, i32) {
    %c0_i32 = arith.constant 0 : i32
    %c0_i32_0 = arith.constant 0 : i32
    return %arg0, %c0_i32 : i32, i32
  }
}

module attributes {stable_mosaic.version = 14 : i64} {
  func.func @_mid_body(%arg0: i32, %arg1: memref<2x1000x32xf32, #tpu.memory_space<vmem>>, %arg2: memref<1000x32xf32, #tpu.memory_space<vmem>>, %arg3: memref<1000x1xf32, #tpu.memory_space<vmem>>, %arg4: memref<1x32xf32, #tpu.memory_space<vmem>>, %arg5: memref<32x32xf32, #tpu.memory_space<vmem>>, %arg6: memref<1000x32xf32, #tpu.memory_space<vmem>>, %arg7: memref<1000x32xf32, #tpu.memory_space<vmem>>) attributes {dimension_semantics = [#tpu.dimension_semantics<arbitrary>], iteration_bounds = array<i64: 10>, scalar_prefetch = 0 : i64, scratch_operands = 0 : i64, tpu.core_type = #tpu.core_type<tc>, window_params = [{transform_indices = @transform_0, window_bounds = array<i64: 2, 1000, 32>}, {transform_indices = @transform_1, window_bounds = array<i64: 1000, 32>}, {transform_indices = @transform_2, window_bounds = array<i64: 1000, 1>}, {pipeline_mode = #tpu.pipeline_mode<synchronous>, transform_indices = @transform_3, window_bounds = array<i64: 1, 32>}, {pipeline_mode = #tpu.pipeline_mode<synchronous>, transform_indices = @transform_4, window_bounds = array<i64: 32, 32>}, {transform_indices = @transform_5, window_bounds = array<i64: 1000, 32>}, {transform_indices = @transform_6, window_bounds = array<i64: 1000, 32>}]} {
    %get3A = arith.constant 0 : index
    %get3A_0 = arith.constant 0 : index
    %get3A_1 = vector.load %arg3[%get3A, %get3A_0] : memref<1000x1xf32, #tpu.memory_space<vmem>>, vector<1000x1xf32>
    %get3A_2 = arith.constant 0 : index
    %get3A_3 = arith.constant 0 : index
    %get3A_4 = arith.constant 0 : index
    %get3A_5 = vector.load %arg1[%get3A_2, %get3A_3, %get3A_4] : memref<2x1000x32xf32, #tpu.memory_space<vmem>>, vector<1x1000x32xf32>
    %get3A_6 = vector.shape_cast %get3A_5 : vector<1x1000x32xf32> to vector<1000x32xf32>
    %get3A_7 = arith.constant 1 : index
    %get3A_8 = arith.constant 0 : index
    %get3A_9 = arith.constant 0 : index
    %get3A_10 = vector.load %arg1[%get3A_7, %get3A_8, %get3A_9] : memref<2x1000x32xf32, #tpu.memory_space<vmem>>, vector<1x1000x32xf32>
    %get3A_11 = vector.shape_cast %get3A_10 : vector<1x1000x32xf32> to vector<1000x32xf32>
    %add3A = arith.addf %get3A_6, %get3A_11 : vector<1000x32xf32>
    %get3A_12 = arith.constant 0 : index
    %get3A_13 = arith.constant 0 : index
    %get3A_14 = vector.load %arg2[%get3A_12, %get3A_13] : memref<1000x32xf32, #tpu.memory_space<vmem>>, vector<1000x32xf32>
    %add3A_15 = arith.addf %add3A, %get3A_14 : vector<1000x32xf32>
    %mul3A = vector.broadcast %get3A_1 : vector<1000x1xf32> to vector<1000x32xf32>
    %mul3A_16 = arith.mulf %add3A_15, %mul3A : vector<1000x32xf32>
    %get3A_17 = arith.constant 0 : index
    %get3A_18 = arith.constant 0 : index
    %get3A_19 = vector.load %arg4[%get3A_17, %get3A_18] : memref<1x32xf32, #tpu.memory_space<vmem>>, vector<1x32xf32>
    %add3A_20 = vector.broadcast %get3A_19 : vector<1x32xf32> to vector<1000x32xf32>
    %add3A_21 = arith.addf %mul3A_16, %add3A_20 : vector<1000x32xf32>
    %max3A = arith.constant 0.000000e+00 : f32
    %max3A_22 = vector.broadcast %max3A : f32 to vector<1000x32xf32>
    %max3A_23 = arith.maximumf %add3A_21, %max3A_22 : vector<1000x32xf32>
    %swap3A = arith.constant 0 : index
    %swap3A_24 = arith.constant 0 : index
    %swap3A_25 = vector.load %arg6[%swap3A, %swap3A_24] : memref<1000x32xf32, #tpu.memory_space<vmem>>, vector<1000x32xf32>
    tpu.vector_store %arg6[%swap3A, %swap3A_24], %max3A_23 {strides = array<i32>} : memref<1000x32xf32, #tpu.memory_space<vmem>>, vector<1000x32xf32>,
    %get3A_26 = arith.constant 0 : index
    %get3A_27 = arith.constant 0 : index
    %get3A_28 = vector.load %arg5[%get3A_26, %get3A_27] : memref<32x32xf32, #tpu.memory_space<vmem>>, vector<32x32xf32>
    %dot_general3A = arith.constant dense<0.000000e+00> : vector<1000x32xf32>
    %dot_general3A_29 = tpu.matmul %max3A_23, %get3A_28, %dot_general3A {dimension_numbers = #tpu.dot_dimension_numbers<[1], [0], [0], [1], [0, 0, 1, 1], [], []>, transpose_lhs_hint = false} : vector<1000x32xf32>, vector<32x32xf32>, vector<1000x32xf32> -> vector<1000x32xf32>
    %mul3A_30 = vector.broadcast %get3A_1 : vector<1000x1xf32> to vector<1000x32xf32>
    %mul3A_31 = arith.mulf %dot_general3A_29, %mul3A_30 : vector<1000x32xf32>
    %swap3A_32 = arith.constant 0 : index
    %swap3A_33 = arith.constant 0 : index
    %swap3A_34 = vector.load %arg7[%swap3A_32, %swap3A_33] : memref<1000x32xf32, #tpu.memory_space<vmem>>, vector<1000x32xf32>
    tpu.vector_store %arg7[%swap3A_32, %swap3A_33], %mul3A_31 {strides = array<i32>} : memref<1000x32xf32, #tpu.memory_space<vmem>>, vector<1000x32xf32>,
    return
  }
  func.func @transform_0(%arg0: i32) -> (i32, i32, i32) {
    %c0_i32 = arith.constant 0 : i32
    %c0_i32_0 = arith.constant 0 : i32
    %c0_i32_1 = arith.constant 0 : i32
    return %c0_i32, %arg0, %c0_i32_0 : i32, i32, i32
  }
  func.func @transform_1(%arg0: i32) -> (i32, i32) {
    %c0_i32 = arith.constant 0 : i32
    %c0_i32_0 = arith.constant 0 : i32
    return %arg0, %c0_i32 : i32, i32
  }
  func.func @transform_2(%arg0: i32) -> (i32, i32) {
    %c0_i32 = arith.constant 0 : i32
    %c0_i32_0 = arith.constant 0 : i32
    return %arg0, %c0_i32 : i32, i32
  }
  func.func @transform_3(%arg0: i32) -> (i32, i32) {
    %c0_i32 = arith.constant 0 : i32
    %c0_i32_0 = arith.constant 0 : i32
    %c0_i32_1 = arith.constant 0 : i32
    return %c0_i32, %c0_i32_0 : i32, i32
  }
  func.func @transform_4(%arg0: i32) -> (i32, i32) {
    %c0_i32 = arith.constant 0 : i32
    %c0_i32_0 = arith.constant 0 : i32
    %c0_i32_1 = arith.constant 0 : i32
    return %c0_i32, %c0_i32_0 : i32, i32
  }
  func.func @transform_5(%arg0: i32) -> (i32, i32) {
    %c0_i32 = arith.constant 0 : i32
    %c0_i32_0 = arith.constant 0 : i32
    return %arg0, %c0_i32 : i32, i32
  }
  func.func @transform_6(%arg0: i32) -> (i32, i32) {
    %c0_i32 = arith.constant 0 : i32
    %c0_i32_0 = arith.constant 0 : i32
    return %arg0, %c0_i32 : i32, i32
  }
}

module attributes {stable_mosaic.version = 14 : i64} {
  func.func @_head_body(%arg0: i32, %arg1: memref<2x1000x32xf32, #tpu.memory_space<vmem>>, %arg2: memref<1000x32xf32, #tpu.memory_space<vmem>>, %arg3: memref<1000x1xf32, #tpu.memory_space<vmem>>, %arg4: memref<1x32xf32, #tpu.memory_space<vmem>>, %arg5: memref<1000x32xf32, #tpu.memory_space<vmem>>, %arg6: memref<1000x32xf32, #tpu.memory_space<vmem>>, %arg7: memref<1x1x1000xi32, #tpu.memory_space<vmem>>, %arg8: memref<96x64xf32, #tpu.memory_space<vmem>>, %arg9: memref<1x64xf32, #tpu.memory_space<vmem>>, %arg10: memref<64x128xf32, #tpu.memory_space<vmem>>, %arg11: memref<1x128xf32, #tpu.memory_space<vmem>>, %arg12: memref<128x64xf32, #tpu.memory_space<vmem>>, %arg13: memref<1x64xf32, #tpu.memory_space<vmem>>, %arg14: memref<64x2xf32, #tpu.memory_space<vmem>>, %arg15: memref<1x2xf32, #tpu.memory_space<vmem>>, %arg16: memref<64x2xf32, #tpu.memory_space<vmem>>, %arg17: memref<64x128xf32, #tpu.memory_space<vmem>>) attributes {dimension_semantics = [#tpu.dimension_semantics<arbitrary>], iteration_bounds = array<i64: 10>, scalar_prefetch = 0 : i64, scratch_operands = 1 : i64, tpu.core_type = #tpu.core_type<tc>, window_params = [{transform_indices = @transform_0, window_bounds = array<i64: 2, 1000, 32>}, {transform_indices = @transform_1, window_bounds = array<i64: 1000, 32>}, {transform_indices = @transform_2, window_bounds = array<i64: 1000, 1>}, {pipeline_mode = #tpu.pipeline_mode<synchronous>, transform_indices = @transform_3, window_bounds = array<i64: 1, 32>}, {transform_indices = @transform_4, window_bounds = array<i64: 1000, 32>}, {transform_indices = @transform_5, window_bounds = array<i64: 1000, 32>}, {transform_indices = @transform_6, window_bounds = array<i64: 1, 1, 1000>}, {pipeline_mode = #tpu.pipeline_mode<synchronous>, transform_indices = @transform_7, window_bounds = array<i64: 96, 64>}, {pipeline_mode = #tpu.pipeline_mode<synchronous>, transform_indices = @transform_8, window_bounds = array<i64: 1, 64>}, {pipeline_mode = #tpu.pipeline_mode<synchronous>, transform_indices = @transform_9, window_bounds = array<i64: 64, 128>}, {pipeline_mode = #tpu.pipeline_mode<synchronous>, transform_indices = @transform_10, window_bounds = array<i64: 1, 128>}, {pipeline_mode = #tpu.pipeline_mode<synchronous>, transform_indices = @transform_11, window_bounds = array<i64: 128, 64>}, {pipeline_mode = #tpu.pipeline_mode<synchronous>, transform_indices = @transform_12, window_bounds = array<i64: 1, 64>}, {pipeline_mode = #tpu.pipeline_mode<synchronous>, transform_indices = @transform_13, window_bounds = array<i64: 64, 2>}, {pipeline_mode = #tpu.pipeline_mode<synchronous>, transform_indices = @transform_14, window_bounds = array<i64: 1, 2>}, {pipeline_mode = #tpu.pipeline_mode<synchronous>, transform_indices = @transform_15, window_bounds = array<i64: 64, 2>}]} {
    %eq3A = arith.constant 0 : i32
    %eq3A_0 = arith.cmpi eq, %arg0, %eq3A : i32
    %convert_element_type3A = arith.extui %eq3A_0 : i1 to i32
    %cond3A = arith.constant 0 : i32
    %cond3A_1 = arith.cmpi ne, %convert_element_type3A, %cond3A : i32
    scf.if %cond3A_1 {
      %broadcast_in_dim3A = arith.constant 0.000000e+00 : f32
      %broadcast_in_dim3A_91 = vector.broadcast %broadcast_in_dim3A : f32 to vector<64x128xf32>
      %swap3A_92 = arith.constant 0 : index
      %swap3A_93 = arith.constant 0 : index
      %swap3A_94 = vector.load %arg17[%swap3A_92, %swap3A_93] : memref<64x128xf32, #tpu.memory_space<vmem>>, vector<64x128xf32>
      tpu.vector_store %arg17[%swap3A_92, %swap3A_93], %broadcast_in_dim3A_91 {strides = array<i32>} : memref<64x128xf32, #tpu.memory_space<vmem>>, vector<64x128xf32>,
    } else {
    }
    %get3A = arith.constant 0 : index
    %get3A_2 = arith.constant 0 : index
    %get3A_3 = vector.load %arg3[%get3A, %get3A_2] : memref<1000x1xf32, #tpu.memory_space<vmem>>, vector<1000x1xf32>
    %get3A_4 = arith.constant 0 : index
    %get3A_5 = arith.constant 0 : index
    %get3A_6 = arith.constant 0 : index
    %get3A_7 = vector.load %arg1[%get3A_4, %get3A_5, %get3A_6] : memref<2x1000x32xf32, #tpu.memory_space<vmem>>, vector<1x1000x32xf32>
    %get3A_8 = vector.shape_cast %get3A_7 : vector<1x1000x32xf32> to vector<1000x32xf32>
    %get3A_9 = arith.constant 1 : index
    %get3A_10 = arith.constant 0 : index
    %get3A_11 = arith.constant 0 : index
    %get3A_12 = vector.load %arg1[%get3A_9, %get3A_10, %get3A_11] : memref<2x1000x32xf32, #tpu.memory_space<vmem>>, vector<1x1000x32xf32>
    %get3A_13 = vector.shape_cast %get3A_12 : vector<1x1000x32xf32> to vector<1000x32xf32>
    %add3A = arith.addf %get3A_8, %get3A_13 : vector<1000x32xf32>
    %get3A_14 = arith.constant 0 : index
    %get3A_15 = arith.constant 0 : index
    %get3A_16 = vector.load %arg2[%get3A_14, %get3A_15] : memref<1000x32xf32, #tpu.memory_space<vmem>>, vector<1000x32xf32>
    %add3A_17 = arith.addf %add3A, %get3A_16 : vector<1000x32xf32>
    %mul3A = vector.broadcast %get3A_3 : vector<1000x1xf32> to vector<1000x32xf32>
    %mul3A_18 = arith.mulf %add3A_17, %mul3A : vector<1000x32xf32>
    %get3A_19 = arith.constant 0 : index
    %get3A_20 = arith.constant 0 : index
    %get3A_21 = vector.load %arg4[%get3A_19, %get3A_20] : memref<1x32xf32, #tpu.memory_space<vmem>>, vector<1x32xf32>
    %add3A_22 = vector.broadcast %get3A_21 : vector<1x32xf32> to vector<1000x32xf32>
    %add3A_23 = arith.addf %mul3A_18, %add3A_22 : vector<1000x32xf32>
    %max3A = arith.constant 0.000000e+00 : f32
    %max3A_24 = vector.broadcast %max3A : f32 to vector<1000x32xf32>
    %max3A_25 = arith.maximumf %add3A_23, %max3A_24 : vector<1000x32xf32>
    %get3A_26 = arith.constant 0 : index
    %get3A_27 = arith.constant 0 : index
    %get3A_28 = vector.load %arg5[%get3A_26, %get3A_27] : memref<1000x32xf32, #tpu.memory_space<vmem>>, vector<1000x32xf32>
    %get3A_29 = arith.constant 0 : index
    %get3A_30 = arith.constant 0 : index
    %get3A_31 = vector.load %arg8[%get3A_29, %get3A_30] : memref<96x64xf32, #tpu.memory_space<vmem>>, vector<32x64xf32>
    %dot_general3A = arith.constant dense<0.000000e+00> : vector<1000x64xf32>
    %dot_general3A_32 = tpu.matmul %get3A_28, %get3A_31, %dot_general3A {dimension_numbers = #tpu.dot_dimension_numbers<[1], [0], [0], [1], [0, 0, 1, 1], [], []>, transpose_lhs_hint = false} : vector<1000x32xf32>, vector<32x64xf32>, vector<1000x64xf32> -> vector<1000x64xf32>
    %get3A_33 = arith.constant 0 : index
    %get3A_34 = arith.constant 0 : index
    %get3A_35 = vector.load %arg6[%get3A_33, %get3A_34] : memref<1000x32xf32, #tpu.memory_space<vmem>>, vector<1000x32xf32>
    %get3A_36 = arith.constant 32 : index
    %get3A_37 = arith.constant 0 : index
    %get3A_38 = vector.load %arg8[%get3A_36, %get3A_37] : memref<96x64xf32, #tpu.memory_space<vmem>>, vector<32x64xf32>
    %dot_general3A_39 = arith.constant dense<0.000000e+00> : vector<1000x64xf32>
    %dot_general3A_40 = tpu.matmul %get3A_35, %get3A_38, %dot_general3A_39 {dimension_numbers = #tpu.dot_dimension_numbers<[1], [0], [0], [1], [0, 0, 1, 1], [], []>, transpose_lhs_hint = false} : vector<1000x32xf32>, vector<32x64xf32>, vector<1000x64xf32> -> vector<1000x64xf32>
    %add3A_41 = arith.addf %dot_general3A_32, %dot_general3A_40 : vector<1000x64xf32>
    %get3A_42 = arith.constant 64 : index
    %get3A_43 = arith.constant 0 : index
    %get3A_44 = vector.load %arg8[%get3A_42, %get3A_43] : memref<96x64xf32, #tpu.memory_space<vmem>>, vector<32x64xf32>
    %dot_general3A_45 = arith.constant dense<0.000000e+00> : vector<1000x64xf32>
    %dot_general3A_46 = tpu.matmul %max3A_25, %get3A_44, %dot_general3A_45 {dimension_numbers = #tpu.dot_dimension_numbers<[1], [0], [0], [1], [0, 0, 1, 1], [], []>, transpose_lhs_hint = false} : vector<1000x32xf32>, vector<32x64xf32>, vector<1000x64xf32> -> vector<1000x64xf32>
    %add3A_47 = arith.addf %add3A_41, %dot_general3A_46 : vector<1000x64xf32>
    %get3A_48 = arith.constant 0 : index
    %get3A_49 = arith.constant 0 : index
    %get3A_50 = vector.load %arg9[%get3A_48, %get3A_49] : memref<1x64xf32, #tpu.memory_space<vmem>>, vector<1x64xf32>
    %add3A_51 = vector.broadcast %get3A_50 : vector<1x64xf32> to vector<1000x64xf32>
    %add3A_52 = arith.addf %add3A_47, %add3A_51 : vector<1000x64xf32>
    %max3A_53 = arith.constant 0.000000e+00 : f32
    %max3A_54 = vector.broadcast %max3A_53 : f32 to vector<1000x64xf32>
    %max3A_55 = arith.maximumf %add3A_52, %max3A_54 : vector<1000x64xf32>
    %get3A_56 = arith.constant 0 : index
    %get3A_57 = arith.constant 0 : index
    %get3A_58 = vector.load %arg10[%get3A_56, %get3A_57] : memref<64x128xf32, #tpu.memory_space<vmem>>, vector<64x128xf32>
    %dot_general3A_59 = arith.constant dense<0.000000e+00> : vector<1000x128xf32>
    %dot_general3A_60 = tpu.matmul %max3A_55, %get3A_58, %dot_general3A_59 {dimension_numbers = #tpu.dot_dimension_numbers<[1], [0], [0], [1], [0, 0, 1, 1], [], []>, transpose_lhs_hint = false} : vector<1000x64xf32>, vector<64x128xf32>, vector<1000x128xf32> -> vector<1000x128xf32>
    %get3A_61 = arith.constant 0 : index
    %get3A_62 = arith.constant 0 : index
    %get3A_63 = vector.load %arg11[%get3A_61, %get3A_62] : memref<1x128xf32, #tpu.memory_space<vmem>>, vector<1x128xf32>
    %add3A_64 = vector.broadcast %get3A_63 : vector<1x128xf32> to vector<1000x128xf32>
    %add3A_65 = arith.addf %dot_general3A_60, %add3A_64 : vector<1000x128xf32>
    %max3A_66 = arith.constant 0.000000e+00 : f32
    %max3A_67 = vector.broadcast %max3A_66 : f32 to vector<1000x128xf32>
    %max3A_68 = arith.maximumf %add3A_65, %max3A_67 : vector<1000x128xf32>
    %iota3A = tpu.iota {dimensions = array<i32: 0>} : vector<64x1000xi32>
    %get3A_69 = arith.constant 0 : index
    %get3A_70 = arith.constant 0 : index
    %get3A_71 = arith.constant 0 : index
    %get3A_72 = vector.load %arg7[%get3A_69, %get3A_70, %get3A_71] : memref<1x1x1000xi32, #tpu.memory_space<vmem>>, vector<1x1x1000xi32>
    %get3A_73 = vector.shape_cast %get3A_72 : vector<1x1x1000xi32> to vector<1x1000xi32>
    %eq3A_74 = vector.broadcast %get3A_73 : vector<1x1000xi32> to vector<64x1000xi32>
    %eq3A_75 = arith.cmpi eq, %iota3A, %eq3A_74 : vector<64x1000xi32>
    %convert_element_type3A_76 = arith.extui %eq3A_75 : vector<64x1000xi1> to vector<64x1000xi32>
    %convert_element_type3A_77 = arith.sitofp %convert_element_type3A_76 : vector<64x1000xi32> to vector<64x1000xf32>
    %get3A_78 = arith.constant 0 : index
    %get3A_79 = arith.constant 0 : index
    %get3A_80 = vector.load %arg17[%get3A_78, %get3A_79] : memref<64x128xf32, #tpu.memory_space<vmem>>, vector<64x128xf32>
    %dot_general3A_81 = arith.constant dense<0.000000e+00> : vector<64x128xf32>
    %dot_general3A_82 = tpu.matmul %convert_element_type3A_77, %max3A_68, %dot_general3A_81 {dimension_numbers = #tpu.dot_dimension_numbers<[1], [0], [0], [1], [0, 0, 1, 1], [], []>, transpose_lhs_hint = false} : vector<64x1000xf32>, vector<1000x128xf32>, vector<64x128xf32> -> vector<64x128xf32>
    %add3A_83 = arith.addf %get3A_80, %dot_general3A_82 : vector<64x128xf32>
    %swap3A = arith.constant 0 : index
    %swap3A_84 = arith.constant 0 : index
    %swap3A_85 = vector.load %arg17[%swap3A, %swap3A_84] : memref<64x128xf32, #tpu.memory_space<vmem>>, vector<64x128xf32>
    tpu.vector_store %arg17[%swap3A, %swap3A_84], %add3A_83 {strides = array<i32>} : memref<64x128xf32, #tpu.memory_space<vmem>>, vector<64x128xf32>,
    %eq3A_86 = arith.constant 9 : i32
    %eq3A_87 = arith.cmpi eq, %arg0, %eq3A_86 : i32
    %convert_element_type3A_88 = arith.extui %eq3A_87 : i1 to i32
    %cond3A_89 = arith.constant 0 : i32
    %cond3A_90 = arith.cmpi ne, %convert_element_type3A_88, %cond3A_89 : i32
    scf.if %cond3A_90 {
      %get3A_91 = arith.constant 0 : index
      %get3A_92 = arith.constant 0 : index
      %get3A_93 = vector.load %arg17[%get3A_91, %get3A_92] : memref<64x128xf32, #tpu.memory_space<vmem>>, vector<64x128xf32>
      %get3A_94 = arith.constant 0 : index
      %get3A_95 = arith.constant 0 : index
      %get3A_96 = vector.load %arg12[%get3A_94, %get3A_95] : memref<128x64xf32, #tpu.memory_space<vmem>>, vector<128x64xf32>
      %dot_general3A_97 = arith.constant dense<0.000000e+00> : vector<64x64xf32>
      %dot_general3A_98 = tpu.matmul %get3A_93, %get3A_96, %dot_general3A_97 {dimension_numbers = #tpu.dot_dimension_numbers<[1], [0], [0], [1], [0, 0, 1, 1], [], []>, transpose_lhs_hint = false} : vector<64x128xf32>, vector<128x64xf32>, vector<64x64xf32> -> vector<64x64xf32>
      %get3A_99 = arith.constant 0 : index
      %get3A_100 = arith.constant 0 : index
      %get3A_101 = vector.load %arg13[%get3A_99, %get3A_100] : memref<1x64xf32, #tpu.memory_space<vmem>>, vector<1x64xf32>
      %add3A_102 = vector.broadcast %get3A_101 : vector<1x64xf32> to vector<64x64xf32>
      %add3A_103 = arith.addf %dot_general3A_98, %add3A_102 : vector<64x64xf32>
      %max3A_104 = arith.constant 0.000000e+00 : f32
      %max3A_105 = vector.broadcast %max3A_104 : f32 to vector<64x64xf32>
      %max3A_106 = arith.maximumf %add3A_103, %max3A_105 : vector<64x64xf32>
      %get3A_107 = arith.constant 0 : index
      %get3A_108 = arith.constant 0 : index
      %get3A_109 = vector.load %arg14[%get3A_107, %get3A_108] : memref<64x2xf32, #tpu.memory_space<vmem>>, vector<64x2xf32>
      %dot_general3A_110 = arith.constant dense<0.000000e+00> : vector<64x2xf32>
      %dot_general3A_111 = tpu.matmul %max3A_106, %get3A_109, %dot_general3A_110 {dimension_numbers = #tpu.dot_dimension_numbers<[1], [0], [0], [1], [0, 0, 1, 1], [], []>, transpose_lhs_hint = false} : vector<64x64xf32>, vector<64x2xf32>, vector<64x2xf32> -> vector<64x2xf32>
      %get3A_112 = arith.constant 0 : index
      %get3A_113 = arith.constant 0 : index
      %get3A_114 = vector.load %arg15[%get3A_112, %get3A_113] : memref<1x2xf32, #tpu.memory_space<vmem>>, vector<1x2xf32>
      %add3A_115 = vector.broadcast %get3A_114 : vector<1x2xf32> to vector<64x2xf32>
      %add3A_116 = arith.addf %dot_general3A_111, %add3A_115 : vector<64x2xf32>
      %reduce_max3A = arith.constant dense<0xFF800000> : vector<64xf32>
      %reduce_max3A_117 = vector.multi_reduction <maximumf>, %add3A_116, %reduce_max3A [1] : vector<64x2xf32> to vector<64xf32>
      %broadcast_in_dim3A = vector.shape_cast %reduce_max3A_117 : vector<64xf32> to vector<64x1xf32>
      %sub3A = vector.broadcast %broadcast_in_dim3A : vector<64x1xf32> to vector<64x2xf32>
      %sub3A_118 = arith.subf %add3A_116, %sub3A : vector<64x2xf32>
      %exp3A = math.exp %sub3A_118 : vector<64x2xf32>
      %reduce_sum3A = arith.constant dense<0.000000e+00> : vector<64xf32>
      %reduce_sum3A_119 = vector.multi_reduction <add>, %exp3A, %reduce_sum3A [1] : vector<64x2xf32> to vector<64xf32>
      %broadcast_in_dim3A_120 = vector.shape_cast %reduce_sum3A_119 : vector<64xf32> to vector<64x1xf32>
      %sub3A_121 = vector.broadcast %broadcast_in_dim3A : vector<64x1xf32> to vector<64x2xf32>
      %sub3A_122 = arith.subf %add3A_116, %sub3A_121 : vector<64x2xf32>
      %log3A = math.log %broadcast_in_dim3A_120 : vector<64x1xf32>
      %sub3A_123 = vector.broadcast %log3A : vector<64x1xf32> to vector<64x2xf32>
      %sub3A_124 = arith.subf %sub3A_122, %sub3A_123 : vector<64x2xf32>
      %swap3A_125 = arith.constant 0 : index
      %swap3A_126 = arith.constant 0 : index
      %swap3A_127 = vector.load %arg16[%swap3A_125, %swap3A_126] : memref<64x2xf32, #tpu.memory_space<vmem>>, vector<64x2xf32>
      tpu.vector_store %arg16[%swap3A_125, %swap3A_126], %sub3A_124 {strides = array<i32>} : memref<64x2xf32, #tpu.memory_space<vmem>>, vector<64x2xf32>,
    } else {
    }
    return
  }
  func.func @transform_0(%arg0: i32) -> (i32, i32, i32) {
    %c0_i32 = arith.constant 0 : i32
    %c0_i32_0 = arith.constant 0 : i32
    %c0_i32_1 = arith.constant 0 : i32
    return %c0_i32, %arg0, %c0_i32_0 : i32, i32, i32
  }
  func.func @transform_1(%arg0: i32) -> (i32, i32) {
    %c0_i32 = arith.constant 0 : i32
    %c0_i32_0 = arith.constant 0 : i32
    return %arg0, %c0_i32 : i32, i32
  }
  func.func @transform_2(%arg0: i32) -> (i32, i32) {
    %c0_i32 = arith.constant 0 : i32
    %c0_i32_0 = arith.constant 0 : i32
    return %arg0, %c0_i32 : i32, i32
  }
  func.func @transform_3(%arg0: i32) -> (i32, i32) {
    %c0_i32 = arith.constant 0 : i32
    %c0_i32_0 = arith.constant 0 : i32
    %c0_i32_1 = arith.constant 0 : i32
    return %c0_i32, %c0_i32_0 : i32, i32
  }
  func.func @transform_4(%arg0: i32) -> (i32, i32) {
    %c0_i32 = arith.constant 0 : i32
    %c0_i32_0 = arith.constant 0 : i32
    return %arg0, %c0_i32 : i32, i32
  }
  func.func @transform_5(%arg0: i32) -> (i32, i32) {
    %c0_i32 = arith.constant 0 : i32
    %c0_i32_0 = arith.constant 0 : i32
    return %arg0, %c0_i32 : i32, i32
  }
  func.func @transform_6(%arg0: i32) -> (i32, i32, i32) {
    %c0_i32 = arith.constant 0 : i32
    %c0_i32_0 = arith.constant 0 : i32
    %c0_i32_1 = arith.constant 0 : i32
    return %arg0, %c0_i32, %c0_i32_0 : i32, i32, i32
  }
  func.func @transform_7(%arg0: i32) -> (i32, i32) {
    %c0_i32 = arith.constant 0 : i32
    %c0_i32_0 = arith.constant 0 : i32
    %c0_i32_1 = arith.constant 0 : i32
    return %c0_i32, %c0_i32_0 : i32, i32
  }
  func.func @transform_8(%arg0: i32) -> (i32, i32) {
    %c0_i32 = arith.constant 0 : i32
    %c0_i32_0 = arith.constant 0 : i32
    %c0_i32_1 = arith.constant 0 : i32
    return %c0_i32, %c0_i32_0 : i32, i32
  }
  func.func @transform_9(%arg0: i32) -> (i32, i32) {
    %c0_i32 = arith.constant 0 : i32
    %c0_i32_0 = arith.constant 0 : i32
    %c0_i32_1 = arith.constant 0 : i32
    return %c0_i32, %c0_i32_0 : i32, i32
  }
  func.func @transform_10(%arg0: i32) -> (i32, i32) {
    %c0_i32 = arith.constant 0 : i32
    %c0_i32_0 = arith.constant 0 : i32
    %c0_i32_1 = arith.constant 0 : i32
    return %c0_i32, %c0_i32_0 : i32, i32
  }
  func.func @transform_11(%arg0: i32) -> (i32, i32) {
    %c0_i32 = arith.constant 0 : i32
    %c0_i32_0 = arith.constant 0 : i32
    %c0_i32_1 = arith.constant 0 : i32
    return %c0_i32, %c0_i32_0 : i32, i32
  }
  func.func @transform_12(%arg0: i32) -> (i32, i32) {
    %c0_i32 = arith.constant 0 : i32
    %c0_i32_0 = arith.constant 0 : i32
    %c0_i32_1 = arith.constant 0 : i32
    return %c0_i32, %c0_i32_0 : i32, i32
  }
  func.func @transform_13(%arg0: i32) -> (i32, i32) {
    %c0_i32 = arith.constant 0 : i32
    %c0_i32_0 = arith.constant 0 : i32
    %c0_i32_1 = arith.constant 0 : i32
    return %c0_i32, %c0_i32_0 : i32, i32
  }
  func.func @transform_14(%arg0: i32) -> (i32, i32) {
    %c0_i32 = arith.constant 0 : i32
    %c0_i32_0 = arith.constant 0 : i32
    %c0_i32_1 = arith.constant 0 : i32
    return %c0_i32, %c0_i32_0 : i32, i32
  }
  func.func @transform_15(%arg0: i32) -> (i32, i32) {
    %c0_i32 = arith.constant 0 : i32
    %c0_i32_0 = arith.constant 0 : i32
    %c0_i32_1 = arith.constant 0 : i32
    return %c0_i32, %c0_i32_0 : i32, i32
  }
}

</mosaic_0001>

<sc_bundles>
// kernel: kernel.11.cloned.1.call-start
scs
__scs_entry_jumppad:
0x0: {  	(pc) =	sbr.rel $0x88, $3  }
0x1: {  	(tag) =	ssettag $0x0;
	lr =	simm.s32 $0x1  }
0x2: {  	[smem:$0x3F90] =	sst lr;
	_ =	strace $0xD0000000  }
0x3: {  	_ = 	snop  }
0x4: {  	_ = 	snop  }
0x5: {  	_ = 	snop  }
0x6: {  	_ = 	snop  }
0x7: {  	_ = 	snop  }
__scs_overlays_trampoline_lowered:
0x8: {  	[smem:$0x3F9F] =	sst s0  }
0x9: {  	[smem:$0x3FA0] =	sst s1  }
0xa: {  	[smem:$0x3FA1] =	sst s2  }
0xb: {  	[smem:$0x3FA2] =	sst s3  }
0xc: {  	[smem:$0x3FA3] =	sst s4  }
0xd: {  	[smem:$0x3FA4] =	sst s5  }
0xe: {  	[smem:$0x3FA5] =	sst s6  }
0xf: {  	[smem:$0x3FA6] =	sst s7  }
0x10: {  	[smem:$0x3FA7] =	sst s8  }
0x11: {  	[smem:$0x3FA8] =	sst s9;
	s0 =	simm.s32 @!p0 $0x0  }
0x12: {  	s1 =	sld [smem:$0x3F8E];
	s0 =	simm.s32 @p0 $0x1  }
0x13: {  	[smem:$0x3FA9] =	sst s0;
	s0 =	simm.s32 @!p1 $0x0  }
0x14: {  	s2 =	sld [smem:$0x3F8D];
	s0 =	simm.s32 @p1 $0x1  }
0x15: {  	[smem:$0x3FAA] =	sst s0;
	s0 =	simm.s32 @!p2 $0x0  }
0x16: {  	s3 =	sld [smem:$0x3FDB];
	s0 =	simm.s32 @p2 $0x1  }
0x17: {  	s4 =	simm.s32 $0x1BF5;
	[smem:$0x3FAC] =	sst s0  }
0x18: {  	s0 =	sld [smem:$0x3F8F];
	_ =	swait.ge [sflag:s4], $0x0  }
0x19: {  	s7 =	sld [smem:$0x3F90]  }
0x1a: {  	s8 =	sadd.s32 $0xFFFFE003, lr  }
0x1b: {  	s9 =	sadd.s32 $0xFFFFFEF7, lr;
	s5 =	simm.s32 $0xFFFFFFFF;
	p2 =	slt.u32 s8, $0xFFFFF086  }
0x1c: {  	p1 =	slt.u32 s9, $0xF7A;
	s5 =	simm.s32 @!p2 $0x0  }
0x1d: {  	s5 =	simm.s32 @p1 $0x1;
	p0 =	seq.s32 s7, s2  }
0x1e: {  	s7 =	smul.u32 @!p0 $0xF7A, s2;
	p2 =	seq.s32 @!p0 s5, $0x0  }
0x1f: {  	s9 =	smul.u32 $0xF7A, s1;
	s8 =	simm.s32 @!p0 $0x1BF5;
	p2 =	por !p2, p0  }
0x20: {  	[sflag:s8] =	ssyncset.s32 @!p0 $0xFFFFF086;
	s6 =	sadd.s32 @!p0 s3, s7;
	s7 =	simm.s32 @!p0 $0x108  }
0x21: {  	s3 =	sadd.s32 s3, s9;
	s6 =	sadd.s32 @!p0 $0x88, s6;
	s7 =	simm.s32 @p2 $0x1082  }
0x22: {  	[simem:s7], [sflag:s8] =	dma.local @!p0 [hbm:s6], $0xF7A  }
0x23: {  	s9 =	sor.u32 $0xD0000000, s2;
	s6 =	simm.s32 $0x108;
	_ =	swait.ge @!p0 [sflag:s8], $0x0  }
0x24: {  	s3 =	sadd.s32 $0x88, s3;
	s6 =	simm.s32 @!p1 $0x1082;
	[sflag:s4] =	ssyncset.s32 $0xFFFFF086  }
0x25: {  	[simem:s6], [sflag:s4] =	dma.local [hbm:s3], $0xF7A  }
0x26: {  	[smem:$0x3F90] =	sst s1;
	(tag) =	ssettag s2;
	_ =	strace s9  }
0x27: {  	s1 =	sld [smem:$0x3FA0]  }
0x28: {  	s2 =	sld [smem:$0x3FA1]  }
0x29: {  	s4 =	sld [smem:$0x3FA3]  }
0x2a: {  	p0 =	seq.s32 s5, $0x0;
	s5 =	sld [smem:$0x3FA4]  }
0x2b: {  	s6 =	sld [smem:$0x3FA5]  }
0x2c: {  	s7 =	sld [smem:$0x3FA6]  }
0x2d: {  	s3 =	simm.s32 $0x108;
	s8 =	sld [smem:$0x3FA7]  }
0x2e: {  	s3 =	simm.s32 @!p0 $0x1082;
	s9 =	sld [smem:$0x3FA8]  }
0x2f: {  	lr =	sadd.s32 s0, s3;
	s0 =	sld [smem:$0x3F9F]  }
0x30: {  	s3 =	sld [smem:$0x3FA2]  }
0x31: {  	[smem:$0x3FAB] =	sst s10  }
0x32: {  	s10 =	sld [smem:$0x3FA9];
	_ =	sdelay $0x3  }
0x33: {  	p0 =	seq.s32 s10, $0x1;
	s10 =	sld [smem:$0x3FAB];
	_ =	sdelay $0x3  }
0x34: {  	[smem:$0x3FAB] =	sst s10  }
0x35: {  	s10 =	sld [smem:$0x3FAA];
	_ =	sdelay $0x3  }
0x36: {  	p1 =	seq.s32 s10, $0x1;
	s10 =	sld [smem:$0x3FAB];
	_ =	sdelay $0x3  }
0x37: {  	[smem:$0x3FAB] =	sst s10  }
0x38: {  	s10 =	sld [smem:$0x3FAC]  }
0x39: {  	_ = 	snop;
	(pc) =	sbr.ind lr, $3  }
0x3a: {  	_ = 	snop  }
0x3b: {  	_ = 	snop  }
0x3c: {  	p2 =	seq.s32 s10, $0x1;
	s10 =	sld [smem:$0x3FAB]  }
0x3d: {  	_ =	shalt  }
0x3e: {  	_ =	shalt  }
0x3f: {  	_ =	shalt  }
0x40: {  	_ =	shalt  }
0x41: {  	_ =	shalt  }
0x42: {  	_ =	shalt  }
0x43: {  	_ =	shalt  }
0x44: {  	_ =	shalt  }
0x45: {  	_ =	shalt  }
0x46: {  	_ =	shalt  }
0x47: {  	_ =	shalt  }
0x48: {  	_ =	shalt  }
0x49: {  	_ =	shalt  }
0x4a: {  	_ =	shalt  }
0x4b: {  	_ =	shalt  }
0x4c: {  	_ =	shalt  }
0x4d: {  	_ =	shalt  }
0x4e: {  	_ =	shalt  }
0x4f: {  	_ =	shalt  }
0x50: {  	_ =	shalt  }
0x51: {  	_ =	shalt  }
0x52: {  	_ =	shalt  }
0x53: {  	_ =	shalt  }
0x54: {  	_ =	shalt  }
0x55: {  	_ =	shalt  }
0x56: {  	_ =	shalt  }
0x57: {  	_ =	shalt  }
0x58: {  	_ =	shalt  }
0x59: {  	_ =	shalt  }
0x5a: {  	_ =	shalt  }
0x5b: {  	_ =	shalt  }
0x5c: {  	_ =	shalt  }
0x5d: {  	_ =	shalt  }
0x5e: {  	_ =	shalt  }
0x5f: {  	_ =	shalt  }
0x60: {  	_ =	shalt  }
0x61: {  	_ =	shalt  }
0x62: {  	_ =	shalt  }
0x63: {  	_ =	shalt  }
0x64: {  	_ =	shalt  }
0x65: {  	_ =	shalt  }
0x66: {  	_ =	shalt  }
0x67: {  	_ =	shalt  }
0x68: {  	_ =	shalt  }
0x69: {  	_ =	shalt  }
0x6a: {  	_ =	shalt  }
0x6b: {  	_ =	shalt  }
0x6c: {  	_ =	shalt  }
0x6d: {  	_ =	shalt  }
0x6e: {  	_ =	shalt  }
0x6f: {  	_ =	shalt  }
0x70: {  	_ =	shalt  }
0x71: {  	_ =	shalt  }
0x72: {  	_ =	shalt  }
0x73: {  	_ =	shalt  }
0x74: {  	_ =	shalt  }
0x75: {  	_ =	shalt  }
0x76: {  	_ =	shalt  }
0x77: {  	_ =	shalt  }
0x78: {  	_ =	shalt  }
0x79: {  	_ =	shalt  }
0x7a: {  	_ =	shalt  }
0x7b: {  	_ =	shalt  }
0x7c: {  	_ =	shalt  }
0x7d: {  	_ =	shalt  }
0x7e: {  	_ =	shalt  }
0x7f: {  	_ =	shalt  }
0x80: {  	_ =	shalt  }
0x81: {  	_ =	shalt  }
0x82: {  	_ =	shalt  }
0x83: {  	_ =	shalt  }
0x84: {  	_ =	shalt  }
0x85: {  	_ =	shalt  }
0x86: {  	_ =	shalt  }
0x87: {  	_ =	shalt  }
.Lfunc_end0:
.L_simem_size_0:
called_computation_lowered:
.L_overlay_start_0:
0x88: {  	s2 =	sld [smem:$0x3FD9]  }
0x89: {  	s3 =	sld [smem:$0x3FFE];
	_ =	sdelay $0x1  }
0x8a: {  	s1 =	srdreg.scid  }
0x8b: {  	s0 =	sand.u32 $0x1, s1  }
0x8c: {  	s16 =	sshll.u32 s0, $0xA;
	s2 =	sadd.s32 s3, s2  }
0x8d: {  	s2 =	sadd.s32 s2, s16  }
0x8e: {  	[smem:$0x3FB7] =	sst s2  }
0x8f: {  	_ = 	snop  }
0x90: {  	(tm) =	ssettm $0x1  }
0x91: {  	s17 =	sld [smem:$0x3FFB];
	_ =	sdelay $0x3  }
0x92: {  	_ =	strace s17  }
0x93: {  	s2 =	sld [smem:$0x3FFC];
	_ =	sdelay $0x3  }
0x94: {  	_ =	strace s2  }
0x95: {  	s2 =	sld [smem:$0x3FFD];
	_ =	sdelay $0x3  }
0x96: {  	_ =	strace s2  }
0x97: {  	_ =	strace $0x8FFFFFFF  }
0x98: {  	s18 =	sld [smem:$0x3FDB];
	_ =	sdelay $0x1  }
0x99: {  	s19 =	simm.s32 $_scs_section_size  }
0x9a: {  	s4 =	simm.s32 $_size__tile_overlayer_lowered;
	s5 =	simm.s32 $_tile_overlayer_lowered  }
0x9b: {  	s22 =	simm.s32 $0x1BFF;
	s21 =	sshll.u32 s5, $0x1;
	s2 =	sadd.s32 s19, s18  }
0x9c: {  	s6 =	simm.s32 $0x0;
	s20 =	sshll.u32 s4, $0x1;
	s4 =	sadd.s32 s21, s2  }
0x9d: {  	[timem:s6], [sflag:s22] =	dma.local [hbm:s4], s20  }
0x9e: {  	_ =	swait.ge [sflag:s22], s20  }
0x9f: {  	s3 =	ssub.s32 $0x0, s20;
	[sflag:s22] =	ssyncset.done $0x0  }
0xa0: {  	[sflag:s22] =	ssyncadd.s32 s3;
	_ =	sdelay $0x1  }
0xa1: {  	s23 =	simm.s32 $0x1B8B  }
0xa2: {  	_ =	swait.ge [sflag:s23], $0x1  }
0xa3: {  	[sflag:s23] =	ssyncset.done $0x0  }
0xa4: {  	s25 =	simm.s32 $0x1B8E;
	s24 =	sld [smem:$0x3FFE];
	[sflag:s23] =	ssyncadd.s32 $0xFFFFFFFF  }
0xa5: {  	s26 =	simm.s32 $execute0_lowered;
	[smem:$0x3FD2] =	sst s25  }
0xa6: {  	s4 =	sshll.u32 s26, $0x1;
	_ =	strace $0x80000046;
	[dreg:$0x1] =	wrdreg $0xFFFFFFFF  }
0xa7: {  	s28 =	simm.s32 $_size_execute0_lowered;
	s2 =	sadd.s32 s2, s4;
	[dreg:$0x0] =	wrdreg $0x0  }
0xa8: {  	s4 =	sshll.u32 s28, $0x1;
	[dreg:$0x2] =	wrdreg s2  }
0xa9: {  	[dreg:$0x3] =	wrdreg s4  }
0xaa: {  	[dreg:$0x4] =	wrdreg $0xC0  }
0xab: {  	_ =	task [dreg:s6], $0x5FFFF  }
0xac: {  	[dreg:$0x1] =	wrdreg $0xFFFFFFFF  }
0xad: {  	[dreg:$0x0] =	wrdreg $0x60  }
0xae: {  	[dreg:$0x2] =	wrdreg s24  }
0xaf: {  	[dreg:$0x3] =	wrdreg $0x2C000  }
0xb0: {  	[dreg:$0x4] =	wrdreg $0x9  }
0xb1: {  	_ =	task.clear_ibuf [dreg:s6], $0x5FFFF;
	_ =	strace $0x90000046  }
0xb2: {  	s29 =	simm.s32 $0x9;
	_ =	strace $0x80000048  }
0xb3: {  	_ =	swait.ge [sflag:s29], $0x1  }
0xb4: {  	[sflag:s29] =	ssyncadd.s32 $0xFFFFFFFF  }
0xb5: {  	_ =	strace $0x90000048  }
0xb6: {  	_ =	sfence  }
0xb7: {  	s30 =	sld [smem:$0x0];
	_ =	sdelay $0x2  }
0xb8: {  	s31 =	sshll.u32 s1, $0xD;
	s1 =	sshrl.u32 s1, $0x2  }
0xb9: {  	s3 =	sand.u32 $0x4000, s31;
	s1 =	sadd.s32 s1, s30  }
0xba: {  	s0 =	sor.u32 s3, s0;
	s1 =	sshll.u32 s1, $0x11  }
0xbb: {  	s0 =	sor.u32 s1, s0  }
0xbc: {  	s0 =	sadd.s32 $0x8F2B, s0  }
0xbd: {  	[sflag:s0] =	ssyncadd.remote.s32 $0x1  }
0xbe: {  	_ =	sfence.sel $0xFFFF  }
0xbf: {  	[dreg:$0x0] =	wrdreg $0xFFFFFFFF;
	(pc) =	sbr.abs _section_cstart, $3  }
0xc0: {  	[dreg:$0x1] =	wrdreg $0xFFFFFFFF  }
0xc1: {  	_ =	task.clear_ibuf [dreg:s6], $0x2FFFF;
	_ =	strace $0x9FFFFFFF  }
0xc2: {  	(tm) =	ssettm $0x7FFFFFFF  }
0xc3: {  	_ =	shalt  }
tec
execute0_lowered:
.L_overlay_start_1:
0x0: {  	(tag) =	ssettag $0x1  }
0x1: {  	s1 =	srdreg.scid  }
0x2: {  	s0 =	stileid.u32;
	s6 =	rddreg [dreg:$0x0]  }
0x3: {  	s2 =	rddreg [dreg:$0x1];
	s3 =	simm.s32 $0x0;
	s13 =	simm.s32 $0x80  }
0x4: {  	s14 =	simm.s32 $0x100;
	s15 =	simm.s32 $0x1;
	s16 =	simm.s32 $0x180  }
0x5: {  	s17 =	simm.s32 $0x2;
	s18 =	simm.s32 $0x3;
	s19 =	simm.s32 $0x4  }
0x6: {  	s20 =	simm.s32 $0x0;
	s5 =	sand.u32 $0x1, s1;
	s30 =	sshll.u32 s0, $0x1  }
0x7: {  	s7 =	smul.u32 $0x13C0, s0;
	[smem:$0x7FF] =	sst s3;
	s31 =	sshll.u32 s0, $0x6  }
0x8: {  	s1 =	sor.u32 s5, s30;
	s8 =	smul.u32 $0x13C00, s5;
	s5 =	ssub.s32 $0x2, s5  }
0x9: {  	s4 =	smul.u32 $0x500, s1;
	s1 =	rddreg [dreg:$0x2];
	_ =	strace $0x80000047  }
0xa: {  	s10 =	sshrl.u32 s7, $0x3;
	s11 =	sshrl.u32 s5, $0x1;
	s12 =	sadd.s32 s7, s2  }
0xb: {  	s8 =	sadd.s32 s7, s8;
	s10 =	sadd.s32 s10, s6;
	s11 =	ssub.s32 s5, s11  }
0xc: {  	s12 =	sshrl.u32 s12, $0x3;
	s9 =	sadd.s32 s4, s6;
	s8 =	sshrl.u32 s8, $0x3  }
0xd: {  	s4 =	sadd.s32 $0xFC00, s6;
	s8 =	sadd.s32 s8, s6;
	s5 =	sadd.s32 $0x3400, s9  }
0xe: {  	s6 =	sadd.s32 $0xD400, s10;
	s9 =	simm.s32 $0x2800;
	s10 =	simm.s32 $0x5  }
0xf: {  	s7 =	sadd.s32 $0xFE00, s8;
	s8 =	smax.u32 s11, $0x1;
	s11 =	sor.u32 $0x1C05, s31  }
.LBB2_1:
0x10: {  	[tilespmem:s9], [sflag:$0x5] =	stream.linear.gather [hbm4b:s4+s3], $0x400, $0x38;
	[tilespmem:$0x3FC0] =	vst v63  }
0x11: {  	_ =	swait.ge [sflag:s10], $0x400  }
0x12: {  	[sflag:s10] =	ssyncset.done $0x0  }
0x13: {  	[sflag:s10] =	ssyncadd.s32 $0xFFFFFC00  }
0x14: {  	[tilespmem:s3], [sflag:$0x5] =	stream.linear.gather [hbm4b:s5+s3], $0x2800, $0x38;
	[tilespmem:$0x3FC0] =	vst v63  }
0x15: {  	_ =	swait.ge [sflag:s10], $0x2800  }
0x16: {  	[sflag:s10] =	ssyncset.done $0x0  }
0x17: {  	[sflag:s10] =	ssyncadd.s32 $0xFFFFD800  }
0x18: {  	[spmem:s12], [sflag:s11] =	dma.local [hbm:s6], $0x278  }
0x19: {  	_ =	swait.ge [sflag:s10], $0x278  }
0x1a: {  	[sflag:s10] =	ssyncset.done $0x0  }
0x1b: {  	[sflag:s10] =	ssyncadd.s32 $0xFFFFFD88  }
0x1c: {  	[bflag:$0x0] =	sbarrier.arrive $0xFFFF  }
0x1d: {  	[spmem:s2] =	stream.indirect.scatter.add.f32 [tilespmem:s9], [sflag:$0x1], $0x8, s3, s13, $0xb8;
	[tilespmem:$0x3FC0] =	vst v63  }
0x1e: {  	_ = 	snop  }
0x1f: {  	[spmem:s2] =	stream.indirect.scatter.add.f32 [tilespmem:s9], [sflag:$0x2], $0x8, s13, s13, $0xb8;
	[tilespmem:$0x3FC0] =	vst v63  }
0x20: {  	_ = 	snop  }
0x21: {  	[spmem:s2] =	stream.indirect.scatter.add.f32 [tilespmem:s9], [sflag:$0x3], $0x8, s14, s13, $0xb8;
	[tilespmem:$0x3FC0] =	vst v63  }
0x22: {  	_ =	swait.ge [sflag:s15], $0x400  }
0x23: {  	[sflag:s15] =	ssyncset.done $0x0  }
0x24: {  	[sflag:s15] =	ssyncadd.s32 $0xFFFFFC00  }
0x25: {  	[spmem:s2] =	stream.indirect.scatter.add.f32 [tilespmem:s9], [sflag:$0x4], $0x8, s16, s13, $0xb8;
	[tilespmem:$0x3FC0] =	vst v63  }
0x26: {  	_ =	swait.ge [sflag:s17], $0x400  }
0x27: {  	[sflag:s17] =	ssyncset.done $0x0  }
0x28: {  	s21 =	simm.s32 $0x200;
	[sflag:s17] =	ssyncadd.s32 $0xFFFFFC00  }
0x29: {  	[spmem:s2] =	stream.indirect.scatter.add.f32 [tilespmem:s9], [sflag:$0x1], $0x8, s21, s13, $0xb8;
	[tilespmem:$0x3FC0] =	vst v63  }
0x2a: {  	_ =	swait.ge [sflag:s18], $0x400  }
0x2b: {  	[sflag:s18] =	ssyncset.done $0x0  }
0x2c: {  	s29 =	simm.s32 $0x280;
	[sflag:s18] =	ssyncadd.s32 $0xFFFFFC00  }
0x2d: {  	[spmem:s2] =	stream.indirect.scatter.add.f32 [tilespmem:s9], [sflag:$0x2], $0x8, s29, s13, $0xb8;
	[tilespmem:$0x3FC0] =	vst v63  }
0x2e: {  	_ =	swait.ge [sflag:s19], $0x400  }
0x2f: {  	[sflag:s19] =	ssyncset.done $0x0  }
0x30: {  	s30 =	simm.s32 $0x300;
	[sflag:s19] =	ssyncadd.s32 $0xFFFFFC00  }
0x31: {  	[spmem:s2] =	stream.indirect.scatter.add.f32 [tilespmem:s9], [sflag:$0x3], $0x8, s30, s13, $0xb8;
	[tilespmem:$0x3FC0] =	vst v63  }
0x32: {  	_ =	swait.ge [sflag:s15], $0x400  }
0x33: {  	[sflag:s15] =	ssyncset.done $0x0  }
0x34: {  	s31 =	simm.s32 $0x380;
	[sflag:s15] =	ssyncadd.s32 $0xFFFFFC00  }
0x35: {  	[spmem:s2] =	stream.indirect.scatter.add.f32 [tilespmem:s9], [sflag:$0x4], $0x8, s31, s13, $0xb8;
	[tilespmem:$0x3FC0] =	vst v63  }
0x36: {  	_ =	swait.ge [sflag:s17], $0x400  }
0x37: {  	s22 =	simm.s32 $0xFFFF7800;
	s21 =	simm.s32 $0xFFFFDC00;
	[sflag:s17] =	ssyncset.done $0x0  }
.LBB2_2:
0x38: {  	s23 =	sadd.s32 $0x2800, s21  }
0x39: {  	[sflag:s17] =	ssyncadd.s32 $0xFFFFFC00;
	s24 =	smov.u32 s22;
	s25 =	sadd.s32 $0x800, s22  }
0x3a: {  	[spmem:s2] =	stream.indirect.scatter.add.f32 [tilespmem:s9], [sflag:$0x1], $0x8, s23, s13, $0xb8;
	[tilespmem:$0x3FC0] =	vst v63  }
0x3b: {  	p0 =	sne.s32 s22, $0xFFFFF800;
	_ =	swait.ge [sflag:s18], $0x400  }
0x3c: {  	[sflag:s18] =	ssyncset.done $0x0  }
0x3d: {  	s22 =	sadd.s32 $0x2880, s21;
	[sflag:s18] =	ssyncadd.s32 $0xFFFFFC00  }
0x3e: {  	[spmem:s2] =	stream.indirect.scatter.add.f32 [tilespmem:s9], [sflag:$0x2], $0x8, s22, s13, $0xb8;
	[tilespmem:$0x3FC0] =	vst v63  }
0x3f: {  	_ =	swait.ge [sflag:s19], $0x400  }
0x40: {  	[sflag:s19] =	ssyncset.done $0x0  }
0x41: {  	s22 =	sadd.s32 $0x2900, s21;
	[sflag:s19] =	ssyncadd.s32 $0xFFFFFC00  }
0x42: {  	[spmem:s2] =	stream.indirect.scatter.add.f32 [tilespmem:s9], [sflag:$0x3], $0x8, s22, s13, $0xb8;
	[tilespmem:$0x3FC0] =	vst v63  }
0x43: {  	_ =	swait.ge [sflag:s15], $0x400  }
.Ltmp0:
0x44: {  	[sflag:s15] =	ssyncset.done $0x0;
	(pc) =	sbr.rel @p0 .LBB2_2-.Ltmp0, $4  }
0x45: {  	s21 =	sadd.s32 $0x2980, s21;
	[sflag:s15] =	ssyncadd.s32 $0xFFFFFC00  }
0x46: {  	[spmem:s2] =	stream.indirect.scatter.add.f32 [tilespmem:s9], [sflag:$0x4], $0x8, s21, s13, $0xb8;
	[tilespmem:$0x3FC0] =	vst v63  }
0x47: {  	_ =	swait.ge [sflag:s17], $0x400  }
0x48: {  	s22 =	smov.u32 s25;
	s21 =	sshra.s32 s24, $0x2;
	[sflag:s17] =	ssyncset.done $0x0  }
0x49: {  	s22 =	sadd.s32 $0x2800, s21;
	[sflag:s17] =	ssyncadd.s32 $0xFFFFFC00  }
0x4a: {  	[spmem:s2] =	stream.indirect.scatter.add.f32 [tilespmem:s9], [sflag:$0x1], $0x8, s22, s13, $0xb8;
	[tilespmem:$0x3FC0] =	vst v63  }
0x4b: {  	_ =	swait.ge [sflag:s18], $0x400  }
0x4c: {  	[sflag:s18] =	ssyncset.done $0x0  }
0x4d: {  	s29 =	sadd.s32 $0x2880, s21;
	[sflag:s18] =	ssyncadd.s32 $0xFFFFFC00  }
0x4e: {  	[spmem:s2] =	stream.indirect.scatter.add.f32 [tilespmem:s9], [sflag:$0x2], $0x8, s29, s13, $0xb8;
	[tilespmem:$0x3FC0] =	vst v63  }
0x4f: {  	_ =	swait.ge [sflag:s19], $0x400  }
0x50: {  	[sflag:s19] =	ssyncset.done $0x0  }
0x51: {  	s30 =	sadd.s32 $0x2900, s21;
	[sflag:s19] =	ssyncadd.s32 $0xFFFFFC00  }
0x52: {  	[spmem:s2] =	stream.indirect.scatter.add.f32 [tilespmem:s9], [sflag:$0x3], $0x8, s30, s13, $0xb8;
	[tilespmem:$0x3FC0] =	vst v63  }
0x53: {  	_ =	swait.ge [sflag:s15], $0x400  }
0x54: {  	[sflag:s15] =	ssyncset.done $0x0  }
0x55: {  	s31 =	sadd.s32 $0x2980, s21;
	[sflag:s15] =	ssyncadd.s32 $0xFFFFFC00  }
0x56: {  	[spmem:s2] =	stream.indirect.scatter.add.f32 [tilespmem:s9], [sflag:$0x4], $0x8, s31, s13, $0xb8;
	[tilespmem:$0x3FC0] =	vst v63  }
0x57: {  	_ =	swait.ge [sflag:s17], $0x400  }
0x58: {  	[sflag:s17] =	ssyncset.done $0x0  }
0x59: {  	[sflag:s17] =	ssyncadd.s32 $0xFFFFFC00  }
0x5a: {  	_ =	swait.ge [sflag:s18], $0x400  }
0x5b: {  	[sflag:s18] =	ssyncset.done $0x0  }
0x5c: {  	[sflag:s18] =	ssyncadd.s32 $0xFFFFFC00  }
0x5d: {  	_ =	swait.ge [sflag:s19], $0x400  }
0x5e: {  	s20 =	sadd.s32 $0x1, s20;
	[sflag:s19] =	ssyncset.done $0x0  }
0x5f: {  	p0 =	sne.s32 s20, s8;
	[sflag:s19] =	ssyncadd.s32 $0xFFFFFC00  }
.Ltmp1:
0x60: {  	[bflag:$0x0] =	sbarrier.arrive $0xFFFF;
	(pc) =	sbr.rel @p0 .LBB2_1-.Ltmp1, $4  }
0x61: {  	[hbm:s7], [sflag:s11] =	dma.local [spmem:s12], $0x278  }
0x62: {  	_ =	swait.ge [sflag:s10], $0x278  }
0x63: {  	[sflag:s10] =	ssyncset.done $0x0  }
0x64: {  	[sflag:s10] =	ssyncadd.s32 $0xFFFFFD88  }
0x65: {  	_ =	sfence.sel $0x180000  }
0x66: {  	[bflag:$0x0] =	sbarrier.arrive $0xFFFF  }
0x67: {  	p0 =	sne.s32 s0, $0x0;
	_ =	strace $0x90000047  }
0x68: {  	s0 =	sadd.s32 @!p0 $0x100000, s1;
	[bflag:$0x2] =	sbarrier.arrive $0xFFFF  }
0x69: {  	[sflag:s0] =	ssyncadd.tile.s32 @!p0 $0x1;
	_ =	shalt  }
.Lfunc_end2:
_tile_overlayer_lowered:
.L_overlay_start_2:
0x6a: {  	(tag) =	ssettag $0x2  }
0x6b: {  	s0 =	rddreg [dreg:$0x0];
	s2 =	stileid.u32  }
0x6c: {  	s1 =	rddreg [dreg:$0x1];
	p0 =	sne.s32 s2, $0x0  }
0x6d: {  	s3 =	rddreg [dreg:$0x2];
	[bflag:$0x3] =	sbarrier.arrive $0xFFFF;
	s2 =	simm.s32 @!p0 $0x1C05  }
0x6e: {  	[timem:s3], [sflag:s2] =	dma.local @!p0 [hbm:s0], s1  }
0x6f: {  	s0 =	simm.s32 @!p0 $0x5  }
0x70: {  	_ =	swait.ge @!p0 [sflag:s0], s1  }
0x71: {  	s1 =	ssub.s32 @!p0 $0x0, s1;
	[sflag:s0] =	ssyncset.done @!p0 $0x0  }
0x72: {  	[sflag:s0] =	ssyncadd.s32 @!p0 s1  }
0x73: {  	[bflag:$0x3] =	sbarrier.arrive $0xFFFF  }
0x74: {  	_ =	shalt  }

// kernel: kernel.14.cloned.1.call-start
scs
__scs_entry_jumppad:
0x0: {  	(pc) =	sbr.rel $0x88, $3  }
0x1: {  	(tag) =	ssettag $0x0;
	lr =	simm.s32 $0x1  }
0x2: {  	[smem:$0x3F90] =	sst lr;
	_ =	strace $0xD0000000  }
0x3: {  	_ = 	snop  }
0x4: {  	_ = 	snop  }
0x5: {  	_ = 	snop  }
0x6: {  	_ = 	snop  }
0x7: {  	_ = 	snop  }
__scs_overlays_trampoline_lowered:
0x8: {  	[smem:$0x3F9F] =	sst s0  }
0x9: {  	[smem:$0x3FA0] =	sst s1  }
0xa: {  	[smem:$0x3FA1] =	sst s2  }
0xb: {  	[smem:$0x3FA2] =	sst s3  }
0xc: {  	[smem:$0x3FA3] =	sst s4  }
0xd: {  	[smem:$0x3FA4] =	sst s5  }
0xe: {  	[smem:$0x3FA5] =	sst s6  }
0xf: {  	[smem:$0x3FA6] =	sst s7  }
0x10: {  	[smem:$0x3FA7] =	sst s8  }
0x11: {  	[smem:$0x3FA8] =	sst s9;
	s0 =	simm.s32 @!p0 $0x0  }
0x12: {  	s1 =	sld [smem:$0x3F8E];
	s0 =	simm.s32 @p0 $0x1  }
0x13: {  	[smem:$0x3FA9] =	sst s0;
	s0 =	simm.s32 @!p1 $0x0  }
0x14: {  	s2 =	sld [smem:$0x3F8D];
	s0 =	simm.s32 @p1 $0x1  }
0x15: {  	[smem:$0x3FAA] =	sst s0;
	s0 =	simm.s32 @!p2 $0x0  }
0x16: {  	s3 =	sld [smem:$0x3FDB];
	s0 =	simm.s32 @p2 $0x1  }
0x17: {  	s4 =	simm.s32 $0x1BF5;
	[smem:$0x3FAC] =	sst s0  }
0x18: {  	s0 =	sld [smem:$0x3F8F];
	_ =	swait.ge [sflag:s4], $0x0  }
0x19: {  	s7 =	sld [smem:$0x3F90]  }
0x1a: {  	s8 =	sadd.s32 $0xFFFFE003, lr  }
0x1b: {  	s9 =	sadd.s32 $0xFFFFFEF7, lr;
	s5 =	simm.s32 $0xFFFFFFFF;
	p2 =	slt.u32 s8, $0xFFFFF086  }
0x1c: {  	p1 =	slt.u32 s9, $0xF7A;
	s5 =	simm.s32 @!p2 $0x0  }
0x1d: {  	s5 =	simm.s32 @p1 $0x1;
	p0 =	seq.s32 s7, s2  }
0x1e: {  	s7 =	smul.u32 @!p0 $0xF7A, s2;
	p2 =	seq.s32 @!p0 s5, $0x0  }
0x1f: {  	s9 =	smul.u32 $0xF7A, s1;
	s8 =	simm.s32 @!p0 $0x1BF5;
	p2 =	por !p2, p0  }
0x20: {  	[sflag:s8] =	ssyncset.s32 @!p0 $0xFFFFF086;
	s6 =	sadd.s32 @!p0 s3, s7;
	s7 =	simm.s32 @!p0 $0x108  }
0x21: {  	s3 =	sadd.s32 s3, s9;
	s6 =	sadd.s32 @!p0 $0x88, s6;
	s7 =	simm.s32 @p2 $0x1082  }
0x22: {  	[simem:s7], [sflag:s8] =	dma.local @!p0 [hbm:s6], $0xF7A  }
0x23: {  	s9 =	sor.u32 $0xD0000000, s2;
	s6 =	simm.s32 $0x108;
	_ =	swait.ge @!p0 [sflag:s8], $0x0  }
0x24: {  	s3 =	sadd.s32 $0x88, s3;
	s6 =	simm.s32 @!p1 $0x1082;
	[sflag:s4] =	ssyncset.s32 $0xFFFFF086  }
0x25: {  	[simem:s6], [sflag:s4] =	dma.local [hbm:s3], $0xF7A  }
0x26: {  	[smem:$0x3F90] =	sst s1;
	(tag) =	ssettag s2;
	_ =	strace s9  }
0x27: {  	s1 =	sld [smem:$0x3FA0]  }
0x28: {  	s2 =	sld [smem:$0x3FA1]  }
0x29: {  	s4 =	sld [smem:$0x3FA3]  }
0x2a: {  	p0 =	seq.s32 s5, $0x0;
	s5 =	sld [smem:$0x3FA4]  }
0x2b: {  	s6 =	sld [smem:$0x3FA5]  }
0x2c: {  	s7 =	sld [smem:$0x3FA6]  }
0x2d: {  	s3 =	simm.s32 $0x108;
	s8 =	sld [smem:$0x3FA7]  }
0x2e: {  	s3 =	simm.s32 @!p0 $0x1082;
	s9 =	sld [smem:$0x3FA8]  }
0x2f: {  	lr =	sadd.s32 s0, s3;
	s0 =	sld [smem:$0x3F9F]  }
0x30: {  	s3 =	sld [smem:$0x3FA2]  }
0x31: {  	[smem:$0x3FAB] =	sst s10  }
0x32: {  	s10 =	sld [smem:$0x3FA9];
	_ =	sdelay $0x3  }
0x33: {  	p0 =	seq.s32 s10, $0x1;
	s10 =	sld [smem:$0x3FAB];
	_ =	sdelay $0x3  }
0x34: {  	[smem:$0x3FAB] =	sst s10  }
0x35: {  	s10 =	sld [smem:$0x3FAA];
	_ =	sdelay $0x3  }
0x36: {  	p1 =	seq.s32 s10, $0x1;
	s10 =	sld [smem:$0x3FAB];
	_ =	sdelay $0x3  }
0x37: {  	[smem:$0x3FAB] =	sst s10  }
0x38: {  	s10 =	sld [smem:$0x3FAC]  }
0x39: {  	_ = 	snop;
	(pc) =	sbr.ind lr, $3  }
0x3a: {  	_ = 	snop  }
0x3b: {  	_ = 	snop  }
0x3c: {  	p2 =	seq.s32 s10, $0x1;
	s10 =	sld [smem:$0x3FAB]  }
0x3d: {  	_ =	shalt  }
0x3e: {  	_ =	shalt  }
0x3f: {  	_ =	shalt  }
0x40: {  	_ =	shalt  }
0x41: {  	_ =	shalt  }
0x42: {  	_ =	shalt  }
0x43: {  	_ =	shalt  }
0x44: {  	_ =	shalt  }
0x45: {  	_ =	shalt  }
0x46: {  	_ =	shalt  }
0x47: {  	_ =	shalt  }
0x48: {  	_ =	shalt  }
0x49: {  	_ =	shalt  }
0x4a: {  	_ =	shalt  }
0x4b: {  	_ =	shalt  }
0x4c: {  	_ =	shalt  }
0x4d: {  	_ =	shalt  }
0x4e: {  	_ =	shalt  }
0x4f: {  	_ =	shalt  }
0x50: {  	_ =	shalt  }
0x51: {  	_ =	shalt  }
0x52: {  	_ =	shalt  }
0x53: {  	_ =	shalt  }
0x54: {  	_ =	shalt  }
0x55: {  	_ =	shalt  }
0x56: {  	_ =	shalt  }
0x57: {  	_ =	shalt  }
0x58: {  	_ =	shalt  }
0x59: {  	_ =	shalt  }
0x5a: {  	_ =	shalt  }
0x5b: {  	_ =	shalt  }
0x5c: {  	_ =	shalt  }
0x5d: {  	_ =	shalt  }
0x5e: {  	_ =	shalt  }
0x5f: {  	_ =	shalt  }
0x60: {  	_ =	shalt  }
0x61: {  	_ =	shalt  }
0x62: {  	_ =	shalt  }
0x63: {  	_ =	shalt  }
0x64: {  	_ =	shalt  }
0x65: {  	_ =	shalt  }
0x66: {  	_ =	shalt  }
0x67: {  	_ =	shalt  }
0x68: {  	_ =	shalt  }
0x69: {  	_ =	shalt  }
0x6a: {  	_ =	shalt  }
0x6b: {  	_ =	shalt  }
0x6c: {  	_ =	shalt  }
0x6d: {  	_ =	shalt  }
0x6e: {  	_ =	shalt  }
0x6f: {  	_ =	shalt  }
0x70: {  	_ =	shalt  }
0x71: {  	_ =	shalt  }
0x72: {  	_ =	shalt  }
0x73: {  	_ =	shalt  }
0x74: {  	_ =	shalt  }
0x75: {  	_ =	shalt  }
0x76: {  	_ =	shalt  }
0x77: {  	_ =	shalt  }
0x78: {  	_ =	shalt  }
0x79: {  	_ =	shalt  }
0x7a: {  	_ =	shalt  }
0x7b: {  	_ =	shalt  }
0x7c: {  	_ =	shalt  }
0x7d: {  	_ =	shalt  }
0x7e: {  	_ =	shalt  }
0x7f: {  	_ =	shalt  }
0x80: {  	_ =	shalt  }
0x81: {  	_ =	shalt  }
0x82: {  	_ =	shalt  }
0x83: {  	_ =	shalt  }
0x84: {  	_ =	shalt  }
0x85: {  	_ =	shalt  }
0x86: {  	_ =	shalt  }
0x87: {  	_ =	shalt  }
.Lfunc_end0:
.L_simem_size_0:
called_computation.1_lowered:
.L_overlay_start_0:
0x88: {  	s2 =	sld [smem:$0x3FD9]  }
0x89: {  	s3 =	sld [smem:$0x3FFE];
	_ =	sdelay $0x1  }
0x8a: {  	s1 =	srdreg.scid  }
0x8b: {  	s0 =	sand.u32 $0x1, s1  }
0x8c: {  	s16 =	sshll.u32 s0, $0xA;
	s2 =	sadd.s32 s3, s2  }
0x8d: {  	s2 =	sadd.s32 s2, s16  }
0x8e: {  	[smem:$0x3FB7] =	sst s2  }
0x8f: {  	_ = 	snop  }
0x90: {  	(tm) =	ssettm $0x1  }
0x91: {  	s17 =	sld [smem:$0x3FFB];
	_ =	sdelay $0x3  }
0x92: {  	_ =	strace s17  }
0x93: {  	s2 =	sld [smem:$0x3FFC];
	_ =	sdelay $0x3  }
0x94: {  	_ =	strace s2  }
0x95: {  	s2 =	sld [smem:$0x3FFD];
	_ =	sdelay $0x3  }
0x96: {  	_ =	strace s2  }
0x97: {  	_ =	strace $0x8FFFFFFF  }
0x98: {  	s18 =	sld [smem:$0x3FDB];
	_ =	sdelay $0x1  }
0x99: {  	s19 =	simm.s32 $_scs_section_size  }
0x9a: {  	s4 =	simm.s32 $_size__tile_overlayer_lowered;
	s5 =	simm.s32 $_tile_overlayer_lowered  }
0x9b: {  	s22 =	simm.s32 $0x1BFF;
	s21 =	sshll.u32 s5, $0x1;
	s2 =	sadd.s32 s19, s18  }
0x9c: {  	s6 =	simm.s32 $0x0;
	s20 =	sshll.u32 s4, $0x1;
	s4 =	sadd.s32 s21, s2  }
0x9d: {  	[timem:s6], [sflag:s22] =	dma.local [hbm:s4], s20  }
0x9e: {  	_ =	swait.ge [sflag:s22], s20  }
0x9f: {  	s3 =	ssub.s32 $0x0, s20;
	[sflag:s22] =	ssyncset.done $0x0  }
0xa0: {  	[sflag:s22] =	ssyncadd.s32 s3;
	_ =	sdelay $0x1  }
0xa1: {  	s23 =	simm.s32 $0x1B8B  }
0xa2: {  	_ =	swait.ge [sflag:s23], $0x1  }
0xa3: {  	[sflag:s23] =	ssyncset.done $0x0  }
0xa4: {  	s25 =	simm.s32 $0x1B8E;
	s24 =	sld [smem:$0x3FFE];
	[sflag:s23] =	ssyncadd.s32 $0xFFFFFFFF  }
0xa5: {  	s26 =	simm.s32 $execute0_lowered;
	[smem:$0x3FD2] =	sst s25  }
0xa6: {  	s4 =	sshll.u32 s26, $0x1;
	_ =	strace $0x80000049;
	[dreg:$0x1] =	wrdreg $0xFFFFFFFF  }
0xa7: {  	s28 =	simm.s32 $_size_execute0_lowered;
	s2 =	sadd.s32 s2, s4;
	[dreg:$0x0] =	wrdreg $0x0  }
0xa8: {  	s4 =	sshll.u32 s28, $0x1;
	[dreg:$0x2] =	wrdreg s2  }
0xa9: {  	[dreg:$0x3] =	wrdreg s4  }
0xaa: {  	[dreg:$0x4] =	wrdreg $0xC0  }
0xab: {  	_ =	task [dreg:s6], $0x5FFFF  }
0xac: {  	[dreg:$0x1] =	wrdreg $0xFFFFFFFF  }
0xad: {  	[dreg:$0x0] =	wrdreg $0x60  }
0xae: {  	[dreg:$0x2] =	wrdreg s24  }
0xaf: {  	[dreg:$0x3] =	wrdreg $0xD0000  }
0xb0: {  	[dreg:$0x4] =	wrdreg $0x9  }
0xb1: {  	_ =	task.clear_ibuf [dreg:s6], $0x5FFFF;
	_ =	strace $0x90000049  }
0xb2: {  	s29 =	simm.s32 $0x9;
	_ =	strace $0x8000004B  }
0xb3: {  	_ =	swait.ge [sflag:s29], $0x1  }
0xb4: {  	[sflag:s29] =	ssyncadd.s32 $0xFFFFFFFF  }
0xb5: {  	_ =	strace $0x9000004B  }
0xb6: {  	_ =	sfence  }
0xb7: {  	s30 =	sld [smem:$0x0];
	_ =	sdelay $0x2  }
0xb8: {  	s31 =	sshll.u32 s1, $0xD;
	s1 =	sshrl.u32 s1, $0x2  }
0xb9: {  	s3 =	sand.u32 $0x4000, s31;
	s1 =	sadd.s32 s1, s30  }
0xba: {  	s0 =	sor.u32 s3, s0;
	s1 =	sshll.u32 s1, $0x11  }
0xbb: {  	s0 =	sor.u32 s1, s0  }
0xbc: {  	s0 =	sadd.s32 $0x8F2B, s0  }
0xbd: {  	[sflag:s0] =	ssyncadd.remote.s32 $0x1  }
0xbe: {  	_ =	sfence.sel $0xFFFF  }
0xbf: {  	[dreg:$0x0] =	wrdreg $0xFFFFFFFF;
	(pc) =	sbr.abs _section_cstart, $3  }
0xc0: {  	[dreg:$0x1] =	wrdreg $0xFFFFFFFF  }
0xc1: {  	_ =	task.clear_ibuf [dreg:s6], $0x2FFFF;
	_ =	strace $0x9FFFFFFF  }
0xc2: {  	(tm) =	ssettm $0x7FFFFFFF  }
0xc3: {  	_ =	shalt  }
tec
execute0_lowered:
.L_overlay_start_1:
0x0: {  	(tag) =	ssettag $0x1  }
0x1: {  	s0 =	srdreg.scid;
	s3 =	rddreg [dreg:$0x0]  }
0x2: {  	s9 =	stileid.u32;
	s2 =	rddreg [dreg:$0x1]  }
0x3: {  	s4 =	simm.s32 $0x0;
	s10 =	simm.s32 $0x11;
	s14 =	simm.s32 $0x80  }
0x4: {  	s15 =	simm.s32 $0x5000;
	s16 =	simm.s32 $0x6000;
	s18 =	simm.s32 $0x7000  }
0x5: {  	s19 =	simm.s32 $0x1;
	s20 =	simm.s32 $0x8000;
	s21 =	simm.s32 $0x2  }
0x6: {  	s22 =	simm.s32 $0x9000;
	s28 =	simm.s32 $0xB000;
	s29 =	simm.s32 $0x5  }
0x7: {  	s30 =	simm.s32 $0xA;
	s31 =	simm.s32 $0xC000;
	s11 =	simm.s32 $0x8  }
0x8: {  	s17 =	simm.s32 $0xD;
	s0 =	sand.u32 $0x1, s0;
	s1 =	sshll.u32 s9, $0x1  }
0x9: {  	s5 =	smul.u32 $0x4F00, s9;
	[smem:$0x7FF] =	sst s4;
	s4 =	sadd.s32 $0x1EE00, s3  }
0xa: {  	s26 =	sshll.u32 s9, $0x6;
	s1 =	sor.u32 s0, s1;
	s6 =	smul.u32 $0x4F000, s0  }
0xb: {  	_ =	strace $0x8000004A;
	s0 =	ssub.s32 $0x2, s0;
	s1 =	smul.u32 $0x500, s1  }
0xc: {  	s7 =	sshrl.u32 s5, $0x3;
	s8 =	sshrl.u32 s0, $0x1;
	s24 =	sadd.s32 s5, s2  }
0xd: {  	s6 =	sadd.s32 s5, s6;
	s7 =	sadd.s32 s7, s3;
	s0 =	ssub.s32 s0, s8  }
0xe: {  	s9 =	sshrl.u32 s24, $0x3;
	s24 =	simm.s32 $0xA000;
	s8 =	simm.s32 $0x0  }
0xf: {  	s1 =	sadd.s32 s1, s3;
	s6 =	sshrl.u32 s6, $0x3;
	s25 =	sadd.s32 $0x28C00, s7  }
0x10: {  	s0 =	smax.u32 s0, $0x1;
	s7 =	sor.u32 $0x1C11, s26;
	[dreg:$0x8] =	wrdreg s9  }
.Ltmp0:
0x11: {  	s26 =	simm.s32 $0x9;
	[dreg:$0x5] =	wrdreg s25;
	(pc) =	sbr.rel .LBB2_1-.Ltmp0, $4  }
0x12: {  	s3 =	sadd.s32 s6, s3;
	s23 =	sadd.s32 $0x14E00, s1;
	[dreg:$0x7] =	wrdreg s0  }
0x13: {  	s1 =	sadd.s32 $0x3400, s1;
	s25 =	simm.s32 $0x4;
	[dreg:$0x3] =	wrdreg s23  }
0x14: {  	s0 =	simm.s32 $0xB;
	[dreg:$0x4] =	wrdreg s1;
	s3 =	sadd.s32 $0x32A00, s3  }
0x15: {  	s23 =	simm.s32 $0x3;
	s1 =	simm.s32 $0x6;
	[dreg:$0x6] =	wrdreg s3  }
.LBB2_4:
0x16: {  	s3 =	simm.s32 $0xE  }
0x17: {  	_ =	swait.ge [sflag:s3], $0x1000  }
0x18: {  	[sflag:s3] =	ssyncset.done $0x0  }
0x19: {  	s7 =	simm.s32 $0xF;
	[sflag:s3] =	ssyncadd.s32 $0xFFFFF000  }
0x1a: {  	_ =	swait.ge [sflag:s7], $0x1000  }
0x1b: {  	[sflag:s7] =	ssyncset.done $0x0  }
0x1c: {  	s9 =	simm.s32 $0x10;
	[sflag:s7] =	ssyncadd.s32 $0xFFFFF000  }
0x1d: {  	_ =	swait.ge [sflag:s9], $0x1000  }
0x1e: {  	[sflag:s9] =	ssyncset.done $0x0  }
0x1f: {  	[sflag:s9] =	ssyncadd.s32 $0xFFFFF000  }
0x20: {  	[bflag:$0x0] =	sbarrier.arrive $0xFFFF  }
0x21: {  	s12 =	rddreg [dreg:$0x6]  }
0x22: {  	s9 =	rddreg [dreg:$0x8]  }
0x23: {  	[hbm:s12], [sflag:s13] =	dma.local [spmem:s9], $0x9E0  }
0x24: {  	_ =	swait.ge [sflag:s10], $0x9E0  }
0x25: {  	s8 =	sadd.s32 $0x1, s8;
	s7 =	smov.u32 s13;
	s13 =	rddreg [dreg:$0x7]  }
0x26: {  	p0 =	sne.s32 s8, s13  }
.Ltmp1:
0x27: {  	_ = 	snop;
	(pc) =	sbr.rel @!p0 .LBB2_5-.Ltmp1, $3  }
0x28: {  	_ =	sdelay $0x1  }
0x29: {  	[sflag:s10] =	ssyncset.done $0x0  }
0x2a: {  	[sflag:s10] =	ssyncadd.s32 $0xFFFFF620  }
.LBB2_1:
0x2b: {  	s3 =	simm.s32 $0x0;
	s5 =	rddreg [dreg:$0x3]  }
0x2c: {  	[tilespmem:s3], [sflag:$0x11] =	stream.linear.gather [hbm4b:s5+s3], $0x2800, $0x38;
	[tilespmem:$0x11F00] =	vst v63  }
0x2d: {  	_ =	swait.ge [sflag:s10], $0x2800  }
0x2e: {  	[sflag:s10] =	ssyncset.done $0x0  }
0x2f: {  	s6 =	simm.s32 $0x2800;
	s13 =	rddreg [dreg:$0x4];
	[sflag:s10] =	ssyncadd.s32 $0xFFFFD800  }
0x30: {  	[tilespmem:s6], [sflag:$0x11] =	stream.linear.gather [hbm4b:s13+s3], $0x2800, $0x38;
	[tilespmem:$0x11F00] =	vst v63  }
0x31: {  	_ =	swait.ge [sflag:s10], $0x2800  }
0x32: {  	[sflag:s10] =	ssyncset.done $0x0  }
0x33: {  	s6 =	rddreg [dreg:$0x5];
	[sflag:s10] =	ssyncadd.s32 $0xFFFFD800  }
0x34: {  	[spmem:s9], [sflag:s7] =	dma.local [hbm:s6], $0x9E0  }
0x35: {  	_ =	swait.ge [sflag:s10], $0x9E0  }
0x36: {  	[sflag:s10] =	ssyncset.done $0x0  }
0x37: {  	[sflag:s10] =	ssyncadd.s32 $0xFFFFF620  }
0x38: {  	[bflag:$0x0] =	sbarrier.arrive $0xFFFF  }
0x39: {  	[tilespmem:s15], [sflag:$0x1] =	stream.indirect.gather [hbm4b:s4+s14], $0x20, s3, s14, $0xb8;
	[tilespmem:$0x11F00] =	vst v63  }
0x3a: {  	_ = 	snop  }
0x3b: {  	[tilespmem:s16], [sflag:$0x2] =	stream.indirect.gather [hbm4b:s4+s14], $0x20, s14, s14, $0xb8;
	[tilespmem:$0x11F00] =	vst v63  }
0x3c: {  	s12 =	simm.s32 $0x100;
	s13 =	smov.u32 s7;
	s9 =	simm.s32 $0x0  }
0x3d: {  	[tilespmem:s18], [sflag:$0x3] =	stream.indirect.gather [hbm4b:s4+s14], $0x20, s12, s14, $0xb8;
	[tilespmem:$0x11F00] =	vst v63  }
.LBB2_2:
0x3e: {  	_ =	swait.ge [sflag:s19], $0x1000  }
0x3f: {  	s3 =	sshra.s32 s9, $0x2;
	[sflag:s19] =	ssyncset.done $0x0  }
0x40: {  	p0 =	seq.s32 s9, $0x0;
	s5 =	sadd.s32 $0x2800, s3;
	[sflag:s19] =	ssyncadd.s32 $0xFFFFF000  }
0x41: {  	[spmem:s2] =	stream.indirect.scatter.add.f32 [tilespmem:s15], [sflag:$0x9], $0x20, s5, s14, $0xb8;
	[tilespmem:$0x11F00] =	vst v63  }
0x42: {  	s5 =	simm.s32 @!p0 $0xE  }
0x43: {  	_ =	swait.ge @!p0 [sflag:s5], $0x1000  }
0x44: {  	[sflag:s5] =	ssyncset.done @!p0 $0x0  }
0x45: {  	s7 =	sadd.s32 $0x180, s3;
	[sflag:s5] =	ssyncadd.s32 @!p0 $0xFFFFF000  }
0x46: {  	[tilespmem:s20], [sflag:$0x4] =	stream.indirect.gather [hbm4b:s4+s14], $0x20, s7, s14, $0xb8;
	[tilespmem:$0x11F00] =	vst v63  }
0x47: {  	_ =	swait.ge [sflag:s21], $0x1000  }
0x48: {  	[sflag:s21] =	ssyncset.done $0x0  }
0x49: {  	s12 =	sadd.s32 $0x2880, s3;
	s5 =	simm.s32 @!p0 $0xF;
	[sflag:s21] =	ssyncadd.s32 $0xFFFFF000  }
0x4a: {  	[spmem:s2] =	stream.indirect.scatter.add.f32 [tilespmem:s16], [sflag:$0xA], $0x20, s12, s14, $0xb8;
	[tilespmem:$0x11F00] =	vst v63  }
0x4b: {  	_ =	swait.ge @!p0 [sflag:s5], $0x1000  }
0x4c: {  	[sflag:s5] =	ssyncset.done @!p0 $0x0  }
0x4d: {  	s6 =	sadd.s32 $0x200, s3;
	[sflag:s5] =	ssyncadd.s32 @!p0 $0xFFFFF000  }
0x4e: {  	[tilespmem:s22], [sflag:$0x5] =	stream.indirect.gather [hbm4b:s4+s14], $0x20, s6, s14, $0xb8;
	[tilespmem:$0x11F00] =	vst v63  }
0x4f: {  	_ =	swait.ge [sflag:s23], $0x1000  }
0x50: {  	[sflag:s23] =	ssyncset.done $0x0  }
0x51: {  	s7 =	sadd.s32 $0x2900, s3;
	s5 =	simm.s32 @!p0 $0x10;
	[sflag:s23] =	ssyncadd.s32 $0xFFFFF000  }
0x52: {  	[spmem:s2] =	stream.indirect.scatter.add.f32 [tilespmem:s18], [sflag:$0xB], $0x20, s7, s14, $0xb8;
	[tilespmem:$0x11F00] =	vst v63  }
0x53: {  	_ =	swait.ge @!p0 [sflag:s5], $0x1000  }
0x54: {  	[sflag:s5] =	ssyncset.done @!p0 $0x0  }
0x55: {  	s12 =	sadd.s32 $0x280, s3;
	[sflag:s5] =	ssyncadd.s32 @!p0 $0xFFFFF000  }
0x56: {  	[tilespmem:s24], [sflag:$0x6] =	stream.indirect.gather [hbm4b:s4+s14], $0x20, s12, s14, $0xb8;
	[tilespmem:$0x11F00] =	vst v63  }
0x57: {  	_ =	swait.ge [sflag:s25], $0x1000  }
0x58: {  	[sflag:s25] =	ssyncset.done $0x0  }
0x59: {  	s6 =	sadd.s32 $0x2980, s3;
	[sflag:s25] =	ssyncadd.s32 $0xFFFFF000  }
0x5a: {  	[spmem:s2] =	stream.indirect.scatter.add.f32 [tilespmem:s20], [sflag:$0xC], $0x20, s6, s14, $0xb8;
	[tilespmem:$0x11F00] =	vst v63  }
0x5b: {  	_ =	swait.ge [sflag:s26], $0x1000  }
0x5c: {  	[sflag:s26] =	ssyncset.done $0x0  }
0x5d: {  	s7 =	sadd.s32 $0x300, s3;
	[sflag:s26] =	ssyncadd.s32 $0xFFFFF000  }
0x5e: {  	[tilespmem:s28], [sflag:$0x7] =	stream.indirect.gather [hbm4b:s4+s14], $0x20, s7, s14, $0xb8;
	[tilespmem:$0x11F00] =	vst v63  }
0x5f: {  	_ =	swait.ge [sflag:s29], $0x1000  }
0x60: {  	[sflag:s29] =	ssyncset.done $0x0  }
0x61: {  	s12 =	sadd.s32 $0x2A00, s3;
	[sflag:s29] =	ssyncadd.s32 $0xFFFFF000  }
0x62: {  	[spmem:s2] =	stream.indirect.scatter.add.f32 [tilespmem:s22], [sflag:$0xD], $0x20, s12, s14, $0xb8;
	[tilespmem:$0x11F00] =	vst v63  }
0x63: {  	_ =	swait.ge [sflag:s30], $0x1000  }
0x64: {  	[sflag:s30] =	ssyncset.done $0x0  }
0x65: {  	s6 =	sadd.s32 $0x380, s3;
	[sflag:s30] =	ssyncadd.s32 $0xFFFFF000  }
0x66: {  	[tilespmem:s31], [sflag:$0x8] =	stream.indirect.gather [hbm4b:s4+s14], $0x20, s6, s14, $0xb8;
	[tilespmem:$0x11F00] =	vst v63  }
0x67: {  	_ =	swait.ge [sflag:s1], $0x1000  }
0x68: {  	[sflag:s1] =	ssyncset.done $0x0  }
0x69: {  	s7 =	sadd.s32 $0x2A80, s3;
	[sflag:s1] =	ssyncadd.s32 $0xFFFFF000  }
0x6a: {  	[spmem:s2] =	stream.indirect.scatter.add.f32 [tilespmem:s24], [sflag:$0xE], $0x20, s7, s14, $0xb8;
	[tilespmem:$0x11F00] =	vst v63  }
0x6b: {  	_ =	swait.ge [sflag:s0], $0x1000  }
0x6c: {  	p0 =	seq.s32 s9, $0x9000;
	[sflag:s0] =	ssyncset.done $0x0  }
0x6d: {  	s5 =	simm.s32 @p0 $0x7;
	[sflag:s0] =	ssyncadd.s32 $0xFFFFF000  }
0x6e: {  	_ =	swait.ge @p0 [sflag:s5], $0x1000  }
0x6f: {  	[sflag:s5] =	ssyncset.done @p0 $0x0  }
0x70: {  	[sflag:s5] =	ssyncadd.s32 @p0 $0xFFFFF000;
	s5 =	sshra.s32 @p0 s9, $0x2  }
0x71: {  	s6 =	simm.s32 @p0 $0x80;
	s7 =	simm.s32 @p0 $0xB000;
	s5 =	sadd.s32 @p0 $0x2B00, s5  }
0x72: {  	[spmem:s2] =	stream.indirect.scatter.add.f32 @p0 [tilespmem:s7], [sflag:$0xF], $0x20, s5, s6, $0xb8;
	[tilespmem:$0x11F00] =	vst v63  }
0x73: {  	s5 =	simm.s32 @p0 $0xC  }
0x74: {  	_ =	swait.ge @p0 [sflag:s5], $0x1000  }
0x75: {  	[sflag:s5] =	ssyncset.done @p0 $0x0  }
0x76: {  	[sflag:s5] =	ssyncadd.s32 @p0 $0xFFFFF000;
	s5 =	sshra.s32 @!p0 s9, $0x2  }
0x77: {  	s12 =	simm.s32 @!p0 $0x5000;
	s7 =	simm.s32 @!p0 $0x80;
	s6 =	sadd.s32 @!p0 $0x400, s5  }
0x78: {  	[tilespmem:s12], [sflag:$0x1] =	stream.indirect.gather @!p0 [hbm4b:s4+s7], $0x20, s6, s7, $0xb8;
	[tilespmem:$0x11F00] =	vst v63  }
0x79: {  	s6 =	simm.s32 @!p0 $0x7  }
0x7a: {  	_ =	swait.ge @!p0 [sflag:s6], $0x1000  }
0x7b: {  	[sflag:s6] =	ssyncset.done @!p0 $0x0  }
0x7c: {  	s12 =	simm.s32 @!p0 $0xB000;
	[sflag:s6] =	ssyncadd.s32 @!p0 $0xFFFFF000;
	s6 =	sadd.s32 @!p0 $0x2B00, s5  }
0x7d: {  	[spmem:s2] =	stream.indirect.scatter.add.f32 @!p0 [tilespmem:s12], [sflag:$0xF], $0x20, s6, s7, $0xb8;
	[tilespmem:$0x11F00] =	vst v63  }
0x7e: {  	s6 =	simm.s32 @!p0 $0xC  }
0x7f: {  	_ =	swait.ge @!p0 [sflag:s6], $0x1000  }
0x80: {  	[sflag:s6] =	ssyncset.done @!p0 $0x0  }
0x81: {  	s5 =	sadd.s32 @!p0 $0x480, s5;
	[sflag:s6] =	ssyncadd.s32 @!p0 $0xFFFFF000;
	s6 =	simm.s32 @!p0 $0x6000  }
0x82: {  	[tilespmem:s6], [sflag:$0x2] =	stream.indirect.gather @!p0 [hbm4b:s4+s7], $0x20, s5, s7, $0xb8;
	[tilespmem:$0x11F00] =	vst v63  }
0x83: {  	_ =	swait.ge [sflag:s11], $0x1000  }
0x84: {  	[sflag:s11] =	ssyncset.done $0x0  }
.Ltmp2:
0x85: {  	s12 =	sadd.s32 $0x2B80, s3;
	[sflag:s11] =	ssyncadd.s32 $0xFFFFF000;
	(pc) =	sbr.rel @p0 .LBB2_4-.Ltmp2, $4  }
0x86: {  	[spmem:s2] =	stream.indirect.scatter.add.f32 [tilespmem:s31], [sflag:$0x10], $0x20, s12, s14, $0xb8;
	[tilespmem:$0x11F00] =	vst v63  }
0x87: {  	_ =	swait.ge [sflag:s17], $0x1000  }
0x88: {  	[sflag:s17] =	ssyncset.done $0x0  }
0x89: {  	[sflag:s17] =	ssyncadd.s32 $0xFFFFF000  }
.Ltmp3:
0x8a: {  	(pc) =	sbr.rel .LBB2_2-.Ltmp3, $3  }
0x8b: {  	_ =	sdelay $0x1  }
0x8c: {  	s3 =	sadd.s32 $0x500, s3;
	s9 =	sadd.s32 $0x1000, s9  }
0x8d: {  	[tilespmem:s18], [sflag:$0x3] =	stream.indirect.gather [hbm4b:s4+s14], $0x20, s3, s14, $0xb8;
	[tilespmem:$0x11F00] =	vst v63  }
.LBB2_5:
0x8e: {  	_ =	sfence.sel $0x180000  }
0x8f: {  	[bflag:$0x0] =	sbarrier.arrive $0xFFFF  }
0x90: {  	_ =	strace $0x9000004A  }
0x91: {  	s0 =	stileid.u32;
	[bflag:$0x2] =	sbarrier.arrive $0xFFFF  }
0x92: {  	p0 =	sne.s32 s0, $0x0;
	s0 =	rddreg [dreg:$0x2]  }
0x93: {  	s0 =	sadd.s32 @!p0 $0x100000, s0  }
0x94: {  	[sflag:s0] =	ssyncadd.tile.s32 @!p0 $0x1;
	_ =	shalt  }
.Lfunc_end2:
_tile_overlayer_lowered:
.L_overlay_start_2:
0x95: {  	(tag) =	ssettag $0x2  }
0x96: {  	s0 =	rddreg [dreg:$0x0];
	s2 =	stileid.u32  }
0x97: {  	s1 =	rddreg [dreg:$0x1];
	p0 =	sne.s32 s2, $0x0  }
0x98: {  	s3 =	rddreg [dreg:$0x2];
	[bflag:$0x3] =	sbarrier.arrive $0xFFFF;
	s2 =	simm.s32 @!p0 $0x1C11  }
0x99: {  	[timem:s3], [sflag:s2] =	dma.local @!p0 [hbm:s0], s1  }
0x9a: {  	s0 =	simm.s32 @!p0 $0x11  }
0x9b: {  	_ =	swait.ge @!p0 [sflag:s0], s1  }
0x9c: {  	s1 =	ssub.s32 @!p0 $0x0, s1;
	[sflag:s0] =	ssyncset.done @!p0 $0x0  }
0x9d: {  	[sflag:s0] =	ssyncadd.s32 @!p0 s1  }
0x9e: {  	[bflag:$0x3] =	sbarrier.arrive $0xFFFF  }
0x9f: {  	_ =	shalt  }

// kernel: kernel.17.cloned.1.call-start
scs
__scs_entry_jumppad:
0x0: {  	(pc) =	sbr.rel $0x88, $3  }
0x1: {  	(tag) =	ssettag $0x0;
	lr =	simm.s32 $0x1  }
0x2: {  	[smem:$0x3F90] =	sst lr;
	_ =	strace $0xD0000000  }
0x3: {  	_ = 	snop  }
0x4: {  	_ = 	snop  }
0x5: {  	_ = 	snop  }
0x6: {  	_ = 	snop  }
0x7: {  	_ = 	snop  }
__scs_overlays_trampoline_lowered:
0x8: {  	[smem:$0x3F9F] =	sst s0  }
0x9: {  	[smem:$0x3FA0] =	sst s1  }
0xa: {  	[smem:$0x3FA1] =	sst s2  }
0xb: {  	[smem:$0x3FA2] =	sst s3  }
0xc: {  	[smem:$0x3FA3] =	sst s4  }
0xd: {  	[smem:$0x3FA4] =	sst s5  }
0xe: {  	[smem:$0x3FA5] =	sst s6  }
0xf: {  	[smem:$0x3FA6] =	sst s7  }
0x10: {  	[smem:$0x3FA7] =	sst s8  }
0x11: {  	[smem:$0x3FA8] =	sst s9;
	s0 =	simm.s32 @!p0 $0x0  }
0x12: {  	s1 =	sld [smem:$0x3F8E];
	s0 =	simm.s32 @p0 $0x1  }
0x13: {  	[smem:$0x3FA9] =	sst s0;
	s0 =	simm.s32 @!p1 $0x0  }
0x14: {  	s2 =	sld [smem:$0x3F8D];
	s0 =	simm.s32 @p1 $0x1  }
0x15: {  	[smem:$0x3FAA] =	sst s0;
	s0 =	simm.s32 @!p2 $0x0  }
0x16: {  	s3 =	sld [smem:$0x3FDB];
	s0 =	simm.s32 @p2 $0x1  }
0x17: {  	s4 =	simm.s32 $0x1BF5;
	[smem:$0x3FAC] =	sst s0  }
0x18: {  	s0 =	sld [smem:$0x3F8F];
	_ =	swait.ge [sflag:s4], $0x0  }
0x19: {  	s7 =	sld [smem:$0x3F90]  }
0x1a: {  	s8 =	sadd.s32 $0xFFFFE003, lr  }
0x1b: {  	s9 =	sadd.s32 $0xFFFFFEF7, lr;
	s5 =	simm.s32 $0xFFFFFFFF;
	p2 =	slt.u32 s8, $0xFFFFF086  }
0x1c: {  	p1 =	slt.u32 s9, $0xF7A;
	s5 =	simm.s32 @!p2 $0x0  }
0x1d: {  	s5 =	simm.s32 @p1 $0x1;
	p0 =	seq.s32 s7, s2  }
0x1e: {  	s7 =	smul.u32 @!p0 $0xF7A, s2;
	p2 =	seq.s32 @!p0 s5, $0x0  }
0x1f: {  	s9 =	smul.u32 $0xF7A, s1;
	s8 =	simm.s32 @!p0 $0x1BF5;
	p2 =	por !p2, p0  }
0x20: {  	[sflag:s8] =	ssyncset.s32 @!p0 $0xFFFFF086;
	s6 =	sadd.s32 @!p0 s3, s7;
	s7 =	simm.s32 @!p0 $0x108  }
0x21: {  	s3 =	sadd.s32 s3, s9;
	s6 =	sadd.s32 @!p0 $0x88, s6;
	s7 =	simm.s32 @p2 $0x1082  }
0x22: {  	[simem:s7], [sflag:s8] =	dma.local @!p0 [hbm:s6], $0xF7A  }
0x23: {  	s9 =	sor.u32 $0xD0000000, s2;
	s6 =	simm.s32 $0x108;
	_ =	swait.ge @!p0 [sflag:s8], $0x0  }
0x24: {  	s3 =	sadd.s32 $0x88, s3;
	s6 =	simm.s32 @!p1 $0x1082;
	[sflag:s4] =	ssyncset.s32 $0xFFFFF086  }
0x25: {  	[simem:s6], [sflag:s4] =	dma.local [hbm:s3], $0xF7A  }
0x26: {  	[smem:$0x3F90] =	sst s1;
	(tag) =	ssettag s2;
	_ =	strace s9  }
0x27: {  	s1 =	sld [smem:$0x3FA0]  }
0x28: {  	s2 =	sld [smem:$0x3FA1]  }
0x29: {  	s4 =	sld [smem:$0x3FA3]  }
0x2a: {  	p0 =	seq.s32 s5, $0x0;
	s5 =	sld [smem:$0x3FA4]  }
0x2b: {  	s6 =	sld [smem:$0x3FA5]  }
0x2c: {  	s7 =	sld [smem:$0x3FA6]  }
0x2d: {  	s3 =	simm.s32 $0x108;
	s8 =	sld [smem:$0x3FA7]  }
0x2e: {  	s3 =	simm.s32 @!p0 $0x1082;
	s9 =	sld [smem:$0x3FA8]  }
0x2f: {  	lr =	sadd.s32 s0, s3;
	s0 =	sld [smem:$0x3F9F]  }
0x30: {  	s3 =	sld [smem:$0x3FA2]  }
0x31: {  	[smem:$0x3FAB] =	sst s10  }
0x32: {  	s10 =	sld [smem:$0x3FA9];
	_ =	sdelay $0x3  }
0x33: {  	p0 =	seq.s32 s10, $0x1;
	s10 =	sld [smem:$0x3FAB];
	_ =	sdelay $0x3  }
0x34: {  	[smem:$0x3FAB] =	sst s10  }
0x35: {  	s10 =	sld [smem:$0x3FAA];
	_ =	sdelay $0x3  }
0x36: {  	p1 =	seq.s32 s10, $0x1;
	s10 =	sld [smem:$0x3FAB];
	_ =	sdelay $0x3  }
0x37: {  	[smem:$0x3FAB] =	sst s10  }
0x38: {  	s10 =	sld [smem:$0x3FAC]  }
0x39: {  	_ = 	snop;
	(pc) =	sbr.ind lr, $3  }
0x3a: {  	_ = 	snop  }
0x3b: {  	_ = 	snop  }
0x3c: {  	p2 =	seq.s32 s10, $0x1;
	s10 =	sld [smem:$0x3FAB]  }
0x3d: {  	_ =	shalt  }
0x3e: {  	_ =	shalt  }
0x3f: {  	_ =	shalt  }
0x40: {  	_ =	shalt  }
0x41: {  	_ =	shalt  }
0x42: {  	_ =	shalt  }
0x43: {  	_ =	shalt  }
0x44: {  	_ =	shalt  }
0x45: {  	_ =	shalt  }
0x46: {  	_ =	shalt  }
0x47: {  	_ =	shalt  }
0x48: {  	_ =	shalt  }
0x49: {  	_ =	shalt  }
0x4a: {  	_ =	shalt  }
0x4b: {  	_ =	shalt  }
0x4c: {  	_ =	shalt  }
0x4d: {  	_ =	shalt  }
0x4e: {  	_ =	shalt  }
0x4f: {  	_ =	shalt  }
0x50: {  	_ =	shalt  }
0x51: {  	_ =	shalt  }
0x52: {  	_ =	shalt  }
0x53: {  	_ =	shalt  }
0x54: {  	_ =	shalt  }
0x55: {  	_ =	shalt  }
0x56: {  	_ =	shalt  }
0x57: {  	_ =	shalt  }
0x58: {  	_ =	shalt  }
0x59: {  	_ =	shalt  }
0x5a: {  	_ =	shalt  }
0x5b: {  	_ =	shalt  }
0x5c: {  	_ =	shalt  }
0x5d: {  	_ =	shalt  }
0x5e: {  	_ =	shalt  }
0x5f: {  	_ =	shalt  }
0x60: {  	_ =	shalt  }
0x61: {  	_ =	shalt  }
0x62: {  	_ =	shalt  }
0x63: {  	_ =	shalt  }
0x64: {  	_ =	shalt  }
0x65: {  	_ =	shalt  }
0x66: {  	_ =	shalt  }
0x67: {  	_ =	shalt  }
0x68: {  	_ =	shalt  }
0x69: {  	_ =	shalt  }
0x6a: {  	_ =	shalt  }
0x6b: {  	_ =	shalt  }
0x6c: {  	_ =	shalt  }
0x6d: {  	_ =	shalt  }
0x6e: {  	_ =	shalt  }
0x6f: {  	_ =	shalt  }
0x70: {  	_ =	shalt  }
0x71: {  	_ =	shalt  }
0x72: {  	_ =	shalt  }
0x73: {  	_ =	shalt  }
0x74: {  	_ =	shalt  }
0x75: {  	_ =	shalt  }
0x76: {  	_ =	shalt  }
0x77: {  	_ =	shalt  }
0x78: {  	_ =	shalt  }
0x79: {  	_ =	shalt  }
0x7a: {  	_ =	shalt  }
0x7b: {  	_ =	shalt  }
0x7c: {  	_ =	shalt  }
0x7d: {  	_ =	shalt  }
0x7e: {  	_ =	shalt  }
0x7f: {  	_ =	shalt  }
0x80: {  	_ =	shalt  }
0x81: {  	_ =	shalt  }
0x82: {  	_ =	shalt  }
0x83: {  	_ =	shalt  }
0x84: {  	_ =	shalt  }
0x85: {  	_ =	shalt  }
0x86: {  	_ =	shalt  }
0x87: {  	_ =	shalt  }
.Lfunc_end0:
.L_simem_size_0:
called_computation.2_lowered:
.L_overlay_start_0:
0x88: {  	s2 =	sld [smem:$0x3FD9]  }
0x89: {  	s3 =	sld [smem:$0x3FFE];
	_ =	sdelay $0x1  }
0x8a: {  	s1 =	srdreg.scid  }
0x8b: {  	s0 =	sand.u32 $0x1, s1  }
0x8c: {  	s16 =	sshll.u32 s0, $0xA;
	s2 =	sadd.s32 s3, s2  }
0x8d: {  	s2 =	sadd.s32 s2, s16  }
0x8e: {  	[smem:$0x3FB7] =	sst s2  }
0x8f: {  	_ = 	snop  }
0x90: {  	(tm) =	ssettm $0x1  }
0x91: {  	s17 =	sld [smem:$0x3FFB];
	_ =	sdelay $0x3  }
0x92: {  	_ =	strace s17  }
0x93: {  	s2 =	sld [smem:$0x3FFC];
	_ =	sdelay $0x3  }
0x94: {  	_ =	strace s2  }
0x95: {  	s2 =	sld [smem:$0x3FFD];
	_ =	sdelay $0x3  }
0x96: {  	_ =	strace s2  }
0x97: {  	_ =	strace $0x8FFFFFFF  }
0x98: {  	s18 =	sld [smem:$0x3FDB];
	_ =	sdelay $0x1  }
0x99: {  	s19 =	simm.s32 $_scs_section_size  }
0x9a: {  	s4 =	simm.s32 $_size__tile_overlayer_lowered;
	s5 =	simm.s32 $_tile_overlayer_lowered  }
0x9b: {  	s22 =	simm.s32 $0x1BFF;
	s21 =	sshll.u32 s5, $0x1;
	s2 =	sadd.s32 s19, s18  }
0x9c: {  	s6 =	simm.s32 $0x0;
	s20 =	sshll.u32 s4, $0x1;
	s4 =	sadd.s32 s21, s2  }
0x9d: {  	[timem:s6], [sflag:s22] =	dma.local [hbm:s4], s20  }
0x9e: {  	_ =	swait.ge [sflag:s22], s20  }
0x9f: {  	s3 =	ssub.s32 $0x0, s20;
	[sflag:s22] =	ssyncset.done $0x0  }
0xa0: {  	[sflag:s22] =	ssyncadd.s32 s3;
	_ =	sdelay $0x1  }
0xa1: {  	s23 =	simm.s32 $0x1B8B  }
0xa2: {  	_ =	swait.ge [sflag:s23], $0x1  }
0xa3: {  	[sflag:s23] =	ssyncset.done $0x0  }
0xa4: {  	s25 =	simm.s32 $0x1B8E;
	s24 =	sld [smem:$0x3FFE];
	[sflag:s23] =	ssyncadd.s32 $0xFFFFFFFF  }
0xa5: {  	s26 =	simm.s32 $execute0_lowered;
	[smem:$0x3FD2] =	sst s25  }
0xa6: {  	s4 =	sshll.u32 s26, $0x1;
	_ =	strace $0x8000004C;
	[dreg:$0x1] =	wrdreg $0xFFFFFFFF  }
0xa7: {  	s28 =	simm.s32 $_size_execute0_lowered;
	s2 =	sadd.s32 s2, s4;
	[dreg:$0x0] =	wrdreg $0x0  }
0xa8: {  	s4 =	sshll.u32 s28, $0x1;
	[dreg:$0x2] =	wrdreg s2  }
0xa9: {  	[dreg:$0x3] =	wrdreg s4  }
0xaa: {  	[dreg:$0x4] =	wrdreg $0xC0  }
0xab: {  	_ =	task [dreg:s6], $0x5FFFF  }
0xac: {  	[dreg:$0x1] =	wrdreg $0xFFFFFFFF  }
0xad: {  	[dreg:$0x0] =	wrdreg $0x60  }
0xae: {  	[dreg:$0x2] =	wrdreg s24  }
0xaf: {  	[dreg:$0x3] =	wrdreg $0xD0000  }
0xb0: {  	[dreg:$0x4] =	wrdreg $0x9  }
0xb1: {  	_ =	task.clear_ibuf [dreg:s6], $0x5FFFF;
	_ =	strace $0x9000004C  }
0xb2: {  	s29 =	simm.s32 $0x9;
	_ =	strace $0x8000004E  }
0xb3: {  	_ =	swait.ge [sflag:s29], $0x1  }
0xb4: {  	[sflag:s29] =	ssyncadd.s32 $0xFFFFFFFF  }
0xb5: {  	_ =	strace $0x9000004E  }
0xb6: {  	_ =	sfence  }
0xb7: {  	s30 =	sld [smem:$0x0];
	_ =	sdelay $0x2  }
0xb8: {  	s31 =	sshll.u32 s1, $0xD;
	s1 =	sshrl.u32 s1, $0x2  }
0xb9: {  	s3 =	sand.u32 $0x4000, s31;
	s1 =	sadd.s32 s1, s30  }
0xba: {  	s0 =	sor.u32 s3, s0;
	s1 =	sshll.u32 s1, $0x11  }
0xbb: {  	s0 =	sor.u32 s1, s0  }
0xbc: {  	s0 =	sadd.s32 $0x8F2B, s0  }
0xbd: {  	[sflag:s0] =	ssyncadd.remote.s32 $0x1  }
0xbe: {  	_ =	sfence.sel $0xFFFF  }
0xbf: {  	[dreg:$0x0] =	wrdreg $0xFFFFFFFF;
	(pc) =	sbr.abs _section_cstart, $3  }
0xc0: {  	[dreg:$0x1] =	wrdreg $0xFFFFFFFF  }
0xc1: {  	_ =	task.clear_ibuf [dreg:s6], $0x2FFFF;
	_ =	strace $0x9FFFFFFF  }
0xc2: {  	(tm) =	ssettm $0x7FFFFFFF  }
0xc3: {  	_ =	shalt  }
tec
execute0_lowered:
.L_overlay_start_1:
0x0: {  	(tag) =	ssettag $0x1  }
0x1: {  	s0 =	srdreg.scid;
	s3 =	rddreg [dreg:$0x0]  }
0x2: {  	s9 =	stileid.u32;
	s2 =	rddreg [dreg:$0x1]  }
0x3: {  	s4 =	simm.s32 $0x0;
	s10 =	simm.s32 $0x11;
	s14 =	simm.s32 $0x80  }
0x4: {  	s15 =	simm.s32 $0x5000;
	s16 =	simm.s32 $0x6000;
	s18 =	simm.s32 $0x7000  }
0x5: {  	s19 =	simm.s32 $0x1;
	s20 =	simm.s32 $0x8000;
	s21 =	simm.s32 $0x2  }
0x6: {  	s22 =	simm.s32 $0x9000;
	s28 =	simm.s32 $0xB000;
	s29 =	simm.s32 $0x5  }
0x7: {  	s30 =	simm.s32 $0xA;
	s31 =	simm.s32 $0xC000;
	s11 =	simm.s32 $0x8  }
0x8: {  	s17 =	simm.s32 $0xD;
	s0 =	sand.u32 $0x1, s0;
	s1 =	sshll.u32 s9, $0x1  }
0x9: {  	s5 =	smul.u32 $0x4F00, s9;
	[smem:$0x7FF] =	sst s4;
	s4 =	sadd.s32 $0x1EE00, s3  }
0xa: {  	s26 =	sshll.u32 s9, $0x6;
	s1 =	sor.u32 s0, s1;
	s6 =	smul.u32 $0x4F000, s0  }
0xb: {  	_ =	strace $0x8000004D;
	s0 =	ssub.s32 $0x2, s0;
	s1 =	smul.u32 $0x500, s1  }
0xc: {  	s7 =	sshrl.u32 s5, $0x3;
	s8 =	sshrl.u32 s0, $0x1;
	s24 =	sadd.s32 s5, s2  }
0xd: {  	s6 =	sadd.s32 s5, s6;
	s7 =	sadd.s32 s7, s3;
	s0 =	ssub.s32 s0, s8  }
0xe: {  	s9 =	sshrl.u32 s24, $0x3;
	s24 =	simm.s32 $0xA000;
	s8 =	simm.s32 $0x0  }
0xf: {  	s1 =	sadd.s32 s1, s3;
	s6 =	sshrl.u32 s6, $0x3;
	s25 =	sadd.s32 $0x28C00, s7  }
0x10: {  	s0 =	smax.u32 s0, $0x1;
	s7 =	sor.u32 $0x1C11, s26;
	[dreg:$0x8] =	wrdreg s9  }
.Ltmp0:
0x11: {  	s26 =	simm.s32 $0x9;
	[dreg:$0x5] =	wrdreg s25;
	(pc) =	sbr.rel .LBB2_1-.Ltmp0, $4  }
0x12: {  	s3 =	sadd.s32 s6, s3;
	s23 =	sadd.s32 $0x14E00, s1;
	[dreg:$0x7] =	wrdreg s0  }
0x13: {  	s1 =	sadd.s32 $0x3400, s1;
	s25 =	simm.s32 $0x4;
	[dreg:$0x3] =	wrdreg s23  }
0x14: {  	s0 =	simm.s32 $0xB;
	[dreg:$0x4] =	wrdreg s1;
	s3 =	sadd.s32 $0x32A00, s3  }
0x15: {  	s23 =	simm.s32 $0x3;
	s1 =	simm.s32 $0x6;
	[dreg:$0x6] =	wrdreg s3  }
.LBB2_4:
0x16: {  	s3 =	simm.s32 $0xE  }
0x17: {  	_ =	swait.ge [sflag:s3], $0x1000  }
0x18: {  	[sflag:s3] =	ssyncset.done $0x0  }
0x19: {  	s7 =	simm.s32 $0xF;
	[sflag:s3] =	ssyncadd.s32 $0xFFFFF000  }
0x1a: {  	_ =	swait.ge [sflag:s7], $0x1000  }
0x1b: {  	[sflag:s7] =	ssyncset.done $0x0  }
0x1c: {  	s9 =	simm.s32 $0x10;
	[sflag:s7] =	ssyncadd.s32 $0xFFFFF000  }
0x1d: {  	_ =	swait.ge [sflag:s9], $0x1000  }
0x1e: {  	[sflag:s9] =	ssyncset.done $0x0  }
0x1f: {  	[sflag:s9] =	ssyncadd.s32 $0xFFFFF000  }
0x20: {  	[bflag:$0x0] =	sbarrier.arrive $0xFFFF  }
0x21: {  	s12 =	rddreg [dreg:$0x6]  }
0x22: {  	s9 =	rddreg [dreg:$0x8]  }
0x23: {  	[hbm:s12], [sflag:s13] =	dma.local [spmem:s9], $0x9E0  }
0x24: {  	_ =	swait.ge [sflag:s10], $0x9E0  }
0x25: {  	s8 =	sadd.s32 $0x1, s8;
	s7 =	smov.u32 s13;
	s13 =	rddreg [dreg:$0x7]  }
0x26: {  	p0 =	sne.s32 s8, s13  }
.Ltmp1:
0x27: {  	_ = 	snop;
	(pc) =	sbr.rel @!p0 .LBB2_5-.Ltmp1, $3  }
0x28: {  	_ =	sdelay $0x1  }
0x29: {  	[sflag:s10] =	ssyncset.done $0x0  }
0x2a: {  	[sflag:s10] =	ssyncadd.s32 $0xFFFFF620  }
.LBB2_1:
0x2b: {  	s3 =	simm.s32 $0x0;
	s5 =	rddreg [dreg:$0x3]  }
0x2c: {  	[tilespmem:s3], [sflag:$0x11] =	stream.linear.gather [hbm4b:s5+s3], $0x2800, $0x38;
	[tilespmem:$0x11F00] =	vst v63  }
0x2d: {  	_ =	swait.ge [sflag:s10], $0x2800  }
0x2e: {  	[sflag:s10] =	ssyncset.done $0x0  }
0x2f: {  	s6 =	simm.s32 $0x2800;
	s13 =	rddreg [dreg:$0x4];
	[sflag:s10] =	ssyncadd.s32 $0xFFFFD800  }
0x30: {  	[tilespmem:s6], [sflag:$0x11] =	stream.linear.gather [hbm4b:s13+s3], $0x2800, $0x38;
	[tilespmem:$0x11F00] =	vst v63  }
0x31: {  	_ =	swait.ge [sflag:s10], $0x2800  }
0x32: {  	[sflag:s10] =	ssyncset.done $0x0  }
0x33: {  	s6 =	rddreg [dreg:$0x5];
	[sflag:s10] =	ssyncadd.s32 $0xFFFFD800  }
0x34: {  	[spmem:s9], [sflag:s7] =	dma.local [hbm:s6], $0x9E0  }
0x35: {  	_ =	swait.ge [sflag:s10], $0x9E0  }
0x36: {  	[sflag:s10] =	ssyncset.done $0x0  }
0x37: {  	[sflag:s10] =	ssyncadd.s32 $0xFFFFF620  }
0x38: {  	[bflag:$0x0] =	sbarrier.arrive $0xFFFF  }
0x39: {  	[tilespmem:s15], [sflag:$0x1] =	stream.indirect.gather [hbm4b:s4+s14], $0x20, s3, s14, $0xb8;
	[tilespmem:$0x11F00] =	vst v63  }
0x3a: {  	_ = 	snop  }
0x3b: {  	[tilespmem:s16], [sflag:$0x2] =	stream.indirect.gather [hbm4b:s4+s14], $0x20, s14, s14, $0xb8;
	[tilespmem:$0x11F00] =	vst v63  }
0x3c: {  	s12 =	simm.s32 $0x100;
	s13 =	smov.u32 s7;
	s9 =	simm.s32 $0x0  }
0x3d: {  	[tilespmem:s18], [sflag:$0x3] =	stream.indirect.gather [hbm4b:s4+s14], $0x20, s12, s14, $0xb8;
	[tilespmem:$0x11F00] =	vst v63  }
.LBB2_2:
0x3e: {  	_ =	swait.ge [sflag:s19], $0x1000  }
0x3f: {  	s3 =	sshra.s32 s9, $0x2;
	[sflag:s19] =	ssyncset.done $0x0  }
0x40: {  	p0 =	seq.s32 s9, $0x0;
	s5 =	sadd.s32 $0x2800, s3;
	[sflag:s19] =	ssyncadd.s32 $0xFFFFF000  }
0x41: {  	[spmem:s2] =	stream.indirect.scatter.add.f32 [tilespmem:s15], [sflag:$0x9], $0x20, s5, s14, $0xb8;
	[tilespmem:$0x11F00] =	vst v63  }
0x42: {  	s5 =	simm.s32 @!p0 $0xE  }
0x43: {  	_ =	swait.ge @!p0 [sflag:s5], $0x1000  }
0x44: {  	[sflag:s5] =	ssyncset.done @!p0 $0x0  }
0x45: {  	s7 =	sadd.s32 $0x180, s3;
	[sflag:s5] =	ssyncadd.s32 @!p0 $0xFFFFF000  }
0x46: {  	[tilespmem:s20], [sflag:$0x4] =	stream.indirect.gather [hbm4b:s4+s14], $0x20, s7, s14, $0xb8;
	[tilespmem:$0x11F00] =	vst v63  }
0x47: {  	_ =	swait.ge [sflag:s21], $0x1000  }
0x48: {  	[sflag:s21] =	ssyncset.done $0x0  }
0x49: {  	s12 =	sadd.s32 $0x2880, s3;
	s5 =	simm.s32 @!p0 $0xF;
	[sflag:s21] =	ssyncadd.s32 $0xFFFFF000  }
0x4a: {  	[spmem:s2] =	stream.indirect.scatter.add.f32 [tilespmem:s16], [sflag:$0xA], $0x20, s12, s14, $0xb8;
	[tilespmem:$0x11F00] =	vst v63  }
0x4b: {  	_ =	swait.ge @!p0 [sflag:s5], $0x1000  }
0x4c: {  	[sflag:s5] =	ssyncset.done @!p0 $0x0  }
0x4d: {  	s6 =	sadd.s32 $0x200, s3;
	[sflag:s5] =	ssyncadd.s32 @!p0 $0xFFFFF000  }
0x4e: {  	[tilespmem:s22], [sflag:$0x5] =	stream.indirect.gather [hbm4b:s4+s14], $0x20, s6, s14, $0xb8;
	[tilespmem:$0x11F00] =	vst v63  }
0x4f: {  	_ =	swait.ge [sflag:s23], $0x1000  }
0x50: {  	[sflag:s23] =	ssyncset.done $0x0  }
0x51: {  	s7 =	sadd.s32 $0x2900, s3;
	s5 =	simm.s32 @!p0 $0x10;
	[sflag:s23] =	ssyncadd.s32 $0xFFFFF000  }
0x52: {  	[spmem:s2] =	stream.indirect.scatter.add.f32 [tilespmem:s18], [sflag:$0xB], $0x20, s7, s14, $0xb8;
	[tilespmem:$0x11F00] =	vst v63  }
0x53: {  	_ =	swait.ge @!p0 [sflag:s5], $0x1000  }
0x54: {  	[sflag:s5] =	ssyncset.done @!p0 $0x0  }
0x55: {  	s12 =	sadd.s32 $0x280, s3;
	[sflag:s5] =	ssyncadd.s32 @!p0 $0xFFFFF000  }
0x56: {  	[tilespmem:s24], [sflag:$0x6] =	stream.indirect.gather [hbm4b:s4+s14], $0x20, s12, s14, $0xb8;
	[tilespmem:$0x11F00] =	vst v63  }
0x57: {  	_ =	swait.ge [sflag:s25], $0x1000  }
0x58: {  	[sflag:s25] =	ssyncset.done $0x0  }
0x59: {  	s6 =	sadd.s32 $0x2980, s3;
	[sflag:s25] =	ssyncadd.s32 $0xFFFFF000  }
0x5a: {  	[spmem:s2] =	stream.indirect.scatter.add.f32 [tilespmem:s20], [sflag:$0xC], $0x20, s6, s14, $0xb8;
	[tilespmem:$0x11F00] =	vst v63  }
0x5b: {  	_ =	swait.ge [sflag:s26], $0x1000  }
0x5c: {  	[sflag:s26] =	ssyncset.done $0x0  }
0x5d: {  	s7 =	sadd.s32 $0x300, s3;
	[sflag:s26] =	ssyncadd.s32 $0xFFFFF000  }
0x5e: {  	[tilespmem:s28], [sflag:$0x7] =	stream.indirect.gather [hbm4b:s4+s14], $0x20, s7, s14, $0xb8;
	[tilespmem:$0x11F00] =	vst v63  }
0x5f: {  	_ =	swait.ge [sflag:s29], $0x1000  }
0x60: {  	[sflag:s29] =	ssyncset.done $0x0  }
0x61: {  	s12 =	sadd.s32 $0x2A00, s3;
	[sflag:s29] =	ssyncadd.s32 $0xFFFFF000  }
0x62: {  	[spmem:s2] =	stream.indirect.scatter.add.f32 [tilespmem:s22], [sflag:$0xD], $0x20, s12, s14, $0xb8;
	[tilespmem:$0x11F00] =	vst v63  }
0x63: {  	_ =	swait.ge [sflag:s30], $0x1000  }
0x64: {  	[sflag:s30] =	ssyncset.done $0x0  }
0x65: {  	s6 =	sadd.s32 $0x380, s3;
	[sflag:s30] =	ssyncadd.s32 $0xFFFFF000  }
0x66: {  	[tilespmem:s31], [sflag:$0x8] =	stream.indirect.gather [hbm4b:s4+s14], $0x20, s6, s14, $0xb8;
	[tilespmem:$0x11F00] =	vst v63  }
0x67: {  	_ =	swait.ge [sflag:s1], $0x1000  }
0x68: {  	[sflag:s1] =	ssyncset.done $0x0  }
0x69: {  	s7 =	sadd.s32 $0x2A80, s3;
	[sflag:s1] =	ssyncadd.s32 $0xFFFFF000  }
0x6a: {  	[spmem:s2] =	stream.indirect.scatter.add.f32 [tilespmem:s24], [sflag:$0xE], $0x20, s7, s14, $0xb8;
	[tilespmem:$0x11F00] =	vst v63  }
0x6b: {  	_ =	swait.ge [sflag:s0], $0x1000  }
0x6c: {  	p0 =	seq.s32 s9, $0x9000;
	[sflag:s0] =	ssyncset.done $0x0  }
0x6d: {  	s5 =	simm.s32 @p0 $0x7;
	[sflag:s0] =	ssyncadd.s32 $0xFFFFF000  }
0x6e: {  	_ =	swait.ge @p0 [sflag:s5], $0x1000  }
0x6f: {  	[sflag:s5] =	ssyncset.done @p0 $0x0  }
0x70: {  	[sflag:s5] =	ssyncadd.s32 @p0 $0xFFFFF000;
	s5 =	sshra.s32 @p0 s9, $0x2  }
0x71: {  	s6 =	simm.s32 @p0 $0x80;
	s7 =	simm.s32 @p0 $0xB000;
	s5 =	sadd.s32 @p0 $0x2B00, s5  }
0x72: {  	[spmem:s2] =	stream.indirect.scatter.add.f32 @p0 [tilespmem:s7], [sflag:$0xF], $0x20, s5, s6, $0xb8;
	[tilespmem:$0x11F00] =	vst v63  }
0x73: {  	s5 =	simm.s32 @p0 $0xC  }
0x74: {  	_ =	swait.ge @p0 [sflag:s5], $0x1000  }
0x75: {  	[sflag:s5] =	ssyncset.done @p0 $0x0  }
0x76: {  	[sflag:s5] =	ssyncadd.s32 @p0 $0xFFFFF000;
	s5 =	sshra.s32 @!p0 s9, $0x2  }
0x77: {  	s12 =	simm.s32 @!p0 $0x5000;
	s7 =	simm.s32 @!p0 $0x80;
	s6 =	sadd.s32 @!p0 $0x400, s5  }
0x78: {  	[tilespmem:s12], [sflag:$0x1] =	stream.indirect.gather @!p0 [hbm4b:s4+s7], $0x20, s6, s7, $0xb8;
	[tilespmem:$0x11F00] =	vst v63  }
0x79: {  	s6 =	simm.s32 @!p0 $0x7  }
0x7a: {  	_ =	swait.ge @!p0 [sflag:s6], $0x1000  }
0x7b: {  	[sflag:s6] =	ssyncset.done @!p0 $0x0  }
0x7c: {  	s12 =	simm.s32 @!p0 $0xB000;
	[sflag:s6] =	ssyncadd.s32 @!p0 $0xFFFFF000;
	s6 =	sadd.s32 @!p0 $0x2B00, s5  }
0x7d: {  	[spmem:s2] =	stream.indirect.scatter.add.f32 @!p0 [tilespmem:s12], [sflag:$0xF], $0x20, s6, s7, $0xb8;
	[tilespmem:$0x11F00] =	vst v63  }
0x7e: {  	s6 =	simm.s32 @!p0 $0xC  }
0x7f: {  	_ =	swait.ge @!p0 [sflag:s6], $0x1000  }
0x80: {  	[sflag:s6] =	ssyncset.done @!p0 $0x0  }
0x81: {  	s5 =	sadd.s32 @!p0 $0x480, s5;
	[sflag:s6] =	ssyncadd.s32 @!p0 $0xFFFFF000;
	s6 =	simm.s32 @!p0 $0x6000  }
0x82: {  	[tilespmem:s6], [sflag:$0x2] =	stream.indirect.gather @!p0 [hbm4b:s4+s7], $0x20, s5, s7, $0xb8;
	[tilespmem:$0x11F00] =	vst v63  }
0x83: {  	_ =	swait.ge [sflag:s11], $0x1000  }
0x84: {  	[sflag:s11] =	ssyncset.done $0x0  }
.Ltmp2:
0x85: {  	s12 =	sadd.s32 $0x2B80, s3;
	[sflag:s11] =	ssyncadd.s32 $0xFFFFF000;
	(pc) =	sbr.rel @p0 .LBB2_4-.Ltmp2, $4  }
0x86: {  	[spmem:s2] =	stream.indirect.scatter.add.f32 [tilespmem:s31], [sflag:$0x10], $0x20, s12, s14, $0xb8;
	[tilespmem:$0x11F00] =	vst v63  }
0x87: {  	_ =	swait.ge [sflag:s17], $0x1000  }
0x88: {  	[sflag:s17] =	ssyncset.done $0x0  }
0x89: {  	[sflag:s17] =	ssyncadd.s32 $0xFFFFF000  }
.Ltmp3:
0x8a: {  	(pc) =	sbr.rel .LBB2_2-.Ltmp3, $3  }
0x8b: {  	_ =	sdelay $0x1  }
0x8c: {  	s3 =	sadd.s32 $0x500, s3;
	s9 =	sadd.s32 $0x1000, s9  }
0x8d: {  	[tilespmem:s18], [sflag:$0x3] =	stream.indirect.gather [hbm4b:s4+s14], $0x20, s3, s14, $0xb8;
	[tilespmem:$0x11F00] =	vst v63  }
.LBB2_5:
0x8e: {  	_ =	sfence.sel $0x180000  }
0x8f: {  	[bflag:$0x0] =	sbarrier.arrive $0xFFFF  }
0x90: {  	_ =	strace $0x9000004D  }
0x91: {  	s0 =	stileid.u32;
	[bflag:$0x2] =	sbarrier.arrive $0xFFFF  }
0x92: {  	p0 =	sne.s32 s0, $0x0;
	s0 =	rddreg [dreg:$0x2]  }
0x93: {  	s0 =	sadd.s32 @!p0 $0x100000, s0  }
0x94: {  	[sflag:s0] =	ssyncadd.tile.s32 @!p0 $0x1;
	_ =	shalt  }
.Lfunc_end2:
_tile_overlayer_lowered:
.L_overlay_start_2:
0x95: {  	(tag) =	ssettag $0x2  }
0x96: {  	s0 =	rddreg [dreg:$0x0];
	s2 =	stileid.u32  }
0x97: {  	s1 =	rddreg [dreg:$0x1];
	p0 =	sne.s32 s2, $0x0  }
0x98: {  	s3 =	rddreg [dreg:$0x2];
	[bflag:$0x3] =	sbarrier.arrive $0xFFFF;
	s2 =	simm.s32 @!p0 $0x1C11  }
0x99: {  	[timem:s3], [sflag:s2] =	dma.local @!p0 [hbm:s0], s1  }
0x9a: {  	s0 =	simm.s32 @!p0 $0x11  }
0x9b: {  	_ =	swait.ge @!p0 [sflag:s0], s1  }
0x9c: {  	s1 =	ssub.s32 @!p0 $0x0, s1;
	[sflag:s0] =	ssyncset.done @!p0 $0x0  }
0x9d: {  	[sflag:s0] =	ssyncadd.s32 @!p0 s1  }
0x9e: {  	[bflag:$0x3] =	sbarrier.arrive $0xFFFF  }
0x9f: {  	_ =	shalt  }

// kernel: kernel.20.cloned.1.call-start
scs
__scs_entry_jumppad:
0x0: {  	(pc) =	sbr.rel $0x88, $3  }
0x1: {  	(tag) =	ssettag $0x0;
	lr =	simm.s32 $0x1  }
0x2: {  	[smem:$0x3F90] =	sst lr;
	_ =	strace $0xD0000000  }
0x3: {  	_ = 	snop  }
0x4: {  	_ = 	snop  }
0x5: {  	_ = 	snop  }
0x6: {  	_ = 	snop  }
0x7: {  	_ = 	snop  }
__scs_overlays_trampoline_lowered:
0x8: {  	[smem:$0x3F9F] =	sst s0  }
0x9: {  	[smem:$0x3FA0] =	sst s1  }
0xa: {  	[smem:$0x3FA1] =	sst s2  }
0xb: {  	[smem:$0x3FA2] =	sst s3  }
0xc: {  	[smem:$0x3FA3] =	sst s4  }
0xd: {  	[smem:$0x3FA4] =	sst s5  }
0xe: {  	[smem:$0x3FA5] =	sst s6  }
0xf: {  	[smem:$0x3FA6] =	sst s7  }
0x10: {  	[smem:$0x3FA7] =	sst s8  }
0x11: {  	[smem:$0x3FA8] =	sst s9;
	s0 =	simm.s32 @!p0 $0x0  }
0x12: {  	s1 =	sld [smem:$0x3F8E];
	s0 =	simm.s32 @p0 $0x1  }
0x13: {  	[smem:$0x3FA9] =	sst s0;
	s0 =	simm.s32 @!p1 $0x0  }
0x14: {  	s2 =	sld [smem:$0x3F8D];
	s0 =	simm.s32 @p1 $0x1  }
0x15: {  	[smem:$0x3FAA] =	sst s0;
	s0 =	simm.s32 @!p2 $0x0  }
0x16: {  	s3 =	sld [smem:$0x3FDB];
	s0 =	simm.s32 @p2 $0x1  }
0x17: {  	s4 =	simm.s32 $0x1BF5;
	[smem:$0x3FAC] =	sst s0  }
0x18: {  	s0 =	sld [smem:$0x3F8F];
	_ =	swait.ge [sflag:s4], $0x0  }
0x19: {  	s7 =	sld [smem:$0x3F90]  }
0x1a: {  	s8 =	sadd.s32 $0xFFFFE003, lr  }
0x1b: {  	s9 =	sadd.s32 $0xFFFFFEF7, lr;
	s5 =	simm.s32 $0xFFFFFFFF;
	p2 =	slt.u32 s8, $0xFFFFF086  }
0x1c: {  	p1 =	slt.u32 s9, $0xF7A;
	s5 =	simm.s32 @!p2 $0x0  }
0x1d: {  	s5 =	simm.s32 @p1 $0x1;
	p0 =	seq.s32 s7, s2  }
0x1e: {  	s7 =	smul.u32 @!p0 $0xF7A, s2;
	p2 =	seq.s32 @!p0 s5, $0x0  }
0x1f: {  	s9 =	smul.u32 $0xF7A, s1;
	s8 =	simm.s32 @!p0 $0x1BF5;
	p2 =	por !p2, p0  }
0x20: {  	[sflag:s8] =	ssyncset.s32 @!p0 $0xFFFFF086;
	s6 =	sadd.s32 @!p0 s3, s7;
	s7 =	simm.s32 @!p0 $0x108  }
0x21: {  	s3 =	sadd.s32 s3, s9;
	s6 =	sadd.s32 @!p0 $0x88, s6;
	s7 =	simm.s32 @p2 $0x1082  }
0x22: {  	[simem:s7], [sflag:s8] =	dma.local @!p0 [hbm:s6], $0xF7A  }
0x23: {  	s9 =	sor.u32 $0xD0000000, s2;
	s6 =	simm.s32 $0x108;
	_ =	swait.ge @!p0 [sflag:s8], $0x0  }
0x24: {  	s3 =	sadd.s32 $0x88, s3;
	s6 =	simm.s32 @!p1 $0x1082;
	[sflag:s4] =	ssyncset.s32 $0xFFFFF086  }
0x25: {  	[simem:s6], [sflag:s4] =	dma.local [hbm:s3], $0xF7A  }
0x26: {  	[smem:$0x3F90] =	sst s1;
	(tag) =	ssettag s2;
	_ =	strace s9  }
0x27: {  	s1 =	sld [smem:$0x3FA0]  }
0x28: {  	s2 =	sld [smem:$0x3FA1]  }
0x29: {  	s4 =	sld [smem:$0x3FA3]  }
0x2a: {  	p0 =	seq.s32 s5, $0x0;
	s5 =	sld [smem:$0x3FA4]  }
0x2b: {  	s6 =	sld [smem:$0x3FA5]  }
0x2c: {  	s7 =	sld [smem:$0x3FA6]  }
0x2d: {  	s3 =	simm.s32 $0x108;
	s8 =	sld [smem:$0x3FA7]  }
0x2e: {  	s3 =	simm.s32 @!p0 $0x1082;
	s9 =	sld [smem:$0x3FA8]  }
0x2f: {  	lr =	sadd.s32 s0, s3;
	s0 =	sld [smem:$0x3F9F]  }
0x30: {  	s3 =	sld [smem:$0x3FA2]  }
0x31: {  	[smem:$0x3FAB] =	sst s10  }
0x32: {  	s10 =	sld [smem:$0x3FA9];
	_ =	sdelay $0x3  }
0x33: {  	p0 =	seq.s32 s10, $0x1;
	s10 =	sld [smem:$0x3FAB];
	_ =	sdelay $0x3  }
0x34: {  	[smem:$0x3FAB] =	sst s10  }
0x35: {  	s10 =	sld [smem:$0x3FAA];
	_ =	sdelay $0x3  }
0x36: {  	p1 =	seq.s32 s10, $0x1;
	s10 =	sld [smem:$0x3FAB];
	_ =	sdelay $0x3  }
0x37: {  	[smem:$0x3FAB] =	sst s10  }
0x38: {  	s10 =	sld [smem:$0x3FAC]  }
0x39: {  	_ = 	snop;
	(pc) =	sbr.ind lr, $3  }
0x3a: {  	_ = 	snop  }
0x3b: {  	_ = 	snop  }
0x3c: {  	p2 =	seq.s32 s10, $0x1;
	s10 =	sld [smem:$0x3FAB]  }
0x3d: {  	_ =	shalt  }
0x3e: {  	_ =	shalt  }
0x3f: {  	_ =	shalt  }
0x40: {  	_ =	shalt  }
0x41: {  	_ =	shalt  }
0x42: {  	_ =	shalt  }
0x43: {  	_ =	shalt  }
0x44: {  	_ =	shalt  }
0x45: {  	_ =	shalt  }
0x46: {  	_ =	shalt  }
0x47: {  	_ =	shalt  }
0x48: {  	_ =	shalt  }
0x49: {  	_ =	shalt  }
0x4a: {  	_ =	shalt  }
0x4b: {  	_ =	shalt  }
0x4c: {  	_ =	shalt  }
0x4d: {  	_ =	shalt  }
0x4e: {  	_ =	shalt  }
0x4f: {  	_ =	shalt  }
0x50: {  	_ =	shalt  }
0x51: {  	_ =	shalt  }
0x52: {  	_ =	shalt  }
0x53: {  	_ =	shalt  }
0x54: {  	_ =	shalt  }
0x55: {  	_ =	shalt  }
0x56: {  	_ =	shalt  }
0x57: {  	_ =	shalt  }
0x58: {  	_ =	shalt  }
0x59: {  	_ =	shalt  }
0x5a: {  	_ =	shalt  }
0x5b: {  	_ =	shalt  }
0x5c: {  	_ =	shalt  }
0x5d: {  	_ =	shalt  }
0x5e: {  	_ =	shalt  }
0x5f: {  	_ =	shalt  }
0x60: {  	_ =	shalt  }
0x61: {  	_ =	shalt  }
0x62: {  	_ =	shalt  }
0x63: {  	_ =	shalt  }
0x64: {  	_ =	shalt  }
0x65: {  	_ =	shalt  }
0x66: {  	_ =	shalt  }
0x67: {  	_ =	shalt  }
0x68: {  	_ =	shalt  }
0x69: {  	_ =	shalt  }
0x6a: {  	_ =	shalt  }
0x6b: {  	_ =	shalt  }
0x6c: {  	_ =	shalt  }
0x6d: {  	_ =	shalt  }
0x6e: {  	_ =	shalt  }
0x6f: {  	_ =	shalt  }
0x70: {  	_ =	shalt  }
0x71: {  	_ =	shalt  }
0x72: {  	_ =	shalt  }
0x73: {  	_ =	shalt  }
0x74: {  	_ =	shalt  }
0x75: {  	_ =	shalt  }
0x76: {  	_ =	shalt  }
0x77: {  	_ =	shalt  }
0x78: {  	_ =	shalt  }
0x79: {  	_ =	shalt  }
0x7a: {  	_ =	shalt  }
0x7b: {  	_ =	shalt  }
0x7c: {  	_ =	shalt  }
0x7d: {  	_ =	shalt  }
0x7e: {  	_ =	shalt  }
0x7f: {  	_ =	shalt  }
0x80: {  	_ =	shalt  }
0x81: {  	_ =	shalt  }
0x82: {  	_ =	shalt  }
0x83: {  	_ =	shalt  }
0x84: {  	_ =	shalt  }
0x85: {  	_ =	shalt  }
0x86: {  	_ =	shalt  }
0x87: {  	_ =	shalt  }
.Lfunc_end0:
.L_simem_size_0:
called_computation.3_lowered:
.L_overlay_start_0:
0x88: {  	s2 =	sld [smem:$0x3FD9]  }
0x89: {  	s3 =	sld [smem:$0x3FFE];
	_ =	sdelay $0x1  }
0x8a: {  	s1 =	srdreg.scid  }
0x8b: {  	s0 =	sand.u32 $0x1, s1  }
0x8c: {  	s16 =	sshll.u32 s0, $0xA;
	s2 =	sadd.s32 s3, s2  }
0x8d: {  	s2 =	sadd.s32 s2, s16  }
0x8e: {  	[smem:$0x3FB7] =	sst s2  }
0x8f: {  	_ = 	snop  }
0x90: {  	(tm) =	ssettm $0x1  }
0x91: {  	s17 =	sld [smem:$0x3FFB];
	_ =	sdelay $0x3  }
0x92: {  	_ =	strace s17  }
0x93: {  	s2 =	sld [smem:$0x3FFC];
	_ =	sdelay $0x3  }
0x94: {  	_ =	strace s2  }
0x95: {  	s2 =	sld [smem:$0x3FFD];
	_ =	sdelay $0x3  }
0x96: {  	_ =	strace s2  }
0x97: {  	_ =	strace $0x8FFFFFFF  }
0x98: {  	s18 =	sld [smem:$0x3FDB];
	_ =	sdelay $0x1  }
0x99: {  	s19 =	simm.s32 $_scs_section_size  }
0x9a: {  	s4 =	simm.s32 $_size__tile_overlayer_lowered;
	s5 =	simm.s32 $_tile_overlayer_lowered  }
0x9b: {  	s22 =	simm.s32 $0x1BFF;
	s21 =	sshll.u32 s5, $0x1;
	s2 =	sadd.s32 s19, s18  }
0x9c: {  	s6 =	simm.s32 $0x0;
	s20 =	sshll.u32 s4, $0x1;
	s4 =	sadd.s32 s21, s2  }
0x9d: {  	[timem:s6], [sflag:s22] =	dma.local [hbm:s4], s20  }
0x9e: {  	_ =	swait.ge [sflag:s22], s20  }
0x9f: {  	s3 =	ssub.s32 $0x0, s20;
	[sflag:s22] =	ssyncset.done $0x0  }
0xa0: {  	[sflag:s22] =	ssyncadd.s32 s3;
	_ =	sdelay $0x1  }
0xa1: {  	s23 =	simm.s32 $0x1B8B  }
0xa2: {  	_ =	swait.ge [sflag:s23], $0x1  }
0xa3: {  	[sflag:s23] =	ssyncset.done $0x0  }
0xa4: {  	s25 =	simm.s32 $0x1B8E;
	s24 =	sld [smem:$0x3FFE];
	[sflag:s23] =	ssyncadd.s32 $0xFFFFFFFF  }
0xa5: {  	s26 =	simm.s32 $execute0_lowered;
	[smem:$0x3FD2] =	sst s25  }
0xa6: {  	s4 =	sshll.u32 s26, $0x1;
	_ =	strace $0x8000004F;
	[dreg:$0x1] =	wrdreg $0xFFFFFFFF  }
0xa7: {  	s28 =	simm.s32 $_size_execute0_lowered;
	s2 =	sadd.s32 s2, s4;
	[dreg:$0x0] =	wrdreg $0x0  }
0xa8: {  	s4 =	sshll.u32 s28, $0x1;
	[dreg:$0x2] =	wrdreg s2  }
0xa9: {  	[dreg:$0x3] =	wrdreg s4  }
0xaa: {  	[dreg:$0x4] =	wrdreg $0xC0  }
0xab: {  	_ =	task [dreg:s6], $0x5FFFF  }
0xac: {  	[dreg:$0x1] =	wrdreg $0xFFFFFFFF  }
0xad: {  	[dreg:$0x0] =	wrdreg $0x60  }
0xae: {  	[dreg:$0x2] =	wrdreg s24  }
0xaf: {  	[dreg:$0x3] =	wrdreg $0xD0000  }
0xb0: {  	[dreg:$0x4] =	wrdreg $0x9  }
0xb1: {  	_ =	task.clear_ibuf [dreg:s6], $0x5FFFF;
	_ =	strace $0x9000004F  }
0xb2: {  	s29 =	simm.s32 $0x9;
	_ =	strace $0x80000051  }
0xb3: {  	_ =	swait.ge [sflag:s29], $0x1  }
0xb4: {  	[sflag:s29] =	ssyncadd.s32 $0xFFFFFFFF  }
0xb5: {  	_ =	strace $0x90000051  }
0xb6: {  	_ =	sfence  }
0xb7: {  	s30 =	sld [smem:$0x0];
	_ =	sdelay $0x2  }
0xb8: {  	s31 =	sshll.u32 s1, $0xD;
	s1 =	sshrl.u32 s1, $0x2  }
0xb9: {  	s3 =	sand.u32 $0x4000, s31;
	s1 =	sadd.s32 s1, s30  }
0xba: {  	s0 =	sor.u32 s3, s0;
	s1 =	sshll.u32 s1, $0x11  }
0xbb: {  	s0 =	sor.u32 s1, s0  }
0xbc: {  	s0 =	sadd.s32 $0x8F2B, s0  }
0xbd: {  	[sflag:s0] =	ssyncadd.remote.s32 $0x1  }
0xbe: {  	_ =	sfence.sel $0xFFFF  }
0xbf: {  	[dreg:$0x0] =	wrdreg $0xFFFFFFFF;
	(pc) =	sbr.abs _section_cstart, $3  }
0xc0: {  	[dreg:$0x1] =	wrdreg $0xFFFFFFFF  }
0xc1: {  	_ =	task.clear_ibuf [dreg:s6], $0x2FFFF;
	_ =	strace $0x9FFFFFFF  }
0xc2: {  	(tm) =	ssettm $0x7FFFFFFF  }
0xc3: {  	_ =	shalt  }
tec
execute0_lowered:
.L_overlay_start_1:
0x0: {  	(tag) =	ssettag $0x1  }
0x1: {  	s0 =	srdreg.scid;
	s3 =	rddreg [dreg:$0x0]  }
0x2: {  	s9 =	stileid.u32;
	s2 =	rddreg [dreg:$0x1]  }
0x3: {  	s4 =	simm.s32 $0x0;
	s10 =	simm.s32 $0x11;
	s14 =	simm.s32 $0x80  }
0x4: {  	s15 =	simm.s32 $0x5000;
	s16 =	simm.s32 $0x6000;
	s18 =	simm.s32 $0x7000  }
0x5: {  	s19 =	simm.s32 $0x1;
	s20 =	simm.s32 $0x8000;
	s21 =	simm.s32 $0x2  }
0x6: {  	s22 =	simm.s32 $0x9000;
	s28 =	simm.s32 $0xB000;
	s29 =	simm.s32 $0x5  }
0x7: {  	s30 =	simm.s32 $0xA;
	s31 =	simm.s32 $0xC000;
	s11 =	simm.s32 $0x8  }
0x8: {  	s17 =	simm.s32 $0xD;
	s0 =	sand.u32 $0x1, s0;
	s1 =	sshll.u32 s9, $0x1  }
0x9: {  	s5 =	smul.u32 $0x4F00, s9;
	[smem:$0x7FF] =	sst s4;
	s4 =	sadd.s32 $0x1EE00, s3  }
0xa: {  	s26 =	sshll.u32 s9, $0x6;
	s1 =	sor.u32 s0, s1;
	s6 =	smul.u32 $0x4F000, s0  }
0xb: {  	_ =	strace $0x80000050;
	s0 =	ssub.s32 $0x2, s0;
	s1 =	smul.u32 $0x500, s1  }
0xc: {  	s7 =	sshrl.u32 s5, $0x3;
	s8 =	sshrl.u32 s0, $0x1;
	s24 =	sadd.s32 s5, s2  }
0xd: {  	s6 =	sadd.s32 s5, s6;
	s7 =	sadd.s32 s7, s3;
	s0 =	ssub.s32 s0, s8  }
0xe: {  	s9 =	sshrl.u32 s24, $0x3;
	s24 =	simm.s32 $0xA000;
	s8 =	simm.s32 $0x0  }
0xf: {  	s1 =	sadd.s32 s1, s3;
	s6 =	sshrl.u32 s6, $0x3;
	s25 =	sadd.s32 $0x28C00, s7  }
0x10: {  	s0 =	smax.u32 s0, $0x1;
	s7 =	sor.u32 $0x1C11, s26;
	[dreg:$0x8] =	wrdreg s9  }
.Ltmp0:
0x11: {  	s26 =	simm.s32 $0x9;
	[dreg:$0x5] =	wrdreg s25;
	(pc) =	sbr.rel .LBB2_1-.Ltmp0, $4  }
0x12: {  	s3 =	sadd.s32 s6, s3;
	s23 =	sadd.s32 $0x14E00, s1;
	[dreg:$0x7] =	wrdreg s0  }
0x13: {  	s1 =	sadd.s32 $0x3400, s1;
	s25 =	simm.s32 $0x4;
	[dreg:$0x3] =	wrdreg s23  }
0x14: {  	s0 =	simm.s32 $0xB;
	[dreg:$0x4] =	wrdreg s1;
	s3 =	sadd.s32 $0x32A00, s3  }
0x15: {  	s23 =	simm.s32 $0x3;
	s1 =	simm.s32 $0x6;
	[dreg:$0x6] =	wrdreg s3  }
.LBB2_4:
0x16: {  	s3 =	simm.s32 $0xE  }
0x17: {  	_ =	swait.ge [sflag:s3], $0x1000  }
0x18: {  	[sflag:s3] =	ssyncset.done $0x0  }
0x19: {  	s7 =	simm.s32 $0xF;
	[sflag:s3] =	ssyncadd.s32 $0xFFFFF000  }
0x1a: {  	_ =	swait.ge [sflag:s7], $0x1000  }
0x1b: {  	[sflag:s7] =	ssyncset.done $0x0  }
0x1c: {  	s9 =	simm.s32 $0x10;
	[sflag:s7] =	ssyncadd.s32 $0xFFFFF000  }
0x1d: {  	_ =	swait.ge [sflag:s9], $0x1000  }
0x1e: {  	[sflag:s9] =	ssyncset.done $0x0  }
0x1f: {  	[sflag:s9] =	ssyncadd.s32 $0xFFFFF000  }
0x20: {  	[bflag:$0x0] =	sbarrier.arrive $0xFFFF  }
0x21: {  	s12 =	rddreg [dreg:$0x6]  }
0x22: {  	s9 =	rddreg [dreg:$0x8]  }
0x23: {  	[hbm:s12], [sflag:s13] =	dma.local [spmem:s9], $0x9E0  }
0x24: {  	_ =	swait.ge [sflag:s10], $0x9E0  }
0x25: {  	s8 =	sadd.s32 $0x1, s8;
	s7 =	smov.u32 s13;
	s13 =	rddreg [dreg:$0x7]  }
0x26: {  	p0 =	sne.s32 s8, s13  }
.Ltmp1:
0x27: {  	_ = 	snop;
	(pc) =	sbr.rel @!p0 .LBB2_5-.Ltmp1, $3  }
0x28: {  	_ =	sdelay $0x1  }
0x29: {  	[sflag:s10] =	ssyncset.done $0x0  }
0x2a: {  	[sflag:s10] =	ssyncadd.s32 $0xFFFFF620  }
.LBB2_1:
0x2b: {  	s3 =	simm.s32 $0x0;
	s5 =	rddreg [dreg:$0x3]  }
0x2c: {  	[tilespmem:s3], [sflag:$0x11] =	stream.linear.gather [hbm4b:s5+s3], $0x2800, $0x38;
	[tilespmem:$0x11F00] =	vst v63  }
0x2d: {  	_ =	swait.ge [sflag:s10], $0x2800  }
0x2e: {  	[sflag:s10] =	ssyncset.done $0x0  }
0x2f: {  	s6 =	simm.s32 $0x2800;
	s13 =	rddreg [dreg:$0x4];
	[sflag:s10] =	ssyncadd.s32 $0xFFFFD800  }
0x30: {  	[tilespmem:s6], [sflag:$0x11] =	stream.linear.gather [hbm4b:s13+s3], $0x2800, $0x38;
	[tilespmem:$0x11F00] =	vst v63  }
0x31: {  	_ =	swait.ge [sflag:s10], $0x2800  }
0x32: {  	[sflag:s10] =	ssyncset.done $0x0  }
0x33: {  	s6 =	rddreg [dreg:$0x5];
	[sflag:s10] =	ssyncadd.s32 $0xFFFFD800  }
0x34: {  	[spmem:s9], [sflag:s7] =	dma.local [hbm:s6], $0x9E0  }
0x35: {  	_ =	swait.ge [sflag:s10], $0x9E0  }
0x36: {  	[sflag:s10] =	ssyncset.done $0x0  }
0x37: {  	[sflag:s10] =	ssyncadd.s32 $0xFFFFF620  }
0x38: {  	[bflag:$0x0] =	sbarrier.arrive $0xFFFF  }
0x39: {  	[tilespmem:s15], [sflag:$0x1] =	stream.indirect.gather [hbm4b:s4+s14], $0x20, s3, s14, $0xb8;
	[tilespmem:$0x11F00] =	vst v63  }
0x3a: {  	_ = 	snop  }
0x3b: {  	[tilespmem:s16], [sflag:$0x2] =	stream.indirect.gather [hbm4b:s4+s14], $0x20, s14, s14, $0xb8;
	[tilespmem:$0x11F00] =	vst v63  }
0x3c: {  	s12 =	simm.s32 $0x100;
	s13 =	smov.u32 s7;
	s9 =	simm.s32 $0x0  }
0x3d: {  	[tilespmem:s18], [sflag:$0x3] =	stream.indirect.gather [hbm4b:s4+s14], $0x20, s12, s14, $0xb8;
	[tilespmem:$0x11F00] =	vst v63  }
.LBB2_2:
0x3e: {  	_ =	swait.ge [sflag:s19], $0x1000  }
0x3f: {  	s3 =	sshra.s32 s9, $0x2;
	[sflag:s19] =	ssyncset.done $0x0  }
0x40: {  	p0 =	seq.s32 s9, $0x0;
	s5 =	sadd.s32 $0x2800, s3;
	[sflag:s19] =	ssyncadd.s32 $0xFFFFF000  }
0x41: {  	[spmem:s2] =	stream.indirect.scatter.add.f32 [tilespmem:s15], [sflag:$0x9], $0x20, s5, s14, $0xb8;
	[tilespmem:$0x11F00] =	vst v63  }
0x42: {  	s5 =	simm.s32 @!p0 $0xE  }
0x43: {  	_ =	swait.ge @!p0 [sflag:s5], $0x1000  }
0x44: {  	[sflag:s5] =	ssyncset.done @!p0 $0x0  }
0x45: {  	s7 =	sadd.s32 $0x180, s3;
	[sflag:s5] =	ssyncadd.s32 @!p0 $0xFFFFF000  }
0x46: {  	[tilespmem:s20], [sflag:$0x4] =	stream.indirect.gather [hbm4b:s4+s14], $0x20, s7, s14, $0xb8;
	[tilespmem:$0x11F00] =	vst v63  }
0x47: {  	_ =	swait.ge [sflag:s21], $0x1000  }
0x48: {  	[sflag:s21] =	ssyncset.done $0x0  }
0x49: {  	s12 =	sadd.s32 $0x2880, s3;
	s5 =	simm.s32 @!p0 $0xF;
	[sflag:s21] =	ssyncadd.s32 $0xFFFFF000  }
0x4a: {  	[spmem:s2] =	stream.indirect.scatter.add.f32 [tilespmem:s16], [sflag:$0xA], $0x20, s12, s14, $0xb8;
	[tilespmem:$0x11F00] =	vst v63  }
0x4b: {  	_ =	swait.ge @!p0 [sflag:s5], $0x1000  }
0x4c: {  	[sflag:s5] =	ssyncset.done @!p0 $0x0  }
0x4d: {  	s6 =	sadd.s32 $0x200, s3;
	[sflag:s5] =	ssyncadd.s32 @!p0 $0xFFFFF000  }
0x4e: {  	[tilespmem:s22], [sflag:$0x5] =	stream.indirect.gather [hbm4b:s4+s14], $0x20, s6, s14, $0xb8;
	[tilespmem:$0x11F00] =	vst v63  }
0x4f: {  	_ =	swait.ge [sflag:s23], $0x1000  }
0x50: {  	[sflag:s23] =	ssyncset.done $0x0  }
0x51: {  	s7 =	sadd.s32 $0x2900, s3;
	s5 =	simm.s32 @!p0 $0x10;
	[sflag:s23] =	ssyncadd.s32 $0xFFFFF000  }
0x52: {  	[spmem:s2] =	stream.indirect.scatter.add.f32 [tilespmem:s18], [sflag:$0xB], $0x20, s7, s14, $0xb8;
	[tilespmem:$0x11F00] =	vst v63  }
0x53: {  	_ =	swait.ge @!p0 [sflag:s5], $0x1000  }
0x54: {  	[sflag:s5] =	ssyncset.done @!p0 $0x0  }
0x55: {  	s12 =	sadd.s32 $0x280, s3;
	[sflag:s5] =	ssyncadd.s32 @!p0 $0xFFFFF000  }
0x56: {  	[tilespmem:s24], [sflag:$0x6] =	stream.indirect.gather [hbm4b:s4+s14], $0x20, s12, s14, $0xb8;
	[tilespmem:$0x11F00] =	vst v63  }
0x57: {  	_ =	swait.ge [sflag:s25], $0x1000  }
0x58: {  	[sflag:s25] =	ssyncset.done $0x0  }
0x59: {  	s6 =	sadd.s32 $0x2980, s3;
	[sflag:s25] =	ssyncadd.s32 $0xFFFFF000  }
0x5a: {  	[spmem:s2] =	stream.indirect.scatter.add.f32 [tilespmem:s20], [sflag:$0xC], $0x20, s6, s14, $0xb8;
	[tilespmem:$0x11F00] =	vst v63  }
0x5b: {  	_ =	swait.ge [sflag:s26], $0x1000  }
0x5c: {  	[sflag:s26] =	ssyncset.done $0x0  }
0x5d: {  	s7 =	sadd.s32 $0x300, s3;
	[sflag:s26] =	ssyncadd.s32 $0xFFFFF000  }
0x5e: {  	[tilespmem:s28], [sflag:$0x7] =	stream.indirect.gather [hbm4b:s4+s14], $0x20, s7, s14, $0xb8;
	[tilespmem:$0x11F00] =	vst v63  }
0x5f: {  	_ =	swait.ge [sflag:s29], $0x1000  }
0x60: {  	[sflag:s29] =	ssyncset.done $0x0  }
0x61: {  	s12 =	sadd.s32 $0x2A00, s3;
	[sflag:s29] =	ssyncadd.s32 $0xFFFFF000  }
0x62: {  	[spmem:s2] =	stream.indirect.scatter.add.f32 [tilespmem:s22], [sflag:$0xD], $0x20, s12, s14, $0xb8;
	[tilespmem:$0x11F00] =	vst v63  }
0x63: {  	_ =	swait.ge [sflag:s30], $0x1000  }
0x64: {  	[sflag:s30] =	ssyncset.done $0x0  }
0x65: {  	s6 =	sadd.s32 $0x380, s3;
	[sflag:s30] =	ssyncadd.s32 $0xFFFFF000  }
0x66: {  	[tilespmem:s31], [sflag:$0x8] =	stream.indirect.gather [hbm4b:s4+s14], $0x20, s6, s14, $0xb8;
	[tilespmem:$0x11F00] =	vst v63  }
0x67: {  	_ =	swait.ge [sflag:s1], $0x1000  }
0x68: {  	[sflag:s1] =	ssyncset.done $0x0  }
0x69: {  	s7 =	sadd.s32 $0x2A80, s3;
	[sflag:s1] =	ssyncadd.s32 $0xFFFFF000  }
0x6a: {  	[spmem:s2] =	stream.indirect.scatter.add.f32 [tilespmem:s24], [sflag:$0xE], $0x20, s7, s14, $0xb8;
	[tilespmem:$0x11F00] =	vst v63  }
0x6b: {  	_ =	swait.ge [sflag:s0], $0x1000  }
0x6c: {  	p0 =	seq.s32 s9, $0x9000;
	[sflag:s0] =	ssyncset.done $0x0  }
0x6d: {  	s5 =	simm.s32 @p0 $0x7;
	[sflag:s0] =	ssyncadd.s32 $0xFFFFF000  }
0x6e: {  	_ =	swait.ge @p0 [sflag:s5], $0x1000  }
0x6f: {  	[sflag:s5] =	ssyncset.done @p0 $0x0  }
0x70: {  	[sflag:s5] =	ssyncadd.s32 @p0 $0xFFFFF000;
	s5 =	sshra.s32 @p0 s9, $0x2  }
0x71: {  	s6 =	simm.s32 @p0 $0x80;
	s7 =	simm.s32 @p0 $0xB000;
	s5 =	sadd.s32 @p0 $0x2B00, s5  }
0x72: {  	[spmem:s2] =	stream.indirect.scatter.add.f32 @p0 [tilespmem:s7], [sflag:$0xF], $0x20, s5, s6, $0xb8;
	[tilespmem:$0x11F00] =	vst v63  }
0x73: {  	s5 =	simm.s32 @p0 $0xC  }
0x74: {  	_ =	swait.ge @p0 [sflag:s5], $0x1000  }
0x75: {  	[sflag:s5] =	ssyncset.done @p0 $0x0  }
0x76: {  	[sflag:s5] =	ssyncadd.s32 @p0 $0xFFFFF000;
	s5 =	sshra.s32 @!p0 s9, $0x2  }
0x77: {  	s12 =	simm.s32 @!p0 $0x5000;
	s7 =	simm.s32 @!p0 $0x80;
	s6 =	sadd.s32 @!p0 $0x400, s5  }
0x78: {  	[tilespmem:s12], [sflag:$0x1] =	stream.indirect.gather @!p0 [hbm4b:s4+s7], $0x20, s6, s7, $0xb8;
	[tilespmem:$0x11F00] =	vst v63  }
0x79: {  	s6 =	simm.s32 @!p0 $0x7  }
0x7a: {  	_ =	swait.ge @!p0 [sflag:s6], $0x1000  }
0x7b: {  	[sflag:s6] =	ssyncset.done @!p0 $0x0  }
0x7c: {  	s12 =	simm.s32 @!p0 $0xB000;
	[sflag:s6] =	ssyncadd.s32 @!p0 $0xFFFFF000;
	s6 =	sadd.s32 @!p0 $0x2B00, s5  }
0x7d: {  	[spmem:s2] =	stream.indirect.scatter.add.f32 @!p0 [tilespmem:s12], [sflag:$0xF], $0x20, s6, s7, $0xb8;
	[tilespmem:$0x11F00] =	vst v63  }
0x7e: {  	s6 =	simm.s32 @!p0 $0xC  }
0x7f: {  	_ =	swait.ge @!p0 [sflag:s6], $0x1000  }
0x80: {  	[sflag:s6] =	ssyncset.done @!p0 $0x0  }
0x81: {  	s5 =	sadd.s32 @!p0 $0x480, s5;
	[sflag:s6] =	ssyncadd.s32 @!p0 $0xFFFFF000;
	s6 =	simm.s32 @!p0 $0x6000  }
0x82: {  	[tilespmem:s6], [sflag:$0x2] =	stream.indirect.gather @!p0 [hbm4b:s4+s7], $0x20, s5, s7, $0xb8;
	[tilespmem:$0x11F00] =	vst v63  }
0x83: {  	_ =	swait.ge [sflag:s11], $0x1000  }
0x84: {  	[sflag:s11] =	ssyncset.done $0x0  }
.Ltmp2:
0x85: {  	s12 =	sadd.s32 $0x2B80, s3;
	[sflag:s11] =	ssyncadd.s32 $0xFFFFF000;
	(pc) =	sbr.rel @p0 .LBB2_4-.Ltmp2, $4  }
0x86: {  	[spmem:s2] =	stream.indirect.scatter.add.f32 [tilespmem:s31], [sflag:$0x10], $0x20, s12, s14, $0xb8;
	[tilespmem:$0x11F00] =	vst v63  }
0x87: {  	_ =	swait.ge [sflag:s17], $0x1000  }
0x88: {  	[sflag:s17] =	ssyncset.done $0x0  }
0x89: {  	[sflag:s17] =	ssyncadd.s32 $0xFFFFF000  }
.Ltmp3:
0x8a: {  	(pc) =	sbr.rel .LBB2_2-.Ltmp3, $3  }
0x8b: {  	_ =	sdelay $0x1  }
0x8c: {  	s3 =	sadd.s32 $0x500, s3;
	s9 =	sadd.s32 $0x1000, s9  }
0x8d: {  	[tilespmem:s18], [sflag:$0x3] =	stream.indirect.gather [hbm4b:s4+s14], $0x20, s3, s14, $0xb8;
	[tilespmem:$0x11F00] =	vst v63  }
.LBB2_5:
0x8e: {  	_ =	sfence.sel $0x180000  }
0x8f: {  	[bflag:$0x0] =	sbarrier.arrive $0xFFFF  }
0x90: {  	_ =	strace $0x90000050  }
0x91: {  	s0 =	stileid.u32;
	[bflag:$0x2] =	sbarrier.arrive $0xFFFF  }
0x92: {  	p0 =	sne.s32 s0, $0x0;
	s0 =	rddreg [dreg:$0x2]  }
0x93: {  	s0 =	sadd.s32 @!p0 $0x100000, s0  }
0x94: {  	[sflag:s0] =	ssyncadd.tile.s32 @!p0 $0x1;
	_ =	shalt  }
.Lfunc_end2:
_tile_overlayer_lowered:
.L_overlay_start_2:
0x95: {  	(tag) =	ssettag $0x2  }
0x96: {  	s0 =	rddreg [dreg:$0x0];
	s2 =	stileid.u32  }
0x97: {  	s1 =	rddreg [dreg:$0x1];
	p0 =	sne.s32 s2, $0x0  }
0x98: {  	s3 =	rddreg [dreg:$0x2];
	[bflag:$0x3] =	sbarrier.arrive $0xFFFF;
	s2 =	simm.s32 @!p0 $0x1C11  }
0x99: {  	[timem:s3], [sflag:s2] =	dma.local @!p0 [hbm:s0], s1  }
0x9a: {  	s0 =	simm.s32 @!p0 $0x11  }
0x9b: {  	_ =	swait.ge @!p0 [sflag:s0], s1  }
0x9c: {  	s1 =	ssub.s32 @!p0 $0x0, s1;
	[sflag:s0] =	ssyncset.done @!p0 $0x0  }
0x9d: {  	[sflag:s0] =	ssyncadd.s32 @!p0 s1  }
0x9e: {  	[bflag:$0x3] =	sbarrier.arrive $0xFFFF  }
0x9f: {  	_ =	shalt  }

</sc_bundles>
